<compile_context>
chip_gen: v7x
topology: tpu7x:2x2x1
jax: 0.10.2.dev20260603
libtpu: 0.0.44.dev20260713+nightly
codegen_flags: <defaults>
</compile_context>

<pallas_src>
import functools

import jax
import jax.numpy as jnp
from jax import lax
from jax.experimental import pallas as pl
from jax.experimental.pallas import tpu as pltpu
from jax.experimental.pallas import tpu_sc as plsc

_B, _S, _D = 1024, 50, 1000
_NR = _S * _D
_CH = 40
_CPS = _D // _CH
_NCH = _S * _CPS
_CPW = 40


def _onehot_sc(xt_hbm, out_hbm, xbuf, stage, sem0, sem1):
    cid = lax.axis_index("c")
    sid = lax.axis_index("s")
    wid = sid * 2 + cid
    c0 = (wid * _NCH) // 32

    s_first = c0 // _CPS
    s_last = (c0 + _CPW - 1) // _CPS
    a0 = pl.multiple_of((s_first // 8) * 8, 8)
    a1 = pl.multiple_of((s_last // 8) * 8, 8)
    pltpu.sync_copy(xt_hbm.at[pl.ds(a0, 8)], xbuf.at[pl.ds(0, 8)])
    pltpu.sync_copy(xt_hbm.at[pl.ds(a1, 8)], xbuf.at[pl.ds(8, 8)])

    sems = (sem0, sem1)

    def _fill(k, c):
        s = c // _CPS
        d0 = (c - s * _CPS) * _CH
        xrow = jnp.minimum(s - a0, s - a1 + 8)
        dsp = [jnp.full((16,), d0 + rr, jnp.int32) for rr in range(_CH)]

        def _grp(g, _):
            go = pl.multiple_of(g * 16, 16)
            xg = xbuf[xrow, pl.ds(go, 16)]
            for rr in range(_CH):
                stage[k, rr, pl.ds(go, 16)] = jnp.where(
                    xg == dsp[rr], 1.0, 0.0
                ).astype(jnp.float32)
            return 0

        lax.fori_loop(0, _B // 16, _grp, 0)

    for k in (0, 1):
        _fill(k, c0 + k)
        rb = pl.multiple_of((c0 + k) * _CH, 8)
        pltpu.async_copy(stage.at[k], out_hbm.at[pl.ds(rb, _CH)], sems[k])

    def _pair(cp, _):
        for k in (0, 1):
            c = c0 + 2 * cp + k
            rb = pl.multiple_of(c * _CH, 8)
            pltpu.make_async_copy(
                stage.at[k], out_hbm.at[pl.ds(0, _CH)], sems[k]
            ).wait()
            _fill(k, c)
            pltpu.async_copy(stage.at[k], out_hbm.at[pl.ds(rb, _CH)], sems[k])
        return 0

    lax.fori_loop(1, _CPW // 2, _pair, 0)

    pltpu.make_async_copy(stage.at[0], out_hbm.at[pl.ds(0, _CH)], sems[0]).wait()
    pltpu.make_async_copy(stage.at[1], out_hbm.at[pl.ds(0, _CH)], sems[1]).wait()


def kernel(x):
    xt = jnp.pad(x.astype(jnp.int32).T, ((0, 6), (0, 0)))
    mesh = plsc.VectorSubcoreMesh(
        core_axis_name="c", subcore_axis_name="s", num_cores=2
    )
    fn = functools.partial(
        pl.kernel,
        mesh=mesh,
        out_type=jax.ShapeDtypeStruct((_NR, _B), jnp.float32),
        scratch_types=[
            pltpu.VMEM((16, _B), jnp.int32),
            pltpu.VMEM((2, _CH, _B), jnp.float32),
            pltpu.SemaphoreType.DMA,
            pltpu.SemaphoreType.DMA,
        ],
    )(_onehot_sc)
    outt = fn(xt)
    return jnp.transpose(outt.reshape(_S, _D, _B), (2, 0, 1))

# --- scband reference (transcript-rebuilt; emitter-appended) ---
"""Pipeline reference for scband-one-hot-21844203667866 (READ-ONLY COPY).

The authoritative reference and input builder live on the scoring server;
editing this copy changes nothing except your own understanding.
"""

import jax, jax.numpy as jnp
import numpy as np

DEPTH = 1000

def setup_inputs(seed: int = 0) -> dict:
    key = jax.random.key(seed)
    x = jax.random.randint(key, (1024, 50), 0, DEPTH, dtype=jnp.int64)
    return {"x": x}

def reference(x) -> jnp.ndarray:
    # Faithful translation of tf.one_hot(tf.cast(x, tf.int32), depth)
    return jax.nn.one_hot(x.astype(jnp.int32), DEPTH, dtype=jnp.float32)

if __name__ == "__main__":
    import jax
    _d = setup_inputs()
    print(jax.jit(kernel)(*tuple(_d.values())))

</pallas_src>

<mosaic_0001>
#map = affine_map<(d0, d1) -> (0, 0)>
module attributes {stable_mosaic.version = 14 : i64} {
  func.func @_onehot_sc(%arg0: i32, %arg1: i32, %arg2: memref<56x1024xi32, #tpu.memory_space<hbm>>, %arg3: memref<50000x1024xf32, #tpu.memory_space<hbm>>, %arg4: memref<16x1024xi32, #tpu.memory_space<vmem>>, %arg5: memref<2x40x1024xf32, #tpu.memory_space<vmem>>, %arg6: memref<!tpu.dma_semaphore, #tpu.memory_space<semaphore_mem>>, %arg7: memref<!tpu.dma_semaphore, #tpu.memory_space<semaphore_mem>>) attributes {dimension_semantics = [#tpu.dimension_semantics<core_parallel>, #tpu.dimension_semantics<subcore_parallel>], iteration_bounds = array<i64: 2, 16>, scalar_prefetch = 0 : i64, scratch_operands = 4 : i64, tpu.core_type = #tpu.core_type<sc_vector_subcore>, window_params = [{transform_indices = #map}, {transform_indices = #map}]} {
    %mul3A = arith.constant 2 : i32
    %mul3A_0 = arith.muli %arg1, %mul3A : i32
    %add3A = arith.addi %mul3A_0, %arg0 : i32
    %mul3A_1 = arith.constant 1250 : i32
    %mul3A_2 = arith.muli %add3A, %mul3A_1 : i32
    %jit3A = arith.constant 32 : i32
    %div3A = arith.divsi %mul3A_2, %jit3A : i32
    %sign3A = arith.constant 0 : i32
    %sign3A_3 = arith.cmpi sgt, %mul3A_2, %sign3A : i32
    %sign3A_4 = arith.extui %sign3A_3 : i1 to i32
    %sign3A_5 = arith.constant 0 : i32
    %sign3A_6 = arith.cmpi slt, %mul3A_2, %sign3A_5 : i32
    %sign3A_7 = arith.extui %sign3A_6 : i1 to i32
    %sign3A_8 = arith.subi %sign3A_4, %sign3A_7 : i32
    %sign3A_9 = arith.constant 0 : i32
    %sign3A_10 = arith.cmpi sgt, %jit3A, %sign3A_9 : i32
    %sign3A_11 = arith.extui %sign3A_10 : i1 to i32
    %sign3A_12 = arith.constant 0 : i32
    %sign3A_13 = arith.cmpi slt, %jit3A, %sign3A_12 : i32
    %sign3A_14 = arith.extui %sign3A_13 : i1 to i32
    %sign3A_15 = arith.subi %sign3A_11, %sign3A_14 : i32
    %ne3A = arith.cmpi ne, %sign3A_8, %sign3A_15 : i32
    %rem3A = arith.remsi %mul3A_2, %jit3A : i32
    %ne3A_16 = arith.constant 0 : i32
    %ne3A_17 = arith.cmpi ne, %rem3A, %ne3A_16 : i32
    %and3A = arith.andi %ne3A, %ne3A_17 : i1
    %sub3A = arith.constant 1 : i32
    %sub3A_18 = arith.subi %div3A, %sub3A : i32
    %select_n3A = arith.select %and3A, %sub3A_18, %div3A : i32
    %jit3A_19 = arith.constant 25 : i32
    %div3A_20 = arith.divsi %select_n3A, %jit3A_19 : i32
    %sign3A_21 = arith.constant 0 : i32
    %sign3A_22 = arith.cmpi sgt, %select_n3A, %sign3A_21 : i32
    %sign3A_23 = arith.extui %sign3A_22 : i1 to i32
    %sign3A_24 = arith.constant 0 : i32
    %sign3A_25 = arith.cmpi slt, %select_n3A, %sign3A_24 : i32
    %sign3A_26 = arith.extui %sign3A_25 : i1 to i32
    %sign3A_27 = arith.subi %sign3A_23, %sign3A_26 : i32
    %sign3A_28 = arith.constant 0 : i32
    %sign3A_29 = arith.cmpi sgt, %jit3A_19, %sign3A_28 : i32
    %sign3A_30 = arith.extui %sign3A_29 : i1 to i32
    %sign3A_31 = arith.constant 0 : i32
    %sign3A_32 = arith.cmpi slt, %jit3A_19, %sign3A_31 : i32
    %sign3A_33 = arith.extui %sign3A_32 : i1 to i32
    %sign3A_34 = arith.subi %sign3A_30, %sign3A_33 : i32
    %ne3A_35 = arith.cmpi ne, %sign3A_27, %sign3A_34 : i32
    %rem3A_36 = arith.remsi %select_n3A, %jit3A_19 : i32
    %ne3A_37 = arith.constant 0 : i32
    %ne3A_38 = arith.cmpi ne, %rem3A_36, %ne3A_37 : i32
    %and3A_39 = arith.andi %ne3A_35, %ne3A_38 : i1
    %sub3A_40 = arith.constant 1 : i32
    %sub3A_41 = arith.subi %div3A_20, %sub3A_40 : i32
    %select_n3A_42 = arith.select %and3A_39, %sub3A_41, %div3A_20 : i32
    %add3A_43 = arith.constant 40 : i32
    %add3A_44 = arith.addi %select_n3A, %add3A_43 : i32
    %sub3A_45 = arith.constant 1 : i32
    %sub3A_46 = arith.subi %add3A_44, %sub3A_45 : i32
    %jit3A_47 = arith.constant 25 : i32
    %div3A_48 = arith.divsi %sub3A_46, %jit3A_47 : i32
    %sign3A_49 = arith.constant 0 : i32
    %sign3A_50 = arith.cmpi sgt, %sub3A_46, %sign3A_49 : i32
    %sign3A_51 = arith.extui %sign3A_50 : i1 to i32
    %sign3A_52 = arith.constant 0 : i32
    %sign3A_53 = arith.cmpi slt, %sub3A_46, %sign3A_52 : i32
    %sign3A_54 = arith.extui %sign3A_53 : i1 to i32
    %sign3A_55 = arith.subi %sign3A_51, %sign3A_54 : i32
    %sign3A_56 = arith.constant 0 : i32
    %sign3A_57 = arith.cmpi sgt, %jit3A_47, %sign3A_56 : i32
    %sign3A_58 = arith.extui %sign3A_57 : i1 to i32
    %sign3A_59 = arith.constant 0 : i32
    %sign3A_60 = arith.cmpi slt, %jit3A_47, %sign3A_59 : i32
    %sign3A_61 = arith.extui %sign3A_60 : i1 to i32
    %sign3A_62 = arith.subi %sign3A_58, %sign3A_61 : i32
    %ne3A_63 = arith.cmpi ne, %sign3A_55, %sign3A_62 : i32
    %rem3A_64 = arith.remsi %sub3A_46, %jit3A_47 : i32
    %ne3A_65 = arith.constant 0 : i32
    %ne3A_66 = arith.cmpi ne, %rem3A_64, %ne3A_65 : i32
    %and3A_67 = arith.andi %ne3A_63, %ne3A_66 : i1
    %sub3A_68 = arith.constant 1 : i32
    %sub3A_69 = arith.subi %div3A_48, %sub3A_68 : i32
    %select_n3A_70 = arith.select %and3A_67, %sub3A_69, %div3A_48 : i32
    %jit3A_71 = arith.constant 8 : i32
    %div3A_72 = arith.divsi %select_n3A_42, %jit3A_71 : i32
    %sign3A_73 = arith.constant 0 : i32
    %sign3A_74 = arith.cmpi sgt, %select_n3A_42, %sign3A_73 : i32
    %sign3A_75 = arith.extui %sign3A_74 : i1 to i32
    %sign3A_76 = arith.constant 0 : i32
    %sign3A_77 = arith.cmpi slt, %select_n3A_42, %sign3A_76 : i32
    %sign3A_78 = arith.extui %sign3A_77 : i1 to i32
    %sign3A_79 = arith.subi %sign3A_75, %sign3A_78 : i32
    %sign3A_80 = arith.constant 0 : i32
    %sign3A_81 = arith.cmpi sgt, %jit3A_71, %sign3A_80 : i32
    %sign3A_82 = arith.extui %sign3A_81 : i1 to i32
    %sign3A_83 = arith.constant 0 : i32
    %sign3A_84 = arith.cmpi slt, %jit3A_71, %sign3A_83 : i32
    %sign3A_85 = arith.extui %sign3A_84 : i1 to i32
    %sign3A_86 = arith.subi %sign3A_82, %sign3A_85 : i32
    %ne3A_87 = arith.cmpi ne, %sign3A_79, %sign3A_86 : i32
    %rem3A_88 = arith.remsi %select_n3A_42, %jit3A_71 : i32
    %ne3A_89 = arith.constant 0 : i32
    %ne3A_90 = arith.cmpi ne, %rem3A_88, %ne3A_89 : i32
    %and3A_91 = arith.andi %ne3A_87, %ne3A_90 : i1
    %sub3A_92 = arith.constant 1 : i32
    %sub3A_93 = arith.subi %div3A_72, %sub3A_92 : i32
    %select_n3A_94 = arith.select %and3A_91, %sub3A_93, %div3A_72 : i32
    %mul3A_95 = arith.constant 8 : i32
    %mul3A_96 = arith.muli %select_n3A_94, %mul3A_95 : i32
    %multiple_of3A = tpu.assume_multiple %mul3A_96, 8 : i32
    %jit3A_97 = arith.constant 8 : i32
    %div3A_98 = arith.divsi %select_n3A_70, %jit3A_97 : i32
    %sign3A_99 = arith.constant 0 : i32
    %sign3A_100 = arith.cmpi sgt, %select_n3A_70, %sign3A_99 : i32
    %sign3A_101 = arith.extui %sign3A_100 : i1 to i32
    %sign3A_102 = arith.constant 0 : i32
    %sign3A_103 = arith.cmpi slt, %select_n3A_70, %sign3A_102 : i32
    %sign3A_104 = arith.extui %sign3A_103 : i1 to i32
    %sign3A_105 = arith.subi %sign3A_101, %sign3A_104 : i32
    %sign3A_106 = arith.constant 0 : i32
    %sign3A_107 = arith.cmpi sgt, %jit3A_97, %sign3A_106 : i32
    %sign3A_108 = arith.extui %sign3A_107 : i1 to i32
    %sign3A_109 = arith.constant 0 : i32
    %sign3A_110 = arith.cmpi slt, %jit3A_97, %sign3A_109 : i32
    %sign3A_111 = arith.extui %sign3A_110 : i1 to i32
    %sign3A_112 = arith.subi %sign3A_108, %sign3A_111 : i32
    %ne3A_113 = arith.cmpi ne, %sign3A_105, %sign3A_112 : i32
    %rem3A_114 = arith.remsi %select_n3A_70, %jit3A_97 : i32
    %ne3A_115 = arith.constant 0 : i32
    %ne3A_116 = arith.cmpi ne, %rem3A_114, %ne3A_115 : i32
    %and3A_117 = arith.andi %ne3A_113, %ne3A_116 : i1
    %sub3A_118 = arith.constant 1 : i32
    %sub3A_119 = arith.subi %div3A_98, %sub3A_118 : i32
    %select_n3A_120 = arith.select %and3A_117, %sub3A_119, %div3A_98 : i32
    %mul3A_121 = arith.constant 8 : i32
    %mul3A_122 = arith.muli %select_n3A_120, %mul3A_121 : i32
    %multiple_of3A_123 = tpu.assume_multiple %mul3A_122, 8 : i32
    "tpu.region"() ({
      %run_scoped3A = tpu.sem_alloc : memref<!tpu.dma_semaphore, #tpu.memory_space<semaphore_mem>>
      %dma_start3A_518 = arith.constant 0 : i32
      %dma_start3A_519 = arith.constant 0 : i32
      %dma_start3A_520 = tpu.memref_slice %arg4[%dma_start3A_518, %dma_start3A_519] : memref<16x1024xi32, #tpu.memory_space<vmem>> -> memref<8x1024xi32, #tpu.memory_space<vmem>>
      %dma_start3A_521 = arith.constant 0 : i32
      %dma_start3A_522 = tpu.memref_slice %arg2[%multiple_of3A, %dma_start3A_521] : memref<56x1024xi32, #tpu.memory_space<hbm>> -> memref<8x1024xi32, #tpu.memory_space<hbm>>
      %dma_start3A_523 = arith.constant 0 : i32
      %dma_start3A_524 = arith.constant 0 : i32
      %dma_start3A_525 = tpu.memref_slice %arg4[%dma_start3A_523, %dma_start3A_524] : memref<16x1024xi32, #tpu.memory_space<vmem>> -> memref<8x1024xi32, #tpu.memory_space<vmem>>
      %dma_start3A_526 = arith.constant 0 : i32
      %dma_start3A_527 = tpu.memref_slice %arg2[%multiple_of3A, %dma_start3A_526] : memref<56x1024xi32, #tpu.memory_space<hbm>> -> memref<8x1024xi32, #tpu.memory_space<hbm>>
      tpu.enqueue_dma source(%dma_start3A_527 : memref<8x1024xi32, #tpu.memory_space<hbm>>) target(%dma_start3A_525 : memref<8x1024xi32, #tpu.memory_space<vmem>>) target_semaphore(%run_scoped3A : memref<!tpu.dma_semaphore, #tpu.memory_space<semaphore_mem>>)
      %dma_wait3A_528 = arith.constant 0 : i32
      %dma_wait3A_529 = arith.constant 0 : i32
      %dma_wait3A_530 = tpu.memref_slice %arg4[%dma_wait3A_528, %dma_wait3A_529] : memref<16x1024xi32, #tpu.memory_space<vmem>> -> memref<8x1024xi32, #tpu.memory_space<vmem>>
      %dma_wait3A_531 = arith.constant 0 : i32
      %dma_wait3A_532 = tpu.memref_slice %arg2[%multiple_of3A, %dma_wait3A_531] : memref<56x1024xi32, #tpu.memory_space<hbm>> -> memref<8x1024xi32, #tpu.memory_space<hbm>>
      %dma_wait3A_533 = arith.constant 0 : i32
      %dma_wait3A_534 = arith.constant 0 : i32
      %dma_wait3A_535 = tpu.memref_slice %arg4[%dma_wait3A_533, %dma_wait3A_534] : memref<16x1024xi32, #tpu.memory_space<vmem>> -> memref<8x1024xi32, #tpu.memory_space<vmem>>
      %dma_wait3A_536 = arith.constant 0 : i32
      %dma_wait3A_537 = tpu.memref_slice %arg2[%multiple_of3A, %dma_wait3A_536] : memref<56x1024xi32, #tpu.memory_space<hbm>> -> memref<8x1024xi32, #tpu.memory_space<hbm>>
      tpu.wait_dma2 semaphore(%run_scoped3A : memref<!tpu.dma_semaphore, #tpu.memory_space<semaphore_mem>>) src(%dma_wait3A_537 : memref<8x1024xi32, #tpu.memory_space<hbm>>) dst(%dma_wait3A_535 : memref<8x1024xi32, #tpu.memory_space<vmem>>)
      tpu.yield
    }) : () -> ()
    "tpu.region"() ({
      %run_scoped3A = tpu.sem_alloc : memref<!tpu.dma_semaphore, #tpu.memory_space<semaphore_mem>>
      %dma_start3A_518 = arith.constant 8 : i32
      %dma_start3A_519 = arith.constant 0 : i32
      %dma_start3A_520 = tpu.memref_slice %arg4[%dma_start3A_518, %dma_start3A_519] : memref<16x1024xi32, #tpu.memory_space<vmem>> -> memref<8x1024xi32, #tpu.memory_space<vmem>>
      %dma_start3A_521 = arith.constant 0 : i32
      %dma_start3A_522 = tpu.memref_slice %arg2[%multiple_of3A_123, %dma_start3A_521] : memref<56x1024xi32, #tpu.memory_space<hbm>> -> memref<8x1024xi32, #tpu.memory_space<hbm>>
      %dma_start3A_523 = arith.constant 8 : i32
      %dma_start3A_524 = arith.constant 0 : i32
      %dma_start3A_525 = tpu.memref_slice %arg4[%dma_start3A_523, %dma_start3A_524] : memref<16x1024xi32, #tpu.memory_space<vmem>> -> memref<8x1024xi32, #tpu.memory_space<vmem>>
      %dma_start3A_526 = arith.constant 0 : i32
      %dma_start3A_527 = tpu.memref_slice %arg2[%multiple_of3A_123, %dma_start3A_526] : memref<56x1024xi32, #tpu.memory_space<hbm>> -> memref<8x1024xi32, #tpu.memory_space<hbm>>
      tpu.enqueue_dma source(%dma_start3A_527 : memref<8x1024xi32, #tpu.memory_space<hbm>>) target(%dma_start3A_525 : memref<8x1024xi32, #tpu.memory_space<vmem>>) target_semaphore(%run_scoped3A : memref<!tpu.dma_semaphore, #tpu.memory_space<semaphore_mem>>)
      %dma_wait3A_528 = arith.constant 8 : i32
      %dma_wait3A_529 = arith.constant 0 : i32
      %dma_wait3A_530 = tpu.memref_slice %arg4[%dma_wait3A_528, %dma_wait3A_529] : memref<16x1024xi32, #tpu.memory_space<vmem>> -> memref<8x1024xi32, #tpu.memory_space<vmem>>
      %dma_wait3A_531 = arith.constant 0 : i32
      %dma_wait3A_532 = tpu.memref_slice %arg2[%multiple_of3A_123, %dma_wait3A_531] : memref<56x1024xi32, #tpu.memory_space<hbm>> -> memref<8x1024xi32, #tpu.memory_space<hbm>>
      %dma_wait3A_533 = arith.constant 8 : i32
      %dma_wait3A_534 = arith.constant 0 : i32
      %dma_wait3A_535 = tpu.memref_slice %arg4[%dma_wait3A_533, %dma_wait3A_534] : memref<16x1024xi32, #tpu.memory_space<vmem>> -> memref<8x1024xi32, #tpu.memory_space<vmem>>
      %dma_wait3A_536 = arith.constant 0 : i32
      %dma_wait3A_537 = tpu.memref_slice %arg2[%multiple_of3A_123, %dma_wait3A_536] : memref<56x1024xi32, #tpu.memory_space<hbm>> -> memref<8x1024xi32, #tpu.memory_space<hbm>>
      tpu.wait_dma2 semaphore(%run_scoped3A : memref<!tpu.dma_semaphore, #tpu.memory_space<semaphore_mem>>) src(%dma_wait3A_537 : memref<8x1024xi32, #tpu.memory_space<hbm>>) dst(%dma_wait3A_535 : memref<8x1024xi32, #tpu.memory_space<vmem>>)
      tpu.yield
    }) : () -> ()
    %add3A_124 = arith.constant 0 : i32
    %add3A_125 = arith.addi %select_n3A, %add3A_124 : i32
    %jit3A_126 = arith.constant 25 : i32
    %div3A_127 = arith.divsi %add3A_125, %jit3A_126 : i32
    %sign3A_128 = arith.constant 0 : i32
    %sign3A_129 = arith.cmpi sgt, %add3A_125, %sign3A_128 : i32
    %sign3A_130 = arith.extui %sign3A_129 : i1 to i32
    %sign3A_131 = arith.constant 0 : i32
    %sign3A_132 = arith.cmpi slt, %add3A_125, %sign3A_131 : i32
    %sign3A_133 = arith.extui %sign3A_132 : i1 to i32
    %sign3A_134 = arith.subi %sign3A_130, %sign3A_133 : i32
    %sign3A_135 = arith.constant 0 : i32
    %sign3A_136 = arith.cmpi sgt, %jit3A_126, %sign3A_135 : i32
    %sign3A_137 = arith.extui %sign3A_136 : i1 to i32
    %sign3A_138 = arith.constant 0 : i32
    %sign3A_139 = arith.cmpi slt, %jit3A_126, %sign3A_138 : i32
    %sign3A_140 = arith.extui %sign3A_139 : i1 to i32
    %sign3A_141 = arith.subi %sign3A_137, %sign3A_140 : i32
    %ne3A_142 = arith.cmpi ne, %sign3A_134, %sign3A_141 : i32
    %rem3A_143 = arith.remsi %add3A_125, %jit3A_126 : i32
    %ne3A_144 = arith.constant 0 : i32
    %ne3A_145 = arith.cmpi ne, %rem3A_143, %ne3A_144 : i32
    %and3A_146 = arith.andi %ne3A_142, %ne3A_145 : i1
    %sub3A_147 = arith.constant 1 : i32
    %sub3A_148 = arith.subi %div3A_127, %sub3A_147 : i32
    %select_n3A_149 = arith.select %and3A_146, %sub3A_148, %div3A_127 : i32
    %mul3A_150 = arith.constant 25 : i32
    %mul3A_151 = arith.muli %select_n3A_149, %mul3A_150 : i32
    %sub3A_152 = arith.subi %add3A_125, %mul3A_151 : i32
    %mul3A_153 = arith.constant 40 : i32
    %mul3A_154 = arith.muli %sub3A_152, %mul3A_153 : i32
    %sub3A_155 = arith.subi %select_n3A_149, %multiple_of3A : i32
    %sub3A_156 = arith.subi %select_n3A_149, %multiple_of3A_123 : i32
    %add3A_157 = arith.constant 8 : i32
    %add3A_158 = arith.addi %sub3A_156, %add3A_157 : i32
    %min3A = arith.minsi %sub3A_155, %add3A_158 : i32
    %add3A_159 = arith.constant 0 : i32
    %add3A_160 = arith.addi %mul3A_154, %add3A_159 : i32
    %broadcast_in_dim3A = vector.broadcast %add3A_160 : i32 to vector<16xi32>
    %add3A_161 = arith.constant 1 : i32
    %add3A_162 = arith.addi %mul3A_154, %add3A_161 : i32
    %broadcast_in_dim3A_163 = vector.broadcast %add3A_162 : i32 to vector<16xi32>
    %add3A_164 = arith.constant 2 : i32
    %add3A_165 = arith.addi %mul3A_154, %add3A_164 : i32
    %broadcast_in_dim3A_166 = vector.broadcast %add3A_165 : i32 to vector<16xi32>
    %add3A_167 = arith.constant 3 : i32
    %add3A_168 = arith.addi %mul3A_154, %add3A_167 : i32
    %broadcast_in_dim3A_169 = vector.broadcast %add3A_168 : i32 to vector<16xi32>
    %add3A_170 = arith.constant 4 : i32
    %add3A_171 = arith.addi %mul3A_154, %add3A_170 : i32
    %broadcast_in_dim3A_172 = vector.broadcast %add3A_171 : i32 to vector<16xi32>
    %add3A_173 = arith.constant 5 : i32
    %add3A_174 = arith.addi %mul3A_154, %add3A_173 : i32
    %broadcast_in_dim3A_175 = vector.broadcast %add3A_174 : i32 to vector<16xi32>
    %add3A_176 = arith.constant 6 : i32
    %add3A_177 = arith.addi %mul3A_154, %add3A_176 : i32
    %broadcast_in_dim3A_178 = vector.broadcast %add3A_177 : i32 to vector<16xi32>
    %add3A_179 = arith.constant 7 : i32
    %add3A_180 = arith.addi %mul3A_154, %add3A_179 : i32
    %broadcast_in_dim3A_181 = vector.broadcast %add3A_180 : i32 to vector<16xi32>
    %add3A_182 = arith.constant 8 : i32
    %add3A_183 = arith.addi %mul3A_154, %add3A_182 : i32
    %broadcast_in_dim3A_184 = vector.broadcast %add3A_183 : i32 to vector<16xi32>
    %add3A_185 = arith.constant 9 : i32
    %add3A_186 = arith.addi %mul3A_154, %add3A_185 : i32
    %broadcast_in_dim3A_187 = vector.broadcast %add3A_186 : i32 to vector<16xi32>
    %add3A_188 = arith.constant 10 : i32
    %add3A_189 = arith.addi %mul3A_154, %add3A_188 : i32
    %broadcast_in_dim3A_190 = vector.broadcast %add3A_189 : i32 to vector<16xi32>
    %add3A_191 = arith.constant 11 : i32
    %add3A_192 = arith.addi %mul3A_154, %add3A_191 : i32
    %broadcast_in_dim3A_193 = vector.broadcast %add3A_192 : i32 to vector<16xi32>
    %add3A_194 = arith.constant 12 : i32
    %add3A_195 = arith.addi %mul3A_154, %add3A_194 : i32
    %broadcast_in_dim3A_196 = vector.broadcast %add3A_195 : i32 to vector<16xi32>
    %add3A_197 = arith.constant 13 : i32
    %add3A_198 = arith.addi %mul3A_154, %add3A_197 : i32
    %broadcast_in_dim3A_199 = vector.broadcast %add3A_198 : i32 to vector<16xi32>
    %add3A_200 = arith.constant 14 : i32
    %add3A_201 = arith.addi %mul3A_154, %add3A_200 : i32
    %broadcast_in_dim3A_202 = vector.broadcast %add3A_201 : i32 to vector<16xi32>
    %add3A_203 = arith.constant 15 : i32
    %add3A_204 = arith.addi %mul3A_154, %add3A_203 : i32
    %broadcast_in_dim3A_205 = vector.broadcast %add3A_204 : i32 to vector<16xi32>
    %add3A_206 = arith.constant 16 : i32
    %add3A_207 = arith.addi %mul3A_154, %add3A_206 : i32
    %broadcast_in_dim3A_208 = vector.broadcast %add3A_207 : i32 to vector<16xi32>
    %add3A_209 = arith.constant 17 : i32
    %add3A_210 = arith.addi %mul3A_154, %add3A_209 : i32
    %broadcast_in_dim3A_211 = vector.broadcast %add3A_210 : i32 to vector<16xi32>
    %add3A_212 = arith.constant 18 : i32
    %add3A_213 = arith.addi %mul3A_154, %add3A_212 : i32
    %broadcast_in_dim3A_214 = vector.broadcast %add3A_213 : i32 to vector<16xi32>
    %add3A_215 = arith.constant 19 : i32
    %add3A_216 = arith.addi %mul3A_154, %add3A_215 : i32
    %broadcast_in_dim3A_217 = vector.broadcast %add3A_216 : i32 to vector<16xi32>
    %add3A_218 = arith.constant 20 : i32
    %add3A_219 = arith.addi %mul3A_154, %add3A_218 : i32
    %broadcast_in_dim3A_220 = vector.broadcast %add3A_219 : i32 to vector<16xi32>
    %add3A_221 = arith.constant 21 : i32
    %add3A_222 = arith.addi %mul3A_154, %add3A_221 : i32
    %broadcast_in_dim3A_223 = vector.broadcast %add3A_222 : i32 to vector<16xi32>
    %add3A_224 = arith.constant 22 : i32
    %add3A_225 = arith.addi %mul3A_154, %add3A_224 : i32
    %broadcast_in_dim3A_226 = vector.broadcast %add3A_225 : i32 to vector<16xi32>
    %add3A_227 = arith.constant 23 : i32
    %add3A_228 = arith.addi %mul3A_154, %add3A_227 : i32
    %broadcast_in_dim3A_229 = vector.broadcast %add3A_228 : i32 to vector<16xi32>
    %add3A_230 = arith.constant 24 : i32
    %add3A_231 = arith.addi %mul3A_154, %add3A_230 : i32
    %broadcast_in_dim3A_232 = vector.broadcast %add3A_231 : i32 to vector<16xi32>
    %add3A_233 = arith.constant 25 : i32
    %add3A_234 = arith.addi %mul3A_154, %add3A_233 : i32
    %broadcast_in_dim3A_235 = vector.broadcast %add3A_234 : i32 to vector<16xi32>
    %add3A_236 = arith.constant 26 : i32
    %add3A_237 = arith.addi %mul3A_154, %add3A_236 : i32
    %broadcast_in_dim3A_238 = vector.broadcast %add3A_237 : i32 to vector<16xi32>
    %add3A_239 = arith.constant 27 : i32
    %add3A_240 = arith.addi %mul3A_154, %add3A_239 : i32
    %broadcast_in_dim3A_241 = vector.broadcast %add3A_240 : i32 to vector<16xi32>
    %add3A_242 = arith.constant 28 : i32
    %add3A_243 = arith.addi %mul3A_154, %add3A_242 : i32
    %broadcast_in_dim3A_244 = vector.broadcast %add3A_243 : i32 to vector<16xi32>
    %add3A_245 = arith.constant 29 : i32
    %add3A_246 = arith.addi %mul3A_154, %add3A_245 : i32
    %broadcast_in_dim3A_247 = vector.broadcast %add3A_246 : i32 to vector<16xi32>
    %add3A_248 = arith.constant 30 : i32
    %add3A_249 = arith.addi %mul3A_154, %add3A_248 : i32
    %broadcast_in_dim3A_250 = vector.broadcast %add3A_249 : i32 to vector<16xi32>
    %add3A_251 = arith.constant 31 : i32
    %add3A_252 = arith.addi %mul3A_154, %add3A_251 : i32
    %broadcast_in_dim3A_253 = vector.broadcast %add3A_252 : i32 to vector<16xi32>
    %add3A_254 = arith.constant 32 : i32
    %add3A_255 = arith.addi %mul3A_154, %add3A_254 : i32
    %broadcast_in_dim3A_256 = vector.broadcast %add3A_255 : i32 to vector<16xi32>
    %add3A_257 = arith.constant 33 : i32
    %add3A_258 = arith.addi %mul3A_154, %add3A_257 : i32
    %broadcast_in_dim3A_259 = vector.broadcast %add3A_258 : i32 to vector<16xi32>
    %add3A_260 = arith.constant 34 : i32
    %add3A_261 = arith.addi %mul3A_154, %add3A_260 : i32
    %broadcast_in_dim3A_262 = vector.broadcast %add3A_261 : i32 to vector<16xi32>
    %add3A_263 = arith.constant 35 : i32
    %add3A_264 = arith.addi %mul3A_154, %add3A_263 : i32
    %broadcast_in_dim3A_265 = vector.broadcast %add3A_264 : i32 to vector<16xi32>
    %add3A_266 = arith.constant 36 : i32
    %add3A_267 = arith.addi %mul3A_154, %add3A_266 : i32
    %broadcast_in_dim3A_268 = vector.broadcast %add3A_267 : i32 to vector<16xi32>
    %add3A_269 = arith.constant 37 : i32
    %add3A_270 = arith.addi %mul3A_154, %add3A_269 : i32
    %broadcast_in_dim3A_271 = vector.broadcast %add3A_270 : i32 to vector<16xi32>
    %add3A_272 = arith.constant 38 : i32
    %add3A_273 = arith.addi %mul3A_154, %add3A_272 : i32
    %broadcast_in_dim3A_274 = vector.broadcast %add3A_273 : i32 to vector<16xi32>
    %add3A_275 = arith.constant 39 : i32
    %add3A_276 = arith.addi %mul3A_154, %add3A_275 : i32
    %broadcast_in_dim3A_277 = vector.broadcast %add3A_276 : i32 to vector<16xi32>
    %scan3A = arith.constant 0 : i32
    %scan3A_278 = arith.constant 0 : i32
    %scan3A_279 = arith.constant 64 : i32
    %scan3A_280 = arith.addi %scan3A_278, %scan3A_279 : i32
    %scan3A_281 = arith.constant 1 : i32
    %scan3A_282 = scf.for %scan3A_518 = %scan3A_278 to %scan3A_280 step %scan3A_281 iter_args(%scan3A_519 = %scan3A) -> (i32)  : i32 {
      %mul3A_520 = arith.constant 16 : i32
      %mul3A_521 = arith.muli %scan3A_518, %mul3A_520 : i32
      %multiple_of3A_522 = tpu.assume_multiple %mul3A_521, 16 : i32
      %get3A = arith.index_cast %min3A : i32 to index
      %get3A_523 = arith.index_cast %multiple_of3A_522 : i32 to index
      %get3A_524 = tpu.vector_load %arg4[%get3A, %get3A_523] {strides = array<i32>} : memref<16x1024xi32, #tpu.memory_space<vmem>>, vector<1x16xi32>,
      %get3A_525 = vector.shape_cast %get3A_524 : vector<1x16xi32> to vector<16xi32>
      %eq3A = arith.cmpi eq, %get3A_525, %broadcast_in_dim3A : vector<16xi32>
      %jit3A_526 = arith.constant 1.000000e+00 : f32
      %jit3A_527 = arith.constant 0.000000e+00 : f32
      %broadcast_in_dim3A_528 = vector.broadcast %jit3A_526 : f32 to vector<16xf32>
      %broadcast_in_dim3A_529 = vector.broadcast %jit3A_527 : f32 to vector<16xf32>
      %select_n3A_530 = arith.select %eq3A, %broadcast_in_dim3A_528, %broadcast_in_dim3A_529 : vector<16xi1>, vector<16xf32>
      %swap3A = arith.constant 0 : i32
      %swap3A_531 = arith.constant 0 : i32
      %swap3A_532 = arith.index_cast %swap3A : i32 to index
      %swap3A_533 = arith.index_cast %swap3A_531 : i32 to index
      %swap3A_534 = arith.index_cast %multiple_of3A_522 : i32 to index
      %swap3A_535 = tpu.vector_load %arg5[%swap3A_532, %swap3A_533, %swap3A_534] {strides = array<i32>} : memref<2x40x1024xf32, #tpu.memory_space<vmem>>, vector<1x1x16xf32>,
      %swap3A_536 = vector.shape_cast %swap3A_535 : vector<1x1x16xf32> to vector<16xf32>
      %swap3A_537 = vector.shape_cast %select_n3A_530 : vector<16xf32> to vector<1x1x16xf32>
      tpu.vector_store %arg5[%swap3A_532, %swap3A_533, %swap3A_534], %swap3A_537 {strides = array<i32>} : memref<2x40x1024xf32, #tpu.memory_space<vmem>>, vector<1x1x16xf32>,
      %eq3A_538 = arith.cmpi eq, %get3A_525, %broadcast_in_dim3A_163 : vector<16xi32>
      %jit3A_539 = arith.constant 1.000000e+00 : f32
      %jit3A_540 = arith.constant 0.000000e+00 : f32
      %broadcast_in_dim3A_541 = vector.broadcast %jit3A_539 : f32 to vector<16xf32>
      %broadcast_in_dim3A_542 = vector.broadcast %jit3A_540 : f32 to vector<16xf32>
      %select_n3A_543 = arith.select %eq3A_538, %broadcast_in_dim3A_541, %broadcast_in_dim3A_542 : vector<16xi1>, vector<16xf32>
      %swap3A_544 = arith.constant 0 : i32
      %swap3A_545 = arith.constant 1 : i32
      %swap3A_546 = arith.index_cast %swap3A_544 : i32 to index
      %swap3A_547 = arith.index_cast %swap3A_545 : i32 to index
      %swap3A_548 = arith.index_cast %multiple_of3A_522 : i32 to index
      %swap3A_549 = tpu.vector_load %arg5[%swap3A_546, %swap3A_547, %swap3A_548] {strides = array<i32>} : memref<2x40x1024xf32, #tpu.memory_space<vmem>>, vector<1x1x16xf32>,
      %swap3A_550 = vector.shape_cast %swap3A_549 : vector<1x1x16xf32> to vector<16xf32>
      %swap3A_551 = vector.shape_cast %select_n3A_543 : vector<16xf32> to vector<1x1x16xf32>
      tpu.vector_store %arg5[%swap3A_546, %swap3A_547, %swap3A_548], %swap3A_551 {strides = array<i32>} : memref<2x40x1024xf32, #tpu.memory_space<vmem>>, vector<1x1x16xf32>,
      %eq3A_552 = arith.cmpi eq, %get3A_525, %broadcast_in_dim3A_166 : vector<16xi32>
      %jit3A_553 = arith.constant 1.000000e+00 : f32
      %jit3A_554 = arith.constant 0.000000e+00 : f32
      %broadcast_in_dim3A_555 = vector.broadcast %jit3A_553 : f32 to vector<16xf32>
      %broadcast_in_dim3A_556 = vector.broadcast %jit3A_554 : f32 to vector<16xf32>
      %select_n3A_557 = arith.select %eq3A_552, %broadcast_in_dim3A_555, %broadcast_in_dim3A_556 : vector<16xi1>, vector<16xf32>
      %swap3A_558 = arith.constant 0 : i32
      %swap3A_559 = arith.constant 2 : i32
      %swap3A_560 = arith.index_cast %swap3A_558 : i32 to index
      %swap3A_561 = arith.index_cast %swap3A_559 : i32 to index
      %swap3A_562 = arith.index_cast %multiple_of3A_522 : i32 to index
      %swap3A_563 = tpu.vector_load %arg5[%swap3A_560, %swap3A_561, %swap3A_562] {strides = array<i32>} : memref<2x40x1024xf32, #tpu.memory_space<vmem>>, vector<1x1x16xf32>,
      %swap3A_564 = vector.shape_cast %swap3A_563 : vector<1x1x16xf32> to vector<16xf32>
      %swap3A_565 = vector.shape_cast %select_n3A_557 : vector<16xf32> to vector<1x1x16xf32>
      tpu.vector_store %arg5[%swap3A_560, %swap3A_561, %swap3A_562], %swap3A_565 {strides = array<i32>} : memref<2x40x1024xf32, #tpu.memory_space<vmem>>, vector<1x1x16xf32>,
      %eq3A_566 = arith.cmpi eq, %get3A_525, %broadcast_in_dim3A_169 : vector<16xi32>
      %jit3A_567 = arith.constant 1.000000e+00 : f32
      %jit3A_568 = arith.constant 0.000000e+00 : f32
      %broadcast_in_dim3A_569 = vector.broadcast %jit3A_567 : f32 to vector<16xf32>
      %broadcast_in_dim3A_570 = vector.broadcast %jit3A_568 : f32 to vector<16xf32>
      %select_n3A_571 = arith.select %eq3A_566, %broadcast_in_dim3A_569, %broadcast_in_dim3A_570 : vector<16xi1>, vector<16xf32>
      %swap3A_572 = arith.constant 0 : i32
      %swap3A_573 = arith.constant 3 : i32
      %swap3A_574 = arith.index_cast %swap3A_572 : i32 to index
      %swap3A_575 = arith.index_cast %swap3A_573 : i32 to index
      %swap3A_576 = arith.index_cast %multiple_of3A_522 : i32 to index
      %swap3A_577 = tpu.vector_load %arg5[%swap3A_574, %swap3A_575, %swap3A_576] {strides = array<i32>} : memref<2x40x1024xf32, #tpu.memory_space<vmem>>, vector<1x1x16xf32>,
      %swap3A_578 = vector.shape_cast %swap3A_577 : vector<1x1x16xf32> to vector<16xf32>
      %swap3A_579 = vector.shape_cast %select_n3A_571 : vector<16xf32> to vector<1x1x16xf32>
      tpu.vector_store %arg5[%swap3A_574, %swap3A_575, %swap3A_576], %swap3A_579 {strides = array<i32>} : memref<2x40x1024xf32, #tpu.memory_space<vmem>>, vector<1x1x16xf32>,
      %eq3A_580 = arith.cmpi eq, %get3A_525, %broadcast_in_dim3A_172 : vector<16xi32>
      %jit3A_581 = arith.constant 1.000000e+00 : f32
      %jit3A_582 = arith.constant 0.000000e+00 : f32
      %broadcast_in_dim3A_583 = vector.broadcast %jit3A_581 : f32 to vector<16xf32>
      %broadcast_in_dim3A_584 = vector.broadcast %jit3A_582 : f32 to vector<16xf32>
      %select_n3A_585 = arith.select %eq3A_580, %broadcast_in_dim3A_583, %broadcast_in_dim3A_584 : vector<16xi1>, vector<16xf32>
      %swap3A_586 = arith.constant 0 : i32
      %swap3A_587 = arith.constant 4 : i32
      %swap3A_588 = arith.index_cast %swap3A_586 : i32 to index
      %swap3A_589 = arith.index_cast %swap3A_587 : i32 to index
      %swap3A_590 = arith.index_cast %multiple_of3A_522 : i32 to index
      %swap3A_591 = tpu.vector_load %arg5[%swap3A_588, %swap3A_589, %swap3A_590] {strides = array<i32>} : memref<2x40x1024xf32, #tpu.memory_space<vmem>>, vector<1x1x16xf32>,
      %swap3A_592 = vector.shape_cast %swap3A_591 : vector<1x1x16xf32> to vector<16xf32>
      %swap3A_593 = vector.shape_cast %select_n3A_585 : vector<16xf32> to vector<1x1x16xf32>
      tpu.vector_store %arg5[%swap3A_588, %swap3A_589, %swap3A_590], %swap3A_593 {strides = array<i32>} : memref<2x40x1024xf32, #tpu.memory_space<vmem>>, vector<1x1x16xf32>,
      %eq3A_594 = arith.cmpi eq, %get3A_525, %broadcast_in_dim3A_175 : vector<16xi32>
      %jit3A_595 = arith.constant 1.000000e+00 : f32
      %jit3A_596 = arith.constant 0.000000e+00 : f32
      %broadcast_in_dim3A_597 = vector.broadcast %jit3A_595 : f32 to vector<16xf32>
      %broadcast_in_dim3A_598 = vector.broadcast %jit3A_596 : f32 to vector<16xf32>
      %select_n3A_599 = arith.select %eq3A_594, %broadcast_in_dim3A_597, %broadcast_in_dim3A_598 : vector<16xi1>, vector<16xf32>
      %swap3A_600 = arith.constant 0 : i32
      %swap3A_601 = arith.constant 5 : i32
      %swap3A_602 = arith.index_cast %swap3A_600 : i32 to index
      %swap3A_603 = arith.index_cast %swap3A_601 : i32 to index
      %swap3A_604 = arith.index_cast %multiple_of3A_522 : i32 to index
      %swap3A_605 = tpu.vector_load %arg5[%swap3A_602, %swap3A_603, %swap3A_604] {strides = array<i32>} : memref<2x40x1024xf32, #tpu.memory_space<vmem>>, vector<1x1x16xf32>,
      %swap3A_606 = vector.shape_cast %swap3A_605 : vector<1x1x16xf32> to vector<16xf32>
      %swap3A_607 = vector.shape_cast %select_n3A_599 : vector<16xf32> to vector<1x1x16xf32>
      tpu.vector_store %arg5[%swap3A_602, %swap3A_603, %swap3A_604], %swap3A_607 {strides = array<i32>} : memref<2x40x1024xf32, #tpu.memory_space<vmem>>, vector<1x1x16xf32>,
      %eq3A_608 = arith.cmpi eq, %get3A_525, %broadcast_in_dim3A_178 : vector<16xi32>
      %jit3A_609 = arith.constant 1.000000e+00 : f32
      %jit3A_610 = arith.constant 0.000000e+00 : f32
      %broadcast_in_dim3A_611 = vector.broadcast %jit3A_609 : f32 to vector<16xf32>
      %broadcast_in_dim3A_612 = vector.broadcast %jit3A_610 : f32 to vector<16xf32>
      %select_n3A_613 = arith.select %eq3A_608, %broadcast_in_dim3A_611, %broadcast_in_dim3A_612 : vector<16xi1>, vector<16xf32>
      %swap3A_614 = arith.constant 0 : i32
      %swap3A_615 = arith.constant 6 : i32
      %swap3A_616 = arith.index_cast %swap3A_614 : i32 to index
      %swap3A_617 = arith.index_cast %swap3A_615 : i32 to index
      %swap3A_618 = arith.index_cast %multiple_of3A_522 : i32 to index
      %swap3A_619 = tpu.vector_load %arg5[%swap3A_616, %swap3A_617, %swap3A_618] {strides = array<i32>} : memref<2x40x1024xf32, #tpu.memory_space<vmem>>, vector<1x1x16xf32>,
      %swap3A_620 = vector.shape_cast %swap3A_619 : vector<1x1x16xf32> to vector<16xf32>
      %swap3A_621 = vector.shape_cast %select_n3A_613 : vector<16xf32> to vector<1x1x16xf32>
      tpu.vector_store %arg5[%swap3A_616, %swap3A_617, %swap3A_618], %swap3A_621 {strides = array<i32>} : memref<2x40x1024xf32, #tpu.memory_space<vmem>>, vector<1x1x16xf32>,
      %eq3A_622 = arith.cmpi eq, %get3A_525, %broadcast_in_dim3A_181 : vector<16xi32>
      %jit3A_623 = arith.constant 1.000000e+00 : f32
      %jit3A_624 = arith.constant 0.000000e+00 : f32
      %broadcast_in_dim3A_625 = vector.broadcast %jit3A_623 : f32 to vector<16xf32>
      %broadcast_in_dim3A_626 = vector.broadcast %jit3A_624 : f32 to vector<16xf32>
      %select_n3A_627 = arith.select %eq3A_622, %broadcast_in_dim3A_625, %broadcast_in_dim3A_626 : vector<16xi1>, vector<16xf32>
      %swap3A_628 = arith.constant 0 : i32
      %swap3A_629 = arith.constant 7 : i32
      %swap3A_630 = arith.index_cast %swap3A_628 : i32 to index
      %swap3A_631 = arith.index_cast %swap3A_629 : i32 to index
      %swap3A_632 = arith.index_cast %multiple_of3A_522 : i32 to index
      %swap3A_633 = tpu.vector_load %arg5[%swap3A_630, %swap3A_631, %swap3A_632] {strides = array<i32>} : memref<2x40x1024xf32, #tpu.memory_space<vmem>>, vector<1x1x16xf32>,
      %swap3A_634 = vector.shape_cast %swap3A_633 : vector<1x1x16xf32> to vector<16xf32>
      %swap3A_635 = vector.shape_cast %select_n3A_627 : vector<16xf32> to vector<1x1x16xf32>
      tpu.vector_store %arg5[%swap3A_630, %swap3A_631, %swap3A_632], %swap3A_635 {strides = array<i32>} : memref<2x40x1024xf32, #tpu.memory_space<vmem>>, vector<1x1x16xf32>,
      %eq3A_636 = arith.cmpi eq, %get3A_525, %broadcast_in_dim3A_184 : vector<16xi32>
      %jit3A_637 = arith.constant 1.000000e+00 : f32
      %jit3A_638 = arith.constant 0.000000e+00 : f32
      %broadcast_in_dim3A_639 = vector.broadcast %jit3A_637 : f32 to vector<16xf32>
      %broadcast_in_dim3A_640 = vector.broadcast %jit3A_638 : f32 to vector<16xf32>
      %select_n3A_641 = arith.select %eq3A_636, %broadcast_in_dim3A_639, %broadcast_in_dim3A_640 : vector<16xi1>, vector<16xf32>
      %swap3A_642 = arith.constant 0 : i32
      %swap3A_643 = arith.constant 8 : i32
      %swap3A_644 = arith.index_cast %swap3A_642 : i32 to index
      %swap3A_645 = arith.index_cast %swap3A_643 : i32 to index
      %swap3A_646 = arith.index_cast %multiple_of3A_522 : i32 to index
      %swap3A_647 = tpu.vector_load %arg5[%swap3A_644, %swap3A_645, %swap3A_646] {strides = array<i32>} : memref<2x40x1024xf32, #tpu.memory_space<vmem>>, vector<1x1x16xf32>,
      %swap3A_648 = vector.shape_cast %swap3A_647 : vector<1x1x16xf32> to vector<16xf32>
      %swap3A_649 = vector.shape_cast %select_n3A_641 : vector<16xf32> to vector<1x1x16xf32>
      tpu.vector_store %arg5[%swap3A_644, %swap3A_645, %swap3A_646], %swap3A_649 {strides = array<i32>} : memref<2x40x1024xf32, #tpu.memory_space<vmem>>, vector<1x1x16xf32>,
      %eq3A_650 = arith.cmpi eq, %get3A_525, %broadcast_in_dim3A_187 : vector<16xi32>
      %jit3A_651 = arith.constant 1.000000e+00 : f32
      %jit3A_652 = arith.constant 0.000000e+00 : f32
      %broadcast_in_dim3A_653 = vector.broadcast %jit3A_651 : f32 to vector<16xf32>
      %broadcast_in_dim3A_654 = vector.broadcast %jit3A_652 : f32 to vector<16xf32>
      %select_n3A_655 = arith.select %eq3A_650, %broadcast_in_dim3A_653, %broadcast_in_dim3A_654 : vector<16xi1>, vector<16xf32>
      %swap3A_656 = arith.constant 0 : i32
      %swap3A_657 = arith.constant 9 : i32
      %swap3A_658 = arith.index_cast %swap3A_656 : i32 to index
      %swap3A_659 = arith.index_cast %swap3A_657 : i32 to index
      %swap3A_660 = arith.index_cast %multiple_of3A_522 : i32 to index
      %swap3A_661 = tpu.vector_load %arg5[%swap3A_658, %swap3A_659, %swap3A_660] {strides = array<i32>} : memref<2x40x1024xf32, #tpu.memory_space<vmem>>, vector<1x1x16xf32>,
      %swap3A_662 = vector.shape_cast %swap3A_661 : vector<1x1x16xf32> to vector<16xf32>
      %swap3A_663 = vector.shape_cast %select_n3A_655 : vector<16xf32> to vector<1x1x16xf32>
      tpu.vector_store %arg5[%swap3A_658, %swap3A_659, %swap3A_660], %swap3A_663 {strides = array<i32>} : memref<2x40x1024xf32, #tpu.memory_space<vmem>>, vector<1x1x16xf32>,
      %eq3A_664 = arith.cmpi eq, %get3A_525, %broadcast_in_dim3A_190 : vector<16xi32>
      %jit3A_665 = arith.constant 1.000000e+00 : f32
      %jit3A_666 = arith.constant 0.000000e+00 : f32
      %broadcast_in_dim3A_667 = vector.broadcast %jit3A_665 : f32 to vector<16xf32>
      %broadcast_in_dim3A_668 = vector.broadcast %jit3A_666 : f32 to vector<16xf32>
      %select_n3A_669 = arith.select %eq3A_664, %broadcast_in_dim3A_667, %broadcast_in_dim3A_668 : vector<16xi1>, vector<16xf32>
      %swap3A_670 = arith.constant 0 : i32
      %swap3A_671 = arith.constant 10 : i32
      %swap3A_672 = arith.index_cast %swap3A_670 : i32 to index
      %swap3A_673 = arith.index_cast %swap3A_671 : i32 to index
      %swap3A_674 = arith.index_cast %multiple_of3A_522 : i32 to index
      %swap3A_675 = tpu.vector_load %arg5[%swap3A_672, %swap3A_673, %swap3A_674] {strides = array<i32>} : memref<2x40x1024xf32, #tpu.memory_space<vmem>>, vector<1x1x16xf32>,
      %swap3A_676 = vector.shape_cast %swap3A_675 : vector<1x1x16xf32> to vector<16xf32>
      %swap3A_677 = vector.shape_cast %select_n3A_669 : vector<16xf32> to vector<1x1x16xf32>
      tpu.vector_store %arg5[%swap3A_672, %swap3A_673, %swap3A_674], %swap3A_677 {strides = array<i32>} : memref<2x40x1024xf32, #tpu.memory_space<vmem>>, vector<1x1x16xf32>,
      %eq3A_678 = arith.cmpi eq, %get3A_525, %broadcast_in_dim3A_193 : vector<16xi32>
      %jit3A_679 = arith.constant 1.000000e+00 : f32
      %jit3A_680 = arith.constant 0.000000e+00 : f32
      %broadcast_in_dim3A_681 = vector.broadcast %jit3A_679 : f32 to vector<16xf32>
      %broadcast_in_dim3A_682 = vector.broadcast %jit3A_680 : f32 to vector<16xf32>
      %select_n3A_683 = arith.select %eq3A_678, %broadcast_in_dim3A_681, %broadcast_in_dim3A_682 : vector<16xi1>, vector<16xf32>
      %swap3A_684 = arith.constant 0 : i32
      %swap3A_685 = arith.constant 11 : i32
      %swap3A_686 = arith.index_cast %swap3A_684 : i32 to index
      %swap3A_687 = arith.index_cast %swap3A_685 : i32 to index
      %swap3A_688 = arith.index_cast %multiple_of3A_522 : i32 to index
      %swap3A_689 = tpu.vector_load %arg5[%swap3A_686, %swap3A_687, %swap3A_688] {strides = array<i32>} : memref<2x40x1024xf32, #tpu.memory_space<vmem>>, vector<1x1x16xf32>,
      %swap3A_690 = vector.shape_cast %swap3A_689 : vector<1x1x16xf32> to vector<16xf32>
      %swap3A_691 = vector.shape_cast %select_n3A_683 : vector<16xf32> to vector<1x1x16xf32>
      tpu.vector_store %arg5[%swap3A_686, %swap3A_687, %swap3A_688], %swap3A_691 {strides = array<i32>} : memref<2x40x1024xf32, #tpu.memory_space<vmem>>, vector<1x1x16xf32>,
      %eq3A_692 = arith.cmpi eq, %get3A_525, %broadcast_in_dim3A_196 : vector<16xi32>
      %jit3A_693 = arith.constant 1.000000e+00 : f32
      %jit3A_694 = arith.constant 0.000000e+00 : f32
      %broadcast_in_dim3A_695 = vector.broadcast %jit3A_693 : f32 to vector<16xf32>
      %broadcast_in_dim3A_696 = vector.broadcast %jit3A_694 : f32 to vector<16xf32>
      %select_n3A_697 = arith.select %eq3A_692, %broadcast_in_dim3A_695, %broadcast_in_dim3A_696 : vector<16xi1>, vector<16xf32>
      %swap3A_698 = arith.constant 0 : i32
      %swap3A_699 = arith.constant 12 : i32
      %swap3A_700 = arith.index_cast %swap3A_698 : i32 to index
      %swap3A_701 = arith.index_cast %swap3A_699 : i32 to index
      %swap3A_702 = arith.index_cast %multiple_of3A_522 : i32 to index
      %swap3A_703 = tpu.vector_load %arg5[%swap3A_700, %swap3A_701, %swap3A_702] {strides = array<i32>} : memref<2x40x1024xf32, #tpu.memory_space<vmem>>, vector<1x1x16xf32>,
      %swap3A_704 = vector.shape_cast %swap3A_703 : vector<1x1x16xf32> to vector<16xf32>
      %swap3A_705 = vector.shape_cast %select_n3A_697 : vector<16xf32> to vector<1x1x16xf32>
      tpu.vector_store %arg5[%swap3A_700, %swap3A_701, %swap3A_702], %swap3A_705 {strides = array<i32>} : memref<2x40x1024xf32, #tpu.memory_space<vmem>>, vector<1x1x16xf32>,
      %eq3A_706 = arith.cmpi eq, %get3A_525, %broadcast_in_dim3A_199 : vector<16xi32>
      %jit3A_707 = arith.constant 1.000000e+00 : f32
      %jit3A_708 = arith.constant 0.000000e+00 : f32
      %broadcast_in_dim3A_709 = vector.broadcast %jit3A_707 : f32 to vector<16xf32>
      %broadcast_in_dim3A_710 = vector.broadcast %jit3A_708 : f32 to vector<16xf32>
      %select_n3A_711 = arith.select %eq3A_706, %broadcast_in_dim3A_709, %broadcast_in_dim3A_710 : vector<16xi1>, vector<16xf32>
      %swap3A_712 = arith.constant 0 : i32
      %swap3A_713 = arith.constant 13 : i32
      %swap3A_714 = arith.index_cast %swap3A_712 : i32 to index
      %swap3A_715 = arith.index_cast %swap3A_713 : i32 to index
      %swap3A_716 = arith.index_cast %multiple_of3A_522 : i32 to index
      %swap3A_717 = tpu.vector_load %arg5[%swap3A_714, %swap3A_715, %swap3A_716] {strides = array<i32>} : memref<2x40x1024xf32, #tpu.memory_space<vmem>>, vector<1x1x16xf32>,
      %swap3A_718 = vector.shape_cast %swap3A_717 : vector<1x1x16xf32> to vector<16xf32>
      %swap3A_719 = vector.shape_cast %select_n3A_711 : vector<16xf32> to vector<1x1x16xf32>
      tpu.vector_store %arg5[%swap3A_714, %swap3A_715, %swap3A_716], %swap3A_719 {strides = array<i32>} : memref<2x40x1024xf32, #tpu.memory_space<vmem>>, vector<1x1x16xf32>,
      %eq3A_720 = arith.cmpi eq, %get3A_525, %broadcast_in_dim3A_202 : vector<16xi32>
      %jit3A_721 = arith.constant 1.000000e+00 : f32
      %jit3A_722 = arith.constant 0.000000e+00 : f32
      %broadcast_in_dim3A_723 = vector.broadcast %jit3A_721 : f32 to vector<16xf32>
      %broadcast_in_dim3A_724 = vector.broadcast %jit3A_722 : f32 to vector<16xf32>
      %select_n3A_725 = arith.select %eq3A_720, %broadcast_in_dim3A_723, %broadcast_in_dim3A_724 : vector<16xi1>, vector<16xf32>
      %swap3A_726 = arith.constant 0 : i32
      %swap3A_727 = arith.constant 14 : i32
      %swap3A_728 = arith.index_cast %swap3A_726 : i32 to index
      %swap3A_729 = arith.index_cast %swap3A_727 : i32 to index
      %swap3A_730 = arith.index_cast %multiple_of3A_522 : i32 to index
      %swap3A_731 = tpu.vector_load %arg5[%swap3A_728, %swap3A_729, %swap3A_730] {strides = array<i32>} : memref<2x40x1024xf32, #tpu.memory_space<vmem>>, vector<1x1x16xf32>,
      %swap3A_732 = vector.shape_cast %swap3A_731 : vector<1x1x16xf32> to vector<16xf32>
      %swap3A_733 = vector.shape_cast %select_n3A_725 : vector<16xf32> to vector<1x1x16xf32>
      tpu.vector_store %arg5[%swap3A_728, %swap3A_729, %swap3A_730], %swap3A_733 {strides = array<i32>} : memref<2x40x1024xf32, #tpu.memory_space<vmem>>, vector<1x1x16xf32>,
      %eq3A_734 = arith.cmpi eq, %get3A_525, %broadcast_in_dim3A_205 : vector<16xi32>
      %jit3A_735 = arith.constant 1.000000e+00 : f32
      %jit3A_736 = arith.constant 0.000000e+00 : f32
      %broadcast_in_dim3A_737 = vector.broadcast %jit3A_735 : f32 to vector<16xf32>
      %broadcast_in_dim3A_738 = vector.broadcast %jit3A_736 : f32 to vector<16xf32>
      %select_n3A_739 = arith.select %eq3A_734, %broadcast_in_dim3A_737, %broadcast_in_dim3A_738 : vector<16xi1>, vector<16xf32>
      %swap3A_740 = arith.constant 0 : i32
      %swap3A_741 = arith.constant 15 : i32
      %swap3A_742 = arith.index_cast %swap3A_740 : i32 to index
      %swap3A_743 = arith.index_cast %swap3A_741 : i32 to index
      %swap3A_744 = arith.index_cast %multiple_of3A_522 : i32 to index
      %swap3A_745 = tpu.vector_load %arg5[%swap3A_742, %swap3A_743, %swap3A_744] {strides = array<i32>} : memref<2x40x1024xf32, #tpu.memory_space<vmem>>, vector<1x1x16xf32>,
      %swap3A_746 = vector.shape_cast %swap3A_745 : vector<1x1x16xf32> to vector<16xf32>
      %swap3A_747 = vector.shape_cast %select_n3A_739 : vector<16xf32> to vector<1x1x16xf32>
      tpu.vector_store %arg5[%swap3A_742, %swap3A_743, %swap3A_744], %swap3A_747 {strides = array<i32>} : memref<2x40x1024xf32, #tpu.memory_space<vmem>>, vector<1x1x16xf32>,
      %eq3A_748 = arith.cmpi eq, %get3A_525, %broadcast_in_dim3A_208 : vector<16xi32>
      %jit3A_749 = arith.constant 1.000000e+00 : f32
      %jit3A_750 = arith.constant 0.000000e+00 : f32
      %broadcast_in_dim3A_751 = vector.broadcast %jit3A_749 : f32 to vector<16xf32>
      %broadcast_in_dim3A_752 = vector.broadcast %jit3A_750 : f32 to vector<16xf32>
      %select_n3A_753 = arith.select %eq3A_748, %broadcast_in_dim3A_751, %broadcast_in_dim3A_752 : vector<16xi1>, vector<16xf32>
      %swap3A_754 = arith.constant 0 : i32
      %swap3A_755 = arith.constant 16 : i32
      %swap3A_756 = arith.index_cast %swap3A_754 : i32 to index
      %swap3A_757 = arith.index_cast %swap3A_755 : i32 to index
      %swap3A_758 = arith.index_cast %multiple_of3A_522 : i32 to index
      %swap3A_759 = tpu.vector_load %arg5[%swap3A_756, %swap3A_757, %swap3A_758] {strides = array<i32>} : memref<2x40x1024xf32, #tpu.memory_space<vmem>>, vector<1x1x16xf32>,
      %swap3A_760 = vector.shape_cast %swap3A_759 : vector<1x1x16xf32> to vector<16xf32>
      %swap3A_761 = vector.shape_cast %select_n3A_753 : vector<16xf32> to vector<1x1x16xf32>
      tpu.vector_store %arg5[%swap3A_756, %swap3A_757, %swap3A_758], %swap3A_761 {strides = array<i32>} : memref<2x40x1024xf32, #tpu.memory_space<vmem>>, vector<1x1x16xf32>,
      %eq3A_762 = arith.cmpi eq, %get3A_525, %broadcast_in_dim3A_211 : vector<16xi32>
      %jit3A_763 = arith.constant 1.000000e+00 : f32
      %jit3A_764 = arith.constant 0.000000e+00 : f32
      %broadcast_in_dim3A_765 = vector.broadcast %jit3A_763 : f32 to vector<16xf32>
      %broadcast_in_dim3A_766 = vector.broadcast %jit3A_764 : f32 to vector<16xf32>
      %select_n3A_767 = arith.select %eq3A_762, %broadcast_in_dim3A_765, %broadcast_in_dim3A_766 : vector<16xi1>, vector<16xf32>
      %swap3A_768 = arith.constant 0 : i32
      %swap3A_769 = arith.constant 17 : i32
      %swap3A_770 = arith.index_cast %swap3A_768 : i32 to index
      %swap3A_771 = arith.index_cast %swap3A_769 : i32 to index
      %swap3A_772 = arith.index_cast %multiple_of3A_522 : i32 to index
      %swap3A_773 = tpu.vector_load %arg5[%swap3A_770, %swap3A_771, %swap3A_772] {strides = array<i32>} : memref<2x40x1024xf32, #tpu.memory_space<vmem>>, vector<1x1x16xf32>,
      %swap3A_774 = vector.shape_cast %swap3A_773 : vector<1x1x16xf32> to vector<16xf32>
      %swap3A_775 = vector.shape_cast %select_n3A_767 : vector<16xf32> to vector<1x1x16xf32>
      tpu.vector_store %arg5[%swap3A_770, %swap3A_771, %swap3A_772], %swap3A_775 {strides = array<i32>} : memref<2x40x1024xf32, #tpu.memory_space<vmem>>, vector<1x1x16xf32>,
      %eq3A_776 = arith.cmpi eq, %get3A_525, %broadcast_in_dim3A_214 : vector<16xi32>
      %jit3A_777 = arith.constant 1.000000e+00 : f32
      %jit3A_778 = arith.constant 0.000000e+00 : f32
      %broadcast_in_dim3A_779 = vector.broadcast %jit3A_777 : f32 to vector<16xf32>
      %broadcast_in_dim3A_780 = vector.broadcast %jit3A_778 : f32 to vector<16xf32>
      %select_n3A_781 = arith.select %eq3A_776, %broadcast_in_dim3A_779, %broadcast_in_dim3A_780 : vector<16xi1>, vector<16xf32>
      %swap3A_782 = arith.constant 0 : i32
      %swap3A_783 = arith.constant 18 : i32
      %swap3A_784 = arith.index_cast %swap3A_782 : i32 to index
      %swap3A_785 = arith.index_cast %swap3A_783 : i32 to index
      %swap3A_786 = arith.index_cast %multiple_of3A_522 : i32 to index
      %swap3A_787 = tpu.vector_load %arg5[%swap3A_784, %swap3A_785, %swap3A_786] {strides = array<i32>} : memref<2x40x1024xf32, #tpu.memory_space<vmem>>, vector<1x1x16xf32>,
      %swap3A_788 = vector.shape_cast %swap3A_787 : vector<1x1x16xf32> to vector<16xf32>
      %swap3A_789 = vector.shape_cast %select_n3A_781 : vector<16xf32> to vector<1x1x16xf32>
      tpu.vector_store %arg5[%swap3A_784, %swap3A_785, %swap3A_786], %swap3A_789 {strides = array<i32>} : memref<2x40x1024xf32, #tpu.memory_space<vmem>>, vector<1x1x16xf32>,
      %eq3A_790 = arith.cmpi eq, %get3A_525, %broadcast_in_dim3A_217 : vector<16xi32>
      %jit3A_791 = arith.constant 1.000000e+00 : f32
      %jit3A_792 = arith.constant 0.000000e+00 : f32
      %broadcast_in_dim3A_793 = vector.broadcast %jit3A_791 : f32 to vector<16xf32>
      %broadcast_in_dim3A_794 = vector.broadcast %jit3A_792 : f32 to vector<16xf32>
      %select_n3A_795 = arith.select %eq3A_790, %broadcast_in_dim3A_793, %broadcast_in_dim3A_794 : vector<16xi1>, vector<16xf32>
      %swap3A_796 = arith.constant 0 : i32
      %swap3A_797 = arith.constant 19 : i32
      %swap3A_798 = arith.index_cast %swap3A_796 : i32 to index
      %swap3A_799 = arith.index_cast %swap3A_797 : i32 to index
      %swap3A_800 = arith.index_cast %multiple_of3A_522 : i32 to index
      %swap3A_801 = tpu.vector_load %arg5[%swap3A_798, %swap3A_799, %swap3A_800] {strides = array<i32>} : memref<2x40x1024xf32, #tpu.memory_space<vmem>>, vector<1x1x16xf32>,
      %swap3A_802 = vector.shape_cast %swap3A_801 : vector<1x1x16xf32> to vector<16xf32>
      %swap3A_803 = vector.shape_cast %select_n3A_795 : vector<16xf32> to vector<1x1x16xf32>
      tpu.vector_store %arg5[%swap3A_798, %swap3A_799, %swap3A_800], %swap3A_803 {strides = array<i32>} : memref<2x40x1024xf32, #tpu.memory_space<vmem>>, vector<1x1x16xf32>,
      %eq3A_804 = arith.cmpi eq, %get3A_525, %broadcast_in_dim3A_220 : vector<16xi32>
      %jit3A_805 = arith.constant 1.000000e+00 : f32
      %jit3A_806 = arith.constant 0.000000e+00 : f32
      %broadcast_in_dim3A_807 = vector.broadcast %jit3A_805 : f32 to vector<16xf32>
      %broadcast_in_dim3A_808 = vector.broadcast %jit3A_806 : f32 to vector<16xf32>
      %select_n3A_809 = arith.select %eq3A_804, %broadcast_in_dim3A_807, %broadcast_in_dim3A_808 : vector<16xi1>, vector<16xf32>
      %swap3A_810 = arith.constant 0 : i32
      %swap3A_811 = arith.constant 20 : i32
      %swap3A_812 = arith.index_cast %swap3A_810 : i32 to index
      %swap3A_813 = arith.index_cast %swap3A_811 : i32 to index
      %swap3A_814 = arith.index_cast %multiple_of3A_522 : i32 to index
      %swap3A_815 = tpu.vector_load %arg5[%swap3A_812, %swap3A_813, %swap3A_814] {strides = array<i32>} : memref<2x40x1024xf32, #tpu.memory_space<vmem>>, vector<1x1x16xf32>,
      %swap3A_816 = vector.shape_cast %swap3A_815 : vector<1x1x16xf32> to vector<16xf32>
      %swap3A_817 = vector.shape_cast %select_n3A_809 : vector<16xf32> to vector<1x1x16xf32>
      tpu.vector_store %arg5[%swap3A_812, %swap3A_813, %swap3A_814], %swap3A_817 {strides = array<i32>} : memref<2x40x1024xf32, #tpu.memory_space<vmem>>, vector<1x1x16xf32>,
      %eq3A_818 = arith.cmpi eq, %get3A_525, %broadcast_in_dim3A_223 : vector<16xi32>
      %jit3A_819 = arith.constant 1.000000e+00 : f32
      %jit3A_820 = arith.constant 0.000000e+00 : f32
      %broadcast_in_dim3A_821 = vector.broadcast %jit3A_819 : f32 to vector<16xf32>
      %broadcast_in_dim3A_822 = vector.broadcast %jit3A_820 : f32 to vector<16xf32>
      %select_n3A_823 = arith.select %eq3A_818, %broadcast_in_dim3A_821, %broadcast_in_dim3A_822 : vector<16xi1>, vector<16xf32>
      %swap3A_824 = arith.constant 0 : i32
      %swap3A_825 = arith.constant 21 : i32
      %swap3A_826 = arith.index_cast %swap3A_824 : i32 to index
      %swap3A_827 = arith.index_cast %swap3A_825 : i32 to index
      %swap3A_828 = arith.index_cast %multiple_of3A_522 : i32 to index
      %swap3A_829 = tpu.vector_load %arg5[%swap3A_826, %swap3A_827, %swap3A_828] {strides = array<i32>} : memref<2x40x1024xf32, #tpu.memory_space<vmem>>, vector<1x1x16xf32>,
      %swap3A_830 = vector.shape_cast %swap3A_829 : vector<1x1x16xf32> to vector<16xf32>
      %swap3A_831 = vector.shape_cast %select_n3A_823 : vector<16xf32> to vector<1x1x16xf32>
      tpu.vector_store %arg5[%swap3A_826, %swap3A_827, %swap3A_828], %swap3A_831 {strides = array<i32>} : memref<2x40x1024xf32, #tpu.memory_space<vmem>>, vector<1x1x16xf32>,
      %eq3A_832 = arith.cmpi eq, %get3A_525, %broadcast_in_dim3A_226 : vector<16xi32>
      %jit3A_833 = arith.constant 1.000000e+00 : f32
      %jit3A_834 = arith.constant 0.000000e+00 : f32
      %broadcast_in_dim3A_835 = vector.broadcast %jit3A_833 : f32 to vector<16xf32>
      %broadcast_in_dim3A_836 = vector.broadcast %jit3A_834 : f32 to vector<16xf32>
      %select_n3A_837 = arith.select %eq3A_832, %broadcast_in_dim3A_835, %broadcast_in_dim3A_836 : vector<16xi1>, vector<16xf32>
      %swap3A_838 = arith.constant 0 : i32
      %swap3A_839 = arith.constant 22 : i32
      %swap3A_840 = arith.index_cast %swap3A_838 : i32 to index
      %swap3A_841 = arith.index_cast %swap3A_839 : i32 to index
      %swap3A_842 = arith.index_cast %multiple_of3A_522 : i32 to index
      %swap3A_843 = tpu.vector_load %arg5[%swap3A_840, %swap3A_841, %swap3A_842] {strides = array<i32>} : memref<2x40x1024xf32, #tpu.memory_space<vmem>>, vector<1x1x16xf32>,
      %swap3A_844 = vector.shape_cast %swap3A_843 : vector<1x1x16xf32> to vector<16xf32>
      %swap3A_845 = vector.shape_cast %select_n3A_837 : vector<16xf32> to vector<1x1x16xf32>
      tpu.vector_store %arg5[%swap3A_840, %swap3A_841, %swap3A_842], %swap3A_845 {strides = array<i32>} : memref<2x40x1024xf32, #tpu.memory_space<vmem>>, vector<1x1x16xf32>,
      %eq3A_846 = arith.cmpi eq, %get3A_525, %broadcast_in_dim3A_229 : vector<16xi32>
      %jit3A_847 = arith.constant 1.000000e+00 : f32
      %jit3A_848 = arith.constant 0.000000e+00 : f32
      %broadcast_in_dim3A_849 = vector.broadcast %jit3A_847 : f32 to vector<16xf32>
      %broadcast_in_dim3A_850 = vector.broadcast %jit3A_848 : f32 to vector<16xf32>
      %select_n3A_851 = arith.select %eq3A_846, %broadcast_in_dim3A_849, %broadcast_in_dim3A_850 : vector<16xi1>, vector<16xf32>
      %swap3A_852 = arith.constant 0 : i32
      %swap3A_853 = arith.constant 23 : i32
      %swap3A_854 = arith.index_cast %swap3A_852 : i32 to index
      %swap3A_855 = arith.index_cast %swap3A_853 : i32 to index
      %swap3A_856 = arith.index_cast %multiple_of3A_522 : i32 to index
      %swap3A_857 = tpu.vector_load %arg5[%swap3A_854, %swap3A_855, %swap3A_856] {strides = array<i32>} : memref<2x40x1024xf32, #tpu.memory_space<vmem>>, vector<1x1x16xf32>,
      %swap3A_858 = vector.shape_cast %swap3A_857 : vector<1x1x16xf32> to vector<16xf32>
      %swap3A_859 = vector.shape_cast %select_n3A_851 : vector<16xf32> to vector<1x1x16xf32>
      tpu.vector_store %arg5[%swap3A_854, %swap3A_855, %swap3A_856], %swap3A_859 {strides = array<i32>} : memref<2x40x1024xf32, #tpu.memory_space<vmem>>, vector<1x1x16xf32>,
      %eq3A_860 = arith.cmpi eq, %get3A_525, %broadcast_in_dim3A_232 : vector<16xi32>
      %jit3A_861 = arith.constant 1.000000e+00 : f32
      %jit3A_862 = arith.constant 0.000000e+00 : f32
      %broadcast_in_dim3A_863 = vector.broadcast %jit3A_861 : f32 to vector<16xf32>
      %broadcast_in_dim3A_864 = vector.broadcast %jit3A_862 : f32 to vector<16xf32>
      %select_n3A_865 = arith.select %eq3A_860, %broadcast_in_dim3A_863, %broadcast_in_dim3A_864 : vector<16xi1>, vector<16xf32>
      %swap3A_866 = arith.constant 0 : i32
      %swap3A_867 = arith.constant 24 : i32
      %swap3A_868 = arith.index_cast %swap3A_866 : i32 to index
      %swap3A_869 = arith.index_cast %swap3A_867 : i32 to index
      %swap3A_870 = arith.index_cast %multiple_of3A_522 : i32 to index
      %swap3A_871 = tpu.vector_load %arg5[%swap3A_868, %swap3A_869, %swap3A_870] {strides = array<i32>} : memref<2x40x1024xf32, #tpu.memory_space<vmem>>, vector<1x1x16xf32>,
      %swap3A_872 = vector.shape_cast %swap3A_871 : vector<1x1x16xf32> to vector<16xf32>
      %swap3A_873 = vector.shape_cast %select_n3A_865 : vector<16xf32> to vector<1x1x16xf32>
      tpu.vector_store %arg5[%swap3A_868, %swap3A_869, %swap3A_870], %swap3A_873 {strides = array<i32>} : memref<2x40x1024xf32, #tpu.memory_space<vmem>>, vector<1x1x16xf32>,
      %eq3A_874 = arith.cmpi eq, %get3A_525, %broadcast_in_dim3A_235 : vector<16xi32>
      %jit3A_875 = arith.constant 1.000000e+00 : f32
      %jit3A_876 = arith.constant 0.000000e+00 : f32
      %broadcast_in_dim3A_877 = vector.broadcast %jit3A_875 : f32 to vector<16xf32>
      %broadcast_in_dim3A_878 = vector.broadcast %jit3A_876 : f32 to vector<16xf32>
      %select_n3A_879 = arith.select %eq3A_874, %broadcast_in_dim3A_877, %broadcast_in_dim3A_878 : vector<16xi1>, vector<16xf32>
      %swap3A_880 = arith.constant 0 : i32
      %swap3A_881 = arith.constant 25 : i32
      %swap3A_882 = arith.index_cast %swap3A_880 : i32 to index
      %swap3A_883 = arith.index_cast %swap3A_881 : i32 to index
      %swap3A_884 = arith.index_cast %multiple_of3A_522 : i32 to index
      %swap3A_885 = tpu.vector_load %arg5[%swap3A_882, %swap3A_883, %swap3A_884] {strides = array<i32>} : memref<2x40x1024xf32, #tpu.memory_space<vmem>>, vector<1x1x16xf32>,
      %swap3A_886 = vector.shape_cast %swap3A_885 : vector<1x1x16xf32> to vector<16xf32>
      %swap3A_887 = vector.shape_cast %select_n3A_879 : vector<16xf32> to vector<1x1x16xf32>
      tpu.vector_store %arg5[%swap3A_882, %swap3A_883, %swap3A_884], %swap3A_887 {strides = array<i32>} : memref<2x40x1024xf32, #tpu.memory_space<vmem>>, vector<1x1x16xf32>,
      %eq3A_888 = arith.cmpi eq, %get3A_525, %broadcast_in_dim3A_238 : vector<16xi32>
      %jit3A_889 = arith.constant 1.000000e+00 : f32
      %jit3A_890 = arith.constant 0.000000e+00 : f32
      %broadcast_in_dim3A_891 = vector.broadcast %jit3A_889 : f32 to vector<16xf32>
      %broadcast_in_dim3A_892 = vector.broadcast %jit3A_890 : f32 to vector<16xf32>
      %select_n3A_893 = arith.select %eq3A_888, %broadcast_in_dim3A_891, %broadcast_in_dim3A_892 : vector<16xi1>, vector<16xf32>
      %swap3A_894 = arith.constant 0 : i32
      %swap3A_895 = arith.constant 26 : i32
      %swap3A_896 = arith.index_cast %swap3A_894 : i32 to index
      %swap3A_897 = arith.index_cast %swap3A_895 : i32 to index
      %swap3A_898 = arith.index_cast %multiple_of3A_522 : i32 to index
      %swap3A_899 = tpu.vector_load %arg5[%swap3A_896, %swap3A_897, %swap3A_898] {strides = array<i32>} : memref<2x40x1024xf32, #tpu.memory_space<vmem>>, vector<1x1x16xf32>,
      %swap3A_900 = vector.shape_cast %swap3A_899 : vector<1x1x16xf32> to vector<16xf32>
      %swap3A_901 = vector.shape_cast %select_n3A_893 : vector<16xf32> to vector<1x1x16xf32>
      tpu.vector_store %arg5[%swap3A_896, %swap3A_897, %swap3A_898], %swap3A_901 {strides = array<i32>} : memref<2x40x1024xf32, #tpu.memory_space<vmem>>, vector<1x1x16xf32>,
      %eq3A_902 = arith.cmpi eq, %get3A_525, %broadcast_in_dim3A_241 : vector<16xi32>
      %jit3A_903 = arith.constant 1.000000e+00 : f32
      %jit3A_904 = arith.constant 0.000000e+00 : f32
      %broadcast_in_dim3A_905 = vector.broadcast %jit3A_903 : f32 to vector<16xf32>
      %broadcast_in_dim3A_906 = vector.broadcast %jit3A_904 : f32 to vector<16xf32>
      %select_n3A_907 = arith.select %eq3A_902, %broadcast_in_dim3A_905, %broadcast_in_dim3A_906 : vector<16xi1>, vector<16xf32>
      %swap3A_908 = arith.constant 0 : i32
      %swap3A_909 = arith.constant 27 : i32
      %swap3A_910 = arith.index_cast %swap3A_908 : i32 to index
      %swap3A_911 = arith.index_cast %swap3A_909 : i32 to index
      %swap3A_912 = arith.index_cast %multiple_of3A_522 : i32 to index
      %swap3A_913 = tpu.vector_load %arg5[%swap3A_910, %swap3A_911, %swap3A_912] {strides = array<i32>} : memref<2x40x1024xf32, #tpu.memory_space<vmem>>, vector<1x1x16xf32>,
      %swap3A_914 = vector.shape_cast %swap3A_913 : vector<1x1x16xf32> to vector<16xf32>
      %swap3A_915 = vector.shape_cast %select_n3A_907 : vector<16xf32> to vector<1x1x16xf32>
      tpu.vector_store %arg5[%swap3A_910, %swap3A_911, %swap3A_912], %swap3A_915 {strides = array<i32>} : memref<2x40x1024xf32, #tpu.memory_space<vmem>>, vector<1x1x16xf32>,
      %eq3A_916 = arith.cmpi eq, %get3A_525, %broadcast_in_dim3A_244 : vector<16xi32>
      %jit3A_917 = arith.constant 1.000000e+00 : f32
      %jit3A_918 = arith.constant 0.000000e+00 : f32
      %broadcast_in_dim3A_919 = vector.broadcast %jit3A_917 : f32 to vector<16xf32>
      %broadcast_in_dim3A_920 = vector.broadcast %jit3A_918 : f32 to vector<16xf32>
      %select_n3A_921 = arith.select %eq3A_916, %broadcast_in_dim3A_919, %broadcast_in_dim3A_920 : vector<16xi1>, vector<16xf32>
      %swap3A_922 = arith.constant 0 : i32
      %swap3A_923 = arith.constant 28 : i32
      %swap3A_924 = arith.index_cast %swap3A_922 : i32 to index
      %swap3A_925 = arith.index_cast %swap3A_923 : i32 to index
      %swap3A_926 = arith.index_cast %multiple_of3A_522 : i32 to index
      %swap3A_927 = tpu.vector_load %arg5[%swap3A_924, %swap3A_925, %swap3A_926] {strides = array<i32>} : memref<2x40x1024xf32, #tpu.memory_space<vmem>>, vector<1x1x16xf32>,
      %swap3A_928 = vector.shape_cast %swap3A_927 : vector<1x1x16xf32> to vector<16xf32>
      %swap3A_929 = vector.shape_cast %select_n3A_921 : vector<16xf32> to vector<1x1x16xf32>
      tpu.vector_store %arg5[%swap3A_924, %swap3A_925, %swap3A_926], %swap3A_929 {strides = array<i32>} : memref<2x40x1024xf32, #tpu.memory_space<vmem>>, vector<1x1x16xf32>,
      %eq3A_930 = arith.cmpi eq, %get3A_525, %broadcast_in_dim3A_247 : vector<16xi32>
      %jit3A_931 = arith.constant 1.000000e+00 : f32
      %jit3A_932 = arith.constant 0.000000e+00 : f32
      %broadcast_in_dim3A_933 = vector.broadcast %jit3A_931 : f32 to vector<16xf32>
      %broadcast_in_dim3A_934 = vector.broadcast %jit3A_932 : f32 to vector<16xf32>
      %select_n3A_935 = arith.select %eq3A_930, %broadcast_in_dim3A_933, %broadcast_in_dim3A_934 : vector<16xi1>, vector<16xf32>
      %swap3A_936 = arith.constant 0 : i32
      %swap3A_937 = arith.constant 29 : i32
      %swap3A_938 = arith.index_cast %swap3A_936 : i32 to index
      %swap3A_939 = arith.index_cast %swap3A_937 : i32 to index
      %swap3A_940 = arith.index_cast %multiple_of3A_522 : i32 to index
      %swap3A_941 = tpu.vector_load %arg5[%swap3A_938, %swap3A_939, %swap3A_940] {strides = array<i32>} : memref<2x40x1024xf32, #tpu.memory_space<vmem>>, vector<1x1x16xf32>,
      %swap3A_942 = vector.shape_cast %swap3A_941 : vector<1x1x16xf32> to vector<16xf32>
      %swap3A_943 = vector.shape_cast %select_n3A_935 : vector<16xf32> to vector<1x1x16xf32>
      tpu.vector_store %arg5[%swap3A_938, %swap3A_939, %swap3A_940], %swap3A_943 {strides = array<i32>} : memref<2x40x1024xf32, #tpu.memory_space<vmem>>, vector<1x1x16xf32>,
      %eq3A_944 = arith.cmpi eq, %get3A_525, %broadcast_in_dim3A_250 : vector<16xi32>
      %jit3A_945 = arith.constant 1.000000e+00 : f32
      %jit3A_946 = arith.constant 0.000000e+00 : f32
      %broadcast_in_dim3A_947 = vector.broadcast %jit3A_945 : f32 to vector<16xf32>
      %broadcast_in_dim3A_948 = vector.broadcast %jit3A_946 : f32 to vector<16xf32>
      %select_n3A_949 = arith.select %eq3A_944, %broadcast_in_dim3A_947, %broadcast_in_dim3A_948 : vector<16xi1>, vector<16xf32>
      %swap3A_950 = arith.constant 0 : i32
      %swap3A_951 = arith.constant 30 : i32
      %swap3A_952 = arith.index_cast %swap3A_950 : i32 to index
      %swap3A_953 = arith.index_cast %swap3A_951 : i32 to index
      %swap3A_954 = arith.index_cast %multiple_of3A_522 : i32 to index
      %swap3A_955 = tpu.vector_load %arg5[%swap3A_952, %swap3A_953, %swap3A_954] {strides = array<i32>} : memref<2x40x1024xf32, #tpu.memory_space<vmem>>, vector<1x1x16xf32>,
      %swap3A_956 = vector.shape_cast %swap3A_955 : vector<1x1x16xf32> to vector<16xf32>
      %swap3A_957 = vector.shape_cast %select_n3A_949 : vector<16xf32> to vector<1x1x16xf32>
      tpu.vector_store %arg5[%swap3A_952, %swap3A_953, %swap3A_954], %swap3A_957 {strides = array<i32>} : memref<2x40x1024xf32, #tpu.memory_space<vmem>>, vector<1x1x16xf32>,
      %eq3A_958 = arith.cmpi eq, %get3A_525, %broadcast_in_dim3A_253 : vector<16xi32>
      %jit3A_959 = arith.constant 1.000000e+00 : f32
      %jit3A_960 = arith.constant 0.000000e+00 : f32
      %broadcast_in_dim3A_961 = vector.broadcast %jit3A_959 : f32 to vector<16xf32>
      %broadcast_in_dim3A_962 = vector.broadcast %jit3A_960 : f32 to vector<16xf32>
      %select_n3A_963 = arith.select %eq3A_958, %broadcast_in_dim3A_961, %broadcast_in_dim3A_962 : vector<16xi1>, vector<16xf32>
      %swap3A_964 = arith.constant 0 : i32
      %swap3A_965 = arith.constant 31 : i32
      %swap3A_966 = arith.index_cast %swap3A_964 : i32 to index
      %swap3A_967 = arith.index_cast %swap3A_965 : i32 to index
      %swap3A_968 = arith.index_cast %multiple_of3A_522 : i32 to index
      %swap3A_969 = tpu.vector_load %arg5[%swap3A_966, %swap3A_967, %swap3A_968] {strides = array<i32>} : memref<2x40x1024xf32, #tpu.memory_space<vmem>>, vector<1x1x16xf32>,
      %swap3A_970 = vector.shape_cast %swap3A_969 : vector<1x1x16xf32> to vector<16xf32>
      %swap3A_971 = vector.shape_cast %select_n3A_963 : vector<16xf32> to vector<1x1x16xf32>
      tpu.vector_store %arg5[%swap3A_966, %swap3A_967, %swap3A_968], %swap3A_971 {strides = array<i32>} : memref<2x40x1024xf32, #tpu.memory_space<vmem>>, vector<1x1x16xf32>,
      %eq3A_972 = arith.cmpi eq, %get3A_525, %broadcast_in_dim3A_256 : vector<16xi32>
      %jit3A_973 = arith.constant 1.000000e+00 : f32
      %jit3A_974 = arith.constant 0.000000e+00 : f32
      %broadcast_in_dim3A_975 = vector.broadcast %jit3A_973 : f32 to vector<16xf32>
      %broadcast_in_dim3A_976 = vector.broadcast %jit3A_974 : f32 to vector<16xf32>
      %select_n3A_977 = arith.select %eq3A_972, %broadcast_in_dim3A_975, %broadcast_in_dim3A_976 : vector<16xi1>, vector<16xf32>
      %swap3A_978 = arith.constant 0 : i32
      %swap3A_979 = arith.constant 32 : i32
      %swap3A_980 = arith.index_cast %swap3A_978 : i32 to index
      %swap3A_981 = arith.index_cast %swap3A_979 : i32 to index
      %swap3A_982 = arith.index_cast %multiple_of3A_522 : i32 to index
      %swap3A_983 = tpu.vector_load %arg5[%swap3A_980, %swap3A_981, %swap3A_982] {strides = array<i32>} : memref<2x40x1024xf32, #tpu.memory_space<vmem>>, vector<1x1x16xf32>,
      %swap3A_984 = vector.shape_cast %swap3A_983 : vector<1x1x16xf32> to vector<16xf32>
      %swap3A_985 = vector.shape_cast %select_n3A_977 : vector<16xf32> to vector<1x1x16xf32>
      tpu.vector_store %arg5[%swap3A_980, %swap3A_981, %swap3A_982], %swap3A_985 {strides = array<i32>} : memref<2x40x1024xf32, #tpu.memory_space<vmem>>, vector<1x1x16xf32>,
      %eq3A_986 = arith.cmpi eq, %get3A_525, %broadcast_in_dim3A_259 : vector<16xi32>
      %jit3A_987 = arith.constant 1.000000e+00 : f32
      %jit3A_988 = arith.constant 0.000000e+00 : f32
      %broadcast_in_dim3A_989 = vector.broadcast %jit3A_987 : f32 to vector<16xf32>
      %broadcast_in_dim3A_990 = vector.broadcast %jit3A_988 : f32 to vector<16xf32>
      %select_n3A_991 = arith.select %eq3A_986, %broadcast_in_dim3A_989, %broadcast_in_dim3A_990 : vector<16xi1>, vector<16xf32>
      %swap3A_992 = arith.constant 0 : i32
      %swap3A_993 = arith.constant 33 : i32
      %swap3A_994 = arith.index_cast %swap3A_992 : i32 to index
      %swap3A_995 = arith.index_cast %swap3A_993 : i32 to index
      %swap3A_996 = arith.index_cast %multiple_of3A_522 : i32 to index
      %swap3A_997 = tpu.vector_load %arg5[%swap3A_994, %swap3A_995, %swap3A_996] {strides = array<i32>} : memref<2x40x1024xf32, #tpu.memory_space<vmem>>, vector<1x1x16xf32>,
      %swap3A_998 = vector.shape_cast %swap3A_997 : vector<1x1x16xf32> to vector<16xf32>
      %swap3A_999 = vector.shape_cast %select_n3A_991 : vector<16xf32> to vector<1x1x16xf32>
      tpu.vector_store %arg5[%swap3A_994, %swap3A_995, %swap3A_996], %swap3A_999 {strides = array<i32>} : memref<2x40x1024xf32, #tpu.memory_space<vmem>>, vector<1x1x16xf32>,
      %eq3A_1000 = arith.cmpi eq, %get3A_525, %broadcast_in_dim3A_262 : vector<16xi32>
      %jit3A_1001 = arith.constant 1.000000e+00 : f32
      %jit3A_1002 = arith.constant 0.000000e+00 : f32
      %broadcast_in_dim3A_1003 = vector.broadcast %jit3A_1001 : f32 to vector<16xf32>
      %broadcast_in_dim3A_1004 = vector.broadcast %jit3A_1002 : f32 to vector<16xf32>
      %select_n3A_1005 = arith.select %eq3A_1000, %broadcast_in_dim3A_1003, %broadcast_in_dim3A_1004 : vector<16xi1>, vector<16xf32>
      %swap3A_1006 = arith.constant 0 : i32
      %swap3A_1007 = arith.constant 34 : i32
      %swap3A_1008 = arith.index_cast %swap3A_1006 : i32 to index
      %swap3A_1009 = arith.index_cast %swap3A_1007 : i32 to index
      %swap3A_1010 = arith.index_cast %multiple_of3A_522 : i32 to index
      %swap3A_1011 = tpu.vector_load %arg5[%swap3A_1008, %swap3A_1009, %swap3A_1010] {strides = array<i32>} : memref<2x40x1024xf32, #tpu.memory_space<vmem>>, vector<1x1x16xf32>,
      %swap3A_1012 = vector.shape_cast %swap3A_1011 : vector<1x1x16xf32> to vector<16xf32>
      %swap3A_1013 = vector.shape_cast %select_n3A_1005 : vector<16xf32> to vector<1x1x16xf32>
      tpu.vector_store %arg5[%swap3A_1008, %swap3A_1009, %swap3A_1010], %swap3A_1013 {strides = array<i32>} : memref<2x40x1024xf32, #tpu.memory_space<vmem>>, vector<1x1x16xf32>,
      %eq3A_1014 = arith.cmpi eq, %get3A_525, %broadcast_in_dim3A_265 : vector<16xi32>
      %jit3A_1015 = arith.constant 1.000000e+00 : f32
      %jit3A_1016 = arith.constant 0.000000e+00 : f32
      %broadcast_in_dim3A_1017 = vector.broadcast %jit3A_1015 : f32 to vector<16xf32>
      %broadcast_in_dim3A_1018 = vector.broadcast %jit3A_1016 : f32 to vector<16xf32>
      %select_n3A_1019 = arith.select %eq3A_1014, %broadcast_in_dim3A_1017, %broadcast_in_dim3A_1018 : vector<16xi1>, vector<16xf32>
      %swap3A_1020 = arith.constant 0 : i32
      %swap3A_1021 = arith.constant 35 : i32
      %swap3A_1022 = arith.index_cast %swap3A_1020 : i32 to index
      %swap3A_1023 = arith.index_cast %swap3A_1021 : i32 to index
      %swap3A_1024 = arith.index_cast %multiple_of3A_522 : i32 to index
      %swap3A_1025 = tpu.vector_load %arg5[%swap3A_1022, %swap3A_1023, %swap3A_1024] {strides = array<i32>} : memref<2x40x1024xf32, #tpu.memory_space<vmem>>, vector<1x1x16xf32>,
      %swap3A_1026 = vector.shape_cast %swap3A_1025 : vector<1x1x16xf32> to vector<16xf32>
      %swap3A_1027 = vector.shape_cast %select_n3A_1019 : vector<16xf32> to vector<1x1x16xf32>
      tpu.vector_store %arg5[%swap3A_1022, %swap3A_1023, %swap3A_1024], %swap3A_1027 {strides = array<i32>} : memref<2x40x1024xf32, #tpu.memory_space<vmem>>, vector<1x1x16xf32>,
      %eq3A_1028 = arith.cmpi eq, %get3A_525, %broadcast_in_dim3A_268 : vector<16xi32>
      %jit3A_1029 = arith.constant 1.000000e+00 : f32
      %jit3A_1030 = arith.constant 0.000000e+00 : f32
      %broadcast_in_dim3A_1031 = vector.broadcast %jit3A_1029 : f32 to vector<16xf32>
      %broadcast_in_dim3A_1032 = vector.broadcast %jit3A_1030 : f32 to vector<16xf32>
      %select_n3A_1033 = arith.select %eq3A_1028, %broadcast_in_dim3A_1031, %broadcast_in_dim3A_1032 : vector<16xi1>, vector<16xf32>
      %swap3A_1034 = arith.constant 0 : i32
      %swap3A_1035 = arith.constant 36 : i32
      %swap3A_1036 = arith.index_cast %swap3A_1034 : i32 to index
      %swap3A_1037 = arith.index_cast %swap3A_1035 : i32 to index
      %swap3A_1038 = arith.index_cast %multiple_of3A_522 : i32 to index
      %swap3A_1039 = tpu.vector_load %arg5[%swap3A_1036, %swap3A_1037, %swap3A_1038] {strides = array<i32>} : memref<2x40x1024xf32, #tpu.memory_space<vmem>>, vector<1x1x16xf32>,
      %swap3A_1040 = vector.shape_cast %swap3A_1039 : vector<1x1x16xf32> to vector<16xf32>
      %swap3A_1041 = vector.shape_cast %select_n3A_1033 : vector<16xf32> to vector<1x1x16xf32>
      tpu.vector_store %arg5[%swap3A_1036, %swap3A_1037, %swap3A_1038], %swap3A_1041 {strides = array<i32>} : memref<2x40x1024xf32, #tpu.memory_space<vmem>>, vector<1x1x16xf32>,
      %eq3A_1042 = arith.cmpi eq, %get3A_525, %broadcast_in_dim3A_271 : vector<16xi32>
      %jit3A_1043 = arith.constant 1.000000e+00 : f32
      %jit3A_1044 = arith.constant 0.000000e+00 : f32
      %broadcast_in_dim3A_1045 = vector.broadcast %jit3A_1043 : f32 to vector<16xf32>
      %broadcast_in_dim3A_1046 = vector.broadcast %jit3A_1044 : f32 to vector<16xf32>
      %select_n3A_1047 = arith.select %eq3A_1042, %broadcast_in_dim3A_1045, %broadcast_in_dim3A_1046 : vector<16xi1>, vector<16xf32>
      %swap3A_1048 = arith.constant 0 : i32
      %swap3A_1049 = arith.constant 37 : i32
      %swap3A_1050 = arith.index_cast %swap3A_1048 : i32 to index
      %swap3A_1051 = arith.index_cast %swap3A_1049 : i32 to index
      %swap3A_1052 = arith.index_cast %multiple_of3A_522 : i32 to index
      %swap3A_1053 = tpu.vector_load %arg5[%swap3A_1050, %swap3A_1051, %swap3A_1052] {strides = array<i32>} : memref<2x40x1024xf32, #tpu.memory_space<vmem>>, vector<1x1x16xf32>,
      %swap3A_1054 = vector.shape_cast %swap3A_1053 : vector<1x1x16xf32> to vector<16xf32>
      %swap3A_1055 = vector.shape_cast %select_n3A_1047 : vector<16xf32> to vector<1x1x16xf32>
      tpu.vector_store %arg5[%swap3A_1050, %swap3A_1051, %swap3A_1052], %swap3A_1055 {strides = array<i32>} : memref<2x40x1024xf32, #tpu.memory_space<vmem>>, vector<1x1x16xf32>,
      %eq3A_1056 = arith.cmpi eq, %get3A_525, %broadcast_in_dim3A_274 : vector<16xi32>
      %jit3A_1057 = arith.constant 1.000000e+00 : f32
      %jit3A_1058 = arith.constant 0.000000e+00 : f32
      %broadcast_in_dim3A_1059 = vector.broadcast %jit3A_1057 : f32 to vector<16xf32>
      %broadcast_in_dim3A_1060 = vector.broadcast %jit3A_1058 : f32 to vector<16xf32>
      %select_n3A_1061 = arith.select %eq3A_1056, %broadcast_in_dim3A_1059, %broadcast_in_dim3A_1060 : vector<16xi1>, vector<16xf32>
      %swap3A_1062 = arith.constant 0 : i32
      %swap3A_1063 = arith.constant 38 : i32
      %swap3A_1064 = arith.index_cast %swap3A_1062 : i32 to index
      %swap3A_1065 = arith.index_cast %swap3A_1063 : i32 to index
      %swap3A_1066 = arith.index_cast %multiple_of3A_522 : i32 to index
      %swap3A_1067 = tpu.vector_load %arg5[%swap3A_1064, %swap3A_1065, %swap3A_1066] {strides = array<i32>} : memref<2x40x1024xf32, #tpu.memory_space<vmem>>, vector<1x1x16xf32>,
      %swap3A_1068 = vector.shape_cast %swap3A_1067 : vector<1x1x16xf32> to vector<16xf32>
      %swap3A_1069 = vector.shape_cast %select_n3A_1061 : vector<16xf32> to vector<1x1x16xf32>
      tpu.vector_store %arg5[%swap3A_1064, %swap3A_1065, %swap3A_1066], %swap3A_1069 {strides = array<i32>} : memref<2x40x1024xf32, #tpu.memory_space<vmem>>, vector<1x1x16xf32>,
      %eq3A_1070 = arith.cmpi eq, %get3A_525, %broadcast_in_dim3A_277 : vector<16xi32>
      %jit3A_1071 = arith.constant 1.000000e+00 : f32
      %jit3A_1072 = arith.constant 0.000000e+00 : f32
      %broadcast_in_dim3A_1073 = vector.broadcast %jit3A_1071 : f32 to vector<16xf32>
      %broadcast_in_dim3A_1074 = vector.broadcast %jit3A_1072 : f32 to vector<16xf32>
      %select_n3A_1075 = arith.select %eq3A_1070, %broadcast_in_dim3A_1073, %broadcast_in_dim3A_1074 : vector<16xi1>, vector<16xf32>
      %swap3A_1076 = arith.constant 0 : i32
      %swap3A_1077 = arith.constant 39 : i32
      %swap3A_1078 = arith.index_cast %swap3A_1076 : i32 to index
      %swap3A_1079 = arith.index_cast %swap3A_1077 : i32 to index
      %swap3A_1080 = arith.index_cast %multiple_of3A_522 : i32 to index
      %swap3A_1081 = tpu.vector_load %arg5[%swap3A_1078, %swap3A_1079, %swap3A_1080] {strides = array<i32>} : memref<2x40x1024xf32, #tpu.memory_space<vmem>>, vector<1x1x16xf32>,
      %swap3A_1082 = vector.shape_cast %swap3A_1081 : vector<1x1x16xf32> to vector<16xf32>
      %swap3A_1083 = vector.shape_cast %select_n3A_1075 : vector<16xf32> to vector<1x1x16xf32>
      tpu.vector_store %arg5[%swap3A_1078, %swap3A_1079, %swap3A_1080], %swap3A_1083 {strides = array<i32>} : memref<2x40x1024xf32, #tpu.memory_space<vmem>>, vector<1x1x16xf32>,
      %scan3A_1084 = arith.constant 0 : i32
      scf.yield %scan3A_1084 : i32
    }
    %scan3A_283 = arith.constant 64 : i32
    %add3A_284 = arith.constant 0 : i32
    %add3A_285 = arith.addi %select_n3A, %add3A_284 : i32
    %mul3A_286 = arith.constant 40 : i32
    %mul3A_287 = arith.muli %add3A_285, %mul3A_286 : i32
    %multiple_of3A_288 = tpu.assume_multiple %mul3A_287, 8 : i32
    %dma_start3A = arith.constant 0 : i32
    %dma_start3A_289 = arith.constant 0 : i32
    %dma_start3A_290 = arith.constant 0 : i32
    %dma_start3A_291 = tpu.memref_slice %arg5[%dma_start3A, %dma_start3A_289, %dma_start3A_290] : memref<2x40x1024xf32, #tpu.memory_space<vmem>> -> memref<1x40x1024xf32, #tpu.memory_space<vmem>>
    %dma_start3A_292 = tpu.memref_squeeze %dma_start3A_291 : memref<1x40x1024xf32, #tpu.memory_space<vmem>> -> memref<40x1024xf32, #tpu.memory_space<vmem>>
    %dma_start3A_293 = arith.constant 0 : i32
    %dma_start3A_294 = tpu.memref_slice %arg3[%multiple_of3A_288, %dma_start3A_293] : memref<50000x1024xf32, #tpu.memory_space<hbm>> -> memref<40x1024xf32, #tpu.memory_space<hbm>>
    %dma_start3A_295 = arith.constant 0 : i32
    %dma_start3A_296 = tpu.memref_slice %arg3[%multiple_of3A_288, %dma_start3A_295] : memref<50000x1024xf32, #tpu.memory_space<hbm>> -> memref<40x1024xf32, #tpu.memory_space<hbm>>
    %dma_start3A_297 = arith.constant 0 : i32
    %dma_start3A_298 = arith.constant 0 : i32
    %dma_start3A_299 = tpu.memref_slice %arg5[%dma_start3A, %dma_start3A_297, %dma_start3A_298] : memref<2x40x1024xf32, #tpu.memory_space<vmem>> -> memref<1x40x1024xf32, #tpu.memory_space<vmem>>
    %dma_start3A_300 = tpu.memref_squeeze %dma_start3A_299 : memref<1x40x1024xf32, #tpu.memory_space<vmem>> -> memref<40x1024xf32, #tpu.memory_space<vmem>>
    tpu.enqueue_dma source(%dma_start3A_300 : memref<40x1024xf32, #tpu.memory_space<vmem>>) target(%dma_start3A_296 : memref<40x1024xf32, #tpu.memory_space<hbm>>) target_semaphore(%arg6 : memref<!tpu.dma_semaphore, #tpu.memory_space<semaphore_mem>>)
    %add3A_301 = arith.constant 1 : i32
    %add3A_302 = arith.addi %select_n3A, %add3A_301 : i32
    %jit3A_303 = arith.constant 25 : i32
    %div3A_304 = arith.divsi %add3A_302, %jit3A_303 : i32
    %sign3A_305 = arith.constant 0 : i32
    %sign3A_306 = arith.cmpi sgt, %add3A_302, %sign3A_305 : i32
    %sign3A_307 = arith.extui %sign3A_306 : i1 to i32
    %sign3A_308 = arith.constant 0 : i32
    %sign3A_309 = arith.cmpi slt, %add3A_302, %sign3A_308 : i32
    %sign3A_310 = arith.extui %sign3A_309 : i1 to i32
    %sign3A_311 = arith.subi %sign3A_307, %sign3A_310 : i32
    %sign3A_312 = arith.constant 0 : i32
    %sign3A_313 = arith.cmpi sgt, %jit3A_303, %sign3A_312 : i32
    %sign3A_314 = arith.extui %sign3A_313 : i1 to i32
    %sign3A_315 = arith.constant 0 : i32
    %sign3A_316 = arith.cmpi slt, %jit3A_303, %sign3A_315 : i32
    %sign3A_317 = arith.extui %sign3A_316 : i1 to i32
    %sign3A_318 = arith.subi %sign3A_314, %sign3A_317 : i32
    %ne3A_319 = arith.cmpi ne, %sign3A_311, %sign3A_318 : i32
    %rem3A_320 = arith.remsi %add3A_302, %jit3A_303 : i32
    %ne3A_321 = arith.constant 0 : i32
    %ne3A_322 = arith.cmpi ne, %rem3A_320, %ne3A_321 : i32
    %and3A_323 = arith.andi %ne3A_319, %ne3A_322 : i1
    %sub3A_324 = arith.constant 1 : i32
    %sub3A_325 = arith.subi %div3A_304, %sub3A_324 : i32
    %select_n3A_326 = arith.select %and3A_323, %sub3A_325, %div3A_304 : i32
    %mul3A_327 = arith.constant 25 : i32
    %mul3A_328 = arith.muli %select_n3A_326, %mul3A_327 : i32
    %sub3A_329 = arith.subi %add3A_302, %mul3A_328 : i32
    %mul3A_330 = arith.constant 40 : i32
    %mul3A_331 = arith.muli %sub3A_329, %mul3A_330 : i32
    %sub3A_332 = arith.subi %select_n3A_326, %multiple_of3A : i32
    %sub3A_333 = arith.subi %select_n3A_326, %multiple_of3A_123 : i32
    %add3A_334 = arith.constant 8 : i32
    %add3A_335 = arith.addi %sub3A_333, %add3A_334 : i32
    %min3A_336 = arith.minsi %sub3A_332, %add3A_335 : i32
    %add3A_337 = arith.constant 0 : i32
    %add3A_338 = arith.addi %mul3A_331, %add3A_337 : i32
    %broadcast_in_dim3A_339 = vector.broadcast %add3A_338 : i32 to vector<16xi32>
    %add3A_340 = arith.constant 1 : i32
    %add3A_341 = arith.addi %mul3A_331, %add3A_340 : i32
    %broadcast_in_dim3A_342 = vector.broadcast %add3A_341 : i32 to vector<16xi32>
    %add3A_343 = arith.constant 2 : i32
    %add3A_344 = arith.addi %mul3A_331, %add3A_343 : i32
    %broadcast_in_dim3A_345 = vector.broadcast %add3A_344 : i32 to vector<16xi32>
    %add3A_346 = arith.constant 3 : i32
    %add3A_347 = arith.addi %mul3A_331, %add3A_346 : i32
    %broadcast_in_dim3A_348 = vector.broadcast %add3A_347 : i32 to vector<16xi32>
    %add3A_349 = arith.constant 4 : i32
    %add3A_350 = arith.addi %mul3A_331, %add3A_349 : i32
    %broadcast_in_dim3A_351 = vector.broadcast %add3A_350 : i32 to vector<16xi32>
    %add3A_352 = arith.constant 5 : i32
    %add3A_353 = arith.addi %mul3A_331, %add3A_352 : i32
    %broadcast_in_dim3A_354 = vector.broadcast %add3A_353 : i32 to vector<16xi32>
    %add3A_355 = arith.constant 6 : i32
    %add3A_356 = arith.addi %mul3A_331, %add3A_355 : i32
    %broadcast_in_dim3A_357 = vector.broadcast %add3A_356 : i32 to vector<16xi32>
    %add3A_358 = arith.constant 7 : i32
    %add3A_359 = arith.addi %mul3A_331, %add3A_358 : i32
    %broadcast_in_dim3A_360 = vector.broadcast %add3A_359 : i32 to vector<16xi32>
    %add3A_361 = arith.constant 8 : i32
    %add3A_362 = arith.addi %mul3A_331, %add3A_361 : i32
    %broadcast_in_dim3A_363 = vector.broadcast %add3A_362 : i32 to vector<16xi32>
    %add3A_364 = arith.constant 9 : i32
    %add3A_365 = arith.addi %mul3A_331, %add3A_364 : i32
    %broadcast_in_dim3A_366 = vector.broadcast %add3A_365 : i32 to vector<16xi32>
    %add3A_367 = arith.constant 10 : i32
    %add3A_368 = arith.addi %mul3A_331, %add3A_367 : i32
    %broadcast_in_dim3A_369 = vector.broadcast %add3A_368 : i32 to vector<16xi32>
    %add3A_370 = arith.constant 11 : i32
    %add3A_371 = arith.addi %mul3A_331, %add3A_370 : i32
    %broadcast_in_dim3A_372 = vector.broadcast %add3A_371 : i32 to vector<16xi32>
    %add3A_373 = arith.constant 12 : i32
    %add3A_374 = arith.addi %mul3A_331, %add3A_373 : i32
    %broadcast_in_dim3A_375 = vector.broadcast %add3A_374 : i32 to vector<16xi32>
    %add3A_376 = arith.constant 13 : i32
    %add3A_377 = arith.addi %mul3A_331, %add3A_376 : i32
    %broadcast_in_dim3A_378 = vector.broadcast %add3A_377 : i32 to vector<16xi32>
    %add3A_379 = arith.constant 14 : i32
    %add3A_380 = arith.addi %mul3A_331, %add3A_379 : i32
    %broadcast_in_dim3A_381 = vector.broadcast %add3A_380 : i32 to vector<16xi32>
    %add3A_382 = arith.constant 15 : i32
    %add3A_383 = arith.addi %mul3A_331, %add3A_382 : i32
    %broadcast_in_dim3A_384 = vector.broadcast %add3A_383 : i32 to vector<16xi32>
    %add3A_385 = arith.constant 16 : i32
    %add3A_386 = arith.addi %mul3A_331, %add3A_385 : i32
    %broadcast_in_dim3A_387 = vector.broadcast %add3A_386 : i32 to vector<16xi32>
    %add3A_388 = arith.constant 17 : i32
    %add3A_389 = arith.addi %mul3A_331, %add3A_388 : i32
    %broadcast_in_dim3A_390 = vector.broadcast %add3A_389 : i32 to vector<16xi32>
    %add3A_391 = arith.constant 18 : i32
    %add3A_392 = arith.addi %mul3A_331, %add3A_391 : i32
    %broadcast_in_dim3A_393 = vector.broadcast %add3A_392 : i32 to vector<16xi32>
    %add3A_394 = arith.constant 19 : i32
    %add3A_395 = arith.addi %mul3A_331, %add3A_394 : i32
    %broadcast_in_dim3A_396 = vector.broadcast %add3A_395 : i32 to vector<16xi32>
    %add3A_397 = arith.constant 20 : i32
    %add3A_398 = arith.addi %mul3A_331, %add3A_397 : i32
    %broadcast_in_dim3A_399 = vector.broadcast %add3A_398 : i32 to vector<16xi32>
    %add3A_400 = arith.constant 21 : i32
    %add3A_401 = arith.addi %mul3A_331, %add3A_400 : i32
    %broadcast_in_dim3A_402 = vector.broadcast %add3A_401 : i32 to vector<16xi32>
    %add3A_403 = arith.constant 22 : i32
    %add3A_404 = arith.addi %mul3A_331, %add3A_403 : i32
    %broadcast_in_dim3A_405 = vector.broadcast %add3A_404 : i32 to vector<16xi32>
    %add3A_406 = arith.constant 23 : i32
    %add3A_407 = arith.addi %mul3A_331, %add3A_406 : i32
    %broadcast_in_dim3A_408 = vector.broadcast %add3A_407 : i32 to vector<16xi32>
    %add3A_409 = arith.constant 24 : i32
    %add3A_410 = arith.addi %mul3A_331, %add3A_409 : i32
    %broadcast_in_dim3A_411 = vector.broadcast %add3A_410 : i32 to vector<16xi32>
    %add3A_412 = arith.constant 25 : i32
    %add3A_413 = arith.addi %mul3A_331, %add3A_412 : i32
    %broadcast_in_dim3A_414 = vector.broadcast %add3A_413 : i32 to vector<16xi32>
    %add3A_415 = arith.constant 26 : i32
    %add3A_416 = arith.addi %mul3A_331, %add3A_415 : i32
    %broadcast_in_dim3A_417 = vector.broadcast %add3A_416 : i32 to vector<16xi32>
    %add3A_418 = arith.constant 27 : i32
    %add3A_419 = arith.addi %mul3A_331, %add3A_418 : i32
    %broadcast_in_dim3A_420 = vector.broadcast %add3A_419 : i32 to vector<16xi32>
    %add3A_421 = arith.constant 28 : i32
    %add3A_422 = arith.addi %mul3A_331, %add3A_421 : i32
    %broadcast_in_dim3A_423 = vector.broadcast %add3A_422 : i32 to vector<16xi32>
    %add3A_424 = arith.constant 29 : i32
    %add3A_425 = arith.addi %mul3A_331, %add3A_424 : i32
    %broadcast_in_dim3A_426 = vector.broadcast %add3A_425 : i32 to vector<16xi32>
    %add3A_427 = arith.constant 30 : i32
    %add3A_428 = arith.addi %mul3A_331, %add3A_427 : i32
    %broadcast_in_dim3A_429 = vector.broadcast %add3A_428 : i32 to vector<16xi32>
    %add3A_430 = arith.constant 31 : i32
    %add3A_431 = arith.addi %mul3A_331, %add3A_430 : i32
    %broadcast_in_dim3A_432 = vector.broadcast %add3A_431 : i32 to vector<16xi32>
    %add3A_433 = arith.constant 32 : i32
    %add3A_434 = arith.addi %mul3A_331, %add3A_433 : i32
    %broadcast_in_dim3A_435 = vector.broadcast %add3A_434 : i32 to vector<16xi32>
    %add3A_436 = arith.constant 33 : i32
    %add3A_437 = arith.addi %mul3A_331, %add3A_436 : i32
    %broadcast_in_dim3A_438 = vector.broadcast %add3A_437 : i32 to vector<16xi32>
    %add3A_439 = arith.constant 34 : i32
    %add3A_440 = arith.addi %mul3A_331, %add3A_439 : i32
    %broadcast_in_dim3A_441 = vector.broadcast %add3A_440 : i32 to vector<16xi32>
    %add3A_442 = arith.constant 35 : i32
    %add3A_443 = arith.addi %mul3A_331, %add3A_442 : i32
    %broadcast_in_dim3A_444 = vector.broadcast %add3A_443 : i32 to vector<16xi32>
    %add3A_445 = arith.constant 36 : i32
    %add3A_446 = arith.addi %mul3A_331, %add3A_445 : i32
    %broadcast_in_dim3A_447 = vector.broadcast %add3A_446 : i32 to vector<16xi32>
    %add3A_448 = arith.constant 37 : i32
    %add3A_449 = arith.addi %mul3A_331, %add3A_448 : i32
    %broadcast_in_dim3A_450 = vector.broadcast %add3A_449 : i32 to vector<16xi32>
    %add3A_451 = arith.constant 38 : i32
    %add3A_452 = arith.addi %mul3A_331, %add3A_451 : i32
    %broadcast_in_dim3A_453 = vector.broadcast %add3A_452 : i32 to vector<16xi32>
    %add3A_454 = arith.constant 39 : i32
    %add3A_455 = arith.addi %mul3A_331, %add3A_454 : i32
    %broadcast_in_dim3A_456 = vector.broadcast %add3A_455 : i32 to vector<16xi32>
    %scan3A_457 = arith.constant 0 : i32
    %scan3A_458 = arith.constant 0 : i32
    %scan3A_459 = arith.constant 64 : i32
    %scan3A_460 = arith.addi %scan3A_458, %scan3A_459 : i32
    %scan3A_461 = arith.constant 1 : i32
    %scan3A_462 = scf.for %scan3A_518 = %scan3A_458 to %scan3A_460 step %scan3A_461 iter_args(%scan3A_519 = %scan3A_457) -> (i32)  : i32 {
      %mul3A_520 = arith.constant 16 : i32
      %mul3A_521 = arith.muli %scan3A_518, %mul3A_520 : i32
      %multiple_of3A_522 = tpu.assume_multiple %mul3A_521, 16 : i32
      %get3A = arith.index_cast %min3A_336 : i32 to index
      %get3A_523 = arith.index_cast %multiple_of3A_522 : i32 to index
      %get3A_524 = tpu.vector_load %arg4[%get3A, %get3A_523] {strides = array<i32>} : memref<16x1024xi32, #tpu.memory_space<vmem>>, vector<1x16xi32>,
      %get3A_525 = vector.shape_cast %get3A_524 : vector<1x16xi32> to vector<16xi32>
      %eq3A = arith.cmpi eq, %get3A_525, %broadcast_in_dim3A_339 : vector<16xi32>
      %jit3A_526 = arith.constant 1.000000e+00 : f32
      %jit3A_527 = arith.constant 0.000000e+00 : f32
      %broadcast_in_dim3A_528 = vector.broadcast %jit3A_526 : f32 to vector<16xf32>
      %broadcast_in_dim3A_529 = vector.broadcast %jit3A_527 : f32 to vector<16xf32>
      %select_n3A_530 = arith.select %eq3A, %broadcast_in_dim3A_528, %broadcast_in_dim3A_529 : vector<16xi1>, vector<16xf32>
      %swap3A = arith.constant 1 : i32
      %swap3A_531 = arith.constant 0 : i32
      %swap3A_532 = arith.index_cast %swap3A : i32 to index
      %swap3A_533 = arith.index_cast %swap3A_531 : i32 to index
      %swap3A_534 = arith.index_cast %multiple_of3A_522 : i32 to index
      %swap3A_535 = tpu.vector_load %arg5[%swap3A_532, %swap3A_533, %swap3A_534] {strides = array<i32>} : memref<2x40x1024xf32, #tpu.memory_space<vmem>>, vector<1x1x16xf32>,
      %swap3A_536 = vector.shape_cast %swap3A_535 : vector<1x1x16xf32> to vector<16xf32>
      %swap3A_537 = vector.shape_cast %select_n3A_530 : vector<16xf32> to vector<1x1x16xf32>
      tpu.vector_store %arg5[%swap3A_532, %swap3A_533, %swap3A_534], %swap3A_537 {strides = array<i32>} : memref<2x40x1024xf32, #tpu.memory_space<vmem>>, vector<1x1x16xf32>,
      %eq3A_538 = arith.cmpi eq, %get3A_525, %broadcast_in_dim3A_342 : vector<16xi32>
      %jit3A_539 = arith.constant 1.000000e+00 : f32
      %jit3A_540 = arith.constant 0.000000e+00 : f32
      %broadcast_in_dim3A_541 = vector.broadcast %jit3A_539 : f32 to vector<16xf32>
      %broadcast_in_dim3A_542 = vector.broadcast %jit3A_540 : f32 to vector<16xf32>
      %select_n3A_543 = arith.select %eq3A_538, %broadcast_in_dim3A_541, %broadcast_in_dim3A_542 : vector<16xi1>, vector<16xf32>
      %swap3A_544 = arith.constant 1 : i32
      %swap3A_545 = arith.constant 1 : i32
      %swap3A_546 = arith.index_cast %swap3A_544 : i32 to index
      %swap3A_547 = arith.index_cast %swap3A_545 : i32 to index
      %swap3A_548 = arith.index_cast %multiple_of3A_522 : i32 to index
      %swap3A_549 = tpu.vector_load %arg5[%swap3A_546, %swap3A_547, %swap3A_548] {strides = array<i32>} : memref<2x40x1024xf32, #tpu.memory_space<vmem>>, vector<1x1x16xf32>,
      %swap3A_550 = vector.shape_cast %swap3A_549 : vector<1x1x16xf32> to vector<16xf32>
      %swap3A_551 = vector.shape_cast %select_n3A_543 : vector<16xf32> to vector<1x1x16xf32>
      tpu.vector_store %arg5[%swap3A_546, %swap3A_547, %swap3A_548], %swap3A_551 {strides = array<i32>} : memref<2x40x1024xf32, #tpu.memory_space<vmem>>, vector<1x1x16xf32>,
      %eq3A_552 = arith.cmpi eq, %get3A_525, %broadcast_in_dim3A_345 : vector<16xi32>
      %jit3A_553 = arith.constant 1.000000e+00 : f32
      %jit3A_554 = arith.constant 0.000000e+00 : f32
      %broadcast_in_dim3A_555 = vector.broadcast %jit3A_553 : f32 to vector<16xf32>
      %broadcast_in_dim3A_556 = vector.broadcast %jit3A_554 : f32 to vector<16xf32>
      %select_n3A_557 = arith.select %eq3A_552, %broadcast_in_dim3A_555, %broadcast_in_dim3A_556 : vector<16xi1>, vector<16xf32>
      %swap3A_558 = arith.constant 1 : i32
      %swap3A_559 = arith.constant 2 : i32
      %swap3A_560 = arith.index_cast %swap3A_558 : i32 to index
      %swap3A_561 = arith.index_cast %swap3A_559 : i32 to index
      %swap3A_562 = arith.index_cast %multiple_of3A_522 : i32 to index
      %swap3A_563 = tpu.vector_load %arg5[%swap3A_560, %swap3A_561, %swap3A_562] {strides = array<i32>} : memref<2x40x1024xf32, #tpu.memory_space<vmem>>, vector<1x1x16xf32>,
      %swap3A_564 = vector.shape_cast %swap3A_563 : vector<1x1x16xf32> to vector<16xf32>
      %swap3A_565 = vector.shape_cast %select_n3A_557 : vector<16xf32> to vector<1x1x16xf32>
      tpu.vector_store %arg5[%swap3A_560, %swap3A_561, %swap3A_562], %swap3A_565 {strides = array<i32>} : memref<2x40x1024xf32, #tpu.memory_space<vmem>>, vector<1x1x16xf32>,
      %eq3A_566 = arith.cmpi eq, %get3A_525, %broadcast_in_dim3A_348 : vector<16xi32>
      %jit3A_567 = arith.constant 1.000000e+00 : f32
      %jit3A_568 = arith.constant 0.000000e+00 : f32
      %broadcast_in_dim3A_569 = vector.broadcast %jit3A_567 : f32 to vector<16xf32>
      %broadcast_in_dim3A_570 = vector.broadcast %jit3A_568 : f32 to vector<16xf32>
      %select_n3A_571 = arith.select %eq3A_566, %broadcast_in_dim3A_569, %broadcast_in_dim3A_570 : vector<16xi1>, vector<16xf32>
      %swap3A_572 = arith.constant 1 : i32
      %swap3A_573 = arith.constant 3 : i32
      %swap3A_574 = arith.index_cast %swap3A_572 : i32 to index
      %swap3A_575 = arith.index_cast %swap3A_573 : i32 to index
      %swap3A_576 = arith.index_cast %multiple_of3A_522 : i32 to index
      %swap3A_577 = tpu.vector_load %arg5[%swap3A_574, %swap3A_575, %swap3A_576] {strides = array<i32>} : memref<2x40x1024xf32, #tpu.memory_space<vmem>>, vector<1x1x16xf32>,
      %swap3A_578 = vector.shape_cast %swap3A_577 : vector<1x1x16xf32> to vector<16xf32>
      %swap3A_579 = vector.shape_cast %select_n3A_571 : vector<16xf32> to vector<1x1x16xf32>
      tpu.vector_store %arg5[%swap3A_574, %swap3A_575, %swap3A_576], %swap3A_579 {strides = array<i32>} : memref<2x40x1024xf32, #tpu.memory_space<vmem>>, vector<1x1x16xf32>,
      %eq3A_580 = arith.cmpi eq, %get3A_525, %broadcast_in_dim3A_351 : vector<16xi32>
      %jit3A_581 = arith.constant 1.000000e+00 : f32
      %jit3A_582 = arith.constant 0.000000e+00 : f32
      %broadcast_in_dim3A_583 = vector.broadcast %jit3A_581 : f32 to vector<16xf32>
      %broadcast_in_dim3A_584 = vector.broadcast %jit3A_582 : f32 to vector<16xf32>
      %select_n3A_585 = arith.select %eq3A_580, %broadcast_in_dim3A_583, %broadcast_in_dim3A_584 : vector<16xi1>, vector<16xf32>
      %swap3A_586 = arith.constant 1 : i32
      %swap3A_587 = arith.constant 4 : i32
      %swap3A_588 = arith.index_cast %swap3A_586 : i32 to index
      %swap3A_589 = arith.index_cast %swap3A_587 : i32 to index
      %swap3A_590 = arith.index_cast %multiple_of3A_522 : i32 to index
      %swap3A_591 = tpu.vector_load %arg5[%swap3A_588, %swap3A_589, %swap3A_590] {strides = array<i32>} : memref<2x40x1024xf32, #tpu.memory_space<vmem>>, vector<1x1x16xf32>,
      %swap3A_592 = vector.shape_cast %swap3A_591 : vector<1x1x16xf32> to vector<16xf32>
      %swap3A_593 = vector.shape_cast %select_n3A_585 : vector<16xf32> to vector<1x1x16xf32>
      tpu.vector_store %arg5[%swap3A_588, %swap3A_589, %swap3A_590], %swap3A_593 {strides = array<i32>} : memref<2x40x1024xf32, #tpu.memory_space<vmem>>, vector<1x1x16xf32>,
      %eq3A_594 = arith.cmpi eq, %get3A_525, %broadcast_in_dim3A_354 : vector<16xi32>
      %jit3A_595 = arith.constant 1.000000e+00 : f32
      %jit3A_596 = arith.constant 0.000000e+00 : f32
      %broadcast_in_dim3A_597 = vector.broadcast %jit3A_595 : f32 to vector<16xf32>
      %broadcast_in_dim3A_598 = vector.broadcast %jit3A_596 : f32 to vector<16xf32>
      %select_n3A_599 = arith.select %eq3A_594, %broadcast_in_dim3A_597, %broadcast_in_dim3A_598 : vector<16xi1>, vector<16xf32>
      %swap3A_600 = arith.constant 1 : i32
      %swap3A_601 = arith.constant 5 : i32
      %swap3A_602 = arith.index_cast %swap3A_600 : i32 to index
      %swap3A_603 = arith.index_cast %swap3A_601 : i32 to index
      %swap3A_604 = arith.index_cast %multiple_of3A_522 : i32 to index
      %swap3A_605 = tpu.vector_load %arg5[%swap3A_602, %swap3A_603, %swap3A_604] {strides = array<i32>} : memref<2x40x1024xf32, #tpu.memory_space<vmem>>, vector<1x1x16xf32>,
      %swap3A_606 = vector.shape_cast %swap3A_605 : vector<1x1x16xf32> to vector<16xf32>
      %swap3A_607 = vector.shape_cast %select_n3A_599 : vector<16xf32> to vector<1x1x16xf32>
      tpu.vector_store %arg5[%swap3A_602, %swap3A_603, %swap3A_604], %swap3A_607 {strides = array<i32>} : memref<2x40x1024xf32, #tpu.memory_space<vmem>>, vector<1x1x16xf32>,
      %eq3A_608 = arith.cmpi eq, %get3A_525, %broadcast_in_dim3A_357 : vector<16xi32>
      %jit3A_609 = arith.constant 1.000000e+00 : f32
      %jit3A_610 = arith.constant 0.000000e+00 : f32
      %broadcast_in_dim3A_611 = vector.broadcast %jit3A_609 : f32 to vector<16xf32>
      %broadcast_in_dim3A_612 = vector.broadcast %jit3A_610 : f32 to vector<16xf32>
      %select_n3A_613 = arith.select %eq3A_608, %broadcast_in_dim3A_611, %broadcast_in_dim3A_612 : vector<16xi1>, vector<16xf32>
      %swap3A_614 = arith.constant 1 : i32
      %swap3A_615 = arith.constant 6 : i32
      %swap3A_616 = arith.index_cast %swap3A_614 : i32 to index
      %swap3A_617 = arith.index_cast %swap3A_615 : i32 to index
      %swap3A_618 = arith.index_cast %multiple_of3A_522 : i32 to index
      %swap3A_619 = tpu.vector_load %arg5[%swap3A_616, %swap3A_617, %swap3A_618] {strides = array<i32>} : memref<2x40x1024xf32, #tpu.memory_space<vmem>>, vector<1x1x16xf32>,
      %swap3A_620 = vector.shape_cast %swap3A_619 : vector<1x1x16xf32> to vector<16xf32>
      %swap3A_621 = vector.shape_cast %select_n3A_613 : vector<16xf32> to vector<1x1x16xf32>
      tpu.vector_store %arg5[%swap3A_616, %swap3A_617, %swap3A_618], %swap3A_621 {strides = array<i32>} : memref<2x40x1024xf32, #tpu.memory_space<vmem>>, vector<1x1x16xf32>,
      %eq3A_622 = arith.cmpi eq, %get3A_525, %broadcast_in_dim3A_360 : vector<16xi32>
      %jit3A_623 = arith.constant 1.000000e+00 : f32
      %jit3A_624 = arith.constant 0.000000e+00 : f32
      %broadcast_in_dim3A_625 = vector.broadcast %jit3A_623 : f32 to vector<16xf32>
      %broadcast_in_dim3A_626 = vector.broadcast %jit3A_624 : f32 to vector<16xf32>
      %select_n3A_627 = arith.select %eq3A_622, %broadcast_in_dim3A_625, %broadcast_in_dim3A_626 : vector<16xi1>, vector<16xf32>
      %swap3A_628 = arith.constant 1 : i32
      %swap3A_629 = arith.constant 7 : i32
      %swap3A_630 = arith.index_cast %swap3A_628 : i32 to index
      %swap3A_631 = arith.index_cast %swap3A_629 : i32 to index
      %swap3A_632 = arith.index_cast %multiple_of3A_522 : i32 to index
      %swap3A_633 = tpu.vector_load %arg5[%swap3A_630, %swap3A_631, %swap3A_632] {strides = array<i32>} : memref<2x40x1024xf32, #tpu.memory_space<vmem>>, vector<1x1x16xf32>,
      %swap3A_634 = vector.shape_cast %swap3A_633 : vector<1x1x16xf32> to vector<16xf32>
      %swap3A_635 = vector.shape_cast %select_n3A_627 : vector<16xf32> to vector<1x1x16xf32>
      tpu.vector_store %arg5[%swap3A_630, %swap3A_631, %swap3A_632], %swap3A_635 {strides = array<i32>} : memref<2x40x1024xf32, #tpu.memory_space<vmem>>, vector<1x1x16xf32>,
      %eq3A_636 = arith.cmpi eq, %get3A_525, %broadcast_in_dim3A_363 : vector<16xi32>
      %jit3A_637 = arith.constant 1.000000e+00 : f32
      %jit3A_638 = arith.constant 0.000000e+00 : f32
      %broadcast_in_dim3A_639 = vector.broadcast %jit3A_637 : f32 to vector<16xf32>
      %broadcast_in_dim3A_640 = vector.broadcast %jit3A_638 : f32 to vector<16xf32>
      %select_n3A_641 = arith.select %eq3A_636, %broadcast_in_dim3A_639, %broadcast_in_dim3A_640 : vector<16xi1>, vector<16xf32>
      %swap3A_642 = arith.constant 1 : i32
      %swap3A_643 = arith.constant 8 : i32
      %swap3A_644 = arith.index_cast %swap3A_642 : i32 to index
      %swap3A_645 = arith.index_cast %swap3A_643 : i32 to index
      %swap3A_646 = arith.index_cast %multiple_of3A_522 : i32 to index
      %swap3A_647 = tpu.vector_load %arg5[%swap3A_644, %swap3A_645, %swap3A_646] {strides = array<i32>} : memref<2x40x1024xf32, #tpu.memory_space<vmem>>, vector<1x1x16xf32>,
      %swap3A_648 = vector.shape_cast %swap3A_647 : vector<1x1x16xf32> to vector<16xf32>
      %swap3A_649 = vector.shape_cast %select_n3A_641 : vector<16xf32> to vector<1x1x16xf32>
      tpu.vector_store %arg5[%swap3A_644, %swap3A_645, %swap3A_646], %swap3A_649 {strides = array<i32>} : memref<2x40x1024xf32, #tpu.memory_space<vmem>>, vector<1x1x16xf32>,
      %eq3A_650 = arith.cmpi eq, %get3A_525, %broadcast_in_dim3A_366 : vector<16xi32>
      %jit3A_651 = arith.constant 1.000000e+00 : f32
      %jit3A_652 = arith.constant 0.000000e+00 : f32
      %broadcast_in_dim3A_653 = vector.broadcast %jit3A_651 : f32 to vector<16xf32>
      %broadcast_in_dim3A_654 = vector.broadcast %jit3A_652 : f32 to vector<16xf32>
      %select_n3A_655 = arith.select %eq3A_650, %broadcast_in_dim3A_653, %broadcast_in_dim3A_654 : vector<16xi1>, vector<16xf32>
      %swap3A_656 = arith.constant 1 : i32
      %swap3A_657 = arith.constant 9 : i32
      %swap3A_658 = arith.index_cast %swap3A_656 : i32 to index
      %swap3A_659 = arith.index_cast %swap3A_657 : i32 to index
      %swap3A_660 = arith.index_cast %multiple_of3A_522 : i32 to index
      %swap3A_661 = tpu.vector_load %arg5[%swap3A_658, %swap3A_659, %swap3A_660] {strides = array<i32>} : memref<2x40x1024xf32, #tpu.memory_space<vmem>>, vector<1x1x16xf32>,
      %swap3A_662 = vector.shape_cast %swap3A_661 : vector<1x1x16xf32> to vector<16xf32>
      %swap3A_663 = vector.shape_cast %select_n3A_655 : vector<16xf32> to vector<1x1x16xf32>
      tpu.vector_store %arg5[%swap3A_658, %swap3A_659, %swap3A_660], %swap3A_663 {strides = array<i32>} : memref<2x40x1024xf32, #tpu.memory_space<vmem>>, vector<1x1x16xf32>,
      %eq3A_664 = arith.cmpi eq, %get3A_525, %broadcast_in_dim3A_369 : vector<16xi32>
      %jit3A_665 = arith.constant 1.000000e+00 : f32
      %jit3A_666 = arith.constant 0.000000e+00 : f32
      %broadcast_in_dim3A_667 = vector.broadcast %jit3A_665 : f32 to vector<16xf32>
      %broadcast_in_dim3A_668 = vector.broadcast %jit3A_666 : f32 to vector<16xf32>
      %select_n3A_669 = arith.select %eq3A_664, %broadcast_in_dim3A_667, %broadcast_in_dim3A_668 : vector<16xi1>, vector<16xf32>
      %swap3A_670 = arith.constant 1 : i32
      %swap3A_671 = arith.constant 10 : i32
      %swap3A_672 = arith.index_cast %swap3A_670 : i32 to index
      %swap3A_673 = arith.index_cast %swap3A_671 : i32 to index
      %swap3A_674 = arith.index_cast %multiple_of3A_522 : i32 to index
      %swap3A_675 = tpu.vector_load %arg5[%swap3A_672, %swap3A_673, %swap3A_674] {strides = array<i32>} : memref<2x40x1024xf32, #tpu.memory_space<vmem>>, vector<1x1x16xf32>,
      %swap3A_676 = vector.shape_cast %swap3A_675 : vector<1x1x16xf32> to vector<16xf32>
      %swap3A_677 = vector.shape_cast %select_n3A_669 : vector<16xf32> to vector<1x1x16xf32>
      tpu.vector_store %arg5[%swap3A_672, %swap3A_673, %swap3A_674], %swap3A_677 {strides = array<i32>} : memref<2x40x1024xf32, #tpu.memory_space<vmem>>, vector<1x1x16xf32>,
      %eq3A_678 = arith.cmpi eq, %get3A_525, %broadcast_in_dim3A_372 : vector<16xi32>
      %jit3A_679 = arith.constant 1.000000e+00 : f32
      %jit3A_680 = arith.constant 0.000000e+00 : f32
      %broadcast_in_dim3A_681 = vector.broadcast %jit3A_679 : f32 to vector<16xf32>
      %broadcast_in_dim3A_682 = vector.broadcast %jit3A_680 : f32 to vector<16xf32>
      %select_n3A_683 = arith.select %eq3A_678, %broadcast_in_dim3A_681, %broadcast_in_dim3A_682 : vector<16xi1>, vector<16xf32>
      %swap3A_684 = arith.constant 1 : i32
      %swap3A_685 = arith.constant 11 : i32
      %swap3A_686 = arith.index_cast %swap3A_684 : i32 to index
      %swap3A_687 = arith.index_cast %swap3A_685 : i32 to index
      %swap3A_688 = arith.index_cast %multiple_of3A_522 : i32 to index
      %swap3A_689 = tpu.vector_load %arg5[%swap3A_686, %swap3A_687, %swap3A_688] {strides = array<i32>} : memref<2x40x1024xf32, #tpu.memory_space<vmem>>, vector<1x1x16xf32>,
      %swap3A_690 = vector.shape_cast %swap3A_689 : vector<1x1x16xf32> to vector<16xf32>
      %swap3A_691 = vector.shape_cast %select_n3A_683 : vector<16xf32> to vector<1x1x16xf32>
      tpu.vector_store %arg5[%swap3A_686, %swap3A_687, %swap3A_688], %swap3A_691 {strides = array<i32>} : memref<2x40x1024xf32, #tpu.memory_space<vmem>>, vector<1x1x16xf32>,
      %eq3A_692 = arith.cmpi eq, %get3A_525, %broadcast_in_dim3A_375 : vector<16xi32>
      %jit3A_693 = arith.constant 1.000000e+00 : f32
      %jit3A_694 = arith.constant 0.000000e+00 : f32
      %broadcast_in_dim3A_695 = vector.broadcast %jit3A_693 : f32 to vector<16xf32>
      %broadcast_in_dim3A_696 = vector.broadcast %jit3A_694 : f32 to vector<16xf32>
      %select_n3A_697 = arith.select %eq3A_692, %broadcast_in_dim3A_695, %broadcast_in_dim3A_696 : vector<16xi1>, vector<16xf32>
      %swap3A_698 = arith.constant 1 : i32
      %swap3A_699 = arith.constant 12 : i32
      %swap3A_700 = arith.index_cast %swap3A_698 : i32 to index
      %swap3A_701 = arith.index_cast %swap3A_699 : i32 to index
      %swap3A_702 = arith.index_cast %multiple_of3A_522 : i32 to index
      %swap3A_703 = tpu.vector_load %arg5[%swap3A_700, %swap3A_701, %swap3A_702] {strides = array<i32>} : memref<2x40x1024xf32, #tpu.memory_space<vmem>>, vector<1x1x16xf32>,
      %swap3A_704 = vector.shape_cast %swap3A_703 : vector<1x1x16xf32> to vector<16xf32>
      %swap3A_705 = vector.shape_cast %select_n3A_697 : vector<16xf32> to vector<1x1x16xf32>
      tpu.vector_store %arg5[%swap3A_700, %swap3A_701, %swap3A_702], %swap3A_705 {strides = array<i32>} : memref<2x40x1024xf32, #tpu.memory_space<vmem>>, vector<1x1x16xf32>,
      %eq3A_706 = arith.cmpi eq, %get3A_525, %broadcast_in_dim3A_378 : vector<16xi32>
      %jit3A_707 = arith.constant 1.000000e+00 : f32
      %jit3A_708 = arith.constant 0.000000e+00 : f32
      %broadcast_in_dim3A_709 = vector.broadcast %jit3A_707 : f32 to vector<16xf32>
      %broadcast_in_dim3A_710 = vector.broadcast %jit3A_708 : f32 to vector<16xf32>
      %select_n3A_711 = arith.select %eq3A_706, %broadcast_in_dim3A_709, %broadcast_in_dim3A_710 : vector<16xi1>, vector<16xf32>
      %swap3A_712 = arith.constant 1 : i32
      %swap3A_713 = arith.constant 13 : i32
      %swap3A_714 = arith.index_cast %swap3A_712 : i32 to index
      %swap3A_715 = arith.index_cast %swap3A_713 : i32 to index
      %swap3A_716 = arith.index_cast %multiple_of3A_522 : i32 to index
      %swap3A_717 = tpu.vector_load %arg5[%swap3A_714, %swap3A_715, %swap3A_716] {strides = array<i32>} : memref<2x40x1024xf32, #tpu.memory_space<vmem>>, vector<1x1x16xf32>,
      %swap3A_718 = vector.shape_cast %swap3A_717 : vector<1x1x16xf32> to vector<16xf32>
      %swap3A_719 = vector.shape_cast %select_n3A_711 : vector<16xf32> to vector<1x1x16xf32>
      tpu.vector_store %arg5[%swap3A_714, %swap3A_715, %swap3A_716], %swap3A_719 {strides = array<i32>} : memref<2x40x1024xf32, #tpu.memory_space<vmem>>, vector<1x1x16xf32>,
      %eq3A_720 = arith.cmpi eq, %get3A_525, %broadcast_in_dim3A_381 : vector<16xi32>
      %jit3A_721 = arith.constant 1.000000e+00 : f32
      %jit3A_722 = arith.constant 0.000000e+00 : f32
      %broadcast_in_dim3A_723 = vector.broadcast %jit3A_721 : f32 to vector<16xf32>
      %broadcast_in_dim3A_724 = vector.broadcast %jit3A_722 : f32 to vector<16xf32>
      %select_n3A_725 = arith.select %eq3A_720, %broadcast_in_dim3A_723, %broadcast_in_dim3A_724 : vector<16xi1>, vector<16xf32>
      %swap3A_726 = arith.constant 1 : i32
      %swap3A_727 = arith.constant 14 : i32
      %swap3A_728 = arith.index_cast %swap3A_726 : i32 to index
      %swap3A_729 = arith.index_cast %swap3A_727 : i32 to index
      %swap3A_730 = arith.index_cast %multiple_of3A_522 : i32 to index
      %swap3A_731 = tpu.vector_load %arg5[%swap3A_728, %swap3A_729, %swap3A_730] {strides = array<i32>} : memref<2x40x1024xf32, #tpu.memory_space<vmem>>, vector<1x1x16xf32>,
      %swap3A_732 = vector.shape_cast %swap3A_731 : vector<1x1x16xf32> to vector<16xf32>
      %swap3A_733 = vector.shape_cast %select_n3A_725 : vector<16xf32> to vector<1x1x16xf32>
      tpu.vector_store %arg5[%swap3A_728, %swap3A_729, %swap3A_730], %swap3A_733 {strides = array<i32>} : memref<2x40x1024xf32, #tpu.memory_space<vmem>>, vector<1x1x16xf32>,
      %eq3A_734 = arith.cmpi eq, %get3A_525, %broadcast_in_dim3A_384 : vector<16xi32>
      %jit3A_735 = arith.constant 1.000000e+00 : f32
      %jit3A_736 = arith.constant 0.000000e+00 : f32
      %broadcast_in_dim3A_737 = vector.broadcast %jit3A_735 : f32 to vector<16xf32>
      %broadcast_in_dim3A_738 = vector.broadcast %jit3A_736 : f32 to vector<16xf32>
      %select_n3A_739 = arith.select %eq3A_734, %broadcast_in_dim3A_737, %broadcast_in_dim3A_738 : vector<16xi1>, vector<16xf32>
      %swap3A_740 = arith.constant 1 : i32
      %swap3A_741 = arith.constant 15 : i32
      %swap3A_742 = arith.index_cast %swap3A_740 : i32 to index
      %swap3A_743 = arith.index_cast %swap3A_741 : i32 to index
      %swap3A_744 = arith.index_cast %multiple_of3A_522 : i32 to index
      %swap3A_745 = tpu.vector_load %arg5[%swap3A_742, %swap3A_743, %swap3A_744] {strides = array<i32>} : memref<2x40x1024xf32, #tpu.memory_space<vmem>>, vector<1x1x16xf32>,
      %swap3A_746 = vector.shape_cast %swap3A_745 : vector<1x1x16xf32> to vector<16xf32>
      %swap3A_747 = vector.shape_cast %select_n3A_739 : vector<16xf32> to vector<1x1x16xf32>
      tpu.vector_store %arg5[%swap3A_742, %swap3A_743, %swap3A_744], %swap3A_747 {strides = array<i32>} : memref<2x40x1024xf32, #tpu.memory_space<vmem>>, vector<1x1x16xf32>,
      %eq3A_748 = arith.cmpi eq, %get3A_525, %broadcast_in_dim3A_387 : vector<16xi32>
      %jit3A_749 = arith.constant 1.000000e+00 : f32
      %jit3A_750 = arith.constant 0.000000e+00 : f32
      %broadcast_in_dim3A_751 = vector.broadcast %jit3A_749 : f32 to vector<16xf32>
      %broadcast_in_dim3A_752 = vector.broadcast %jit3A_750 : f32 to vector<16xf32>
      %select_n3A_753 = arith.select %eq3A_748, %broadcast_in_dim3A_751, %broadcast_in_dim3A_752 : vector<16xi1>, vector<16xf32>
      %swap3A_754 = arith.constant 1 : i32
      %swap3A_755 = arith.constant 16 : i32
      %swap3A_756 = arith.index_cast %swap3A_754 : i32 to index
      %swap3A_757 = arith.index_cast %swap3A_755 : i32 to index
      %swap3A_758 = arith.index_cast %multiple_of3A_522 : i32 to index
      %swap3A_759 = tpu.vector_load %arg5[%swap3A_756, %swap3A_757, %swap3A_758] {strides = array<i32>} : memref<2x40x1024xf32, #tpu.memory_space<vmem>>, vector<1x1x16xf32>,
      %swap3A_760 = vector.shape_cast %swap3A_759 : vector<1x1x16xf32> to vector<16xf32>
      %swap3A_761 = vector.shape_cast %select_n3A_753 : vector<16xf32> to vector<1x1x16xf32>
      tpu.vector_store %arg5[%swap3A_756, %swap3A_757, %swap3A_758], %swap3A_761 {strides = array<i32>} : memref<2x40x1024xf32, #tpu.memory_space<vmem>>, vector<1x1x16xf32>,
      %eq3A_762 = arith.cmpi eq, %get3A_525, %broadcast_in_dim3A_390 : vector<16xi32>
      %jit3A_763 = arith.constant 1.000000e+00 : f32
      %jit3A_764 = arith.constant 0.000000e+00 : f32
      %broadcast_in_dim3A_765 = vector.broadcast %jit3A_763 : f32 to vector<16xf32>
      %broadcast_in_dim3A_766 = vector.broadcast %jit3A_764 : f32 to vector<16xf32>
      %select_n3A_767 = arith.select %eq3A_762, %broadcast_in_dim3A_765, %broadcast_in_dim3A_766 : vector<16xi1>, vector<16xf32>
      %swap3A_768 = arith.constant 1 : i32
      %swap3A_769 = arith.constant 17 : i32
      %swap3A_770 = arith.index_cast %swap3A_768 : i32 to index
      %swap3A_771 = arith.index_cast %swap3A_769 : i32 to index
      %swap3A_772 = arith.index_cast %multiple_of3A_522 : i32 to index
      %swap3A_773 = tpu.vector_load %arg5[%swap3A_770, %swap3A_771, %swap3A_772] {strides = array<i32>} : memref<2x40x1024xf32, #tpu.memory_space<vmem>>, vector<1x1x16xf32>,
      %swap3A_774 = vector.shape_cast %swap3A_773 : vector<1x1x16xf32> to vector<16xf32>
      %swap3A_775 = vector.shape_cast %select_n3A_767 : vector<16xf32> to vector<1x1x16xf32>
      tpu.vector_store %arg5[%swap3A_770, %swap3A_771, %swap3A_772], %swap3A_775 {strides = array<i32>} : memref<2x40x1024xf32, #tpu.memory_space<vmem>>, vector<1x1x16xf32>,
      %eq3A_776 = arith.cmpi eq, %get3A_525, %broadcast_in_dim3A_393 : vector<16xi32>
      %jit3A_777 = arith.constant 1.000000e+00 : f32
      %jit3A_778 = arith.constant 0.000000e+00 : f32
      %broadcast_in_dim3A_779 = vector.broadcast %jit3A_777 : f32 to vector<16xf32>
      %broadcast_in_dim3A_780 = vector.broadcast %jit3A_778 : f32 to vector<16xf32>
      %select_n3A_781 = arith.select %eq3A_776, %broadcast_in_dim3A_779, %broadcast_in_dim3A_780 : vector<16xi1>, vector<16xf32>
      %swap3A_782 = arith.constant 1 : i32
      %swap3A_783 = arith.constant 18 : i32
      %swap3A_784 = arith.index_cast %swap3A_782 : i32 to index
      %swap3A_785 = arith.index_cast %swap3A_783 : i32 to index
      %swap3A_786 = arith.index_cast %multiple_of3A_522 : i32 to index
      %swap3A_787 = tpu.vector_load %arg5[%swap3A_784, %swap3A_785, %swap3A_786] {strides = array<i32>} : memref<2x40x1024xf32, #tpu.memory_space<vmem>>, vector<1x1x16xf32>,
      %swap3A_788 = vector.shape_cast %swap3A_787 : vector<1x1x16xf32> to vector<16xf32>
      %swap3A_789 = vector.shape_cast %select_n3A_781 : vector<16xf32> to vector<1x1x16xf32>
      tpu.vector_store %arg5[%swap3A_784, %swap3A_785, %swap3A_786], %swap3A_789 {strides = array<i32>} : memref<2x40x1024xf32, #tpu.memory_space<vmem>>, vector<1x1x16xf32>,
      %eq3A_790 = arith.cmpi eq, %get3A_525, %broadcast_in_dim3A_396 : vector<16xi32>
      %jit3A_791 = arith.constant 1.000000e+00 : f32
      %jit3A_792 = arith.constant 0.000000e+00 : f32
      %broadcast_in_dim3A_793 = vector.broadcast %jit3A_791 : f32 to vector<16xf32>
      %broadcast_in_dim3A_794 = vector.broadcast %jit3A_792 : f32 to vector<16xf32>
      %select_n3A_795 = arith.select %eq3A_790, %broadcast_in_dim3A_793, %broadcast_in_dim3A_794 : vector<16xi1>, vector<16xf32>
      %swap3A_796 = arith.constant 1 : i32
      %swap3A_797 = arith.constant 19 : i32
      %swap3A_798 = arith.index_cast %swap3A_796 : i32 to index
      %swap3A_799 = arith.index_cast %swap3A_797 : i32 to index
      %swap3A_800 = arith.index_cast %multiple_of3A_522 : i32 to index
      %swap3A_801 = tpu.vector_load %arg5[%swap3A_798, %swap3A_799, %swap3A_800] {strides = array<i32>} : memref<2x40x1024xf32, #tpu.memory_space<vmem>>, vector<1x1x16xf32>,
      %swap3A_802 = vector.shape_cast %swap3A_801 : vector<1x1x16xf32> to vector<16xf32>
      %swap3A_803 = vector.shape_cast %select_n3A_795 : vector<16xf32> to vector<1x1x16xf32>
      tpu.vector_store %arg5[%swap3A_798, %swap3A_799, %swap3A_800], %swap3A_803 {strides = array<i32>} : memref<2x40x1024xf32, #tpu.memory_space<vmem>>, vector<1x1x16xf32>,
      %eq3A_804 = arith.cmpi eq, %get3A_525, %broadcast_in_dim3A_399 : vector<16xi32>
      %jit3A_805 = arith.constant 1.000000e+00 : f32
      %jit3A_806 = arith.constant 0.000000e+00 : f32
      %broadcast_in_dim3A_807 = vector.broadcast %jit3A_805 : f32 to vector<16xf32>
      %broadcast_in_dim3A_808 = vector.broadcast %jit3A_806 : f32 to vector<16xf32>
      %select_n3A_809 = arith.select %eq3A_804, %broadcast_in_dim3A_807, %broadcast_in_dim3A_808 : vector<16xi1>, vector<16xf32>
      %swap3A_810 = arith.constant 1 : i32
      %swap3A_811 = arith.constant 20 : i32
      %swap3A_812 = arith.index_cast %swap3A_810 : i32 to index
      %swap3A_813 = arith.index_cast %swap3A_811 : i32 to index
      %swap3A_814 = arith.index_cast %multiple_of3A_522 : i32 to index
      %swap3A_815 = tpu.vector_load %arg5[%swap3A_812, %swap3A_813, %swap3A_814] {strides = array<i32>} : memref<2x40x1024xf32, #tpu.memory_space<vmem>>, vector<1x1x16xf32>,
      %swap3A_816 = vector.shape_cast %swap3A_815 : vector<1x1x16xf32> to vector<16xf32>
      %swap3A_817 = vector.shape_cast %select_n3A_809 : vector<16xf32> to vector<1x1x16xf32>
      tpu.vector_store %arg5[%swap3A_812, %swap3A_813, %swap3A_814], %swap3A_817 {strides = array<i32>} : memref<2x40x1024xf32, #tpu.memory_space<vmem>>, vector<1x1x16xf32>,
      %eq3A_818 = arith.cmpi eq, %get3A_525, %broadcast_in_dim3A_402 : vector<16xi32>
      %jit3A_819 = arith.constant 1.000000e+00 : f32
      %jit3A_820 = arith.constant 0.000000e+00 : f32
      %broadcast_in_dim3A_821 = vector.broadcast %jit3A_819 : f32 to vector<16xf32>
      %broadcast_in_dim3A_822 = vector.broadcast %jit3A_820 : f32 to vector<16xf32>
      %select_n3A_823 = arith.select %eq3A_818, %broadcast_in_dim3A_821, %broadcast_in_dim3A_822 : vector<16xi1>, vector<16xf32>
      %swap3A_824 = arith.constant 1 : i32
      %swap3A_825 = arith.constant 21 : i32
      %swap3A_826 = arith.index_cast %swap3A_824 : i32 to index
      %swap3A_827 = arith.index_cast %swap3A_825 : i32 to index
      %swap3A_828 = arith.index_cast %multiple_of3A_522 : i32 to index
      %swap3A_829 = tpu.vector_load %arg5[%swap3A_826, %swap3A_827, %swap3A_828] {strides = array<i32>} : memref<2x40x1024xf32, #tpu.memory_space<vmem>>, vector<1x1x16xf32>,
      %swap3A_830 = vector.shape_cast %swap3A_829 : vector<1x1x16xf32> to vector<16xf32>
      %swap3A_831 = vector.shape_cast %select_n3A_823 : vector<16xf32> to vector<1x1x16xf32>
      tpu.vector_store %arg5[%swap3A_826, %swap3A_827, %swap3A_828], %swap3A_831 {strides = array<i32>} : memref<2x40x1024xf32, #tpu.memory_space<vmem>>, vector<1x1x16xf32>,
      %eq3A_832 = arith.cmpi eq, %get3A_525, %broadcast_in_dim3A_405 : vector<16xi32>
      %jit3A_833 = arith.constant 1.000000e+00 : f32
      %jit3A_834 = arith.constant 0.000000e+00 : f32
      %broadcast_in_dim3A_835 = vector.broadcast %jit3A_833 : f32 to vector<16xf32>
      %broadcast_in_dim3A_836 = vector.broadcast %jit3A_834 : f32 to vector<16xf32>
      %select_n3A_837 = arith.select %eq3A_832, %broadcast_in_dim3A_835, %broadcast_in_dim3A_836 : vector<16xi1>, vector<16xf32>
      %swap3A_838 = arith.constant 1 : i32
      %swap3A_839 = arith.constant 22 : i32
      %swap3A_840 = arith.index_cast %swap3A_838 : i32 to index
      %swap3A_841 = arith.index_cast %swap3A_839 : i32 to index
      %swap3A_842 = arith.index_cast %multiple_of3A_522 : i32 to index
      %swap3A_843 = tpu.vector_load %arg5[%swap3A_840, %swap3A_841, %swap3A_842] {strides = array<i32>} : memref<2x40x1024xf32, #tpu.memory_space<vmem>>, vector<1x1x16xf32>,
      %swap3A_844 = vector.shape_cast %swap3A_843 : vector<1x1x16xf32> to vector<16xf32>
      %swap3A_845 = vector.shape_cast %select_n3A_837 : vector<16xf32> to vector<1x1x16xf32>
      tpu.vector_store %arg5[%swap3A_840, %swap3A_841, %swap3A_842], %swap3A_845 {strides = array<i32>} : memref<2x40x1024xf32, #tpu.memory_space<vmem>>, vector<1x1x16xf32>,
      %eq3A_846 = arith.cmpi eq, %get3A_525, %broadcast_in_dim3A_408 : vector<16xi32>
      %jit3A_847 = arith.constant 1.000000e+00 : f32
      %jit3A_848 = arith.constant 0.000000e+00 : f32
      %broadcast_in_dim3A_849 = vector.broadcast %jit3A_847 : f32 to vector<16xf32>
      %broadcast_in_dim3A_850 = vector.broadcast %jit3A_848 : f32 to vector<16xf32>
      %select_n3A_851 = arith.select %eq3A_846, %broadcast_in_dim3A_849, %broadcast_in_dim3A_850 : vector<16xi1>, vector<16xf32>
      %swap3A_852 = arith.constant 1 : i32
      %swap3A_853 = arith.constant 23 : i32
      %swap3A_854 = arith.index_cast %swap3A_852 : i32 to index
      %swap3A_855 = arith.index_cast %swap3A_853 : i32 to index
      %swap3A_856 = arith.index_cast %multiple_of3A_522 : i32 to index
      %swap3A_857 = tpu.vector_load %arg5[%swap3A_854, %swap3A_855, %swap3A_856] {strides = array<i32>} : memref<2x40x1024xf32, #tpu.memory_space<vmem>>, vector<1x1x16xf32>,
      %swap3A_858 = vector.shape_cast %swap3A_857 : vector<1x1x16xf32> to vector<16xf32>
      %swap3A_859 = vector.shape_cast %select_n3A_851 : vector<16xf32> to vector<1x1x16xf32>
      tpu.vector_store %arg5[%swap3A_854, %swap3A_855, %swap3A_856], %swap3A_859 {strides = array<i32>} : memref<2x40x1024xf32, #tpu.memory_space<vmem>>, vector<1x1x16xf32>,
      %eq3A_860 = arith.cmpi eq, %get3A_525, %broadcast_in_dim3A_411 : vector<16xi32>
      %jit3A_861 = arith.constant 1.000000e+00 : f32
      %jit3A_862 = arith.constant 0.000000e+00 : f32
      %broadcast_in_dim3A_863 = vector.broadcast %jit3A_861 : f32 to vector<16xf32>
      %broadcast_in_dim3A_864 = vector.broadcast %jit3A_862 : f32 to vector<16xf32>
      %select_n3A_865 = arith.select %eq3A_860, %broadcast_in_dim3A_863, %broadcast_in_dim3A_864 : vector<16xi1>, vector<16xf32>
      %swap3A_866 = arith.constant 1 : i32
      %swap3A_867 = arith.constant 24 : i32
      %swap3A_868 = arith.index_cast %swap3A_866 : i32 to index
      %swap3A_869 = arith.index_cast %swap3A_867 : i32 to index
      %swap3A_870 = arith.index_cast %multiple_of3A_522 : i32 to index
      %swap3A_871 = tpu.vector_load %arg5[%swap3A_868, %swap3A_869, %swap3A_870] {strides = array<i32>} : memref<2x40x1024xf32, #tpu.memory_space<vmem>>, vector<1x1x16xf32>,
      %swap3A_872 = vector.shape_cast %swap3A_871 : vector<1x1x16xf32> to vector<16xf32>
      %swap3A_873 = vector.shape_cast %select_n3A_865 : vector<16xf32> to vector<1x1x16xf32>
      tpu.vector_store %arg5[%swap3A_868, %swap3A_869, %swap3A_870], %swap3A_873 {strides = array<i32>} : memref<2x40x1024xf32, #tpu.memory_space<vmem>>, vector<1x1x16xf32>,
      %eq3A_874 = arith.cmpi eq, %get3A_525, %broadcast_in_dim3A_414 : vector<16xi32>
      %jit3A_875 = arith.constant 1.000000e+00 : f32
      %jit3A_876 = arith.constant 0.000000e+00 : f32
      %broadcast_in_dim3A_877 = vector.broadcast %jit3A_875 : f32 to vector<16xf32>
      %broadcast_in_dim3A_878 = vector.broadcast %jit3A_876 : f32 to vector<16xf32>
      %select_n3A_879 = arith.select %eq3A_874, %broadcast_in_dim3A_877, %broadcast_in_dim3A_878 : vector<16xi1>, vector<16xf32>
      %swap3A_880 = arith.constant 1 : i32
      %swap3A_881 = arith.constant 25 : i32
      %swap3A_882 = arith.index_cast %swap3A_880 : i32 to index
      %swap3A_883 = arith.index_cast %swap3A_881 : i32 to index
      %swap3A_884 = arith.index_cast %multiple_of3A_522 : i32 to index
      %swap3A_885 = tpu.vector_load %arg5[%swap3A_882, %swap3A_883, %swap3A_884] {strides = array<i32>} : memref<2x40x1024xf32, #tpu.memory_space<vmem>>, vector<1x1x16xf32>,
      %swap3A_886 = vector.shape_cast %swap3A_885 : vector<1x1x16xf32> to vector<16xf32>
      %swap3A_887 = vector.shape_cast %select_n3A_879 : vector<16xf32> to vector<1x1x16xf32>
      tpu.vector_store %arg5[%swap3A_882, %swap3A_883, %swap3A_884], %swap3A_887 {strides = array<i32>} : memref<2x40x1024xf32, #tpu.memory_space<vmem>>, vector<1x1x16xf32>,
      %eq3A_888 = arith.cmpi eq, %get3A_525, %broadcast_in_dim3A_417 : vector<16xi32>
      %jit3A_889 = arith.constant 1.000000e+00 : f32
      %jit3A_890 = arith.constant 0.000000e+00 : f32
      %broadcast_in_dim3A_891 = vector.broadcast %jit3A_889 : f32 to vector<16xf32>
      %broadcast_in_dim3A_892 = vector.broadcast %jit3A_890 : f32 to vector<16xf32>
      %select_n3A_893 = arith.select %eq3A_888, %broadcast_in_dim3A_891, %broadcast_in_dim3A_892 : vector<16xi1>, vector<16xf32>
      %swap3A_894 = arith.constant 1 : i32
      %swap3A_895 = arith.constant 26 : i32
      %swap3A_896 = arith.index_cast %swap3A_894 : i32 to index
      %swap3A_897 = arith.index_cast %swap3A_895 : i32 to index
      %swap3A_898 = arith.index_cast %multiple_of3A_522 : i32 to index
      %swap3A_899 = tpu.vector_load %arg5[%swap3A_896, %swap3A_897, %swap3A_898] {strides = array<i32>} : memref<2x40x1024xf32, #tpu.memory_space<vmem>>, vector<1x1x16xf32>,
      %swap3A_900 = vector.shape_cast %swap3A_899 : vector<1x1x16xf32> to vector<16xf32>
      %swap3A_901 = vector.shape_cast %select_n3A_893 : vector<16xf32> to vector<1x1x16xf32>
      tpu.vector_store %arg5[%swap3A_896, %swap3A_897, %swap3A_898], %swap3A_901 {strides = array<i32>} : memref<2x40x1024xf32, #tpu.memory_space<vmem>>, vector<1x1x16xf32>,
      %eq3A_902 = arith.cmpi eq, %get3A_525, %broadcast_in_dim3A_420 : vector<16xi32>
      %jit3A_903 = arith.constant 1.000000e+00 : f32
      %jit3A_904 = arith.constant 0.000000e+00 : f32
      %broadcast_in_dim3A_905 = vector.broadcast %jit3A_903 : f32 to vector<16xf32>
      %broadcast_in_dim3A_906 = vector.broadcast %jit3A_904 : f32 to vector<16xf32>
      %select_n3A_907 = arith.select %eq3A_902, %broadcast_in_dim3A_905, %broadcast_in_dim3A_906 : vector<16xi1>, vector<16xf32>
      %swap3A_908 = arith.constant 1 : i32
      %swap3A_909 = arith.constant 27 : i32
      %swap3A_910 = arith.index_cast %swap3A_908 : i32 to index
      %swap3A_911 = arith.index_cast %swap3A_909 : i32 to index
      %swap3A_912 = arith.index_cast %multiple_of3A_522 : i32 to index
      %swap3A_913 = tpu.vector_load %arg5[%swap3A_910, %swap3A_911, %swap3A_912] {strides = array<i32>} : memref<2x40x1024xf32, #tpu.memory_space<vmem>>, vector<1x1x16xf32>,
      %swap3A_914 = vector.shape_cast %swap3A_913 : vector<1x1x16xf32> to vector<16xf32>
      %swap3A_915 = vector.shape_cast %select_n3A_907 : vector<16xf32> to vector<1x1x16xf32>
      tpu.vector_store %arg5[%swap3A_910, %swap3A_911, %swap3A_912], %swap3A_915 {strides = array<i32>} : memref<2x40x1024xf32, #tpu.memory_space<vmem>>, vector<1x1x16xf32>,
      %eq3A_916 = arith.cmpi eq, %get3A_525, %broadcast_in_dim3A_423 : vector<16xi32>
      %jit3A_917 = arith.constant 1.000000e+00 : f32
      %jit3A_918 = arith.constant 0.000000e+00 : f32
      %broadcast_in_dim3A_919 = vector.broadcast %jit3A_917 : f32 to vector<16xf32>
      %broadcast_in_dim3A_920 = vector.broadcast %jit3A_918 : f32 to vector<16xf32>
      %select_n3A_921 = arith.select %eq3A_916, %broadcast_in_dim3A_919, %broadcast_in_dim3A_920 : vector<16xi1>, vector<16xf32>
      %swap3A_922 = arith.constant 1 : i32
      %swap3A_923 = arith.constant 28 : i32
      %swap3A_924 = arith.index_cast %swap3A_922 : i32 to index
      %swap3A_925 = arith.index_cast %swap3A_923 : i32 to index
      %swap3A_926 = arith.index_cast %multiple_of3A_522 : i32 to index
      %swap3A_927 = tpu.vector_load %arg5[%swap3A_924, %swap3A_925, %swap3A_926] {strides = array<i32>} : memref<2x40x1024xf32, #tpu.memory_space<vmem>>, vector<1x1x16xf32>,
      %swap3A_928 = vector.shape_cast %swap3A_927 : vector<1x1x16xf32> to vector<16xf32>
      %swap3A_929 = vector.shape_cast %select_n3A_921 : vector<16xf32> to vector<1x1x16xf32>
      tpu.vector_store %arg5[%swap3A_924, %swap3A_925, %swap3A_926], %swap3A_929 {strides = array<i32>} : memref<2x40x1024xf32, #tpu.memory_space<vmem>>, vector<1x1x16xf32>,
      %eq3A_930 = arith.cmpi eq, %get3A_525, %broadcast_in_dim3A_426 : vector<16xi32>
      %jit3A_931 = arith.constant 1.000000e+00 : f32
      %jit3A_932 = arith.constant 0.000000e+00 : f32
      %broadcast_in_dim3A_933 = vector.broadcast %jit3A_931 : f32 to vector<16xf32>
      %broadcast_in_dim3A_934 = vector.broadcast %jit3A_932 : f32 to vector<16xf32>
      %select_n3A_935 = arith.select %eq3A_930, %broadcast_in_dim3A_933, %broadcast_in_dim3A_934 : vector<16xi1>, vector<16xf32>
      %swap3A_936 = arith.constant 1 : i32
      %swap3A_937 = arith.constant 29 : i32
      %swap3A_938 = arith.index_cast %swap3A_936 : i32 to index
      %swap3A_939 = arith.index_cast %swap3A_937 : i32 to index
      %swap3A_940 = arith.index_cast %multiple_of3A_522 : i32 to index
      %swap3A_941 = tpu.vector_load %arg5[%swap3A_938, %swap3A_939, %swap3A_940] {strides = array<i32>} : memref<2x40x1024xf32, #tpu.memory_space<vmem>>, vector<1x1x16xf32>,
      %swap3A_942 = vector.shape_cast %swap3A_941 : vector<1x1x16xf32> to vector<16xf32>
      %swap3A_943 = vector.shape_cast %select_n3A_935 : vector<16xf32> to vector<1x1x16xf32>
      tpu.vector_store %arg5[%swap3A_938, %swap3A_939, %swap3A_940], %swap3A_943 {strides = array<i32>} : memref<2x40x1024xf32, #tpu.memory_space<vmem>>, vector<1x1x16xf32>,
      %eq3A_944 = arith.cmpi eq, %get3A_525, %broadcast_in_dim3A_429 : vector<16xi32>
      %jit3A_945 = arith.constant 1.000000e+00 : f32
      %jit3A_946 = arith.constant 0.000000e+00 : f32
      %broadcast_in_dim3A_947 = vector.broadcast %jit3A_945 : f32 to vector<16xf32>
      %broadcast_in_dim3A_948 = vector.broadcast %jit3A_946 : f32 to vector<16xf32>
      %select_n3A_949 = arith.select %eq3A_944, %broadcast_in_dim3A_947, %broadcast_in_dim3A_948 : vector<16xi1>, vector<16xf32>
      %swap3A_950 = arith.constant 1 : i32
      %swap3A_951 = arith.constant 30 : i32
      %swap3A_952 = arith.index_cast %swap3A_950 : i32 to index
      %swap3A_953 = arith.index_cast %swap3A_951 : i32 to index
      %swap3A_954 = arith.index_cast %multiple_of3A_522 : i32 to index
      %swap3A_955 = tpu.vector_load %arg5[%swap3A_952, %swap3A_953, %swap3A_954] {strides = array<i32>} : memref<2x40x1024xf32, #tpu.memory_space<vmem>>, vector<1x1x16xf32>,
      %swap3A_956 = vector.shape_cast %swap3A_955 : vector<1x1x16xf32> to vector<16xf32>
      %swap3A_957 = vector.shape_cast %select_n3A_949 : vector<16xf32> to vector<1x1x16xf32>
      tpu.vector_store %arg5[%swap3A_952, %swap3A_953, %swap3A_954], %swap3A_957 {strides = array<i32>} : memref<2x40x1024xf32, #tpu.memory_space<vmem>>, vector<1x1x16xf32>,
      %eq3A_958 = arith.cmpi eq, %get3A_525, %broadcast_in_dim3A_432 : vector<16xi32>
      %jit3A_959 = arith.constant 1.000000e+00 : f32
      %jit3A_960 = arith.constant 0.000000e+00 : f32
      %broadcast_in_dim3A_961 = vector.broadcast %jit3A_959 : f32 to vector<16xf32>
      %broadcast_in_dim3A_962 = vector.broadcast %jit3A_960 : f32 to vector<16xf32>
      %select_n3A_963 = arith.select %eq3A_958, %broadcast_in_dim3A_961, %broadcast_in_dim3A_962 : vector<16xi1>, vector<16xf32>
      %swap3A_964 = arith.constant 1 : i32
      %swap3A_965 = arith.constant 31 : i32
      %swap3A_966 = arith.index_cast %swap3A_964 : i32 to index
      %swap3A_967 = arith.index_cast %swap3A_965 : i32 to index
      %swap3A_968 = arith.index_cast %multiple_of3A_522 : i32 to index
      %swap3A_969 = tpu.vector_load %arg5[%swap3A_966, %swap3A_967, %swap3A_968] {strides = array<i32>} : memref<2x40x1024xf32, #tpu.memory_space<vmem>>, vector<1x1x16xf32>,
      %swap3A_970 = vector.shape_cast %swap3A_969 : vector<1x1x16xf32> to vector<16xf32>
      %swap3A_971 = vector.shape_cast %select_n3A_963 : vector<16xf32> to vector<1x1x16xf32>
      tpu.vector_store %arg5[%swap3A_966, %swap3A_967, %swap3A_968], %swap3A_971 {strides = array<i32>} : memref<2x40x1024xf32, #tpu.memory_space<vmem>>, vector<1x1x16xf32>,
      %eq3A_972 = arith.cmpi eq, %get3A_525, %broadcast_in_dim3A_435 : vector<16xi32>
      %jit3A_973 = arith.constant 1.000000e+00 : f32
      %jit3A_974 = arith.constant 0.000000e+00 : f32
      %broadcast_in_dim3A_975 = vector.broadcast %jit3A_973 : f32 to vector<16xf32>
      %broadcast_in_dim3A_976 = vector.broadcast %jit3A_974 : f32 to vector<16xf32>
      %select_n3A_977 = arith.select %eq3A_972, %broadcast_in_dim3A_975, %broadcast_in_dim3A_976 : vector<16xi1>, vector<16xf32>
      %swap3A_978 = arith.constant 1 : i32
      %swap3A_979 = arith.constant 32 : i32
      %swap3A_980 = arith.index_cast %swap3A_978 : i32 to index
      %swap3A_981 = arith.index_cast %swap3A_979 : i32 to index
      %swap3A_982 = arith.index_cast %multiple_of3A_522 : i32 to index
      %swap3A_983 = tpu.vector_load %arg5[%swap3A_980, %swap3A_981, %swap3A_982] {strides = array<i32>} : memref<2x40x1024xf32, #tpu.memory_space<vmem>>, vector<1x1x16xf32>,
      %swap3A_984 = vector.shape_cast %swap3A_983 : vector<1x1x16xf32> to vector<16xf32>
      %swap3A_985 = vector.shape_cast %select_n3A_977 : vector<16xf32> to vector<1x1x16xf32>
      tpu.vector_store %arg5[%swap3A_980, %swap3A_981, %swap3A_982], %swap3A_985 {strides = array<i32>} : memref<2x40x1024xf32, #tpu.memory_space<vmem>>, vector<1x1x16xf32>,
      %eq3A_986 = arith.cmpi eq, %get3A_525, %broadcast_in_dim3A_438 : vector<16xi32>
      %jit3A_987 = arith.constant 1.000000e+00 : f32
      %jit3A_988 = arith.constant 0.000000e+00 : f32
      %broadcast_in_dim3A_989 = vector.broadcast %jit3A_987 : f32 to vector<16xf32>
      %broadcast_in_dim3A_990 = vector.broadcast %jit3A_988 : f32 to vector<16xf32>
      %select_n3A_991 = arith.select %eq3A_986, %broadcast_in_dim3A_989, %broadcast_in_dim3A_990 : vector<16xi1>, vector<16xf32>
      %swap3A_992 = arith.constant 1 : i32
      %swap3A_993 = arith.constant 33 : i32
      %swap3A_994 = arith.index_cast %swap3A_992 : i32 to index
      %swap3A_995 = arith.index_cast %swap3A_993 : i32 to index
      %swap3A_996 = arith.index_cast %multiple_of3A_522 : i32 to index
      %swap3A_997 = tpu.vector_load %arg5[%swap3A_994, %swap3A_995, %swap3A_996] {strides = array<i32>} : memref<2x40x1024xf32, #tpu.memory_space<vmem>>, vector<1x1x16xf32>,
      %swap3A_998 = vector.shape_cast %swap3A_997 : vector<1x1x16xf32> to vector<16xf32>
      %swap3A_999 = vector.shape_cast %select_n3A_991 : vector<16xf32> to vector<1x1x16xf32>
      tpu.vector_store %arg5[%swap3A_994, %swap3A_995, %swap3A_996], %swap3A_999 {strides = array<i32>} : memref<2x40x1024xf32, #tpu.memory_space<vmem>>, vector<1x1x16xf32>,
      %eq3A_1000 = arith.cmpi eq, %get3A_525, %broadcast_in_dim3A_441 : vector<16xi32>
      %jit3A_1001 = arith.constant 1.000000e+00 : f32
      %jit3A_1002 = arith.constant 0.000000e+00 : f32
      %broadcast_in_dim3A_1003 = vector.broadcast %jit3A_1001 : f32 to vector<16xf32>
      %broadcast_in_dim3A_1004 = vector.broadcast %jit3A_1002 : f32 to vector<16xf32>
      %select_n3A_1005 = arith.select %eq3A_1000, %broadcast_in_dim3A_1003, %broadcast_in_dim3A_1004 : vector<16xi1>, vector<16xf32>
      %swap3A_1006 = arith.constant 1 : i32
      %swap3A_1007 = arith.constant 34 : i32
      %swap3A_1008 = arith.index_cast %swap3A_1006 : i32 to index
      %swap3A_1009 = arith.index_cast %swap3A_1007 : i32 to index
      %swap3A_1010 = arith.index_cast %multiple_of3A_522 : i32 to index
      %swap3A_1011 = tpu.vector_load %arg5[%swap3A_1008, %swap3A_1009, %swap3A_1010] {strides = array<i32>} : memref<2x40x1024xf32, #tpu.memory_space<vmem>>, vector<1x1x16xf32>,
      %swap3A_1012 = vector.shape_cast %swap3A_1011 : vector<1x1x16xf32> to vector<16xf32>
      %swap3A_1013 = vector.shape_cast %select_n3A_1005 : vector<16xf32> to vector<1x1x16xf32>
      tpu.vector_store %arg5[%swap3A_1008, %swap3A_1009, %swap3A_1010], %swap3A_1013 {strides = array<i32>} : memref<2x40x1024xf32, #tpu.memory_space<vmem>>, vector<1x1x16xf32>,
      %eq3A_1014 = arith.cmpi eq, %get3A_525, %broadcast_in_dim3A_444 : vector<16xi32>
      %jit3A_1015 = arith.constant 1.000000e+00 : f32
      %jit3A_1016 = arith.constant 0.000000e+00 : f32
      %broadcast_in_dim3A_1017 = vector.broadcast %jit3A_1015 : f32 to vector<16xf32>
      %broadcast_in_dim3A_1018 = vector.broadcast %jit3A_1016 : f32 to vector<16xf32>
      %select_n3A_1019 = arith.select %eq3A_1014, %broadcast_in_dim3A_1017, %broadcast_in_dim3A_1018 : vector<16xi1>, vector<16xf32>
      %swap3A_1020 = arith.constant 1 : i32
      %swap3A_1021 = arith.constant 35 : i32
      %swap3A_1022 = arith.index_cast %swap3A_1020 : i32 to index
      %swap3A_1023 = arith.index_cast %swap3A_1021 : i32 to index
      %swap3A_1024 = arith.index_cast %multiple_of3A_522 : i32 to index
      %swap3A_1025 = tpu.vector_load %arg5[%swap3A_1022, %swap3A_1023, %swap3A_1024] {strides = array<i32>} : memref<2x40x1024xf32, #tpu.memory_space<vmem>>, vector<1x1x16xf32>,
      %swap3A_1026 = vector.shape_cast %swap3A_1025 : vector<1x1x16xf32> to vector<16xf32>
      %swap3A_1027 = vector.shape_cast %select_n3A_1019 : vector<16xf32> to vector<1x1x16xf32>
      tpu.vector_store %arg5[%swap3A_1022, %swap3A_1023, %swap3A_1024], %swap3A_1027 {strides = array<i32>} : memref<2x40x1024xf32, #tpu.memory_space<vmem>>, vector<1x1x16xf32>,
      %eq3A_1028 = arith.cmpi eq, %get3A_525, %broadcast_in_dim3A_447 : vector<16xi32>
      %jit3A_1029 = arith.constant 1.000000e+00 : f32
      %jit3A_1030 = arith.constant 0.000000e+00 : f32
      %broadcast_in_dim3A_1031 = vector.broadcast %jit3A_1029 : f32 to vector<16xf32>
      %broadcast_in_dim3A_1032 = vector.broadcast %jit3A_1030 : f32 to vector<16xf32>
      %select_n3A_1033 = arith.select %eq3A_1028, %broadcast_in_dim3A_1031, %broadcast_in_dim3A_1032 : vector<16xi1>, vector<16xf32>
      %swap3A_1034 = arith.constant 1 : i32
      %swap3A_1035 = arith.constant 36 : i32
      %swap3A_1036 = arith.index_cast %swap3A_1034 : i32 to index
      %swap3A_1037 = arith.index_cast %swap3A_1035 : i32 to index
      %swap3A_1038 = arith.index_cast %multiple_of3A_522 : i32 to index
      %swap3A_1039 = tpu.vector_load %arg5[%swap3A_1036, %swap3A_1037, %swap3A_1038] {strides = array<i32>} : memref<2x40x1024xf32, #tpu.memory_space<vmem>>, vector<1x1x16xf32>,
      %swap3A_1040 = vector.shape_cast %swap3A_1039 : vector<1x1x16xf32> to vector<16xf32>
      %swap3A_1041 = vector.shape_cast %select_n3A_1033 : vector<16xf32> to vector<1x1x16xf32>
      tpu.vector_store %arg5[%swap3A_1036, %swap3A_1037, %swap3A_1038], %swap3A_1041 {strides = array<i32>} : memref<2x40x1024xf32, #tpu.memory_space<vmem>>, vector<1x1x16xf32>,
      %eq3A_1042 = arith.cmpi eq, %get3A_525, %broadcast_in_dim3A_450 : vector<16xi32>
      %jit3A_1043 = arith.constant 1.000000e+00 : f32
      %jit3A_1044 = arith.constant 0.000000e+00 : f32
      %broadcast_in_dim3A_1045 = vector.broadcast %jit3A_1043 : f32 to vector<16xf32>
      %broadcast_in_dim3A_1046 = vector.broadcast %jit3A_1044 : f32 to vector<16xf32>
      %select_n3A_1047 = arith.select %eq3A_1042, %broadcast_in_dim3A_1045, %broadcast_in_dim3A_1046 : vector<16xi1>, vector<16xf32>
      %swap3A_1048 = arith.constant 1 : i32
      %swap3A_1049 = arith.constant 37 : i32
      %swap3A_1050 = arith.index_cast %swap3A_1048 : i32 to index
      %swap3A_1051 = arith.index_cast %swap3A_1049 : i32 to index
      %swap3A_1052 = arith.index_cast %multiple_of3A_522 : i32 to index
      %swap3A_1053 = tpu.vector_load %arg5[%swap3A_1050, %swap3A_1051, %swap3A_1052] {strides = array<i32>} : memref<2x40x1024xf32, #tpu.memory_space<vmem>>, vector<1x1x16xf32>,
      %swap3A_1054 = vector.shape_cast %swap3A_1053 : vector<1x1x16xf32> to vector<16xf32>
      %swap3A_1055 = vector.shape_cast %select_n3A_1047 : vector<16xf32> to vector<1x1x16xf32>
      tpu.vector_store %arg5[%swap3A_1050, %swap3A_1051, %swap3A_1052], %swap3A_1055 {strides = array<i32>} : memref<2x40x1024xf32, #tpu.memory_space<vmem>>, vector<1x1x16xf32>,
      %eq3A_1056 = arith.cmpi eq, %get3A_525, %broadcast_in_dim3A_453 : vector<16xi32>
      %jit3A_1057 = arith.constant 1.000000e+00 : f32
      %jit3A_1058 = arith.constant 0.000000e+00 : f32
      %broadcast_in_dim3A_1059 = vector.broadcast %jit3A_1057 : f32 to vector<16xf32>
      %broadcast_in_dim3A_1060 = vector.broadcast %jit3A_1058 : f32 to vector<16xf32>
      %select_n3A_1061 = arith.select %eq3A_1056, %broadcast_in_dim3A_1059, %broadcast_in_dim3A_1060 : vector<16xi1>, vector<16xf32>
      %swap3A_1062 = arith.constant 1 : i32
      %swap3A_1063 = arith.constant 38 : i32
      %swap3A_1064 = arith.index_cast %swap3A_1062 : i32 to index
      %swap3A_1065 = arith.index_cast %swap3A_1063 : i32 to index
      %swap3A_1066 = arith.index_cast %multiple_of3A_522 : i32 to index
      %swap3A_1067 = tpu.vector_load %arg5[%swap3A_1064, %swap3A_1065, %swap3A_1066] {strides = array<i32>} : memref<2x40x1024xf32, #tpu.memory_space<vmem>>, vector<1x1x16xf32>,
      %swap3A_1068 = vector.shape_cast %swap3A_1067 : vector<1x1x16xf32> to vector<16xf32>
      %swap3A_1069 = vector.shape_cast %select_n3A_1061 : vector<16xf32> to vector<1x1x16xf32>
      tpu.vector_store %arg5[%swap3A_1064, %swap3A_1065, %swap3A_1066], %swap3A_1069 {strides = array<i32>} : memref<2x40x1024xf32, #tpu.memory_space<vmem>>, vector<1x1x16xf32>,
      %eq3A_1070 = arith.cmpi eq, %get3A_525, %broadcast_in_dim3A_456 : vector<16xi32>
      %jit3A_1071 = arith.constant 1.000000e+00 : f32
      %jit3A_1072 = arith.constant 0.000000e+00 : f32
      %broadcast_in_dim3A_1073 = vector.broadcast %jit3A_1071 : f32 to vector<16xf32>
      %broadcast_in_dim3A_1074 = vector.broadcast %jit3A_1072 : f32 to vector<16xf32>
      %select_n3A_1075 = arith.select %eq3A_1070, %broadcast_in_dim3A_1073, %broadcast_in_dim3A_1074 : vector<16xi1>, vector<16xf32>
      %swap3A_1076 = arith.constant 1 : i32
      %swap3A_1077 = arith.constant 39 : i32
      %swap3A_1078 = arith.index_cast %swap3A_1076 : i32 to index
      %swap3A_1079 = arith.index_cast %swap3A_1077 : i32 to index
      %swap3A_1080 = arith.index_cast %multiple_of3A_522 : i32 to index
      %swap3A_1081 = tpu.vector_load %arg5[%swap3A_1078, %swap3A_1079, %swap3A_1080] {strides = array<i32>} : memref<2x40x1024xf32, #tpu.memory_space<vmem>>, vector<1x1x16xf32>,
      %swap3A_1082 = vector.shape_cast %swap3A_1081 : vector<1x1x16xf32> to vector<16xf32>
      %swap3A_1083 = vector.shape_cast %select_n3A_1075 : vector<16xf32> to vector<1x1x16xf32>
      tpu.vector_store %arg5[%swap3A_1078, %swap3A_1079, %swap3A_1080], %swap3A_1083 {strides = array<i32>} : memref<2x40x1024xf32, #tpu.memory_space<vmem>>, vector<1x1x16xf32>,
      %scan3A_1084 = arith.constant 0 : i32
      scf.yield %scan3A_1084 : i32
    }
    %scan3A_463 = arith.constant 64 : i32
    %add3A_464 = arith.constant 1 : i32
    %add3A_465 = arith.addi %select_n3A, %add3A_464 : i32
    %mul3A_466 = arith.constant 40 : i32
    %mul3A_467 = arith.muli %add3A_465, %mul3A_466 : i32
    %multiple_of3A_468 = tpu.assume_multiple %mul3A_467, 8 : i32
    %dma_start3A_469 = arith.constant 1 : i32
    %dma_start3A_470 = arith.constant 0 : i32
    %dma_start3A_471 = arith.constant 0 : i32
    %dma_start3A_472 = tpu.memref_slice %arg5[%dma_start3A_469, %dma_start3A_470, %dma_start3A_471] : memref<2x40x1024xf32, #tpu.memory_space<vmem>> -> memref<1x40x1024xf32, #tpu.memory_space<vmem>>
    %dma_start3A_473 = tpu.memref_squeeze %dma_start3A_472 : memref<1x40x1024xf32, #tpu.memory_space<vmem>> -> memref<40x1024xf32, #tpu.memory_space<vmem>>
    %dma_start3A_474 = arith.constant 0 : i32
    %dma_start3A_475 = tpu.memref_slice %arg3[%multiple_of3A_468, %dma_start3A_474] : memref<50000x1024xf32, #tpu.memory_space<hbm>> -> memref<40x1024xf32, #tpu.memory_space<hbm>>
    %dma_start3A_476 = arith.constant 0 : i32
    %dma_start3A_477 = tpu.memref_slice %arg3[%multiple_of3A_468, %dma_start3A_476] : memref<50000x1024xf32, #tpu.memory_space<hbm>> -> memref<40x1024xf32, #tpu.memory_space<hbm>>
    %dma_start3A_478 = arith.constant 0 : i32
    %dma_start3A_479 = arith.constant 0 : i32
    %dma_start3A_480 = tpu.memref_slice %arg5[%dma_start3A_469, %dma_start3A_478, %dma_start3A_479] : memref<2x40x1024xf32, #tpu.memory_space<vmem>> -> memref<1x40x1024xf32, #tpu.memory_space<vmem>>
    %dma_start3A_481 = tpu.memref_squeeze %dma_start3A_480 : memref<1x40x1024xf32, #tpu.memory_space<vmem>> -> memref<40x1024xf32, #tpu.memory_space<vmem>>
    tpu.enqueue_dma source(%dma_start3A_481 : memref<40x1024xf32, #tpu.memory_space<vmem>>) target(%dma_start3A_477 : memref<40x1024xf32, #tpu.memory_space<hbm>>) target_semaphore(%arg7 : memref<!tpu.dma_semaphore, #tpu.memory_space<semaphore_mem>>)
    %scan3A_482 = arith.constant 0 : i32
    %scan3A_483 = arith.constant 1 : i32
    %scan3A_484 = arith.constant 19 : i32
    %scan3A_485 = arith.addi %scan3A_483, %scan3A_484 : i32
    %scan3A_486 = arith.constant 1 : i32
    %scan3A_487 = scf.for %scan3A_518 = %scan3A_483 to %scan3A_485 step %scan3A_486 iter_args(%scan3A_519 = %scan3A_482) -> (i32)  : i32 {
      %mul3A_520 = arith.constant 2 : i32
      %mul3A_521 = arith.muli %mul3A_520, %scan3A_518 : i32
      %add3A_522 = arith.addi %select_n3A, %mul3A_521 : i32
      %add3A_523 = arith.constant 0 : i32
      %add3A_524 = arith.addi %add3A_522, %add3A_523 : i32
      %mul3A_525 = arith.constant 40 : i32
      %mul3A_526 = arith.muli %add3A_524, %mul3A_525 : i32
      %multiple_of3A_527 = tpu.assume_multiple %mul3A_526, 8 : i32
      %dma_wait3A_528 = arith.constant 0 : i32
      %dma_wait3A_529 = arith.constant 0 : i32
      %dma_wait3A_530 = arith.constant 0 : i32
      %dma_wait3A_531 = tpu.memref_slice %arg5[%dma_wait3A_528, %dma_wait3A_529, %dma_wait3A_530] : memref<2x40x1024xf32, #tpu.memory_space<vmem>> -> memref<1x40x1024xf32, #tpu.memory_space<vmem>>
      %dma_wait3A_532 = tpu.memref_squeeze %dma_wait3A_531 : memref<1x40x1024xf32, #tpu.memory_space<vmem>> -> memref<40x1024xf32, #tpu.memory_space<vmem>>
      %dma_wait3A_533 = arith.constant 0 : i32
      %dma_wait3A_534 = arith.constant 0 : i32
      %dma_wait3A_535 = tpu.memref_slice %arg3[%dma_wait3A_533, %dma_wait3A_534] : memref<50000x1024xf32, #tpu.memory_space<hbm>> -> memref<40x1024xf32, #tpu.memory_space<hbm>>
      %dma_wait3A_536 = arith.constant 0 : i32
      %dma_wait3A_537 = arith.constant 0 : i32
      %dma_wait3A_538 = tpu.memref_slice %arg3[%dma_wait3A_536, %dma_wait3A_537] : memref<50000x1024xf32, #tpu.memory_space<hbm>> -> memref<40x1024xf32, #tpu.memory_space<hbm>>
      %dma_wait3A_539 = arith.constant 0 : i32
      %dma_wait3A_540 = arith.constant 0 : i32
      %dma_wait3A_541 = tpu.memref_slice %arg5[%dma_wait3A_528, %dma_wait3A_539, %dma_wait3A_540] : memref<2x40x1024xf32, #tpu.memory_space<vmem>> -> memref<1x40x1024xf32, #tpu.memory_space<vmem>>
      %dma_wait3A_542 = tpu.memref_squeeze %dma_wait3A_541 : memref<1x40x1024xf32, #tpu.memory_space<vmem>> -> memref<40x1024xf32, #tpu.memory_space<vmem>>
      tpu.wait_dma2 semaphore(%arg6 : memref<!tpu.dma_semaphore, #tpu.memory_space<semaphore_mem>>) src(%dma_wait3A_542 : memref<40x1024xf32, #tpu.memory_space<vmem>>) dst(%dma_wait3A_538 : memref<40x1024xf32, #tpu.memory_space<hbm>>)
      %jit3A_543 = arith.constant 25 : i32
      %div3A_544 = arith.divsi %add3A_524, %jit3A_543 : i32
      %sign3A_545 = arith.constant 0 : i32
      %sign3A_546 = arith.cmpi sgt, %add3A_524, %sign3A_545 : i32
      %sign3A_547 = arith.extui %sign3A_546 : i1 to i32
      %sign3A_548 = arith.constant 0 : i32
      %sign3A_549 = arith.cmpi slt, %add3A_524, %sign3A_548 : i32
      %sign3A_550 = arith.extui %sign3A_549 : i1 to i32
      %sign3A_551 = arith.subi %sign3A_547, %sign3A_550 : i32
      %sign3A_552 = arith.constant 0 : i32
      %sign3A_553 = arith.cmpi sgt, %jit3A_543, %sign3A_552 : i32
      %sign3A_554 = arith.extui %sign3A_553 : i1 to i32
      %sign3A_555 = arith.constant 0 : i32
      %sign3A_556 = arith.cmpi slt, %jit3A_543, %sign3A_555 : i32
      %sign3A_557 = arith.extui %sign3A_556 : i1 to i32
      %sign3A_558 = arith.subi %sign3A_554, %sign3A_557 : i32
      %ne3A_559 = arith.cmpi ne, %sign3A_551, %sign3A_558 : i32
      %rem3A_560 = arith.remsi %add3A_524, %jit3A_543 : i32
      %ne3A_561 = arith.constant 0 : i32
      %ne3A_562 = arith.cmpi ne, %rem3A_560, %ne3A_561 : i32
      %and3A_563 = arith.andi %ne3A_559, %ne3A_562 : i1
      %sub3A_564 = arith.constant 1 : i32
      %sub3A_565 = arith.subi %div3A_544, %sub3A_564 : i32
      %select_n3A_566 = arith.select %and3A_563, %sub3A_565, %div3A_544 : i32
      %mul3A_567 = arith.constant 25 : i32
      %mul3A_568 = arith.muli %select_n3A_566, %mul3A_567 : i32
      %sub3A_569 = arith.subi %add3A_524, %mul3A_568 : i32
      %mul3A_570 = arith.constant 40 : i32
      %mul3A_571 = arith.muli %sub3A_569, %mul3A_570 : i32
      %sub3A_572 = arith.subi %select_n3A_566, %multiple_of3A : i32
      %sub3A_573 = arith.subi %select_n3A_566, %multiple_of3A_123 : i32
      %add3A_574 = arith.constant 8 : i32
      %add3A_575 = arith.addi %sub3A_573, %add3A_574 : i32
      %min3A_576 = arith.minsi %sub3A_572, %add3A_575 : i32
      %add3A_577 = arith.constant 0 : i32
      %add3A_578 = arith.addi %mul3A_571, %add3A_577 : i32
      %broadcast_in_dim3A_579 = vector.broadcast %add3A_578 : i32 to vector<16xi32>
      %add3A_580 = arith.constant 1 : i32
      %add3A_581 = arith.addi %mul3A_571, %add3A_580 : i32
      %broadcast_in_dim3A_582 = vector.broadcast %add3A_581 : i32 to vector<16xi32>
      %add3A_583 = arith.constant 2 : i32
      %add3A_584 = arith.addi %mul3A_571, %add3A_583 : i32
      %broadcast_in_dim3A_585 = vector.broadcast %add3A_584 : i32 to vector<16xi32>
      %add3A_586 = arith.constant 3 : i32
      %add3A_587 = arith.addi %mul3A_571, %add3A_586 : i32
      %broadcast_in_dim3A_588 = vector.broadcast %add3A_587 : i32 to vector<16xi32>
      %add3A_589 = arith.constant 4 : i32
      %add3A_590 = arith.addi %mul3A_571, %add3A_589 : i32
      %broadcast_in_dim3A_591 = vector.broadcast %add3A_590 : i32 to vector<16xi32>
      %add3A_592 = arith.constant 5 : i32
      %add3A_593 = arith.addi %mul3A_571, %add3A_592 : i32
      %broadcast_in_dim3A_594 = vector.broadcast %add3A_593 : i32 to vector<16xi32>
      %add3A_595 = arith.constant 6 : i32
      %add3A_596 = arith.addi %mul3A_571, %add3A_595 : i32
      %broadcast_in_dim3A_597 = vector.broadcast %add3A_596 : i32 to vector<16xi32>
      %add3A_598 = arith.constant 7 : i32
      %add3A_599 = arith.addi %mul3A_571, %add3A_598 : i32
      %broadcast_in_dim3A_600 = vector.broadcast %add3A_599 : i32 to vector<16xi32>
      %add3A_601 = arith.constant 8 : i32
      %add3A_602 = arith.addi %mul3A_571, %add3A_601 : i32
      %broadcast_in_dim3A_603 = vector.broadcast %add3A_602 : i32 to vector<16xi32>
      %add3A_604 = arith.constant 9 : i32
      %add3A_605 = arith.addi %mul3A_571, %add3A_604 : i32
      %broadcast_in_dim3A_606 = vector.broadcast %add3A_605 : i32 to vector<16xi32>
      %add3A_607 = arith.constant 10 : i32
      %add3A_608 = arith.addi %mul3A_571, %add3A_607 : i32
      %broadcast_in_dim3A_609 = vector.broadcast %add3A_608 : i32 to vector<16xi32>
      %add3A_610 = arith.constant 11 : i32
      %add3A_611 = arith.addi %mul3A_571, %add3A_610 : i32
      %broadcast_in_dim3A_612 = vector.broadcast %add3A_611 : i32 to vector<16xi32>
      %add3A_613 = arith.constant 12 : i32
      %add3A_614 = arith.addi %mul3A_571, %add3A_613 : i32
      %broadcast_in_dim3A_615 = vector.broadcast %add3A_614 : i32 to vector<16xi32>
      %add3A_616 = arith.constant 13 : i32
      %add3A_617 = arith.addi %mul3A_571, %add3A_616 : i32
      %broadcast_in_dim3A_618 = vector.broadcast %add3A_617 : i32 to vector<16xi32>
      %add3A_619 = arith.constant 14 : i32
      %add3A_620 = arith.addi %mul3A_571, %add3A_619 : i32
      %broadcast_in_dim3A_621 = vector.broadcast %add3A_620 : i32 to vector<16xi32>
      %add3A_622 = arith.constant 15 : i32
      %add3A_623 = arith.addi %mul3A_571, %add3A_622 : i32
      %broadcast_in_dim3A_624 = vector.broadcast %add3A_623 : i32 to vector<16xi32>
      %add3A_625 = arith.constant 16 : i32
      %add3A_626 = arith.addi %mul3A_571, %add3A_625 : i32
      %broadcast_in_dim3A_627 = vector.broadcast %add3A_626 : i32 to vector<16xi32>
      %add3A_628 = arith.constant 17 : i32
      %add3A_629 = arith.addi %mul3A_571, %add3A_628 : i32
      %broadcast_in_dim3A_630 = vector.broadcast %add3A_629 : i32 to vector<16xi32>
      %add3A_631 = arith.constant 18 : i32
      %add3A_632 = arith.addi %mul3A_571, %add3A_631 : i32
      %broadcast_in_dim3A_633 = vector.broadcast %add3A_632 : i32 to vector<16xi32>
      %add3A_634 = arith.constant 19 : i32
      %add3A_635 = arith.addi %mul3A_571, %add3A_634 : i32
      %broadcast_in_dim3A_636 = vector.broadcast %add3A_635 : i32 to vector<16xi32>
      %add3A_637 = arith.constant 20 : i32
      %add3A_638 = arith.addi %mul3A_571, %add3A_637 : i32
      %broadcast_in_dim3A_639 = vector.broadcast %add3A_638 : i32 to vector<16xi32>
      %add3A_640 = arith.constant 21 : i32
      %add3A_641 = arith.addi %mul3A_571, %add3A_640 : i32
      %broadcast_in_dim3A_642 = vector.broadcast %add3A_641 : i32 to vector<16xi32>
      %add3A_643 = arith.constant 22 : i32
      %add3A_644 = arith.addi %mul3A_571, %add3A_643 : i32
      %broadcast_in_dim3A_645 = vector.broadcast %add3A_644 : i32 to vector<16xi32>
      %add3A_646 = arith.constant 23 : i32
      %add3A_647 = arith.addi %mul3A_571, %add3A_646 : i32
      %broadcast_in_dim3A_648 = vector.broadcast %add3A_647 : i32 to vector<16xi32>
      %add3A_649 = arith.constant 24 : i32
      %add3A_650 = arith.addi %mul3A_571, %add3A_649 : i32
      %broadcast_in_dim3A_651 = vector.broadcast %add3A_650 : i32 to vector<16xi32>
      %add3A_652 = arith.constant 25 : i32
      %add3A_653 = arith.addi %mul3A_571, %add3A_652 : i32
      %broadcast_in_dim3A_654 = vector.broadcast %add3A_653 : i32 to vector<16xi32>
      %add3A_655 = arith.constant 26 : i32
      %add3A_656 = arith.addi %mul3A_571, %add3A_655 : i32
      %broadcast_in_dim3A_657 = vector.broadcast %add3A_656 : i32 to vector<16xi32>
      %add3A_658 = arith.constant 27 : i32
      %add3A_659 = arith.addi %mul3A_571, %add3A_658 : i32
      %broadcast_in_dim3A_660 = vector.broadcast %add3A_659 : i32 to vector<16xi32>
      %add3A_661 = arith.constant 28 : i32
      %add3A_662 = arith.addi %mul3A_571, %add3A_661 : i32
      %broadcast_in_dim3A_663 = vector.broadcast %add3A_662 : i32 to vector<16xi32>
      %add3A_664 = arith.constant 29 : i32
      %add3A_665 = arith.addi %mul3A_571, %add3A_664 : i32
      %broadcast_in_dim3A_666 = vector.broadcast %add3A_665 : i32 to vector<16xi32>
      %add3A_667 = arith.constant 30 : i32
      %add3A_668 = arith.addi %mul3A_571, %add3A_667 : i32
      %broadcast_in_dim3A_669 = vector.broadcast %add3A_668 : i32 to vector<16xi32>
      %add3A_670 = arith.constant 31 : i32
      %add3A_671 = arith.addi %mul3A_571, %add3A_670 : i32
      %broadcast_in_dim3A_672 = vector.broadcast %add3A_671 : i32 to vector<16xi32>
      %add3A_673 = arith.constant 32 : i32
      %add3A_674 = arith.addi %mul3A_571, %add3A_673 : i32
      %broadcast_in_dim3A_675 = vector.broadcast %add3A_674 : i32 to vector<16xi32>
      %add3A_676 = arith.constant 33 : i32
      %add3A_677 = arith.addi %mul3A_571, %add3A_676 : i32
      %broadcast_in_dim3A_678 = vector.broadcast %add3A_677 : i32 to vector<16xi32>
      %add3A_679 = arith.constant 34 : i32
      %add3A_680 = arith.addi %mul3A_571, %add3A_679 : i32
      %broadcast_in_dim3A_681 = vector.broadcast %add3A_680 : i32 to vector<16xi32>
      %add3A_682 = arith.constant 35 : i32
      %add3A_683 = arith.addi %mul3A_571, %add3A_682 : i32
      %broadcast_in_dim3A_684 = vector.broadcast %add3A_683 : i32 to vector<16xi32>
      %add3A_685 = arith.constant 36 : i32
      %add3A_686 = arith.addi %mul3A_571, %add3A_685 : i32
      %broadcast_in_dim3A_687 = vector.broadcast %add3A_686 : i32 to vector<16xi32>
      %add3A_688 = arith.constant 37 : i32
      %add3A_689 = arith.addi %mul3A_571, %add3A_688 : i32
      %broadcast_in_dim3A_690 = vector.broadcast %add3A_689 : i32 to vector<16xi32>
      %add3A_691 = arith.constant 38 : i32
      %add3A_692 = arith.addi %mul3A_571, %add3A_691 : i32
      %broadcast_in_dim3A_693 = vector.broadcast %add3A_692 : i32 to vector<16xi32>
      %add3A_694 = arith.constant 39 : i32
      %add3A_695 = arith.addi %mul3A_571, %add3A_694 : i32
      %broadcast_in_dim3A_696 = vector.broadcast %add3A_695 : i32 to vector<16xi32>
      %scan3A_697 = arith.constant 0 : i32
      %scan3A_698 = arith.constant 0 : i32
      %scan3A_699 = arith.constant 64 : i32
      %scan3A_700 = arith.addi %scan3A_698, %scan3A_699 : i32
      %scan3A_701 = arith.constant 1 : i32
      %scan3A_702 = scf.for %scan3A_915 = %scan3A_698 to %scan3A_700 step %scan3A_701 iter_args(%scan3A_916 = %scan3A_697) -> (i32)  : i32 {
        %mul3A_917 = arith.constant 16 : i32
        %mul3A_918 = arith.muli %scan3A_915, %mul3A_917 : i32
        %multiple_of3A_919 = tpu.assume_multiple %mul3A_918, 16 : i32
        %get3A = arith.index_cast %min3A_576 : i32 to index
        %get3A_920 = arith.index_cast %multiple_of3A_919 : i32 to index
        %get3A_921 = tpu.vector_load %arg4[%get3A, %get3A_920] {strides = array<i32>} : memref<16x1024xi32, #tpu.memory_space<vmem>>, vector<1x16xi32>,
        %get3A_922 = vector.shape_cast %get3A_921 : vector<1x16xi32> to vector<16xi32>
        %eq3A = arith.cmpi eq, %get3A_922, %broadcast_in_dim3A_579 : vector<16xi32>
        %jit3A_923 = arith.constant 1.000000e+00 : f32
        %jit3A_924 = arith.constant 0.000000e+00 : f32
        %broadcast_in_dim3A_925 = vector.broadcast %jit3A_923 : f32 to vector<16xf32>
        %broadcast_in_dim3A_926 = vector.broadcast %jit3A_924 : f32 to vector<16xf32>
        %select_n3A_927 = arith.select %eq3A, %broadcast_in_dim3A_925, %broadcast_in_dim3A_926 : vector<16xi1>, vector<16xf32>
        %swap3A = arith.constant 0 : i32
        %swap3A_928 = arith.constant 0 : i32
        %swap3A_929 = arith.index_cast %swap3A : i32 to index
        %swap3A_930 = arith.index_cast %swap3A_928 : i32 to index
        %swap3A_931 = arith.index_cast %multiple_of3A_919 : i32 to index
        %swap3A_932 = tpu.vector_load %arg5[%swap3A_929, %swap3A_930, %swap3A_931] {strides = array<i32>} : memref<2x40x1024xf32, #tpu.memory_space<vmem>>, vector<1x1x16xf32>,
        %swap3A_933 = vector.shape_cast %swap3A_932 : vector<1x1x16xf32> to vector<16xf32>
        %swap3A_934 = vector.shape_cast %select_n3A_927 : vector<16xf32> to vector<1x1x16xf32>
        tpu.vector_store %arg5[%swap3A_929, %swap3A_930, %swap3A_931], %swap3A_934 {strides = array<i32>} : memref<2x40x1024xf32, #tpu.memory_space<vmem>>, vector<1x1x16xf32>,
        %eq3A_935 = arith.cmpi eq, %get3A_922, %broadcast_in_dim3A_582 : vector<16xi32>
        %jit3A_936 = arith.constant 1.000000e+00 : f32
        %jit3A_937 = arith.constant 0.000000e+00 : f32
        %broadcast_in_dim3A_938 = vector.broadcast %jit3A_936 : f32 to vector<16xf32>
        %broadcast_in_dim3A_939 = vector.broadcast %jit3A_937 : f32 to vector<16xf32>
        %select_n3A_940 = arith.select %eq3A_935, %broadcast_in_dim3A_938, %broadcast_in_dim3A_939 : vector<16xi1>, vector<16xf32>
        %swap3A_941 = arith.constant 0 : i32
        %swap3A_942 = arith.constant 1 : i32
        %swap3A_943 = arith.index_cast %swap3A_941 : i32 to index
        %swap3A_944 = arith.index_cast %swap3A_942 : i32 to index
        %swap3A_945 = arith.index_cast %multiple_of3A_919 : i32 to index
        %swap3A_946 = tpu.vector_load %arg5[%swap3A_943, %swap3A_944, %swap3A_945] {strides = array<i32>} : memref<2x40x1024xf32, #tpu.memory_space<vmem>>, vector<1x1x16xf32>,
        %swap3A_947 = vector.shape_cast %swap3A_946 : vector<1x1x16xf32> to vector<16xf32>
        %swap3A_948 = vector.shape_cast %select_n3A_940 : vector<16xf32> to vector<1x1x16xf32>
        tpu.vector_store %arg5[%swap3A_943, %swap3A_944, %swap3A_945], %swap3A_948 {strides = array<i32>} : memref<2x40x1024xf32, #tpu.memory_space<vmem>>, vector<1x1x16xf32>,
        %eq3A_949 = arith.cmpi eq, %get3A_922, %broadcast_in_dim3A_585 : vector<16xi32>
        %jit3A_950 = arith.constant 1.000000e+00 : f32
        %jit3A_951 = arith.constant 0.000000e+00 : f32
        %broadcast_in_dim3A_952 = vector.broadcast %jit3A_950 : f32 to vector<16xf32>
        %broadcast_in_dim3A_953 = vector.broadcast %jit3A_951 : f32 to vector<16xf32>
        %select_n3A_954 = arith.select %eq3A_949, %broadcast_in_dim3A_952, %broadcast_in_dim3A_953 : vector<16xi1>, vector<16xf32>
        %swap3A_955 = arith.constant 0 : i32
        %swap3A_956 = arith.constant 2 : i32
        %swap3A_957 = arith.index_cast %swap3A_955 : i32 to index
        %swap3A_958 = arith.index_cast %swap3A_956 : i32 to index
        %swap3A_959 = arith.index_cast %multiple_of3A_919 : i32 to index
        %swap3A_960 = tpu.vector_load %arg5[%swap3A_957, %swap3A_958, %swap3A_959] {strides = array<i32>} : memref<2x40x1024xf32, #tpu.memory_space<vmem>>, vector<1x1x16xf32>,
        %swap3A_961 = vector.shape_cast %swap3A_960 : vector<1x1x16xf32> to vector<16xf32>
        %swap3A_962 = vector.shape_cast %select_n3A_954 : vector<16xf32> to vector<1x1x16xf32>
        tpu.vector_store %arg5[%swap3A_957, %swap3A_958, %swap3A_959], %swap3A_962 {strides = array<i32>} : memref<2x40x1024xf32, #tpu.memory_space<vmem>>, vector<1x1x16xf32>,
        %eq3A_963 = arith.cmpi eq, %get3A_922, %broadcast_in_dim3A_588 : vector<16xi32>
        %jit3A_964 = arith.constant 1.000000e+00 : f32
        %jit3A_965 = arith.constant 0.000000e+00 : f32
        %broadcast_in_dim3A_966 = vector.broadcast %jit3A_964 : f32 to vector<16xf32>
        %broadcast_in_dim3A_967 = vector.broadcast %jit3A_965 : f32 to vector<16xf32>
        %select_n3A_968 = arith.select %eq3A_963, %broadcast_in_dim3A_966, %broadcast_in_dim3A_967 : vector<16xi1>, vector<16xf32>
        %swap3A_969 = arith.constant 0 : i32
        %swap3A_970 = arith.constant 3 : i32
        %swap3A_971 = arith.index_cast %swap3A_969 : i32 to index
        %swap3A_972 = arith.index_cast %swap3A_970 : i32 to index
        %swap3A_973 = arith.index_cast %multiple_of3A_919 : i32 to index
        %swap3A_974 = tpu.vector_load %arg5[%swap3A_971, %swap3A_972, %swap3A_973] {strides = array<i32>} : memref<2x40x1024xf32, #tpu.memory_space<vmem>>, vector<1x1x16xf32>,
        %swap3A_975 = vector.shape_cast %swap3A_974 : vector<1x1x16xf32> to vector<16xf32>
        %swap3A_976 = vector.shape_cast %select_n3A_968 : vector<16xf32> to vector<1x1x16xf32>
        tpu.vector_store %arg5[%swap3A_971, %swap3A_972, %swap3A_973], %swap3A_976 {strides = array<i32>} : memref<2x40x1024xf32, #tpu.memory_space<vmem>>, vector<1x1x16xf32>,
        %eq3A_977 = arith.cmpi eq, %get3A_922, %broadcast_in_dim3A_591 : vector<16xi32>
        %jit3A_978 = arith.constant 1.000000e+00 : f32
        %jit3A_979 = arith.constant 0.000000e+00 : f32
        %broadcast_in_dim3A_980 = vector.broadcast %jit3A_978 : f32 to vector<16xf32>
        %broadcast_in_dim3A_981 = vector.broadcast %jit3A_979 : f32 to vector<16xf32>
        %select_n3A_982 = arith.select %eq3A_977, %broadcast_in_dim3A_980, %broadcast_in_dim3A_981 : vector<16xi1>, vector<16xf32>
        %swap3A_983 = arith.constant 0 : i32
        %swap3A_984 = arith.constant 4 : i32
        %swap3A_985 = arith.index_cast %swap3A_983 : i32 to index
        %swap3A_986 = arith.index_cast %swap3A_984 : i32 to index
        %swap3A_987 = arith.index_cast %multiple_of3A_919 : i32 to index
        %swap3A_988 = tpu.vector_load %arg5[%swap3A_985, %swap3A_986, %swap3A_987] {strides = array<i32>} : memref<2x40x1024xf32, #tpu.memory_space<vmem>>, vector<1x1x16xf32>,
        %swap3A_989 = vector.shape_cast %swap3A_988 : vector<1x1x16xf32> to vector<16xf32>
        %swap3A_990 = vector.shape_cast %select_n3A_982 : vector<16xf32> to vector<1x1x16xf32>
        tpu.vector_store %arg5[%swap3A_985, %swap3A_986, %swap3A_987], %swap3A_990 {strides = array<i32>} : memref<2x40x1024xf32, #tpu.memory_space<vmem>>, vector<1x1x16xf32>,
        %eq3A_991 = arith.cmpi eq, %get3A_922, %broadcast_in_dim3A_594 : vector<16xi32>
        %jit3A_992 = arith.constant 1.000000e+00 : f32
        %jit3A_993 = arith.constant 0.000000e+00 : f32
        %broadcast_in_dim3A_994 = vector.broadcast %jit3A_992 : f32 to vector<16xf32>
        %broadcast_in_dim3A_995 = vector.broadcast %jit3A_993 : f32 to vector<16xf32>
        %select_n3A_996 = arith.select %eq3A_991, %broadcast_in_dim3A_994, %broadcast_in_dim3A_995 : vector<16xi1>, vector<16xf32>
        %swap3A_997 = arith.constant 0 : i32
        %swap3A_998 = arith.constant 5 : i32
        %swap3A_999 = arith.index_cast %swap3A_997 : i32 to index
        %swap3A_1000 = arith.index_cast %swap3A_998 : i32 to index
        %swap3A_1001 = arith.index_cast %multiple_of3A_919 : i32 to index
        %swap3A_1002 = tpu.vector_load %arg5[%swap3A_999, %swap3A_1000, %swap3A_1001] {strides = array<i32>} : memref<2x40x1024xf32, #tpu.memory_space<vmem>>, vector<1x1x16xf32>,
        %swap3A_1003 = vector.shape_cast %swap3A_1002 : vector<1x1x16xf32> to vector<16xf32>
        %swap3A_1004 = vector.shape_cast %select_n3A_996 : vector<16xf32> to vector<1x1x16xf32>
        tpu.vector_store %arg5[%swap3A_999, %swap3A_1000, %swap3A_1001], %swap3A_1004 {strides = array<i32>} : memref<2x40x1024xf32, #tpu.memory_space<vmem>>, vector<1x1x16xf32>,
        %eq3A_1005 = arith.cmpi eq, %get3A_922, %broadcast_in_dim3A_597 : vector<16xi32>
        %jit3A_1006 = arith.constant 1.000000e+00 : f32
        %jit3A_1007 = arith.constant 0.000000e+00 : f32
        %broadcast_in_dim3A_1008 = vector.broadcast %jit3A_1006 : f32 to vector<16xf32>
        %broadcast_in_dim3A_1009 = vector.broadcast %jit3A_1007 : f32 to vector<16xf32>
        %select_n3A_1010 = arith.select %eq3A_1005, %broadcast_in_dim3A_1008, %broadcast_in_dim3A_1009 : vector<16xi1>, vector<16xf32>
        %swap3A_1011 = arith.constant 0 : i32
        %swap3A_1012 = arith.constant 6 : i32
        %swap3A_1013 = arith.index_cast %swap3A_1011 : i32 to index
        %swap3A_1014 = arith.index_cast %swap3A_1012 : i32 to index
        %swap3A_1015 = arith.index_cast %multiple_of3A_919 : i32 to index
        %swap3A_1016 = tpu.vector_load %arg5[%swap3A_1013, %swap3A_1014, %swap3A_1015] {strides = array<i32>} : memref<2x40x1024xf32, #tpu.memory_space<vmem>>, vector<1x1x16xf32>,
        %swap3A_1017 = vector.shape_cast %swap3A_1016 : vector<1x1x16xf32> to vector<16xf32>
        %swap3A_1018 = vector.shape_cast %select_n3A_1010 : vector<16xf32> to vector<1x1x16xf32>
        tpu.vector_store %arg5[%swap3A_1013, %swap3A_1014, %swap3A_1015], %swap3A_1018 {strides = array<i32>} : memref<2x40x1024xf32, #tpu.memory_space<vmem>>, vector<1x1x16xf32>,
        %eq3A_1019 = arith.cmpi eq, %get3A_922, %broadcast_in_dim3A_600 : vector<16xi32>
        %jit3A_1020 = arith.constant 1.000000e+00 : f32
        %jit3A_1021 = arith.constant 0.000000e+00 : f32
        %broadcast_in_dim3A_1022 = vector.broadcast %jit3A_1020 : f32 to vector<16xf32>
        %broadcast_in_dim3A_1023 = vector.broadcast %jit3A_1021 : f32 to vector<16xf32>
        %select_n3A_1024 = arith.select %eq3A_1019, %broadcast_in_dim3A_1022, %broadcast_in_dim3A_1023 : vector<16xi1>, vector<16xf32>
        %swap3A_1025 = arith.constant 0 : i32
        %swap3A_1026 = arith.constant 7 : i32
        %swap3A_1027 = arith.index_cast %swap3A_1025 : i32 to index
        %swap3A_1028 = arith.index_cast %swap3A_1026 : i32 to index
        %swap3A_1029 = arith.index_cast %multiple_of3A_919 : i32 to index
        %swap3A_1030 = tpu.vector_load %arg5[%swap3A_1027, %swap3A_1028, %swap3A_1029] {strides = array<i32>} : memref<2x40x1024xf32, #tpu.memory_space<vmem>>, vector<1x1x16xf32>,
        %swap3A_1031 = vector.shape_cast %swap3A_1030 : vector<1x1x16xf32> to vector<16xf32>
        %swap3A_1032 = vector.shape_cast %select_n3A_1024 : vector<16xf32> to vector<1x1x16xf32>
        tpu.vector_store %arg5[%swap3A_1027, %swap3A_1028, %swap3A_1029], %swap3A_1032 {strides = array<i32>} : memref<2x40x1024xf32, #tpu.memory_space<vmem>>, vector<1x1x16xf32>,
        %eq3A_1033 = arith.cmpi eq, %get3A_922, %broadcast_in_dim3A_603 : vector<16xi32>
        %jit3A_1034 = arith.constant 1.000000e+00 : f32
        %jit3A_1035 = arith.constant 0.000000e+00 : f32
        %broadcast_in_dim3A_1036 = vector.broadcast %jit3A_1034 : f32 to vector<16xf32>
        %broadcast_in_dim3A_1037 = vector.broadcast %jit3A_1035 : f32 to vector<16xf32>
        %select_n3A_1038 = arith.select %eq3A_1033, %broadcast_in_dim3A_1036, %broadcast_in_dim3A_1037 : vector<16xi1>, vector<16xf32>
        %swap3A_1039 = arith.constant 0 : i32
        %swap3A_1040 = arith.constant 8 : i32
        %swap3A_1041 = arith.index_cast %swap3A_1039 : i32 to index
        %swap3A_1042 = arith.index_cast %swap3A_1040 : i32 to index
        %swap3A_1043 = arith.index_cast %multiple_of3A_919 : i32 to index
        %swap3A_1044 = tpu.vector_load %arg5[%swap3A_1041, %swap3A_1042, %swap3A_1043] {strides = array<i32>} : memref<2x40x1024xf32, #tpu.memory_space<vmem>>, vector<1x1x16xf32>,
        %swap3A_1045 = vector.shape_cast %swap3A_1044 : vector<1x1x16xf32> to vector<16xf32>
        %swap3A_1046 = vector.shape_cast %select_n3A_1038 : vector<16xf32> to vector<1x1x16xf32>
        tpu.vector_store %arg5[%swap3A_1041, %swap3A_1042, %swap3A_1043], %swap3A_1046 {strides = array<i32>} : memref<2x40x1024xf32, #tpu.memory_space<vmem>>, vector<1x1x16xf32>,
        %eq3A_1047 = arith.cmpi eq, %get3A_922, %broadcast_in_dim3A_606 : vector<16xi32>
        %jit3A_1048 = arith.constant 1.000000e+00 : f32
        %jit3A_1049 = arith.constant 0.000000e+00 : f32
        %broadcast_in_dim3A_1050 = vector.broadcast %jit3A_1048 : f32 to vector<16xf32>
        %broadcast_in_dim3A_1051 = vector.broadcast %jit3A_1049 : f32 to vector<16xf32>
        %select_n3A_1052 = arith.select %eq3A_1047, %broadcast_in_dim3A_1050, %broadcast_in_dim3A_1051 : vector<16xi1>, vector<16xf32>
        %swap3A_1053 = arith.constant 0 : i32
        %swap3A_1054 = arith.constant 9 : i32
        %swap3A_1055 = arith.index_cast %swap3A_1053 : i32 to index
        %swap3A_1056 = arith.index_cast %swap3A_1054 : i32 to index
        %swap3A_1057 = arith.index_cast %multiple_of3A_919 : i32 to index
        %swap3A_1058 = tpu.vector_load %arg5[%swap3A_1055, %swap3A_1056, %swap3A_1057] {strides = array<i32>} : memref<2x40x1024xf32, #tpu.memory_space<vmem>>, vector<1x1x16xf32>,
        %swap3A_1059 = vector.shape_cast %swap3A_1058 : vector<1x1x16xf32> to vector<16xf32>
        %swap3A_1060 = vector.shape_cast %select_n3A_1052 : vector<16xf32> to vector<1x1x16xf32>
        tpu.vector_store %arg5[%swap3A_1055, %swap3A_1056, %swap3A_1057], %swap3A_1060 {strides = array<i32>} : memref<2x40x1024xf32, #tpu.memory_space<vmem>>, vector<1x1x16xf32>,
        %eq3A_1061 = arith.cmpi eq, %get3A_922, %broadcast_in_dim3A_609 : vector<16xi32>
        %jit3A_1062 = arith.constant 1.000000e+00 : f32
        %jit3A_1063 = arith.constant 0.000000e+00 : f32
        %broadcast_in_dim3A_1064 = vector.broadcast %jit3A_1062 : f32 to vector<16xf32>
        %broadcast_in_dim3A_1065 = vector.broadcast %jit3A_1063 : f32 to vector<16xf32>
        %select_n3A_1066 = arith.select %eq3A_1061, %broadcast_in_dim3A_1064, %broadcast_in_dim3A_1065 : vector<16xi1>, vector<16xf32>
        %swap3A_1067 = arith.constant 0 : i32
        %swap3A_1068 = arith.constant 10 : i32
        %swap3A_1069 = arith.index_cast %swap3A_1067 : i32 to index
        %swap3A_1070 = arith.index_cast %swap3A_1068 : i32 to index
        %swap3A_1071 = arith.index_cast %multiple_of3A_919 : i32 to index
        %swap3A_1072 = tpu.vector_load %arg5[%swap3A_1069, %swap3A_1070, %swap3A_1071] {strides = array<i32>} : memref<2x40x1024xf32, #tpu.memory_space<vmem>>, vector<1x1x16xf32>,
        %swap3A_1073 = vector.shape_cast %swap3A_1072 : vector<1x1x16xf32> to vector<16xf32>
        %swap3A_1074 = vector.shape_cast %select_n3A_1066 : vector<16xf32> to vector<1x1x16xf32>
        tpu.vector_store %arg5[%swap3A_1069, %swap3A_1070, %swap3A_1071], %swap3A_1074 {strides = array<i32>} : memref<2x40x1024xf32, #tpu.memory_space<vmem>>, vector<1x1x16xf32>,
        %eq3A_1075 = arith.cmpi eq, %get3A_922, %broadcast_in_dim3A_612 : vector<16xi32>
        %jit3A_1076 = arith.constant 1.000000e+00 : f32
        %jit3A_1077 = arith.constant 0.000000e+00 : f32
        %broadcast_in_dim3A_1078 = vector.broadcast %jit3A_1076 : f32 to vector<16xf32>
        %broadcast_in_dim3A_1079 = vector.broadcast %jit3A_1077 : f32 to vector<16xf32>
        %select_n3A_1080 = arith.select %eq3A_1075, %broadcast_in_dim3A_1078, %broadcast_in_dim3A_1079 : vector<16xi1>, vector<16xf32>
        %swap3A_1081 = arith.constant 0 : i32
        %swap3A_1082 = arith.constant 11 : i32
        %swap3A_1083 = arith.index_cast %swap3A_1081 : i32 to index
        %swap3A_1084 = arith.index_cast %swap3A_1082 : i32 to index
        %swap3A_1085 = arith.index_cast %multiple_of3A_919 : i32 to index
        %swap3A_1086 = tpu.vector_load %arg5[%swap3A_1083, %swap3A_1084, %swap3A_1085] {strides = array<i32>} : memref<2x40x1024xf32, #tpu.memory_space<vmem>>, vector<1x1x16xf32>,
        %swap3A_1087 = vector.shape_cast %swap3A_1086 : vector<1x1x16xf32> to vector<16xf32>
        %swap3A_1088 = vector.shape_cast %select_n3A_1080 : vector<16xf32> to vector<1x1x16xf32>
        tpu.vector_store %arg5[%swap3A_1083, %swap3A_1084, %swap3A_1085], %swap3A_1088 {strides = array<i32>} : memref<2x40x1024xf32, #tpu.memory_space<vmem>>, vector<1x1x16xf32>,
        %eq3A_1089 = arith.cmpi eq, %get3A_922, %broadcast_in_dim3A_615 : vector<16xi32>
        %jit3A_1090 = arith.constant 1.000000e+00 : f32
        %jit3A_1091 = arith.constant 0.000000e+00 : f32
        %broadcast_in_dim3A_1092 = vector.broadcast %jit3A_1090 : f32 to vector<16xf32>
        %broadcast_in_dim3A_1093 = vector.broadcast %jit3A_1091 : f32 to vector<16xf32>
        %select_n3A_1094 = arith.select %eq3A_1089, %broadcast_in_dim3A_1092, %broadcast_in_dim3A_1093 : vector<16xi1>, vector<16xf32>
        %swap3A_1095 = arith.constant 0 : i32
        %swap3A_1096 = arith.constant 12 : i32
        %swap3A_1097 = arith.index_cast %swap3A_1095 : i32 to index
        %swap3A_1098 = arith.index_cast %swap3A_1096 : i32 to index
        %swap3A_1099 = arith.index_cast %multiple_of3A_919 : i32 to index
        %swap3A_1100 = tpu.vector_load %arg5[%swap3A_1097, %swap3A_1098, %swap3A_1099] {strides = array<i32>} : memref<2x40x1024xf32, #tpu.memory_space<vmem>>, vector<1x1x16xf32>,
        %swap3A_1101 = vector.shape_cast %swap3A_1100 : vector<1x1x16xf32> to vector<16xf32>
        %swap3A_1102 = vector.shape_cast %select_n3A_1094 : vector<16xf32> to vector<1x1x16xf32>
        tpu.vector_store %arg5[%swap3A_1097, %swap3A_1098, %swap3A_1099], %swap3A_1102 {strides = array<i32>} : memref<2x40x1024xf32, #tpu.memory_space<vmem>>, vector<1x1x16xf32>,
        %eq3A_1103 = arith.cmpi eq, %get3A_922, %broadcast_in_dim3A_618 : vector<16xi32>
        %jit3A_1104 = arith.constant 1.000000e+00 : f32
        %jit3A_1105 = arith.constant 0.000000e+00 : f32
        %broadcast_in_dim3A_1106 = vector.broadcast %jit3A_1104 : f32 to vector<16xf32>
        %broadcast_in_dim3A_1107 = vector.broadcast %jit3A_1105 : f32 to vector<16xf32>
        %select_n3A_1108 = arith.select %eq3A_1103, %broadcast_in_dim3A_1106, %broadcast_in_dim3A_1107 : vector<16xi1>, vector<16xf32>
        %swap3A_1109 = arith.constant 0 : i32
        %swap3A_1110 = arith.constant 13 : i32
        %swap3A_1111 = arith.index_cast %swap3A_1109 : i32 to index
        %swap3A_1112 = arith.index_cast %swap3A_1110 : i32 to index
        %swap3A_1113 = arith.index_cast %multiple_of3A_919 : i32 to index
        %swap3A_1114 = tpu.vector_load %arg5[%swap3A_1111, %swap3A_1112, %swap3A_1113] {strides = array<i32>} : memref<2x40x1024xf32, #tpu.memory_space<vmem>>, vector<1x1x16xf32>,
        %swap3A_1115 = vector.shape_cast %swap3A_1114 : vector<1x1x16xf32> to vector<16xf32>
        %swap3A_1116 = vector.shape_cast %select_n3A_1108 : vector<16xf32> to vector<1x1x16xf32>
        tpu.vector_store %arg5[%swap3A_1111, %swap3A_1112, %swap3A_1113], %swap3A_1116 {strides = array<i32>} : memref<2x40x1024xf32, #tpu.memory_space<vmem>>, vector<1x1x16xf32>,
        %eq3A_1117 = arith.cmpi eq, %get3A_922, %broadcast_in_dim3A_621 : vector<16xi32>
        %jit3A_1118 = arith.constant 1.000000e+00 : f32
        %jit3A_1119 = arith.constant 0.000000e+00 : f32
        %broadcast_in_dim3A_1120 = vector.broadcast %jit3A_1118 : f32 to vector<16xf32>
        %broadcast_in_dim3A_1121 = vector.broadcast %jit3A_1119 : f32 to vector<16xf32>
        %select_n3A_1122 = arith.select %eq3A_1117, %broadcast_in_dim3A_1120, %broadcast_in_dim3A_1121 : vector<16xi1>, vector<16xf32>
        %swap3A_1123 = arith.constant 0 : i32
        %swap3A_1124 = arith.constant 14 : i32
        %swap3A_1125 = arith.index_cast %swap3A_1123 : i32 to index
        %swap3A_1126 = arith.index_cast %swap3A_1124 : i32 to index
        %swap3A_1127 = arith.index_cast %multiple_of3A_919 : i32 to index
        %swap3A_1128 = tpu.vector_load %arg5[%swap3A_1125, %swap3A_1126, %swap3A_1127] {strides = array<i32>} : memref<2x40x1024xf32, #tpu.memory_space<vmem>>, vector<1x1x16xf32>,
        %swap3A_1129 = vector.shape_cast %swap3A_1128 : vector<1x1x16xf32> to vector<16xf32>
        %swap3A_1130 = vector.shape_cast %select_n3A_1122 : vector<16xf32> to vector<1x1x16xf32>
        tpu.vector_store %arg5[%swap3A_1125, %swap3A_1126, %swap3A_1127], %swap3A_1130 {strides = array<i32>} : memref<2x40x1024xf32, #tpu.memory_space<vmem>>, vector<1x1x16xf32>,
        %eq3A_1131 = arith.cmpi eq, %get3A_922, %broadcast_in_dim3A_624 : vector<16xi32>
        %jit3A_1132 = arith.constant 1.000000e+00 : f32
        %jit3A_1133 = arith.constant 0.000000e+00 : f32
        %broadcast_in_dim3A_1134 = vector.broadcast %jit3A_1132 : f32 to vector<16xf32>
        %broadcast_in_dim3A_1135 = vector.broadcast %jit3A_1133 : f32 to vector<16xf32>
        %select_n3A_1136 = arith.select %eq3A_1131, %broadcast_in_dim3A_1134, %broadcast_in_dim3A_1135 : vector<16xi1>, vector<16xf32>
        %swap3A_1137 = arith.constant 0 : i32
        %swap3A_1138 = arith.constant 15 : i32
        %swap3A_1139 = arith.index_cast %swap3A_1137 : i32 to index
        %swap3A_1140 = arith.index_cast %swap3A_1138 : i32 to index
        %swap3A_1141 = arith.index_cast %multiple_of3A_919 : i32 to index
        %swap3A_1142 = tpu.vector_load %arg5[%swap3A_1139, %swap3A_1140, %swap3A_1141] {strides = array<i32>} : memref<2x40x1024xf32, #tpu.memory_space<vmem>>, vector<1x1x16xf32>,
        %swap3A_1143 = vector.shape_cast %swap3A_1142 : vector<1x1x16xf32> to vector<16xf32>
        %swap3A_1144 = vector.shape_cast %select_n3A_1136 : vector<16xf32> to vector<1x1x16xf32>
        tpu.vector_store %arg5[%swap3A_1139, %swap3A_1140, %swap3A_1141], %swap3A_1144 {strides = array<i32>} : memref<2x40x1024xf32, #tpu.memory_space<vmem>>, vector<1x1x16xf32>,
        %eq3A_1145 = arith.cmpi eq, %get3A_922, %broadcast_in_dim3A_627 : vector<16xi32>
        %jit3A_1146 = arith.constant 1.000000e+00 : f32
        %jit3A_1147 = arith.constant 0.000000e+00 : f32
        %broadcast_in_dim3A_1148 = vector.broadcast %jit3A_1146 : f32 to vector<16xf32>
        %broadcast_in_dim3A_1149 = vector.broadcast %jit3A_1147 : f32 to vector<16xf32>
        %select_n3A_1150 = arith.select %eq3A_1145, %broadcast_in_dim3A_1148, %broadcast_in_dim3A_1149 : vector<16xi1>, vector<16xf32>
        %swap3A_1151 = arith.constant 0 : i32
        %swap3A_1152 = arith.constant 16 : i32
        %swap3A_1153 = arith.index_cast %swap3A_1151 : i32 to index
        %swap3A_1154 = arith.index_cast %swap3A_1152 : i32 to index
        %swap3A_1155 = arith.index_cast %multiple_of3A_919 : i32 to index
        %swap3A_1156 = tpu.vector_load %arg5[%swap3A_1153, %swap3A_1154, %swap3A_1155] {strides = array<i32>} : memref<2x40x1024xf32, #tpu.memory_space<vmem>>, vector<1x1x16xf32>,
        %swap3A_1157 = vector.shape_cast %swap3A_1156 : vector<1x1x16xf32> to vector<16xf32>
        %swap3A_1158 = vector.shape_cast %select_n3A_1150 : vector<16xf32> to vector<1x1x16xf32>
        tpu.vector_store %arg5[%swap3A_1153, %swap3A_1154, %swap3A_1155], %swap3A_1158 {strides = array<i32>} : memref<2x40x1024xf32, #tpu.memory_space<vmem>>, vector<1x1x16xf32>,
        %eq3A_1159 = arith.cmpi eq, %get3A_922, %broadcast_in_dim3A_630 : vector<16xi32>
        %jit3A_1160 = arith.constant 1.000000e+00 : f32
        %jit3A_1161 = arith.constant 0.000000e+00 : f32
        %broadcast_in_dim3A_1162 = vector.broadcast %jit3A_1160 : f32 to vector<16xf32>
        %broadcast_in_dim3A_1163 = vector.broadcast %jit3A_1161 : f32 to vector<16xf32>
        %select_n3A_1164 = arith.select %eq3A_1159, %broadcast_in_dim3A_1162, %broadcast_in_dim3A_1163 : vector<16xi1>, vector<16xf32>
        %swap3A_1165 = arith.constant 0 : i32
        %swap3A_1166 = arith.constant 17 : i32
        %swap3A_1167 = arith.index_cast %swap3A_1165 : i32 to index
        %swap3A_1168 = arith.index_cast %swap3A_1166 : i32 to index
        %swap3A_1169 = arith.index_cast %multiple_of3A_919 : i32 to index
        %swap3A_1170 = tpu.vector_load %arg5[%swap3A_1167, %swap3A_1168, %swap3A_1169] {strides = array<i32>} : memref<2x40x1024xf32, #tpu.memory_space<vmem>>, vector<1x1x16xf32>,
        %swap3A_1171 = vector.shape_cast %swap3A_1170 : vector<1x1x16xf32> to vector<16xf32>
        %swap3A_1172 = vector.shape_cast %select_n3A_1164 : vector<16xf32> to vector<1x1x16xf32>
        tpu.vector_store %arg5[%swap3A_1167, %swap3A_1168, %swap3A_1169], %swap3A_1172 {strides = array<i32>} : memref<2x40x1024xf32, #tpu.memory_space<vmem>>, vector<1x1x16xf32>,
        %eq3A_1173 = arith.cmpi eq, %get3A_922, %broadcast_in_dim3A_633 : vector<16xi32>
        %jit3A_1174 = arith.constant 1.000000e+00 : f32
        %jit3A_1175 = arith.constant 0.000000e+00 : f32
        %broadcast_in_dim3A_1176 = vector.broadcast %jit3A_1174 : f32 to vector<16xf32>
        %broadcast_in_dim3A_1177 = vector.broadcast %jit3A_1175 : f32 to vector<16xf32>
        %select_n3A_1178 = arith.select %eq3A_1173, %broadcast_in_dim3A_1176, %broadcast_in_dim3A_1177 : vector<16xi1>, vector<16xf32>
        %swap3A_1179 = arith.constant 0 : i32
        %swap3A_1180 = arith.constant 18 : i32
        %swap3A_1181 = arith.index_cast %swap3A_1179 : i32 to index
        %swap3A_1182 = arith.index_cast %swap3A_1180 : i32 to index
        %swap3A_1183 = arith.index_cast %multiple_of3A_919 : i32 to index
        %swap3A_1184 = tpu.vector_load %arg5[%swap3A_1181, %swap3A_1182, %swap3A_1183] {strides = array<i32>} : memref<2x40x1024xf32, #tpu.memory_space<vmem>>, vector<1x1x16xf32>,
        %swap3A_1185 = vector.shape_cast %swap3A_1184 : vector<1x1x16xf32> to vector<16xf32>
        %swap3A_1186 = vector.shape_cast %select_n3A_1178 : vector<16xf32> to vector<1x1x16xf32>
        tpu.vector_store %arg5[%swap3A_1181, %swap3A_1182, %swap3A_1183], %swap3A_1186 {strides = array<i32>} : memref<2x40x1024xf32, #tpu.memory_space<vmem>>, vector<1x1x16xf32>,
        %eq3A_1187 = arith.cmpi eq, %get3A_922, %broadcast_in_dim3A_636 : vector<16xi32>
        %jit3A_1188 = arith.constant 1.000000e+00 : f32
        %jit3A_1189 = arith.constant 0.000000e+00 : f32
        %broadcast_in_dim3A_1190 = vector.broadcast %jit3A_1188 : f32 to vector<16xf32>
        %broadcast_in_dim3A_1191 = vector.broadcast %jit3A_1189 : f32 to vector<16xf32>
        %select_n3A_1192 = arith.select %eq3A_1187, %broadcast_in_dim3A_1190, %broadcast_in_dim3A_1191 : vector<16xi1>, vector<16xf32>
        %swap3A_1193 = arith.constant 0 : i32
        %swap3A_1194 = arith.constant 19 : i32
        %swap3A_1195 = arith.index_cast %swap3A_1193 : i32 to index
        %swap3A_1196 = arith.index_cast %swap3A_1194 : i32 to index
        %swap3A_1197 = arith.index_cast %multiple_of3A_919 : i32 to index
        %swap3A_1198 = tpu.vector_load %arg5[%swap3A_1195, %swap3A_1196, %swap3A_1197] {strides = array<i32>} : memref<2x40x1024xf32, #tpu.memory_space<vmem>>, vector<1x1x16xf32>,
        %swap3A_1199 = vector.shape_cast %swap3A_1198 : vector<1x1x16xf32> to vector<16xf32>
        %swap3A_1200 = vector.shape_cast %select_n3A_1192 : vector<16xf32> to vector<1x1x16xf32>
        tpu.vector_store %arg5[%swap3A_1195, %swap3A_1196, %swap3A_1197], %swap3A_1200 {strides = array<i32>} : memref<2x40x1024xf32, #tpu.memory_space<vmem>>, vector<1x1x16xf32>,
        %eq3A_1201 = arith.cmpi eq, %get3A_922, %broadcast_in_dim3A_639 : vector<16xi32>
        %jit3A_1202 = arith.constant 1.000000e+00 : f32
        %jit3A_1203 = arith.constant 0.000000e+00 : f32
        %broadcast_in_dim3A_1204 = vector.broadcast %jit3A_1202 : f32 to vector<16xf32>
        %broadcast_in_dim3A_1205 = vector.broadcast %jit3A_1203 : f32 to vector<16xf32>
        %select_n3A_1206 = arith.select %eq3A_1201, %broadcast_in_dim3A_1204, %broadcast_in_dim3A_1205 : vector<16xi1>, vector<16xf32>
        %swap3A_1207 = arith.constant 0 : i32
        %swap3A_1208 = arith.constant 20 : i32
        %swap3A_1209 = arith.index_cast %swap3A_1207 : i32 to index
        %swap3A_1210 = arith.index_cast %swap3A_1208 : i32 to index
        %swap3A_1211 = arith.index_cast %multiple_of3A_919 : i32 to index
        %swap3A_1212 = tpu.vector_load %arg5[%swap3A_1209, %swap3A_1210, %swap3A_1211] {strides = array<i32>} : memref<2x40x1024xf32, #tpu.memory_space<vmem>>, vector<1x1x16xf32>,
        %swap3A_1213 = vector.shape_cast %swap3A_1212 : vector<1x1x16xf32> to vector<16xf32>
        %swap3A_1214 = vector.shape_cast %select_n3A_1206 : vector<16xf32> to vector<1x1x16xf32>
        tpu.vector_store %arg5[%swap3A_1209, %swap3A_1210, %swap3A_1211], %swap3A_1214 {strides = array<i32>} : memref<2x40x1024xf32, #tpu.memory_space<vmem>>, vector<1x1x16xf32>,
        %eq3A_1215 = arith.cmpi eq, %get3A_922, %broadcast_in_dim3A_642 : vector<16xi32>
        %jit3A_1216 = arith.constant 1.000000e+00 : f32
        %jit3A_1217 = arith.constant 0.000000e+00 : f32
        %broadcast_in_dim3A_1218 = vector.broadcast %jit3A_1216 : f32 to vector<16xf32>
        %broadcast_in_dim3A_1219 = vector.broadcast %jit3A_1217 : f32 to vector<16xf32>
        %select_n3A_1220 = arith.select %eq3A_1215, %broadcast_in_dim3A_1218, %broadcast_in_dim3A_1219 : vector<16xi1>, vector<16xf32>
        %swap3A_1221 = arith.constant 0 : i32
        %swap3A_1222 = arith.constant 21 : i32
        %swap3A_1223 = arith.index_cast %swap3A_1221 : i32 to index
        %swap3A_1224 = arith.index_cast %swap3A_1222 : i32 to index
        %swap3A_1225 = arith.index_cast %multiple_of3A_919 : i32 to index
        %swap3A_1226 = tpu.vector_load %arg5[%swap3A_1223, %swap3A_1224, %swap3A_1225] {strides = array<i32>} : memref<2x40x1024xf32, #tpu.memory_space<vmem>>, vector<1x1x16xf32>,
        %swap3A_1227 = vector.shape_cast %swap3A_1226 : vector<1x1x16xf32> to vector<16xf32>
        %swap3A_1228 = vector.shape_cast %select_n3A_1220 : vector<16xf32> to vector<1x1x16xf32>
        tpu.vector_store %arg5[%swap3A_1223, %swap3A_1224, %swap3A_1225], %swap3A_1228 {strides = array<i32>} : memref<2x40x1024xf32, #tpu.memory_space<vmem>>, vector<1x1x16xf32>,
        %eq3A_1229 = arith.cmpi eq, %get3A_922, %broadcast_in_dim3A_645 : vector<16xi32>
        %jit3A_1230 = arith.constant 1.000000e+00 : f32
        %jit3A_1231 = arith.constant 0.000000e+00 : f32
        %broadcast_in_dim3A_1232 = vector.broadcast %jit3A_1230 : f32 to vector<16xf32>
        %broadcast_in_dim3A_1233 = vector.broadcast %jit3A_1231 : f32 to vector<16xf32>
        %select_n3A_1234 = arith.select %eq3A_1229, %broadcast_in_dim3A_1232, %broadcast_in_dim3A_1233 : vector<16xi1>, vector<16xf32>
        %swap3A_1235 = arith.constant 0 : i32
        %swap3A_1236 = arith.constant 22 : i32
        %swap3A_1237 = arith.index_cast %swap3A_1235 : i32 to index
        %swap3A_1238 = arith.index_cast %swap3A_1236 : i32 to index
        %swap3A_1239 = arith.index_cast %multiple_of3A_919 : i32 to index
        %swap3A_1240 = tpu.vector_load %arg5[%swap3A_1237, %swap3A_1238, %swap3A_1239] {strides = array<i32>} : memref<2x40x1024xf32, #tpu.memory_space<vmem>>, vector<1x1x16xf32>,
        %swap3A_1241 = vector.shape_cast %swap3A_1240 : vector<1x1x16xf32> to vector<16xf32>
        %swap3A_1242 = vector.shape_cast %select_n3A_1234 : vector<16xf32> to vector<1x1x16xf32>
        tpu.vector_store %arg5[%swap3A_1237, %swap3A_1238, %swap3A_1239], %swap3A_1242 {strides = array<i32>} : memref<2x40x1024xf32, #tpu.memory_space<vmem>>, vector<1x1x16xf32>,
        %eq3A_1243 = arith.cmpi eq, %get3A_922, %broadcast_in_dim3A_648 : vector<16xi32>
        %jit3A_1244 = arith.constant 1.000000e+00 : f32
        %jit3A_1245 = arith.constant 0.000000e+00 : f32
        %broadcast_in_dim3A_1246 = vector.broadcast %jit3A_1244 : f32 to vector<16xf32>
        %broadcast_in_dim3A_1247 = vector.broadcast %jit3A_1245 : f32 to vector<16xf32>
        %select_n3A_1248 = arith.select %eq3A_1243, %broadcast_in_dim3A_1246, %broadcast_in_dim3A_1247 : vector<16xi1>, vector<16xf32>
        %swap3A_1249 = arith.constant 0 : i32
        %swap3A_1250 = arith.constant 23 : i32
        %swap3A_1251 = arith.index_cast %swap3A_1249 : i32 to index
        %swap3A_1252 = arith.index_cast %swap3A_1250 : i32 to index
        %swap3A_1253 = arith.index_cast %multiple_of3A_919 : i32 to index
        %swap3A_1254 = tpu.vector_load %arg5[%swap3A_1251, %swap3A_1252, %swap3A_1253] {strides = array<i32>} : memref<2x40x1024xf32, #tpu.memory_space<vmem>>, vector<1x1x16xf32>,
        %swap3A_1255 = vector.shape_cast %swap3A_1254 : vector<1x1x16xf32> to vector<16xf32>
        %swap3A_1256 = vector.shape_cast %select_n3A_1248 : vector<16xf32> to vector<1x1x16xf32>
        tpu.vector_store %arg5[%swap3A_1251, %swap3A_1252, %swap3A_1253], %swap3A_1256 {strides = array<i32>} : memref<2x40x1024xf32, #tpu.memory_space<vmem>>, vector<1x1x16xf32>,
        %eq3A_1257 = arith.cmpi eq, %get3A_922, %broadcast_in_dim3A_651 : vector<16xi32>
        %jit3A_1258 = arith.constant 1.000000e+00 : f32
        %jit3A_1259 = arith.constant 0.000000e+00 : f32
        %broadcast_in_dim3A_1260 = vector.broadcast %jit3A_1258 : f32 to vector<16xf32>
        %broadcast_in_dim3A_1261 = vector.broadcast %jit3A_1259 : f32 to vector<16xf32>
        %select_n3A_1262 = arith.select %eq3A_1257, %broadcast_in_dim3A_1260, %broadcast_in_dim3A_1261 : vector<16xi1>, vector<16xf32>
        %swap3A_1263 = arith.constant 0 : i32
        %swap3A_1264 = arith.constant 24 : i32
        %swap3A_1265 = arith.index_cast %swap3A_1263 : i32 to index
        %swap3A_1266 = arith.index_cast %swap3A_1264 : i32 to index
        %swap3A_1267 = arith.index_cast %multiple_of3A_919 : i32 to index
        %swap3A_1268 = tpu.vector_load %arg5[%swap3A_1265, %swap3A_1266, %swap3A_1267] {strides = array<i32>} : memref<2x40x1024xf32, #tpu.memory_space<vmem>>, vector<1x1x16xf32>,
        %swap3A_1269 = vector.shape_cast %swap3A_1268 : vector<1x1x16xf32> to vector<16xf32>
        %swap3A_1270 = vector.shape_cast %select_n3A_1262 : vector<16xf32> to vector<1x1x16xf32>
        tpu.vector_store %arg5[%swap3A_1265, %swap3A_1266, %swap3A_1267], %swap3A_1270 {strides = array<i32>} : memref<2x40x1024xf32, #tpu.memory_space<vmem>>, vector<1x1x16xf32>,
        %eq3A_1271 = arith.cmpi eq, %get3A_922, %broadcast_in_dim3A_654 : vector<16xi32>
        %jit3A_1272 = arith.constant 1.000000e+00 : f32
        %jit3A_1273 = arith.constant 0.000000e+00 : f32
        %broadcast_in_dim3A_1274 = vector.broadcast %jit3A_1272 : f32 to vector<16xf32>
        %broadcast_in_dim3A_1275 = vector.broadcast %jit3A_1273 : f32 to vector<16xf32>
        %select_n3A_1276 = arith.select %eq3A_1271, %broadcast_in_dim3A_1274, %broadcast_in_dim3A_1275 : vector<16xi1>, vector<16xf32>
        %swap3A_1277 = arith.constant 0 : i32
        %swap3A_1278 = arith.constant 25 : i32
        %swap3A_1279 = arith.index_cast %swap3A_1277 : i32 to index
        %swap3A_1280 = arith.index_cast %swap3A_1278 : i32 to index
        %swap3A_1281 = arith.index_cast %multiple_of3A_919 : i32 to index
        %swap3A_1282 = tpu.vector_load %arg5[%swap3A_1279, %swap3A_1280, %swap3A_1281] {strides = array<i32>} : memref<2x40x1024xf32, #tpu.memory_space<vmem>>, vector<1x1x16xf32>,
        %swap3A_1283 = vector.shape_cast %swap3A_1282 : vector<1x1x16xf32> to vector<16xf32>
        %swap3A_1284 = vector.shape_cast %select_n3A_1276 : vector<16xf32> to vector<1x1x16xf32>
        tpu.vector_store %arg5[%swap3A_1279, %swap3A_1280, %swap3A_1281], %swap3A_1284 {strides = array<i32>} : memref<2x40x1024xf32, #tpu.memory_space<vmem>>, vector<1x1x16xf32>,
        %eq3A_1285 = arith.cmpi eq, %get3A_922, %broadcast_in_dim3A_657 : vector<16xi32>
        %jit3A_1286 = arith.constant 1.000000e+00 : f32
        %jit3A_1287 = arith.constant 0.000000e+00 : f32
        %broadcast_in_dim3A_1288 = vector.broadcast %jit3A_1286 : f32 to vector<16xf32>
        %broadcast_in_dim3A_1289 = vector.broadcast %jit3A_1287 : f32 to vector<16xf32>
        %select_n3A_1290 = arith.select %eq3A_1285, %broadcast_in_dim3A_1288, %broadcast_in_dim3A_1289 : vector<16xi1>, vector<16xf32>
        %swap3A_1291 = arith.constant 0 : i32
        %swap3A_1292 = arith.constant 26 : i32
        %swap3A_1293 = arith.index_cast %swap3A_1291 : i32 to index
        %swap3A_1294 = arith.index_cast %swap3A_1292 : i32 to index
        %swap3A_1295 = arith.index_cast %multiple_of3A_919 : i32 to index
        %swap3A_1296 = tpu.vector_load %arg5[%swap3A_1293, %swap3A_1294, %swap3A_1295] {strides = array<i32>} : memref<2x40x1024xf32, #tpu.memory_space<vmem>>, vector<1x1x16xf32>,
        %swap3A_1297 = vector.shape_cast %swap3A_1296 : vector<1x1x16xf32> to vector<16xf32>
        %swap3A_1298 = vector.shape_cast %select_n3A_1290 : vector<16xf32> to vector<1x1x16xf32>
        tpu.vector_store %arg5[%swap3A_1293, %swap3A_1294, %swap3A_1295], %swap3A_1298 {strides = array<i32>} : memref<2x40x1024xf32, #tpu.memory_space<vmem>>, vector<1x1x16xf32>,
        %eq3A_1299 = arith.cmpi eq, %get3A_922, %broadcast_in_dim3A_660 : vector<16xi32>
        %jit3A_1300 = arith.constant 1.000000e+00 : f32
        %jit3A_1301 = arith.constant 0.000000e+00 : f32
        %broadcast_in_dim3A_1302 = vector.broadcast %jit3A_1300 : f32 to vector<16xf32>
        %broadcast_in_dim3A_1303 = vector.broadcast %jit3A_1301 : f32 to vector<16xf32>
        %select_n3A_1304 = arith.select %eq3A_1299, %broadcast_in_dim3A_1302, %broadcast_in_dim3A_1303 : vector<16xi1>, vector<16xf32>
        %swap3A_1305 = arith.constant 0 : i32
        %swap3A_1306 = arith.constant 27 : i32
        %swap3A_1307 = arith.index_cast %swap3A_1305 : i32 to index
        %swap3A_1308 = arith.index_cast %swap3A_1306 : i32 to index
        %swap3A_1309 = arith.index_cast %multiple_of3A_919 : i32 to index
        %swap3A_1310 = tpu.vector_load %arg5[%swap3A_1307, %swap3A_1308, %swap3A_1309] {strides = array<i32>} : memref<2x40x1024xf32, #tpu.memory_space<vmem>>, vector<1x1x16xf32>,
        %swap3A_1311 = vector.shape_cast %swap3A_1310 : vector<1x1x16xf32> to vector<16xf32>
        %swap3A_1312 = vector.shape_cast %select_n3A_1304 : vector<16xf32> to vector<1x1x16xf32>
        tpu.vector_store %arg5[%swap3A_1307, %swap3A_1308, %swap3A_1309], %swap3A_1312 {strides = array<i32>} : memref<2x40x1024xf32, #tpu.memory_space<vmem>>, vector<1x1x16xf32>,
        %eq3A_1313 = arith.cmpi eq, %get3A_922, %broadcast_in_dim3A_663 : vector<16xi32>
        %jit3A_1314 = arith.constant 1.000000e+00 : f32
        %jit3A_1315 = arith.constant 0.000000e+00 : f32
        %broadcast_in_dim3A_1316 = vector.broadcast %jit3A_1314 : f32 to vector<16xf32>
        %broadcast_in_dim3A_1317 = vector.broadcast %jit3A_1315 : f32 to vector<16xf32>
        %select_n3A_1318 = arith.select %eq3A_1313, %broadcast_in_dim3A_1316, %broadcast_in_dim3A_1317 : vector<16xi1>, vector<16xf32>
        %swap3A_1319 = arith.constant 0 : i32
        %swap3A_1320 = arith.constant 28 : i32
        %swap3A_1321 = arith.index_cast %swap3A_1319 : i32 to index
        %swap3A_1322 = arith.index_cast %swap3A_1320 : i32 to index
        %swap3A_1323 = arith.index_cast %multiple_of3A_919 : i32 to index
        %swap3A_1324 = tpu.vector_load %arg5[%swap3A_1321, %swap3A_1322, %swap3A_1323] {strides = array<i32>} : memref<2x40x1024xf32, #tpu.memory_space<vmem>>, vector<1x1x16xf32>,
        %swap3A_1325 = vector.shape_cast %swap3A_1324 : vector<1x1x16xf32> to vector<16xf32>
        %swap3A_1326 = vector.shape_cast %select_n3A_1318 : vector<16xf32> to vector<1x1x16xf32>
        tpu.vector_store %arg5[%swap3A_1321, %swap3A_1322, %swap3A_1323], %swap3A_1326 {strides = array<i32>} : memref<2x40x1024xf32, #tpu.memory_space<vmem>>, vector<1x1x16xf32>,
        %eq3A_1327 = arith.cmpi eq, %get3A_922, %broadcast_in_dim3A_666 : vector<16xi32>
        %jit3A_1328 = arith.constant 1.000000e+00 : f32
        %jit3A_1329 = arith.constant 0.000000e+00 : f32
        %broadcast_in_dim3A_1330 = vector.broadcast %jit3A_1328 : f32 to vector<16xf32>
        %broadcast_in_dim3A_1331 = vector.broadcast %jit3A_1329 : f32 to vector<16xf32>
        %select_n3A_1332 = arith.select %eq3A_1327, %broadcast_in_dim3A_1330, %broadcast_in_dim3A_1331 : vector<16xi1>, vector<16xf32>
        %swap3A_1333 = arith.constant 0 : i32
        %swap3A_1334 = arith.constant 29 : i32
        %swap3A_1335 = arith.index_cast %swap3A_1333 : i32 to index
        %swap3A_1336 = arith.index_cast %swap3A_1334 : i32 to index
        %swap3A_1337 = arith.index_cast %multiple_of3A_919 : i32 to index
        %swap3A_1338 = tpu.vector_load %arg5[%swap3A_1335, %swap3A_1336, %swap3A_1337] {strides = array<i32>} : memref<2x40x1024xf32, #tpu.memory_space<vmem>>, vector<1x1x16xf32>,
        %swap3A_1339 = vector.shape_cast %swap3A_1338 : vector<1x1x16xf32> to vector<16xf32>
        %swap3A_1340 = vector.shape_cast %select_n3A_1332 : vector<16xf32> to vector<1x1x16xf32>
        tpu.vector_store %arg5[%swap3A_1335, %swap3A_1336, %swap3A_1337], %swap3A_1340 {strides = array<i32>} : memref<2x40x1024xf32, #tpu.memory_space<vmem>>, vector<1x1x16xf32>,
        %eq3A_1341 = arith.cmpi eq, %get3A_922, %broadcast_in_dim3A_669 : vector<16xi32>
        %jit3A_1342 = arith.constant 1.000000e+00 : f32
        %jit3A_1343 = arith.constant 0.000000e+00 : f32
        %broadcast_in_dim3A_1344 = vector.broadcast %jit3A_1342 : f32 to vector<16xf32>
        %broadcast_in_dim3A_1345 = vector.broadcast %jit3A_1343 : f32 to vector<16xf32>
        %select_n3A_1346 = arith.select %eq3A_1341, %broadcast_in_dim3A_1344, %broadcast_in_dim3A_1345 : vector<16xi1>, vector<16xf32>
        %swap3A_1347 = arith.constant 0 : i32
        %swap3A_1348 = arith.constant 30 : i32
        %swap3A_1349 = arith.index_cast %swap3A_1347 : i32 to index
        %swap3A_1350 = arith.index_cast %swap3A_1348 : i32 to index
        %swap3A_1351 = arith.index_cast %multiple_of3A_919 : i32 to index
        %swap3A_1352 = tpu.vector_load %arg5[%swap3A_1349, %swap3A_1350, %swap3A_1351] {strides = array<i32>} : memref<2x40x1024xf32, #tpu.memory_space<vmem>>, vector<1x1x16xf32>,
        %swap3A_1353 = vector.shape_cast %swap3A_1352 : vector<1x1x16xf32> to vector<16xf32>
        %swap3A_1354 = vector.shape_cast %select_n3A_1346 : vector<16xf32> to vector<1x1x16xf32>
        tpu.vector_store %arg5[%swap3A_1349, %swap3A_1350, %swap3A_1351], %swap3A_1354 {strides = array<i32>} : memref<2x40x1024xf32, #tpu.memory_space<vmem>>, vector<1x1x16xf32>,
        %eq3A_1355 = arith.cmpi eq, %get3A_922, %broadcast_in_dim3A_672 : vector<16xi32>
        %jit3A_1356 = arith.constant 1.000000e+00 : f32
        %jit3A_1357 = arith.constant 0.000000e+00 : f32
        %broadcast_in_dim3A_1358 = vector.broadcast %jit3A_1356 : f32 to vector<16xf32>
        %broadcast_in_dim3A_1359 = vector.broadcast %jit3A_1357 : f32 to vector<16xf32>
        %select_n3A_1360 = arith.select %eq3A_1355, %broadcast_in_dim3A_1358, %broadcast_in_dim3A_1359 : vector<16xi1>, vector<16xf32>
        %swap3A_1361 = arith.constant 0 : i32
        %swap3A_1362 = arith.constant 31 : i32
        %swap3A_1363 = arith.index_cast %swap3A_1361 : i32 to index
        %swap3A_1364 = arith.index_cast %swap3A_1362 : i32 to index
        %swap3A_1365 = arith.index_cast %multiple_of3A_919 : i32 to index
        %swap3A_1366 = tpu.vector_load %arg5[%swap3A_1363, %swap3A_1364, %swap3A_1365] {strides = array<i32>} : memref<2x40x1024xf32, #tpu.memory_space<vmem>>, vector<1x1x16xf32>,
        %swap3A_1367 = vector.shape_cast %swap3A_1366 : vector<1x1x16xf32> to vector<16xf32>
        %swap3A_1368 = vector.shape_cast %select_n3A_1360 : vector<16xf32> to vector<1x1x16xf32>
        tpu.vector_store %arg5[%swap3A_1363, %swap3A_1364, %swap3A_1365], %swap3A_1368 {strides = array<i32>} : memref<2x40x1024xf32, #tpu.memory_space<vmem>>, vector<1x1x16xf32>,
        %eq3A_1369 = arith.cmpi eq, %get3A_922, %broadcast_in_dim3A_675 : vector<16xi32>
        %jit3A_1370 = arith.constant 1.000000e+00 : f32
        %jit3A_1371 = arith.constant 0.000000e+00 : f32
        %broadcast_in_dim3A_1372 = vector.broadcast %jit3A_1370 : f32 to vector<16xf32>
        %broadcast_in_dim3A_1373 = vector.broadcast %jit3A_1371 : f32 to vector<16xf32>
        %select_n3A_1374 = arith.select %eq3A_1369, %broadcast_in_dim3A_1372, %broadcast_in_dim3A_1373 : vector<16xi1>, vector<16xf32>
        %swap3A_1375 = arith.constant 0 : i32
        %swap3A_1376 = arith.constant 32 : i32
        %swap3A_1377 = arith.index_cast %swap3A_1375 : i32 to index
        %swap3A_1378 = arith.index_cast %swap3A_1376 : i32 to index
        %swap3A_1379 = arith.index_cast %multiple_of3A_919 : i32 to index
        %swap3A_1380 = tpu.vector_load %arg5[%swap3A_1377, %swap3A_1378, %swap3A_1379] {strides = array<i32>} : memref<2x40x1024xf32, #tpu.memory_space<vmem>>, vector<1x1x16xf32>,
        %swap3A_1381 = vector.shape_cast %swap3A_1380 : vector<1x1x16xf32> to vector<16xf32>
        %swap3A_1382 = vector.shape_cast %select_n3A_1374 : vector<16xf32> to vector<1x1x16xf32>
        tpu.vector_store %arg5[%swap3A_1377, %swap3A_1378, %swap3A_1379], %swap3A_1382 {strides = array<i32>} : memref<2x40x1024xf32, #tpu.memory_space<vmem>>, vector<1x1x16xf32>,
        %eq3A_1383 = arith.cmpi eq, %get3A_922, %broadcast_in_dim3A_678 : vector<16xi32>
        %jit3A_1384 = arith.constant 1.000000e+00 : f32
        %jit3A_1385 = arith.constant 0.000000e+00 : f32
        %broadcast_in_dim3A_1386 = vector.broadcast %jit3A_1384 : f32 to vector<16xf32>
        %broadcast_in_dim3A_1387 = vector.broadcast %jit3A_1385 : f32 to vector<16xf32>
        %select_n3A_1388 = arith.select %eq3A_1383, %broadcast_in_dim3A_1386, %broadcast_in_dim3A_1387 : vector<16xi1>, vector<16xf32>
        %swap3A_1389 = arith.constant 0 : i32
        %swap3A_1390 = arith.constant 33 : i32
        %swap3A_1391 = arith.index_cast %swap3A_1389 : i32 to index
        %swap3A_1392 = arith.index_cast %swap3A_1390 : i32 to index
        %swap3A_1393 = arith.index_cast %multiple_of3A_919 : i32 to index
        %swap3A_1394 = tpu.vector_load %arg5[%swap3A_1391, %swap3A_1392, %swap3A_1393] {strides = array<i32>} : memref<2x40x1024xf32, #tpu.memory_space<vmem>>, vector<1x1x16xf32>,
        %swap3A_1395 = vector.shape_cast %swap3A_1394 : vector<1x1x16xf32> to vector<16xf32>
        %swap3A_1396 = vector.shape_cast %select_n3A_1388 : vector<16xf32> to vector<1x1x16xf32>
        tpu.vector_store %arg5[%swap3A_1391, %swap3A_1392, %swap3A_1393], %swap3A_1396 {strides = array<i32>} : memref<2x40x1024xf32, #tpu.memory_space<vmem>>, vector<1x1x16xf32>,
        %eq3A_1397 = arith.cmpi eq, %get3A_922, %broadcast_in_dim3A_681 : vector<16xi32>
        %jit3A_1398 = arith.constant 1.000000e+00 : f32
        %jit3A_1399 = arith.constant 0.000000e+00 : f32
        %broadcast_in_dim3A_1400 = vector.broadcast %jit3A_1398 : f32 to vector<16xf32>
        %broadcast_in_dim3A_1401 = vector.broadcast %jit3A_1399 : f32 to vector<16xf32>
        %select_n3A_1402 = arith.select %eq3A_1397, %broadcast_in_dim3A_1400, %broadcast_in_dim3A_1401 : vector<16xi1>, vector<16xf32>
        %swap3A_1403 = arith.constant 0 : i32
        %swap3A_1404 = arith.constant 34 : i32
        %swap3A_1405 = arith.index_cast %swap3A_1403 : i32 to index
        %swap3A_1406 = arith.index_cast %swap3A_1404 : i32 to index
        %swap3A_1407 = arith.index_cast %multiple_of3A_919 : i32 to index
        %swap3A_1408 = tpu.vector_load %arg5[%swap3A_1405, %swap3A_1406, %swap3A_1407] {strides = array<i32>} : memref<2x40x1024xf32, #tpu.memory_space<vmem>>, vector<1x1x16xf32>,
        %swap3A_1409 = vector.shape_cast %swap3A_1408 : vector<1x1x16xf32> to vector<16xf32>
        %swap3A_1410 = vector.shape_cast %select_n3A_1402 : vector<16xf32> to vector<1x1x16xf32>
        tpu.vector_store %arg5[%swap3A_1405, %swap3A_1406, %swap3A_1407], %swap3A_1410 {strides = array<i32>} : memref<2x40x1024xf32, #tpu.memory_space<vmem>>, vector<1x1x16xf32>,
        %eq3A_1411 = arith.cmpi eq, %get3A_922, %broadcast_in_dim3A_684 : vector<16xi32>
        %jit3A_1412 = arith.constant 1.000000e+00 : f32
        %jit3A_1413 = arith.constant 0.000000e+00 : f32
        %broadcast_in_dim3A_1414 = vector.broadcast %jit3A_1412 : f32 to vector<16xf32>
        %broadcast_in_dim3A_1415 = vector.broadcast %jit3A_1413 : f32 to vector<16xf32>
        %select_n3A_1416 = arith.select %eq3A_1411, %broadcast_in_dim3A_1414, %broadcast_in_dim3A_1415 : vector<16xi1>, vector<16xf32>
        %swap3A_1417 = arith.constant 0 : i32
        %swap3A_1418 = arith.constant 35 : i32
        %swap3A_1419 = arith.index_cast %swap3A_1417 : i32 to index
        %swap3A_1420 = arith.index_cast %swap3A_1418 : i32 to index
        %swap3A_1421 = arith.index_cast %multiple_of3A_919 : i32 to index
        %swap3A_1422 = tpu.vector_load %arg5[%swap3A_1419, %swap3A_1420, %swap3A_1421] {strides = array<i32>} : memref<2x40x1024xf32, #tpu.memory_space<vmem>>, vector<1x1x16xf32>,
        %swap3A_1423 = vector.shape_cast %swap3A_1422 : vector<1x1x16xf32> to vector<16xf32>
        %swap3A_1424 = vector.shape_cast %select_n3A_1416 : vector<16xf32> to vector<1x1x16xf32>
        tpu.vector_store %arg5[%swap3A_1419, %swap3A_1420, %swap3A_1421], %swap3A_1424 {strides = array<i32>} : memref<2x40x1024xf32, #tpu.memory_space<vmem>>, vector<1x1x16xf32>,
        %eq3A_1425 = arith.cmpi eq, %get3A_922, %broadcast_in_dim3A_687 : vector<16xi32>
        %jit3A_1426 = arith.constant 1.000000e+00 : f32
        %jit3A_1427 = arith.constant 0.000000e+00 : f32
        %broadcast_in_dim3A_1428 = vector.broadcast %jit3A_1426 : f32 to vector<16xf32>
        %broadcast_in_dim3A_1429 = vector.broadcast %jit3A_1427 : f32 to vector<16xf32>
        %select_n3A_1430 = arith.select %eq3A_1425, %broadcast_in_dim3A_1428, %broadcast_in_dim3A_1429 : vector<16xi1>, vector<16xf32>
        %swap3A_1431 = arith.constant 0 : i32
        %swap3A_1432 = arith.constant 36 : i32
        %swap3A_1433 = arith.index_cast %swap3A_1431 : i32 to index
        %swap3A_1434 = arith.index_cast %swap3A_1432 : i32 to index
        %swap3A_1435 = arith.index_cast %multiple_of3A_919 : i32 to index
        %swap3A_1436 = tpu.vector_load %arg5[%swap3A_1433, %swap3A_1434, %swap3A_1435] {strides = array<i32>} : memref<2x40x1024xf32, #tpu.memory_space<vmem>>, vector<1x1x16xf32>,
        %swap3A_1437 = vector.shape_cast %swap3A_1436 : vector<1x1x16xf32> to vector<16xf32>
        %swap3A_1438 = vector.shape_cast %select_n3A_1430 : vector<16xf32> to vector<1x1x16xf32>
        tpu.vector_store %arg5[%swap3A_1433, %swap3A_1434, %swap3A_1435], %swap3A_1438 {strides = array<i32>} : memref<2x40x1024xf32, #tpu.memory_space<vmem>>, vector<1x1x16xf32>,
        %eq3A_1439 = arith.cmpi eq, %get3A_922, %broadcast_in_dim3A_690 : vector<16xi32>
        %jit3A_1440 = arith.constant 1.000000e+00 : f32
        %jit3A_1441 = arith.constant 0.000000e+00 : f32
        %broadcast_in_dim3A_1442 = vector.broadcast %jit3A_1440 : f32 to vector<16xf32>
        %broadcast_in_dim3A_1443 = vector.broadcast %jit3A_1441 : f32 to vector<16xf32>
        %select_n3A_1444 = arith.select %eq3A_1439, %broadcast_in_dim3A_1442, %broadcast_in_dim3A_1443 : vector<16xi1>, vector<16xf32>
        %swap3A_1445 = arith.constant 0 : i32
        %swap3A_1446 = arith.constant 37 : i32
        %swap3A_1447 = arith.index_cast %swap3A_1445 : i32 to index
        %swap3A_1448 = arith.index_cast %swap3A_1446 : i32 to index
        %swap3A_1449 = arith.index_cast %multiple_of3A_919 : i32 to index
        %swap3A_1450 = tpu.vector_load %arg5[%swap3A_1447, %swap3A_1448, %swap3A_1449] {strides = array<i32>} : memref<2x40x1024xf32, #tpu.memory_space<vmem>>, vector<1x1x16xf32>,
        %swap3A_1451 = vector.shape_cast %swap3A_1450 : vector<1x1x16xf32> to vector<16xf32>
        %swap3A_1452 = vector.shape_cast %select_n3A_1444 : vector<16xf32> to vector<1x1x16xf32>
        tpu.vector_store %arg5[%swap3A_1447, %swap3A_1448, %swap3A_1449], %swap3A_1452 {strides = array<i32>} : memref<2x40x1024xf32, #tpu.memory_space<vmem>>, vector<1x1x16xf32>,
        %eq3A_1453 = arith.cmpi eq, %get3A_922, %broadcast_in_dim3A_693 : vector<16xi32>
        %jit3A_1454 = arith.constant 1.000000e+00 : f32
        %jit3A_1455 = arith.constant 0.000000e+00 : f32
        %broadcast_in_dim3A_1456 = vector.broadcast %jit3A_1454 : f32 to vector<16xf32>
        %broadcast_in_dim3A_1457 = vector.broadcast %jit3A_1455 : f32 to vector<16xf32>
        %select_n3A_1458 = arith.select %eq3A_1453, %broadcast_in_dim3A_1456, %broadcast_in_dim3A_1457 : vector<16xi1>, vector<16xf32>
        %swap3A_1459 = arith.constant 0 : i32
        %swap3A_1460 = arith.constant 38 : i32
        %swap3A_1461 = arith.index_cast %swap3A_1459 : i32 to index
        %swap3A_1462 = arith.index_cast %swap3A_1460 : i32 to index
        %swap3A_1463 = arith.index_cast %multiple_of3A_919 : i32 to index
        %swap3A_1464 = tpu.vector_load %arg5[%swap3A_1461, %swap3A_1462, %swap3A_1463] {strides = array<i32>} : memref<2x40x1024xf32, #tpu.memory_space<vmem>>, vector<1x1x16xf32>,
        %swap3A_1465 = vector.shape_cast %swap3A_1464 : vector<1x1x16xf32> to vector<16xf32>
        %swap3A_1466 = vector.shape_cast %select_n3A_1458 : vector<16xf32> to vector<1x1x16xf32>
        tpu.vector_store %arg5[%swap3A_1461, %swap3A_1462, %swap3A_1463], %swap3A_1466 {strides = array<i32>} : memref<2x40x1024xf32, #tpu.memory_space<vmem>>, vector<1x1x16xf32>,
        %eq3A_1467 = arith.cmpi eq, %get3A_922, %broadcast_in_dim3A_696 : vector<16xi32>
        %jit3A_1468 = arith.constant 1.000000e+00 : f32
        %jit3A_1469 = arith.constant 0.000000e+00 : f32
        %broadcast_in_dim3A_1470 = vector.broadcast %jit3A_1468 : f32 to vector<16xf32>
        %broadcast_in_dim3A_1471 = vector.broadcast %jit3A_1469 : f32 to vector<16xf32>
        %select_n3A_1472 = arith.select %eq3A_1467, %broadcast_in_dim3A_1470, %broadcast_in_dim3A_1471 : vector<16xi1>, vector<16xf32>
        %swap3A_1473 = arith.constant 0 : i32
        %swap3A_1474 = arith.constant 39 : i32
        %swap3A_1475 = arith.index_cast %swap3A_1473 : i32 to index
        %swap3A_1476 = arith.index_cast %swap3A_1474 : i32 to index
        %swap3A_1477 = arith.index_cast %multiple_of3A_919 : i32 to index
        %swap3A_1478 = tpu.vector_load %arg5[%swap3A_1475, %swap3A_1476, %swap3A_1477] {strides = array<i32>} : memref<2x40x1024xf32, #tpu.memory_space<vmem>>, vector<1x1x16xf32>,
        %swap3A_1479 = vector.shape_cast %swap3A_1478 : vector<1x1x16xf32> to vector<16xf32>
        %swap3A_1480 = vector.shape_cast %select_n3A_1472 : vector<16xf32> to vector<1x1x16xf32>
        tpu.vector_store %arg5[%swap3A_1475, %swap3A_1476, %swap3A_1477], %swap3A_1480 {strides = array<i32>} : memref<2x40x1024xf32, #tpu.memory_space<vmem>>, vector<1x1x16xf32>,
        %scan3A_1481 = arith.constant 0 : i32
        scf.yield %scan3A_1481 : i32
      }
      %scan3A_703 = arith.constant 64 : i32
      %dma_start3A_704 = arith.constant 0 : i32
      %dma_start3A_705 = arith.constant 0 : i32
      %dma_start3A_706 = arith.constant 0 : i32
      %dma_start3A_707 = tpu.memref_slice %arg5[%dma_start3A_704, %dma_start3A_705, %dma_start3A_706] : memref<2x40x1024xf32, #tpu.memory_space<vmem>> -> memref<1x40x1024xf32, #tpu.memory_space<vmem>>
      %dma_start3A_708 = tpu.memref_squeeze %dma_start3A_707 : memref<1x40x1024xf32, #tpu.memory_space<vmem>> -> memref<40x1024xf32, #tpu.memory_space<vmem>>
      %dma_start3A_709 = arith.constant 0 : i32
      %dma_start3A_710 = tpu.memref_slice %arg3[%multiple_of3A_527, %dma_start3A_709] : memref<50000x1024xf32, #tpu.memory_space<hbm>> -> memref<40x1024xf32, #tpu.memory_space<hbm>>
      %dma_start3A_711 = arith.constant 0 : i32
      %dma_start3A_712 = tpu.memref_slice %arg3[%multiple_of3A_527, %dma_start3A_711] : memref<50000x1024xf32, #tpu.memory_space<hbm>> -> memref<40x1024xf32, #tpu.memory_space<hbm>>
      %dma_start3A_713 = arith.constant 0 : i32
      %dma_start3A_714 = arith.constant 0 : i32
      %dma_start3A_715 = tpu.memref_slice %arg5[%dma_start3A_704, %dma_start3A_713, %dma_start3A_714] : memref<2x40x1024xf32, #tpu.memory_space<vmem>> -> memref<1x40x1024xf32, #tpu.memory_space<vmem>>
      %dma_start3A_716 = tpu.memref_squeeze %dma_start3A_715 : memref<1x40x1024xf32, #tpu.memory_space<vmem>> -> memref<40x1024xf32, #tpu.memory_space<vmem>>
      tpu.enqueue_dma source(%dma_start3A_716 : memref<40x1024xf32, #tpu.memory_space<vmem>>) target(%dma_start3A_712 : memref<40x1024xf32, #tpu.memory_space<hbm>>) target_semaphore(%arg6 : memref<!tpu.dma_semaphore, #tpu.memory_space<semaphore_mem>>)
      %mul3A_717 = arith.constant 2 : i32
      %mul3A_718 = arith.muli %mul3A_717, %scan3A_518 : i32
      %add3A_719 = arith.addi %select_n3A, %mul3A_718 : i32
      %add3A_720 = arith.constant 1 : i32
      %add3A_721 = arith.addi %add3A_719, %add3A_720 : i32
      %mul3A_722 = arith.constant 40 : i32
      %mul3A_723 = arith.muli %add3A_721, %mul3A_722 : i32
      %multiple_of3A_724 = tpu.assume_multiple %mul3A_723, 8 : i32
      %dma_wait3A_725 = arith.constant 1 : i32
      %dma_wait3A_726 = arith.constant 0 : i32
      %dma_wait3A_727 = arith.constant 0 : i32
      %dma_wait3A_728 = tpu.memref_slice %arg5[%dma_wait3A_725, %dma_wait3A_726, %dma_wait3A_727] : memref<2x40x1024xf32, #tpu.memory_space<vmem>> -> memref<1x40x1024xf32, #tpu.memory_space<vmem>>
      %dma_wait3A_729 = tpu.memref_squeeze %dma_wait3A_728 : memref<1x40x1024xf32, #tpu.memory_space<vmem>> -> memref<40x1024xf32, #tpu.memory_space<vmem>>
      %dma_wait3A_730 = arith.constant 0 : i32
      %dma_wait3A_731 = arith.constant 0 : i32
      %dma_wait3A_732 = tpu.memref_slice %arg3[%dma_wait3A_730, %dma_wait3A_731] : memref<50000x1024xf32, #tpu.memory_space<hbm>> -> memref<40x1024xf32, #tpu.memory_space<hbm>>
      %dma_wait3A_733 = arith.constant 0 : i32
      %dma_wait3A_734 = arith.constant 0 : i32
      %dma_wait3A_735 = tpu.memref_slice %arg3[%dma_wait3A_733, %dma_wait3A_734] : memref<50000x1024xf32, #tpu.memory_space<hbm>> -> memref<40x1024xf32, #tpu.memory_space<hbm>>
      %dma_wait3A_736 = arith.constant 0 : i32
      %dma_wait3A_737 = arith.constant 0 : i32
      %dma_wait3A_738 = tpu.memref_slice %arg5[%dma_wait3A_725, %dma_wait3A_736, %dma_wait3A_737] : memref<2x40x1024xf32, #tpu.memory_space<vmem>> -> memref<1x40x1024xf32, #tpu.memory_space<vmem>>
      %dma_wait3A_739 = tpu.memref_squeeze %dma_wait3A_738 : memref<1x40x1024xf32, #tpu.memory_space<vmem>> -> memref<40x1024xf32, #tpu.memory_space<vmem>>
      tpu.wait_dma2 semaphore(%arg7 : memref<!tpu.dma_semaphore, #tpu.memory_space<semaphore_mem>>) src(%dma_wait3A_739 : memref<40x1024xf32, #tpu.memory_space<vmem>>) dst(%dma_wait3A_735 : memref<40x1024xf32, #tpu.memory_space<hbm>>)
      %jit3A_740 = arith.constant 25 : i32
      %div3A_741 = arith.divsi %add3A_721, %jit3A_740 : i32
      %sign3A_742 = arith.constant 0 : i32
      %sign3A_743 = arith.cmpi sgt, %add3A_721, %sign3A_742 : i32
      %sign3A_744 = arith.extui %sign3A_743 : i1 to i32
      %sign3A_745 = arith.constant 0 : i32
      %sign3A_746 = arith.cmpi slt, %add3A_721, %sign3A_745 : i32
      %sign3A_747 = arith.extui %sign3A_746 : i1 to i32
      %sign3A_748 = arith.subi %sign3A_744, %sign3A_747 : i32
      %sign3A_749 = arith.constant 0 : i32
      %sign3A_750 = arith.cmpi sgt, %jit3A_740, %sign3A_749 : i32
      %sign3A_751 = arith.extui %sign3A_750 : i1 to i32
      %sign3A_752 = arith.constant 0 : i32
      %sign3A_753 = arith.cmpi slt, %jit3A_740, %sign3A_752 : i32
      %sign3A_754 = arith.extui %sign3A_753 : i1 to i32
      %sign3A_755 = arith.subi %sign3A_751, %sign3A_754 : i32
      %ne3A_756 = arith.cmpi ne, %sign3A_748, %sign3A_755 : i32
      %rem3A_757 = arith.remsi %add3A_721, %jit3A_740 : i32
      %ne3A_758 = arith.constant 0 : i32
      %ne3A_759 = arith.cmpi ne, %rem3A_757, %ne3A_758 : i32
      %and3A_760 = arith.andi %ne3A_756, %ne3A_759 : i1
      %sub3A_761 = arith.constant 1 : i32
      %sub3A_762 = arith.subi %div3A_741, %sub3A_761 : i32
      %select_n3A_763 = arith.select %and3A_760, %sub3A_762, %div3A_741 : i32
      %mul3A_764 = arith.constant 25 : i32
      %mul3A_765 = arith.muli %select_n3A_763, %mul3A_764 : i32
      %sub3A_766 = arith.subi %add3A_721, %mul3A_765 : i32
      %mul3A_767 = arith.constant 40 : i32
      %mul3A_768 = arith.muli %sub3A_766, %mul3A_767 : i32
      %sub3A_769 = arith.subi %select_n3A_763, %multiple_of3A : i32
      %sub3A_770 = arith.subi %select_n3A_763, %multiple_of3A_123 : i32
      %add3A_771 = arith.constant 8 : i32
      %add3A_772 = arith.addi %sub3A_770, %add3A_771 : i32
      %min3A_773 = arith.minsi %sub3A_769, %add3A_772 : i32
      %add3A_774 = arith.constant 0 : i32
      %add3A_775 = arith.addi %mul3A_768, %add3A_774 : i32
      %broadcast_in_dim3A_776 = vector.broadcast %add3A_775 : i32 to vector<16xi32>
      %add3A_777 = arith.constant 1 : i32
      %add3A_778 = arith.addi %mul3A_768, %add3A_777 : i32
      %broadcast_in_dim3A_779 = vector.broadcast %add3A_778 : i32 to vector<16xi32>
      %add3A_780 = arith.constant 2 : i32
      %add3A_781 = arith.addi %mul3A_768, %add3A_780 : i32
      %broadcast_in_dim3A_782 = vector.broadcast %add3A_781 : i32 to vector<16xi32>
      %add3A_783 = arith.constant 3 : i32
      %add3A_784 = arith.addi %mul3A_768, %add3A_783 : i32
      %broadcast_in_dim3A_785 = vector.broadcast %add3A_784 : i32 to vector<16xi32>
      %add3A_786 = arith.constant 4 : i32
      %add3A_787 = arith.addi %mul3A_768, %add3A_786 : i32
      %broadcast_in_dim3A_788 = vector.broadcast %add3A_787 : i32 to vector<16xi32>
      %add3A_789 = arith.constant 5 : i32
      %add3A_790 = arith.addi %mul3A_768, %add3A_789 : i32
      %broadcast_in_dim3A_791 = vector.broadcast %add3A_790 : i32 to vector<16xi32>
      %add3A_792 = arith.constant 6 : i32
      %add3A_793 = arith.addi %mul3A_768, %add3A_792 : i32
      %broadcast_in_dim3A_794 = vector.broadcast %add3A_793 : i32 to vector<16xi32>
      %add3A_795 = arith.constant 7 : i32
      %add3A_796 = arith.addi %mul3A_768, %add3A_795 : i32
      %broadcast_in_dim3A_797 = vector.broadcast %add3A_796 : i32 to vector<16xi32>
      %add3A_798 = arith.constant 8 : i32
      %add3A_799 = arith.addi %mul3A_768, %add3A_798 : i32
      %broadcast_in_dim3A_800 = vector.broadcast %add3A_799 : i32 to vector<16xi32>
      %add3A_801 = arith.constant 9 : i32
      %add3A_802 = arith.addi %mul3A_768, %add3A_801 : i32
      %broadcast_in_dim3A_803 = vector.broadcast %add3A_802 : i32 to vector<16xi32>
      %add3A_804 = arith.constant 10 : i32
      %add3A_805 = arith.addi %mul3A_768, %add3A_804 : i32
      %broadcast_in_dim3A_806 = vector.broadcast %add3A_805 : i32 to vector<16xi32>
      %add3A_807 = arith.constant 11 : i32
      %add3A_808 = arith.addi %mul3A_768, %add3A_807 : i32
      %broadcast_in_dim3A_809 = vector.broadcast %add3A_808 : i32 to vector<16xi32>
      %add3A_810 = arith.constant 12 : i32
      %add3A_811 = arith.addi %mul3A_768, %add3A_810 : i32
      %broadcast_in_dim3A_812 = vector.broadcast %add3A_811 : i32 to vector<16xi32>
      %add3A_813 = arith.constant 13 : i32
      %add3A_814 = arith.addi %mul3A_768, %add3A_813 : i32
      %broadcast_in_dim3A_815 = vector.broadcast %add3A_814 : i32 to vector<16xi32>
      %add3A_816 = arith.constant 14 : i32
      %add3A_817 = arith.addi %mul3A_768, %add3A_816 : i32
      %broadcast_in_dim3A_818 = vector.broadcast %add3A_817 : i32 to vector<16xi32>
      %add3A_819 = arith.constant 15 : i32
      %add3A_820 = arith.addi %mul3A_768, %add3A_819 : i32
      %broadcast_in_dim3A_821 = vector.broadcast %add3A_820 : i32 to vector<16xi32>
      %add3A_822 = arith.constant 16 : i32
      %add3A_823 = arith.addi %mul3A_768, %add3A_822 : i32
      %broadcast_in_dim3A_824 = vector.broadcast %add3A_823 : i32 to vector<16xi32>
      %add3A_825 = arith.constant 17 : i32
      %add3A_826 = arith.addi %mul3A_768, %add3A_825 : i32
      %broadcast_in_dim3A_827 = vector.broadcast %add3A_826 : i32 to vector<16xi32>
      %add3A_828 = arith.constant 18 : i32
      %add3A_829 = arith.addi %mul3A_768, %add3A_828 : i32
      %broadcast_in_dim3A_830 = vector.broadcast %add3A_829 : i32 to vector<16xi32>
      %add3A_831 = arith.constant 19 : i32
      %add3A_832 = arith.addi %mul3A_768, %add3A_831 : i32
      %broadcast_in_dim3A_833 = vector.broadcast %add3A_832 : i32 to vector<16xi32>
      %add3A_834 = arith.constant 20 : i32
      %add3A_835 = arith.addi %mul3A_768, %add3A_834 : i32
      %broadcast_in_dim3A_836 = vector.broadcast %add3A_835 : i32 to vector<16xi32>
      %add3A_837 = arith.constant 21 : i32
      %add3A_838 = arith.addi %mul3A_768, %add3A_837 : i32
      %broadcast_in_dim3A_839 = vector.broadcast %add3A_838 : i32 to vector<16xi32>
      %add3A_840 = arith.constant 22 : i32
      %add3A_841 = arith.addi %mul3A_768, %add3A_840 : i32
      %broadcast_in_dim3A_842 = vector.broadcast %add3A_841 : i32 to vector<16xi32>
      %add3A_843 = arith.constant 23 : i32
      %add3A_844 = arith.addi %mul3A_768, %add3A_843 : i32
      %broadcast_in_dim3A_845 = vector.broadcast %add3A_844 : i32 to vector<16xi32>
      %add3A_846 = arith.constant 24 : i32
      %add3A_847 = arith.addi %mul3A_768, %add3A_846 : i32
      %broadcast_in_dim3A_848 = vector.broadcast %add3A_847 : i32 to vector<16xi32>
      %add3A_849 = arith.constant 25 : i32
      %add3A_850 = arith.addi %mul3A_768, %add3A_849 : i32
      %broadcast_in_dim3A_851 = vector.broadcast %add3A_850 : i32 to vector<16xi32>
      %add3A_852 = arith.constant 26 : i32
      %add3A_853 = arith.addi %mul3A_768, %add3A_852 : i32
      %broadcast_in_dim3A_854 = vector.broadcast %add3A_853 : i32 to vector<16xi32>
      %add3A_855 = arith.constant 27 : i32
      %add3A_856 = arith.addi %mul3A_768, %add3A_855 : i32
      %broadcast_in_dim3A_857 = vector.broadcast %add3A_856 : i32 to vector<16xi32>
      %add3A_858 = arith.constant 28 : i32
      %add3A_859 = arith.addi %mul3A_768, %add3A_858 : i32
      %broadcast_in_dim3A_860 = vector.broadcast %add3A_859 : i32 to vector<16xi32>
      %add3A_861 = arith.constant 29 : i32
      %add3A_862 = arith.addi %mul3A_768, %add3A_861 : i32
      %broadcast_in_dim3A_863 = vector.broadcast %add3A_862 : i32 to vector<16xi32>
      %add3A_864 = arith.constant 30 : i32
      %add3A_865 = arith.addi %mul3A_768, %add3A_864 : i32
      %broadcast_in_dim3A_866 = vector.broadcast %add3A_865 : i32 to vector<16xi32>
      %add3A_867 = arith.constant 31 : i32
      %add3A_868 = arith.addi %mul3A_768, %add3A_867 : i32
      %broadcast_in_dim3A_869 = vector.broadcast %add3A_868 : i32 to vector<16xi32>
      %add3A_870 = arith.constant 32 : i32
      %add3A_871 = arith.addi %mul3A_768, %add3A_870 : i32
      %broadcast_in_dim3A_872 = vector.broadcast %add3A_871 : i32 to vector<16xi32>
      %add3A_873 = arith.constant 33 : i32
      %add3A_874 = arith.addi %mul3A_768, %add3A_873 : i32
      %broadcast_in_dim3A_875 = vector.broadcast %add3A_874 : i32 to vector<16xi32>
      %add3A_876 = arith.constant 34 : i32
      %add3A_877 = arith.addi %mul3A_768, %add3A_876 : i32
      %broadcast_in_dim3A_878 = vector.broadcast %add3A_877 : i32 to vector<16xi32>
      %add3A_879 = arith.constant 35 : i32
      %add3A_880 = arith.addi %mul3A_768, %add3A_879 : i32
      %broadcast_in_dim3A_881 = vector.broadcast %add3A_880 : i32 to vector<16xi32>
      %add3A_882 = arith.constant 36 : i32
      %add3A_883 = arith.addi %mul3A_768, %add3A_882 : i32
      %broadcast_in_dim3A_884 = vector.broadcast %add3A_883 : i32 to vector<16xi32>
      %add3A_885 = arith.constant 37 : i32
      %add3A_886 = arith.addi %mul3A_768, %add3A_885 : i32
      %broadcast_in_dim3A_887 = vector.broadcast %add3A_886 : i32 to vector<16xi32>
      %add3A_888 = arith.constant 38 : i32
      %add3A_889 = arith.addi %mul3A_768, %add3A_888 : i32
      %broadcast_in_dim3A_890 = vector.broadcast %add3A_889 : i32 to vector<16xi32>
      %add3A_891 = arith.constant 39 : i32
      %add3A_892 = arith.addi %mul3A_768, %add3A_891 : i32
      %broadcast_in_dim3A_893 = vector.broadcast %add3A_892 : i32 to vector<16xi32>
      %scan3A_894 = arith.constant 0 : i32
      %scan3A_895 = arith.constant 0 : i32
      %scan3A_896 = arith.constant 64 : i32
      %scan3A_897 = arith.addi %scan3A_895, %scan3A_896 : i32
      %scan3A_898 = arith.constant 1 : i32
      %scan3A_899 = scf.for %scan3A_915 = %scan3A_895 to %scan3A_897 step %scan3A_898 iter_args(%scan3A_916 = %scan3A_894) -> (i32)  : i32 {
        %mul3A_917 = arith.constant 16 : i32
        %mul3A_918 = arith.muli %scan3A_915, %mul3A_917 : i32
        %multiple_of3A_919 = tpu.assume_multiple %mul3A_918, 16 : i32
        %get3A = arith.index_cast %min3A_773 : i32 to index
        %get3A_920 = arith.index_cast %multiple_of3A_919 : i32 to index
        %get3A_921 = tpu.vector_load %arg4[%get3A, %get3A_920] {strides = array<i32>} : memref<16x1024xi32, #tpu.memory_space<vmem>>, vector<1x16xi32>,
        %get3A_922 = vector.shape_cast %get3A_921 : vector<1x16xi32> to vector<16xi32>
        %eq3A = arith.cmpi eq, %get3A_922, %broadcast_in_dim3A_776 : vector<16xi32>
        %jit3A_923 = arith.constant 1.000000e+00 : f32
        %jit3A_924 = arith.constant 0.000000e+00 : f32
        %broadcast_in_dim3A_925 = vector.broadcast %jit3A_923 : f32 to vector<16xf32>
        %broadcast_in_dim3A_926 = vector.broadcast %jit3A_924 : f32 to vector<16xf32>
        %select_n3A_927 = arith.select %eq3A, %broadcast_in_dim3A_925, %broadcast_in_dim3A_926 : vector<16xi1>, vector<16xf32>
        %swap3A = arith.constant 1 : i32
        %swap3A_928 = arith.constant 0 : i32
        %swap3A_929 = arith.index_cast %swap3A : i32 to index
        %swap3A_930 = arith.index_cast %swap3A_928 : i32 to index
        %swap3A_931 = arith.index_cast %multiple_of3A_919 : i32 to index
        %swap3A_932 = tpu.vector_load %arg5[%swap3A_929, %swap3A_930, %swap3A_931] {strides = array<i32>} : memref<2x40x1024xf32, #tpu.memory_space<vmem>>, vector<1x1x16xf32>,
        %swap3A_933 = vector.shape_cast %swap3A_932 : vector<1x1x16xf32> to vector<16xf32>
        %swap3A_934 = vector.shape_cast %select_n3A_927 : vector<16xf32> to vector<1x1x16xf32>
        tpu.vector_store %arg5[%swap3A_929, %swap3A_930, %swap3A_931], %swap3A_934 {strides = array<i32>} : memref<2x40x1024xf32, #tpu.memory_space<vmem>>, vector<1x1x16xf32>,
        %eq3A_935 = arith.cmpi eq, %get3A_922, %broadcast_in_dim3A_779 : vector<16xi32>
        %jit3A_936 = arith.constant 1.000000e+00 : f32
        %jit3A_937 = arith.constant 0.000000e+00 : f32
        %broadcast_in_dim3A_938 = vector.broadcast %jit3A_936 : f32 to vector<16xf32>
        %broadcast_in_dim3A_939 = vector.broadcast %jit3A_937 : f32 to vector<16xf32>
        %select_n3A_940 = arith.select %eq3A_935, %broadcast_in_dim3A_938, %broadcast_in_dim3A_939 : vector<16xi1>, vector<16xf32>
        %swap3A_941 = arith.constant 1 : i32
        %swap3A_942 = arith.constant 1 : i32
        %swap3A_943 = arith.index_cast %swap3A_941 : i32 to index
        %swap3A_944 = arith.index_cast %swap3A_942 : i32 to index
        %swap3A_945 = arith.index_cast %multiple_of3A_919 : i32 to index
        %swap3A_946 = tpu.vector_load %arg5[%swap3A_943, %swap3A_944, %swap3A_945] {strides = array<i32>} : memref<2x40x1024xf32, #tpu.memory_space<vmem>>, vector<1x1x16xf32>,
        %swap3A_947 = vector.shape_cast %swap3A_946 : vector<1x1x16xf32> to vector<16xf32>
        %swap3A_948 = vector.shape_cast %select_n3A_940 : vector<16xf32> to vector<1x1x16xf32>
        tpu.vector_store %arg5[%swap3A_943, %swap3A_944, %swap3A_945], %swap3A_948 {strides = array<i32>} : memref<2x40x1024xf32, #tpu.memory_space<vmem>>, vector<1x1x16xf32>,
        %eq3A_949 = arith.cmpi eq, %get3A_922, %broadcast_in_dim3A_782 : vector<16xi32>
        %jit3A_950 = arith.constant 1.000000e+00 : f32
        %jit3A_951 = arith.constant 0.000000e+00 : f32
        %broadcast_in_dim3A_952 = vector.broadcast %jit3A_950 : f32 to vector<16xf32>
        %broadcast_in_dim3A_953 = vector.broadcast %jit3A_951 : f32 to vector<16xf32>
        %select_n3A_954 = arith.select %eq3A_949, %broadcast_in_dim3A_952, %broadcast_in_dim3A_953 : vector<16xi1>, vector<16xf32>
        %swap3A_955 = arith.constant 1 : i32
        %swap3A_956 = arith.constant 2 : i32
        %swap3A_957 = arith.index_cast %swap3A_955 : i32 to index
        %swap3A_958 = arith.index_cast %swap3A_956 : i32 to index
        %swap3A_959 = arith.index_cast %multiple_of3A_919 : i32 to index
        %swap3A_960 = tpu.vector_load %arg5[%swap3A_957, %swap3A_958, %swap3A_959] {strides = array<i32>} : memref<2x40x1024xf32, #tpu.memory_space<vmem>>, vector<1x1x16xf32>,
        %swap3A_961 = vector.shape_cast %swap3A_960 : vector<1x1x16xf32> to vector<16xf32>
        %swap3A_962 = vector.shape_cast %select_n3A_954 : vector<16xf32> to vector<1x1x16xf32>
        tpu.vector_store %arg5[%swap3A_957, %swap3A_958, %swap3A_959], %swap3A_962 {strides = array<i32>} : memref<2x40x1024xf32, #tpu.memory_space<vmem>>, vector<1x1x16xf32>,
        %eq3A_963 = arith.cmpi eq, %get3A_922, %broadcast_in_dim3A_785 : vector<16xi32>
        %jit3A_964 = arith.constant 1.000000e+00 : f32
        %jit3A_965 = arith.constant 0.000000e+00 : f32
        %broadcast_in_dim3A_966 = vector.broadcast %jit3A_964 : f32 to vector<16xf32>
        %broadcast_in_dim3A_967 = vector.broadcast %jit3A_965 : f32 to vector<16xf32>
        %select_n3A_968 = arith.select %eq3A_963, %broadcast_in_dim3A_966, %broadcast_in_dim3A_967 : vector<16xi1>, vector<16xf32>
        %swap3A_969 = arith.constant 1 : i32
        %swap3A_970 = arith.constant 3 : i32
        %swap3A_971 = arith.index_cast %swap3A_969 : i32 to index
        %swap3A_972 = arith.index_cast %swap3A_970 : i32 to index
        %swap3A_973 = arith.index_cast %multiple_of3A_919 : i32 to index
        %swap3A_974 = tpu.vector_load %arg5[%swap3A_971, %swap3A_972, %swap3A_973] {strides = array<i32>} : memref<2x40x1024xf32, #tpu.memory_space<vmem>>, vector<1x1x16xf32>,
        %swap3A_975 = vector.shape_cast %swap3A_974 : vector<1x1x16xf32> to vector<16xf32>
        %swap3A_976 = vector.shape_cast %select_n3A_968 : vector<16xf32> to vector<1x1x16xf32>
        tpu.vector_store %arg5[%swap3A_971, %swap3A_972, %swap3A_973], %swap3A_976 {strides = array<i32>} : memref<2x40x1024xf32, #tpu.memory_space<vmem>>, vector<1x1x16xf32>,
        %eq3A_977 = arith.cmpi eq, %get3A_922, %broadcast_in_dim3A_788 : vector<16xi32>
        %jit3A_978 = arith.constant 1.000000e+00 : f32
        %jit3A_979 = arith.constant 0.000000e+00 : f32
        %broadcast_in_dim3A_980 = vector.broadcast %jit3A_978 : f32 to vector<16xf32>
        %broadcast_in_dim3A_981 = vector.broadcast %jit3A_979 : f32 to vector<16xf32>
        %select_n3A_982 = arith.select %eq3A_977, %broadcast_in_dim3A_980, %broadcast_in_dim3A_981 : vector<16xi1>, vector<16xf32>
        %swap3A_983 = arith.constant 1 : i32
        %swap3A_984 = arith.constant 4 : i32
        %swap3A_985 = arith.index_cast %swap3A_983 : i32 to index
        %swap3A_986 = arith.index_cast %swap3A_984 : i32 to index
        %swap3A_987 = arith.index_cast %multiple_of3A_919 : i32 to index
        %swap3A_988 = tpu.vector_load %arg5[%swap3A_985, %swap3A_986, %swap3A_987] {strides = array<i32>} : memref<2x40x1024xf32, #tpu.memory_space<vmem>>, vector<1x1x16xf32>,
        %swap3A_989 = vector.shape_cast %swap3A_988 : vector<1x1x16xf32> to vector<16xf32>
        %swap3A_990 = vector.shape_cast %select_n3A_982 : vector<16xf32> to vector<1x1x16xf32>
        tpu.vector_store %arg5[%swap3A_985, %swap3A_986, %swap3A_987], %swap3A_990 {strides = array<i32>} : memref<2x40x1024xf32, #tpu.memory_space<vmem>>, vector<1x1x16xf32>,
        %eq3A_991 = arith.cmpi eq, %get3A_922, %broadcast_in_dim3A_791 : vector<16xi32>
        %jit3A_992 = arith.constant 1.000000e+00 : f32
        %jit3A_993 = arith.constant 0.000000e+00 : f32
        %broadcast_in_dim3A_994 = vector.broadcast %jit3A_992 : f32 to vector<16xf32>
        %broadcast_in_dim3A_995 = vector.broadcast %jit3A_993 : f32 to vector<16xf32>
        %select_n3A_996 = arith.select %eq3A_991, %broadcast_in_dim3A_994, %broadcast_in_dim3A_995 : vector<16xi1>, vector<16xf32>
        %swap3A_997 = arith.constant 1 : i32
        %swap3A_998 = arith.constant 5 : i32
        %swap3A_999 = arith.index_cast %swap3A_997 : i32 to index
        %swap3A_1000 = arith.index_cast %swap3A_998 : i32 to index
        %swap3A_1001 = arith.index_cast %multiple_of3A_919 : i32 to index
        %swap3A_1002 = tpu.vector_load %arg5[%swap3A_999, %swap3A_1000, %swap3A_1001] {strides = array<i32>} : memref<2x40x1024xf32, #tpu.memory_space<vmem>>, vector<1x1x16xf32>,
        %swap3A_1003 = vector.shape_cast %swap3A_1002 : vector<1x1x16xf32> to vector<16xf32>
        %swap3A_1004 = vector.shape_cast %select_n3A_996 : vector<16xf32> to vector<1x1x16xf32>
        tpu.vector_store %arg5[%swap3A_999, %swap3A_1000, %swap3A_1001], %swap3A_1004 {strides = array<i32>} : memref<2x40x1024xf32, #tpu.memory_space<vmem>>, vector<1x1x16xf32>,
        %eq3A_1005 = arith.cmpi eq, %get3A_922, %broadcast_in_dim3A_794 : vector<16xi32>
        %jit3A_1006 = arith.constant 1.000000e+00 : f32
        %jit3A_1007 = arith.constant 0.000000e+00 : f32
        %broadcast_in_dim3A_1008 = vector.broadcast %jit3A_1006 : f32 to vector<16xf32>
        %broadcast_in_dim3A_1009 = vector.broadcast %jit3A_1007 : f32 to vector<16xf32>
        %select_n3A_1010 = arith.select %eq3A_1005, %broadcast_in_dim3A_1008, %broadcast_in_dim3A_1009 : vector<16xi1>, vector<16xf32>
        %swap3A_1011 = arith.constant 1 : i32
        %swap3A_1012 = arith.constant 6 : i32
        %swap3A_1013 = arith.index_cast %swap3A_1011 : i32 to index
        %swap3A_1014 = arith.index_cast %swap3A_1012 : i32 to index
        %swap3A_1015 = arith.index_cast %multiple_of3A_919 : i32 to index
        %swap3A_1016 = tpu.vector_load %arg5[%swap3A_1013, %swap3A_1014, %swap3A_1015] {strides = array<i32>} : memref<2x40x1024xf32, #tpu.memory_space<vmem>>, vector<1x1x16xf32>,
        %swap3A_1017 = vector.shape_cast %swap3A_1016 : vector<1x1x16xf32> to vector<16xf32>
        %swap3A_1018 = vector.shape_cast %select_n3A_1010 : vector<16xf32> to vector<1x1x16xf32>
        tpu.vector_store %arg5[%swap3A_1013, %swap3A_1014, %swap3A_1015], %swap3A_1018 {strides = array<i32>} : memref<2x40x1024xf32, #tpu.memory_space<vmem>>, vector<1x1x16xf32>,
        %eq3A_1019 = arith.cmpi eq, %get3A_922, %broadcast_in_dim3A_797 : vector<16xi32>
        %jit3A_1020 = arith.constant 1.000000e+00 : f32
        %jit3A_1021 = arith.constant 0.000000e+00 : f32
        %broadcast_in_dim3A_1022 = vector.broadcast %jit3A_1020 : f32 to vector<16xf32>
        %broadcast_in_dim3A_1023 = vector.broadcast %jit3A_1021 : f32 to vector<16xf32>
        %select_n3A_1024 = arith.select %eq3A_1019, %broadcast_in_dim3A_1022, %broadcast_in_dim3A_1023 : vector<16xi1>, vector<16xf32>
        %swap3A_1025 = arith.constant 1 : i32
        %swap3A_1026 = arith.constant 7 : i32
        %swap3A_1027 = arith.index_cast %swap3A_1025 : i32 to index
        %swap3A_1028 = arith.index_cast %swap3A_1026 : i32 to index
        %swap3A_1029 = arith.index_cast %multiple_of3A_919 : i32 to index
        %swap3A_1030 = tpu.vector_load %arg5[%swap3A_1027, %swap3A_1028, %swap3A_1029] {strides = array<i32>} : memref<2x40x1024xf32, #tpu.memory_space<vmem>>, vector<1x1x16xf32>,
        %swap3A_1031 = vector.shape_cast %swap3A_1030 : vector<1x1x16xf32> to vector<16xf32>
        %swap3A_1032 = vector.shape_cast %select_n3A_1024 : vector<16xf32> to vector<1x1x16xf32>
        tpu.vector_store %arg5[%swap3A_1027, %swap3A_1028, %swap3A_1029], %swap3A_1032 {strides = array<i32>} : memref<2x40x1024xf32, #tpu.memory_space<vmem>>, vector<1x1x16xf32>,
        %eq3A_1033 = arith.cmpi eq, %get3A_922, %broadcast_in_dim3A_800 : vector<16xi32>
        %jit3A_1034 = arith.constant 1.000000e+00 : f32
        %jit3A_1035 = arith.constant 0.000000e+00 : f32
        %broadcast_in_dim3A_1036 = vector.broadcast %jit3A_1034 : f32 to vector<16xf32>
        %broadcast_in_dim3A_1037 = vector.broadcast %jit3A_1035 : f32 to vector<16xf32>
        %select_n3A_1038 = arith.select %eq3A_1033, %broadcast_in_dim3A_1036, %broadcast_in_dim3A_1037 : vector<16xi1>, vector<16xf32>
        %swap3A_1039 = arith.constant 1 : i32
        %swap3A_1040 = arith.constant 8 : i32
        %swap3A_1041 = arith.index_cast %swap3A_1039 : i32 to index
        %swap3A_1042 = arith.index_cast %swap3A_1040 : i32 to index
        %swap3A_1043 = arith.index_cast %multiple_of3A_919 : i32 to index
        %swap3A_1044 = tpu.vector_load %arg5[%swap3A_1041, %swap3A_1042, %swap3A_1043] {strides = array<i32>} : memref<2x40x1024xf32, #tpu.memory_space<vmem>>, vector<1x1x16xf32>,
        %swap3A_1045 = vector.shape_cast %swap3A_1044 : vector<1x1x16xf32> to vector<16xf32>
        %swap3A_1046 = vector.shape_cast %select_n3A_1038 : vector<16xf32> to vector<1x1x16xf32>
        tpu.vector_store %arg5[%swap3A_1041, %swap3A_1042, %swap3A_1043], %swap3A_1046 {strides = array<i32>} : memref<2x40x1024xf32, #tpu.memory_space<vmem>>, vector<1x1x16xf32>,
        %eq3A_1047 = arith.cmpi eq, %get3A_922, %broadcast_in_dim3A_803 : vector<16xi32>
        %jit3A_1048 = arith.constant 1.000000e+00 : f32
        %jit3A_1049 = arith.constant 0.000000e+00 : f32
        %broadcast_in_dim3A_1050 = vector.broadcast %jit3A_1048 : f32 to vector<16xf32>
        %broadcast_in_dim3A_1051 = vector.broadcast %jit3A_1049 : f32 to vector<16xf32>
        %select_n3A_1052 = arith.select %eq3A_1047, %broadcast_in_dim3A_1050, %broadcast_in_dim3A_1051 : vector<16xi1>, vector<16xf32>
        %swap3A_1053 = arith.constant 1 : i32
        %swap3A_1054 = arith.constant 9 : i32
        %swap3A_1055 = arith.index_cast %swap3A_1053 : i32 to index
        %swap3A_1056 = arith.index_cast %swap3A_1054 : i32 to index
        %swap3A_1057 = arith.index_cast %multiple_of3A_919 : i32 to index
        %swap3A_1058 = tpu.vector_load %arg5[%swap3A_1055, %swap3A_1056, %swap3A_1057] {strides = array<i32>} : memref<2x40x1024xf32, #tpu.memory_space<vmem>>, vector<1x1x16xf32>,
        %swap3A_1059 = vector.shape_cast %swap3A_1058 : vector<1x1x16xf32> to vector<16xf32>
        %swap3A_1060 = vector.shape_cast %select_n3A_1052 : vector<16xf32> to vector<1x1x16xf32>
        tpu.vector_store %arg5[%swap3A_1055, %swap3A_1056, %swap3A_1057], %swap3A_1060 {strides = array<i32>} : memref<2x40x1024xf32, #tpu.memory_space<vmem>>, vector<1x1x16xf32>,
        %eq3A_1061 = arith.cmpi eq, %get3A_922, %broadcast_in_dim3A_806 : vector<16xi32>
        %jit3A_1062 = arith.constant 1.000000e+00 : f32
        %jit3A_1063 = arith.constant 0.000000e+00 : f32
        %broadcast_in_dim3A_1064 = vector.broadcast %jit3A_1062 : f32 to vector<16xf32>
        %broadcast_in_dim3A_1065 = vector.broadcast %jit3A_1063 : f32 to vector<16xf32>
        %select_n3A_1066 = arith.select %eq3A_1061, %broadcast_in_dim3A_1064, %broadcast_in_dim3A_1065 : vector<16xi1>, vector<16xf32>
        %swap3A_1067 = arith.constant 1 : i32
        %swap3A_1068 = arith.constant 10 : i32
        %swap3A_1069 = arith.index_cast %swap3A_1067 : i32 to index
        %swap3A_1070 = arith.index_cast %swap3A_1068 : i32 to index
        %swap3A_1071 = arith.index_cast %multiple_of3A_919 : i32 to index
        %swap3A_1072 = tpu.vector_load %arg5[%swap3A_1069, %swap3A_1070, %swap3A_1071] {strides = array<i32>} : memref<2x40x1024xf32, #tpu.memory_space<vmem>>, vector<1x1x16xf32>,
        %swap3A_1073 = vector.shape_cast %swap3A_1072 : vector<1x1x16xf32> to vector<16xf32>
        %swap3A_1074 = vector.shape_cast %select_n3A_1066 : vector<16xf32> to vector<1x1x16xf32>
        tpu.vector_store %arg5[%swap3A_1069, %swap3A_1070, %swap3A_1071], %swap3A_1074 {strides = array<i32>} : memref<2x40x1024xf32, #tpu.memory_space<vmem>>, vector<1x1x16xf32>,
        %eq3A_1075 = arith.cmpi eq, %get3A_922, %broadcast_in_dim3A_809 : vector<16xi32>
        %jit3A_1076 = arith.constant 1.000000e+00 : f32
        %jit3A_1077 = arith.constant 0.000000e+00 : f32
        %broadcast_in_dim3A_1078 = vector.broadcast %jit3A_1076 : f32 to vector<16xf32>
        %broadcast_in_dim3A_1079 = vector.broadcast %jit3A_1077 : f32 to vector<16xf32>
        %select_n3A_1080 = arith.select %eq3A_1075, %broadcast_in_dim3A_1078, %broadcast_in_dim3A_1079 : vector<16xi1>, vector<16xf32>
        %swap3A_1081 = arith.constant 1 : i32
        %swap3A_1082 = arith.constant 11 : i32
        %swap3A_1083 = arith.index_cast %swap3A_1081 : i32 to index
        %swap3A_1084 = arith.index_cast %swap3A_1082 : i32 to index
        %swap3A_1085 = arith.index_cast %multiple_of3A_919 : i32 to index
        %swap3A_1086 = tpu.vector_load %arg5[%swap3A_1083, %swap3A_1084, %swap3A_1085] {strides = array<i32>} : memref<2x40x1024xf32, #tpu.memory_space<vmem>>, vector<1x1x16xf32>,
        %swap3A_1087 = vector.shape_cast %swap3A_1086 : vector<1x1x16xf32> to vector<16xf32>
        %swap3A_1088 = vector.shape_cast %select_n3A_1080 : vector<16xf32> to vector<1x1x16xf32>
        tpu.vector_store %arg5[%swap3A_1083, %swap3A_1084, %swap3A_1085], %swap3A_1088 {strides = array<i32>} : memref<2x40x1024xf32, #tpu.memory_space<vmem>>, vector<1x1x16xf32>,
        %eq3A_1089 = arith.cmpi eq, %get3A_922, %broadcast_in_dim3A_812 : vector<16xi32>
        %jit3A_1090 = arith.constant 1.000000e+00 : f32
        %jit3A_1091 = arith.constant 0.000000e+00 : f32
        %broadcast_in_dim3A_1092 = vector.broadcast %jit3A_1090 : f32 to vector<16xf32>
        %broadcast_in_dim3A_1093 = vector.broadcast %jit3A_1091 : f32 to vector<16xf32>
        %select_n3A_1094 = arith.select %eq3A_1089, %broadcast_in_dim3A_1092, %broadcast_in_dim3A_1093 : vector<16xi1>, vector<16xf32>
        %swap3A_1095 = arith.constant 1 : i32
        %swap3A_1096 = arith.constant 12 : i32
        %swap3A_1097 = arith.index_cast %swap3A_1095 : i32 to index
        %swap3A_1098 = arith.index_cast %swap3A_1096 : i32 to index
        %swap3A_1099 = arith.index_cast %multiple_of3A_919 : i32 to index
        %swap3A_1100 = tpu.vector_load %arg5[%swap3A_1097, %swap3A_1098, %swap3A_1099] {strides = array<i32>} : memref<2x40x1024xf32, #tpu.memory_space<vmem>>, vector<1x1x16xf32>,
        %swap3A_1101 = vector.shape_cast %swap3A_1100 : vector<1x1x16xf32> to vector<16xf32>
        %swap3A_1102 = vector.shape_cast %select_n3A_1094 : vector<16xf32> to vector<1x1x16xf32>
        tpu.vector_store %arg5[%swap3A_1097, %swap3A_1098, %swap3A_1099], %swap3A_1102 {strides = array<i32>} : memref<2x40x1024xf32, #tpu.memory_space<vmem>>, vector<1x1x16xf32>,
        %eq3A_1103 = arith.cmpi eq, %get3A_922, %broadcast_in_dim3A_815 : vector<16xi32>
        %jit3A_1104 = arith.constant 1.000000e+00 : f32
        %jit3A_1105 = arith.constant 0.000000e+00 : f32
        %broadcast_in_dim3A_1106 = vector.broadcast %jit3A_1104 : f32 to vector<16xf32>
        %broadcast_in_dim3A_1107 = vector.broadcast %jit3A_1105 : f32 to vector<16xf32>
        %select_n3A_1108 = arith.select %eq3A_1103, %broadcast_in_dim3A_1106, %broadcast_in_dim3A_1107 : vector<16xi1>, vector<16xf32>
        %swap3A_1109 = arith.constant 1 : i32
        %swap3A_1110 = arith.constant 13 : i32
        %swap3A_1111 = arith.index_cast %swap3A_1109 : i32 to index
        %swap3A_1112 = arith.index_cast %swap3A_1110 : i32 to index
        %swap3A_1113 = arith.index_cast %multiple_of3A_919 : i32 to index
        %swap3A_1114 = tpu.vector_load %arg5[%swap3A_1111, %swap3A_1112, %swap3A_1113] {strides = array<i32>} : memref<2x40x1024xf32, #tpu.memory_space<vmem>>, vector<1x1x16xf32>,
        %swap3A_1115 = vector.shape_cast %swap3A_1114 : vector<1x1x16xf32> to vector<16xf32>
        %swap3A_1116 = vector.shape_cast %select_n3A_1108 : vector<16xf32> to vector<1x1x16xf32>
        tpu.vector_store %arg5[%swap3A_1111, %swap3A_1112, %swap3A_1113], %swap3A_1116 {strides = array<i32>} : memref<2x40x1024xf32, #tpu.memory_space<vmem>>, vector<1x1x16xf32>,
        %eq3A_1117 = arith.cmpi eq, %get3A_922, %broadcast_in_dim3A_818 : vector<16xi32>
        %jit3A_1118 = arith.constant 1.000000e+00 : f32
        %jit3A_1119 = arith.constant 0.000000e+00 : f32
        %broadcast_in_dim3A_1120 = vector.broadcast %jit3A_1118 : f32 to vector<16xf32>
        %broadcast_in_dim3A_1121 = vector.broadcast %jit3A_1119 : f32 to vector<16xf32>
        %select_n3A_1122 = arith.select %eq3A_1117, %broadcast_in_dim3A_1120, %broadcast_in_dim3A_1121 : vector<16xi1>, vector<16xf32>
        %swap3A_1123 = arith.constant 1 : i32
        %swap3A_1124 = arith.constant 14 : i32
        %swap3A_1125 = arith.index_cast %swap3A_1123 : i32 to index
        %swap3A_1126 = arith.index_cast %swap3A_1124 : i32 to index
        %swap3A_1127 = arith.index_cast %multiple_of3A_919 : i32 to index
        %swap3A_1128 = tpu.vector_load %arg5[%swap3A_1125, %swap3A_1126, %swap3A_1127] {strides = array<i32>} : memref<2x40x1024xf32, #tpu.memory_space<vmem>>, vector<1x1x16xf32>,
        %swap3A_1129 = vector.shape_cast %swap3A_1128 : vector<1x1x16xf32> to vector<16xf32>
        %swap3A_1130 = vector.shape_cast %select_n3A_1122 : vector<16xf32> to vector<1x1x16xf32>
        tpu.vector_store %arg5[%swap3A_1125, %swap3A_1126, %swap3A_1127], %swap3A_1130 {strides = array<i32>} : memref<2x40x1024xf32, #tpu.memory_space<vmem>>, vector<1x1x16xf32>,
        %eq3A_1131 = arith.cmpi eq, %get3A_922, %broadcast_in_dim3A_821 : vector<16xi32>
        %jit3A_1132 = arith.constant 1.000000e+00 : f32
        %jit3A_1133 = arith.constant 0.000000e+00 : f32
        %broadcast_in_dim3A_1134 = vector.broadcast %jit3A_1132 : f32 to vector<16xf32>
        %broadcast_in_dim3A_1135 = vector.broadcast %jit3A_1133 : f32 to vector<16xf32>
        %select_n3A_1136 = arith.select %eq3A_1131, %broadcast_in_dim3A_1134, %broadcast_in_dim3A_1135 : vector<16xi1>, vector<16xf32>
        %swap3A_1137 = arith.constant 1 : i32
        %swap3A_1138 = arith.constant 15 : i32
        %swap3A_1139 = arith.index_cast %swap3A_1137 : i32 to index
        %swap3A_1140 = arith.index_cast %swap3A_1138 : i32 to index
        %swap3A_1141 = arith.index_cast %multiple_of3A_919 : i32 to index
        %swap3A_1142 = tpu.vector_load %arg5[%swap3A_1139, %swap3A_1140, %swap3A_1141] {strides = array<i32>} : memref<2x40x1024xf32, #tpu.memory_space<vmem>>, vector<1x1x16xf32>,
        %swap3A_1143 = vector.shape_cast %swap3A_1142 : vector<1x1x16xf32> to vector<16xf32>
        %swap3A_1144 = vector.shape_cast %select_n3A_1136 : vector<16xf32> to vector<1x1x16xf32>
        tpu.vector_store %arg5[%swap3A_1139, %swap3A_1140, %swap3A_1141], %swap3A_1144 {strides = array<i32>} : memref<2x40x1024xf32, #tpu.memory_space<vmem>>, vector<1x1x16xf32>,
        %eq3A_1145 = arith.cmpi eq, %get3A_922, %broadcast_in_dim3A_824 : vector<16xi32>
        %jit3A_1146 = arith.constant 1.000000e+00 : f32
        %jit3A_1147 = arith.constant 0.000000e+00 : f32
        %broadcast_in_dim3A_1148 = vector.broadcast %jit3A_1146 : f32 to vector<16xf32>
        %broadcast_in_dim3A_1149 = vector.broadcast %jit3A_1147 : f32 to vector<16xf32>
        %select_n3A_1150 = arith.select %eq3A_1145, %broadcast_in_dim3A_1148, %broadcast_in_dim3A_1149 : vector<16xi1>, vector<16xf32>
        %swap3A_1151 = arith.constant 1 : i32
        %swap3A_1152 = arith.constant 16 : i32
        %swap3A_1153 = arith.index_cast %swap3A_1151 : i32 to index
        %swap3A_1154 = arith.index_cast %swap3A_1152 : i32 to index
        %swap3A_1155 = arith.index_cast %multiple_of3A_919 : i32 to index
        %swap3A_1156 = tpu.vector_load %arg5[%swap3A_1153, %swap3A_1154, %swap3A_1155] {strides = array<i32>} : memref<2x40x1024xf32, #tpu.memory_space<vmem>>, vector<1x1x16xf32>,
        %swap3A_1157 = vector.shape_cast %swap3A_1156 : vector<1x1x16xf32> to vector<16xf32>
        %swap3A_1158 = vector.shape_cast %select_n3A_1150 : vector<16xf32> to vector<1x1x16xf32>
        tpu.vector_store %arg5[%swap3A_1153, %swap3A_1154, %swap3A_1155], %swap3A_1158 {strides = array<i32>} : memref<2x40x1024xf32, #tpu.memory_space<vmem>>, vector<1x1x16xf32>,
        %eq3A_1159 = arith.cmpi eq, %get3A_922, %broadcast_in_dim3A_827 : vector<16xi32>
        %jit3A_1160 = arith.constant 1.000000e+00 : f32
        %jit3A_1161 = arith.constant 0.000000e+00 : f32
        %broadcast_in_dim3A_1162 = vector.broadcast %jit3A_1160 : f32 to vector<16xf32>
        %broadcast_in_dim3A_1163 = vector.broadcast %jit3A_1161 : f32 to vector<16xf32>
        %select_n3A_1164 = arith.select %eq3A_1159, %broadcast_in_dim3A_1162, %broadcast_in_dim3A_1163 : vector<16xi1>, vector<16xf32>
        %swap3A_1165 = arith.constant 1 : i32
        %swap3A_1166 = arith.constant 17 : i32
        %swap3A_1167 = arith.index_cast %swap3A_1165 : i32 to index
        %swap3A_1168 = arith.index_cast %swap3A_1166 : i32 to index
        %swap3A_1169 = arith.index_cast %multiple_of3A_919 : i32 to index
        %swap3A_1170 = tpu.vector_load %arg5[%swap3A_1167, %swap3A_1168, %swap3A_1169] {strides = array<i32>} : memref<2x40x1024xf32, #tpu.memory_space<vmem>>, vector<1x1x16xf32>,
        %swap3A_1171 = vector.shape_cast %swap3A_1170 : vector<1x1x16xf32> to vector<16xf32>
        %swap3A_1172 = vector.shape_cast %select_n3A_1164 : vector<16xf32> to vector<1x1x16xf32>
        tpu.vector_store %arg5[%swap3A_1167, %swap3A_1168, %swap3A_1169], %swap3A_1172 {strides = array<i32>} : memref<2x40x1024xf32, #tpu.memory_space<vmem>>, vector<1x1x16xf32>,
        %eq3A_1173 = arith.cmpi eq, %get3A_922, %broadcast_in_dim3A_830 : vector<16xi32>
        %jit3A_1174 = arith.constant 1.000000e+00 : f32
        %jit3A_1175 = arith.constant 0.000000e+00 : f32
        %broadcast_in_dim3A_1176 = vector.broadcast %jit3A_1174 : f32 to vector<16xf32>
        %broadcast_in_dim3A_1177 = vector.broadcast %jit3A_1175 : f32 to vector<16xf32>
        %select_n3A_1178 = arith.select %eq3A_1173, %broadcast_in_dim3A_1176, %broadcast_in_dim3A_1177 : vector<16xi1>, vector<16xf32>
        %swap3A_1179 = arith.constant 1 : i32
        %swap3A_1180 = arith.constant 18 : i32
        %swap3A_1181 = arith.index_cast %swap3A_1179 : i32 to index
        %swap3A_1182 = arith.index_cast %swap3A_1180 : i32 to index
        %swap3A_1183 = arith.index_cast %multiple_of3A_919 : i32 to index
        %swap3A_1184 = tpu.vector_load %arg5[%swap3A_1181, %swap3A_1182, %swap3A_1183] {strides = array<i32>} : memref<2x40x1024xf32, #tpu.memory_space<vmem>>, vector<1x1x16xf32>,
        %swap3A_1185 = vector.shape_cast %swap3A_1184 : vector<1x1x16xf32> to vector<16xf32>
        %swap3A_1186 = vector.shape_cast %select_n3A_1178 : vector<16xf32> to vector<1x1x16xf32>
        tpu.vector_store %arg5[%swap3A_1181, %swap3A_1182, %swap3A_1183], %swap3A_1186 {strides = array<i32>} : memref<2x40x1024xf32, #tpu.memory_space<vmem>>, vector<1x1x16xf32>,
        %eq3A_1187 = arith.cmpi eq, %get3A_922, %broadcast_in_dim3A_833 : vector<16xi32>
        %jit3A_1188 = arith.constant 1.000000e+00 : f32
        %jit3A_1189 = arith.constant 0.000000e+00 : f32
        %broadcast_in_dim3A_1190 = vector.broadcast %jit3A_1188 : f32 to vector<16xf32>
        %broadcast_in_dim3A_1191 = vector.broadcast %jit3A_1189 : f32 to vector<16xf32>
        %select_n3A_1192 = arith.select %eq3A_1187, %broadcast_in_dim3A_1190, %broadcast_in_dim3A_1191 : vector<16xi1>, vector<16xf32>
        %swap3A_1193 = arith.constant 1 : i32
        %swap3A_1194 = arith.constant 19 : i32
        %swap3A_1195 = arith.index_cast %swap3A_1193 : i32 to index
        %swap3A_1196 = arith.index_cast %swap3A_1194 : i32 to index
        %swap3A_1197 = arith.index_cast %multiple_of3A_919 : i32 to index
        %swap3A_1198 = tpu.vector_load %arg5[%swap3A_1195, %swap3A_1196, %swap3A_1197] {strides = array<i32>} : memref<2x40x1024xf32, #tpu.memory_space<vmem>>, vector<1x1x16xf32>,
        %swap3A_1199 = vector.shape_cast %swap3A_1198 : vector<1x1x16xf32> to vector<16xf32>
        %swap3A_1200 = vector.shape_cast %select_n3A_1192 : vector<16xf32> to vector<1x1x16xf32>
        tpu.vector_store %arg5[%swap3A_1195, %swap3A_1196, %swap3A_1197], %swap3A_1200 {strides = array<i32>} : memref<2x40x1024xf32, #tpu.memory_space<vmem>>, vector<1x1x16xf32>,
        %eq3A_1201 = arith.cmpi eq, %get3A_922, %broadcast_in_dim3A_836 : vector<16xi32>
        %jit3A_1202 = arith.constant 1.000000e+00 : f32
        %jit3A_1203 = arith.constant 0.000000e+00 : f32
        %broadcast_in_dim3A_1204 = vector.broadcast %jit3A_1202 : f32 to vector<16xf32>
        %broadcast_in_dim3A_1205 = vector.broadcast %jit3A_1203 : f32 to vector<16xf32>
        %select_n3A_1206 = arith.select %eq3A_1201, %broadcast_in_dim3A_1204, %broadcast_in_dim3A_1205 : vector<16xi1>, vector<16xf32>
        %swap3A_1207 = arith.constant 1 : i32
        %swap3A_1208 = arith.constant 20 : i32
        %swap3A_1209 = arith.index_cast %swap3A_1207 : i32 to index
        %swap3A_1210 = arith.index_cast %swap3A_1208 : i32 to index
        %swap3A_1211 = arith.index_cast %multiple_of3A_919 : i32 to index
        %swap3A_1212 = tpu.vector_load %arg5[%swap3A_1209, %swap3A_1210, %swap3A_1211] {strides = array<i32>} : memref<2x40x1024xf32, #tpu.memory_space<vmem>>, vector<1x1x16xf32>,
        %swap3A_1213 = vector.shape_cast %swap3A_1212 : vector<1x1x16xf32> to vector<16xf32>
        %swap3A_1214 = vector.shape_cast %select_n3A_1206 : vector<16xf32> to vector<1x1x16xf32>
        tpu.vector_store %arg5[%swap3A_1209, %swap3A_1210, %swap3A_1211], %swap3A_1214 {strides = array<i32>} : memref<2x40x1024xf32, #tpu.memory_space<vmem>>, vector<1x1x16xf32>,
        %eq3A_1215 = arith.cmpi eq, %get3A_922, %broadcast_in_dim3A_839 : vector<16xi32>
        %jit3A_1216 = arith.constant 1.000000e+00 : f32
        %jit3A_1217 = arith.constant 0.000000e+00 : f32
        %broadcast_in_dim3A_1218 = vector.broadcast %jit3A_1216 : f32 to vector<16xf32>
        %broadcast_in_dim3A_1219 = vector.broadcast %jit3A_1217 : f32 to vector<16xf32>
        %select_n3A_1220 = arith.select %eq3A_1215, %broadcast_in_dim3A_1218, %broadcast_in_dim3A_1219 : vector<16xi1>, vector<16xf32>
        %swap3A_1221 = arith.constant 1 : i32
        %swap3A_1222 = arith.constant 21 : i32
        %swap3A_1223 = arith.index_cast %swap3A_1221 : i32 to index
        %swap3A_1224 = arith.index_cast %swap3A_1222 : i32 to index
        %swap3A_1225 = arith.index_cast %multiple_of3A_919 : i32 to index
        %swap3A_1226 = tpu.vector_load %arg5[%swap3A_1223, %swap3A_1224, %swap3A_1225] {strides = array<i32>} : memref<2x40x1024xf32, #tpu.memory_space<vmem>>, vector<1x1x16xf32>,
        %swap3A_1227 = vector.shape_cast %swap3A_1226 : vector<1x1x16xf32> to vector<16xf32>
        %swap3A_1228 = vector.shape_cast %select_n3A_1220 : vector<16xf32> to vector<1x1x16xf32>
        tpu.vector_store %arg5[%swap3A_1223, %swap3A_1224, %swap3A_1225], %swap3A_1228 {strides = array<i32>} : memref<2x40x1024xf32, #tpu.memory_space<vmem>>, vector<1x1x16xf32>,
        %eq3A_1229 = arith.cmpi eq, %get3A_922, %broadcast_in_dim3A_842 : vector<16xi32>
        %jit3A_1230 = arith.constant 1.000000e+00 : f32
        %jit3A_1231 = arith.constant 0.000000e+00 : f32
        %broadcast_in_dim3A_1232 = vector.broadcast %jit3A_1230 : f32 to vector<16xf32>
        %broadcast_in_dim3A_1233 = vector.broadcast %jit3A_1231 : f32 to vector<16xf32>
        %select_n3A_1234 = arith.select %eq3A_1229, %broadcast_in_dim3A_1232, %broadcast_in_dim3A_1233 : vector<16xi1>, vector<16xf32>
        %swap3A_1235 = arith.constant 1 : i32
        %swap3A_1236 = arith.constant 22 : i32
        %swap3A_1237 = arith.index_cast %swap3A_1235 : i32 to index
        %swap3A_1238 = arith.index_cast %swap3A_1236 : i32 to index
        %swap3A_1239 = arith.index_cast %multiple_of3A_919 : i32 to index
        %swap3A_1240 = tpu.vector_load %arg5[%swap3A_1237, %swap3A_1238, %swap3A_1239] {strides = array<i32>} : memref<2x40x1024xf32, #tpu.memory_space<vmem>>, vector<1x1x16xf32>,
        %swap3A_1241 = vector.shape_cast %swap3A_1240 : vector<1x1x16xf32> to vector<16xf32>
        %swap3A_1242 = vector.shape_cast %select_n3A_1234 : vector<16xf32> to vector<1x1x16xf32>
        tpu.vector_store %arg5[%swap3A_1237, %swap3A_1238, %swap3A_1239], %swap3A_1242 {strides = array<i32>} : memref<2x40x1024xf32, #tpu.memory_space<vmem>>, vector<1x1x16xf32>,
        %eq3A_1243 = arith.cmpi eq, %get3A_922, %broadcast_in_dim3A_845 : vector<16xi32>
        %jit3A_1244 = arith.constant 1.000000e+00 : f32
        %jit3A_1245 = arith.constant 0.000000e+00 : f32
        %broadcast_in_dim3A_1246 = vector.broadcast %jit3A_1244 : f32 to vector<16xf32>
        %broadcast_in_dim3A_1247 = vector.broadcast %jit3A_1245 : f32 to vector<16xf32>
        %select_n3A_1248 = arith.select %eq3A_1243, %broadcast_in_dim3A_1246, %broadcast_in_dim3A_1247 : vector<16xi1>, vector<16xf32>
        %swap3A_1249 = arith.constant 1 : i32
        %swap3A_1250 = arith.constant 23 : i32
        %swap3A_1251 = arith.index_cast %swap3A_1249 : i32 to index
        %swap3A_1252 = arith.index_cast %swap3A_1250 : i32 to index
        %swap3A_1253 = arith.index_cast %multiple_of3A_919 : i32 to index
        %swap3A_1254 = tpu.vector_load %arg5[%swap3A_1251, %swap3A_1252, %swap3A_1253] {strides = array<i32>} : memref<2x40x1024xf32, #tpu.memory_space<vmem>>, vector<1x1x16xf32>,
        %swap3A_1255 = vector.shape_cast %swap3A_1254 : vector<1x1x16xf32> to vector<16xf32>
        %swap3A_1256 = vector.shape_cast %select_n3A_1248 : vector<16xf32> to vector<1x1x16xf32>
        tpu.vector_store %arg5[%swap3A_1251, %swap3A_1252, %swap3A_1253], %swap3A_1256 {strides = array<i32>} : memref<2x40x1024xf32, #tpu.memory_space<vmem>>, vector<1x1x16xf32>,
        %eq3A_1257 = arith.cmpi eq, %get3A_922, %broadcast_in_dim3A_848 : vector<16xi32>
        %jit3A_1258 = arith.constant 1.000000e+00 : f32
        %jit3A_1259 = arith.constant 0.000000e+00 : f32
        %broadcast_in_dim3A_1260 = vector.broadcast %jit3A_1258 : f32 to vector<16xf32>
        %broadcast_in_dim3A_1261 = vector.broadcast %jit3A_1259 : f32 to vector<16xf32>
        %select_n3A_1262 = arith.select %eq3A_1257, %broadcast_in_dim3A_1260, %broadcast_in_dim3A_1261 : vector<16xi1>, vector<16xf32>
        %swap3A_1263 = arith.constant 1 : i32
        %swap3A_1264 = arith.constant 24 : i32
        %swap3A_1265 = arith.index_cast %swap3A_1263 : i32 to index
        %swap3A_1266 = arith.index_cast %swap3A_1264 : i32 to index
        %swap3A_1267 = arith.index_cast %multiple_of3A_919 : i32 to index
        %swap3A_1268 = tpu.vector_load %arg5[%swap3A_1265, %swap3A_1266, %swap3A_1267] {strides = array<i32>} : memref<2x40x1024xf32, #tpu.memory_space<vmem>>, vector<1x1x16xf32>,
        %swap3A_1269 = vector.shape_cast %swap3A_1268 : vector<1x1x16xf32> to vector<16xf32>
        %swap3A_1270 = vector.shape_cast %select_n3A_1262 : vector<16xf32> to vector<1x1x16xf32>
        tpu.vector_store %arg5[%swap3A_1265, %swap3A_1266, %swap3A_1267], %swap3A_1270 {strides = array<i32>} : memref<2x40x1024xf32, #tpu.memory_space<vmem>>, vector<1x1x16xf32>,
        %eq3A_1271 = arith.cmpi eq, %get3A_922, %broadcast_in_dim3A_851 : vector<16xi32>
        %jit3A_1272 = arith.constant 1.000000e+00 : f32
        %jit3A_1273 = arith.constant 0.000000e+00 : f32
        %broadcast_in_dim3A_1274 = vector.broadcast %jit3A_1272 : f32 to vector<16xf32>
        %broadcast_in_dim3A_1275 = vector.broadcast %jit3A_1273 : f32 to vector<16xf32>
        %select_n3A_1276 = arith.select %eq3A_1271, %broadcast_in_dim3A_1274, %broadcast_in_dim3A_1275 : vector<16xi1>, vector<16xf32>
        %swap3A_1277 = arith.constant 1 : i32
        %swap3A_1278 = arith.constant 25 : i32
        %swap3A_1279 = arith.index_cast %swap3A_1277 : i32 to index
        %swap3A_1280 = arith.index_cast %swap3A_1278 : i32 to index
        %swap3A_1281 = arith.index_cast %multiple_of3A_919 : i32 to index
        %swap3A_1282 = tpu.vector_load %arg5[%swap3A_1279, %swap3A_1280, %swap3A_1281] {strides = array<i32>} : memref<2x40x1024xf32, #tpu.memory_space<vmem>>, vector<1x1x16xf32>,
        %swap3A_1283 = vector.shape_cast %swap3A_1282 : vector<1x1x16xf32> to vector<16xf32>
        %swap3A_1284 = vector.shape_cast %select_n3A_1276 : vector<16xf32> to vector<1x1x16xf32>
        tpu.vector_store %arg5[%swap3A_1279, %swap3A_1280, %swap3A_1281], %swap3A_1284 {strides = array<i32>} : memref<2x40x1024xf32, #tpu.memory_space<vmem>>, vector<1x1x16xf32>,
        %eq3A_1285 = arith.cmpi eq, %get3A_922, %broadcast_in_dim3A_854 : vector<16xi32>
        %jit3A_1286 = arith.constant 1.000000e+00 : f32
        %jit3A_1287 = arith.constant 0.000000e+00 : f32
        %broadcast_in_dim3A_1288 = vector.broadcast %jit3A_1286 : f32 to vector<16xf32>
        %broadcast_in_dim3A_1289 = vector.broadcast %jit3A_1287 : f32 to vector<16xf32>
        %select_n3A_1290 = arith.select %eq3A_1285, %broadcast_in_dim3A_1288, %broadcast_in_dim3A_1289 : vector<16xi1>, vector<16xf32>
        %swap3A_1291 = arith.constant 1 : i32
        %swap3A_1292 = arith.constant 26 : i32
        %swap3A_1293 = arith.index_cast %swap3A_1291 : i32 to index
        %swap3A_1294 = arith.index_cast %swap3A_1292 : i32 to index
        %swap3A_1295 = arith.index_cast %multiple_of3A_919 : i32 to index
        %swap3A_1296 = tpu.vector_load %arg5[%swap3A_1293, %swap3A_1294, %swap3A_1295] {strides = array<i32>} : memref<2x40x1024xf32, #tpu.memory_space<vmem>>, vector<1x1x16xf32>,
        %swap3A_1297 = vector.shape_cast %swap3A_1296 : vector<1x1x16xf32> to vector<16xf32>
        %swap3A_1298 = vector.shape_cast %select_n3A_1290 : vector<16xf32> to vector<1x1x16xf32>
        tpu.vector_store %arg5[%swap3A_1293, %swap3A_1294, %swap3A_1295], %swap3A_1298 {strides = array<i32>} : memref<2x40x1024xf32, #tpu.memory_space<vmem>>, vector<1x1x16xf32>,
        %eq3A_1299 = arith.cmpi eq, %get3A_922, %broadcast_in_dim3A_857 : vector<16xi32>
        %jit3A_1300 = arith.constant 1.000000e+00 : f32
        %jit3A_1301 = arith.constant 0.000000e+00 : f32
        %broadcast_in_dim3A_1302 = vector.broadcast %jit3A_1300 : f32 to vector<16xf32>
        %broadcast_in_dim3A_1303 = vector.broadcast %jit3A_1301 : f32 to vector<16xf32>
        %select_n3A_1304 = arith.select %eq3A_1299, %broadcast_in_dim3A_1302, %broadcast_in_dim3A_1303 : vector<16xi1>, vector<16xf32>
        %swap3A_1305 = arith.constant 1 : i32
        %swap3A_1306 = arith.constant 27 : i32
        %swap3A_1307 = arith.index_cast %swap3A_1305 : i32 to index
        %swap3A_1308 = arith.index_cast %swap3A_1306 : i32 to index
        %swap3A_1309 = arith.index_cast %multiple_of3A_919 : i32 to index
        %swap3A_1310 = tpu.vector_load %arg5[%swap3A_1307, %swap3A_1308, %swap3A_1309] {strides = array<i32>} : memref<2x40x1024xf32, #tpu.memory_space<vmem>>, vector<1x1x16xf32>,
        %swap3A_1311 = vector.shape_cast %swap3A_1310 : vector<1x1x16xf32> to vector<16xf32>
        %swap3A_1312 = vector.shape_cast %select_n3A_1304 : vector<16xf32> to vector<1x1x16xf32>
        tpu.vector_store %arg5[%swap3A_1307, %swap3A_1308, %swap3A_1309], %swap3A_1312 {strides = array<i32>} : memref<2x40x1024xf32, #tpu.memory_space<vmem>>, vector<1x1x16xf32>,
        %eq3A_1313 = arith.cmpi eq, %get3A_922, %broadcast_in_dim3A_860 : vector<16xi32>
        %jit3A_1314 = arith.constant 1.000000e+00 : f32
        %jit3A_1315 = arith.constant 0.000000e+00 : f32
        %broadcast_in_dim3A_1316 = vector.broadcast %jit3A_1314 : f32 to vector<16xf32>
        %broadcast_in_dim3A_1317 = vector.broadcast %jit3A_1315 : f32 to vector<16xf32>
        %select_n3A_1318 = arith.select %eq3A_1313, %broadcast_in_dim3A_1316, %broadcast_in_dim3A_1317 : vector<16xi1>, vector<16xf32>
        %swap3A_1319 = arith.constant 1 : i32
        %swap3A_1320 = arith.constant 28 : i32
        %swap3A_1321 = arith.index_cast %swap3A_1319 : i32 to index
        %swap3A_1322 = arith.index_cast %swap3A_1320 : i32 to index
        %swap3A_1323 = arith.index_cast %multiple_of3A_919 : i32 to index
        %swap3A_1324 = tpu.vector_load %arg5[%swap3A_1321, %swap3A_1322, %swap3A_1323] {strides = array<i32>} : memref<2x40x1024xf32, #tpu.memory_space<vmem>>, vector<1x1x16xf32>,
        %swap3A_1325 = vector.shape_cast %swap3A_1324 : vector<1x1x16xf32> to vector<16xf32>
        %swap3A_1326 = vector.shape_cast %select_n3A_1318 : vector<16xf32> to vector<1x1x16xf32>
        tpu.vector_store %arg5[%swap3A_1321, %swap3A_1322, %swap3A_1323], %swap3A_1326 {strides = array<i32>} : memref<2x40x1024xf32, #tpu.memory_space<vmem>>, vector<1x1x16xf32>,
        %eq3A_1327 = arith.cmpi eq, %get3A_922, %broadcast_in_dim3A_863 : vector<16xi32>
        %jit3A_1328 = arith.constant 1.000000e+00 : f32
        %jit3A_1329 = arith.constant 0.000000e+00 : f32
        %broadcast_in_dim3A_1330 = vector.broadcast %jit3A_1328 : f32 to vector<16xf32>
        %broadcast_in_dim3A_1331 = vector.broadcast %jit3A_1329 : f32 to vector<16xf32>
        %select_n3A_1332 = arith.select %eq3A_1327, %broadcast_in_dim3A_1330, %broadcast_in_dim3A_1331 : vector<16xi1>, vector<16xf32>
        %swap3A_1333 = arith.constant 1 : i32
        %swap3A_1334 = arith.constant 29 : i32
        %swap3A_1335 = arith.index_cast %swap3A_1333 : i32 to index
        %swap3A_1336 = arith.index_cast %swap3A_1334 : i32 to index
        %swap3A_1337 = arith.index_cast %multiple_of3A_919 : i32 to index
        %swap3A_1338 = tpu.vector_load %arg5[%swap3A_1335, %swap3A_1336, %swap3A_1337] {strides = array<i32>} : memref<2x40x1024xf32, #tpu.memory_space<vmem>>, vector<1x1x16xf32>,
        %swap3A_1339 = vector.shape_cast %swap3A_1338 : vector<1x1x16xf32> to vector<16xf32>
        %swap3A_1340 = vector.shape_cast %select_n3A_1332 : vector<16xf32> to vector<1x1x16xf32>
        tpu.vector_store %arg5[%swap3A_1335, %swap3A_1336, %swap3A_1337], %swap3A_1340 {strides = array<i32>} : memref<2x40x1024xf32, #tpu.memory_space<vmem>>, vector<1x1x16xf32>,
        %eq3A_1341 = arith.cmpi eq, %get3A_922, %broadcast_in_dim3A_866 : vector<16xi32>
        %jit3A_1342 = arith.constant 1.000000e+00 : f32
        %jit3A_1343 = arith.constant 0.000000e+00 : f32
        %broadcast_in_dim3A_1344 = vector.broadcast %jit3A_1342 : f32 to vector<16xf32>
        %broadcast_in_dim3A_1345 = vector.broadcast %jit3A_1343 : f32 to vector<16xf32>
        %select_n3A_1346 = arith.select %eq3A_1341, %broadcast_in_dim3A_1344, %broadcast_in_dim3A_1345 : vector<16xi1>, vector<16xf32>
        %swap3A_1347 = arith.constant 1 : i32
        %swap3A_1348 = arith.constant 30 : i32
        %swap3A_1349 = arith.index_cast %swap3A_1347 : i32 to index
        %swap3A_1350 = arith.index_cast %swap3A_1348 : i32 to index
        %swap3A_1351 = arith.index_cast %multiple_of3A_919 : i32 to index
        %swap3A_1352 = tpu.vector_load %arg5[%swap3A_1349, %swap3A_1350, %swap3A_1351] {strides = array<i32>} : memref<2x40x1024xf32, #tpu.memory_space<vmem>>, vector<1x1x16xf32>,
        %swap3A_1353 = vector.shape_cast %swap3A_1352 : vector<1x1x16xf32> to vector<16xf32>
        %swap3A_1354 = vector.shape_cast %select_n3A_1346 : vector<16xf32> to vector<1x1x16xf32>
        tpu.vector_store %arg5[%swap3A_1349, %swap3A_1350, %swap3A_1351], %swap3A_1354 {strides = array<i32>} : memref<2x40x1024xf32, #tpu.memory_space<vmem>>, vector<1x1x16xf32>,
        %eq3A_1355 = arith.cmpi eq, %get3A_922, %broadcast_in_dim3A_869 : vector<16xi32>
        %jit3A_1356 = arith.constant 1.000000e+00 : f32
        %jit3A_1357 = arith.constant 0.000000e+00 : f32
        %broadcast_in_dim3A_1358 = vector.broadcast %jit3A_1356 : f32 to vector<16xf32>
        %broadcast_in_dim3A_1359 = vector.broadcast %jit3A_1357 : f32 to vector<16xf32>
        %select_n3A_1360 = arith.select %eq3A_1355, %broadcast_in_dim3A_1358, %broadcast_in_dim3A_1359 : vector<16xi1>, vector<16xf32>
        %swap3A_1361 = arith.constant 1 : i32
        %swap3A_1362 = arith.constant 31 : i32
        %swap3A_1363 = arith.index_cast %swap3A_1361 : i32 to index
        %swap3A_1364 = arith.index_cast %swap3A_1362 : i32 to index
        %swap3A_1365 = arith.index_cast %multiple_of3A_919 : i32 to index
        %swap3A_1366 = tpu.vector_load %arg5[%swap3A_1363, %swap3A_1364, %swap3A_1365] {strides = array<i32>} : memref<2x40x1024xf32, #tpu.memory_space<vmem>>, vector<1x1x16xf32>,
        %swap3A_1367 = vector.shape_cast %swap3A_1366 : vector<1x1x16xf32> to vector<16xf32>
        %swap3A_1368 = vector.shape_cast %select_n3A_1360 : vector<16xf32> to vector<1x1x16xf32>
        tpu.vector_store %arg5[%swap3A_1363, %swap3A_1364, %swap3A_1365], %swap3A_1368 {strides = array<i32>} : memref<2x40x1024xf32, #tpu.memory_space<vmem>>, vector<1x1x16xf32>,
        %eq3A_1369 = arith.cmpi eq, %get3A_922, %broadcast_in_dim3A_872 : vector<16xi32>
        %jit3A_1370 = arith.constant 1.000000e+00 : f32
        %jit3A_1371 = arith.constant 0.000000e+00 : f32
        %broadcast_in_dim3A_1372 = vector.broadcast %jit3A_1370 : f32 to vector<16xf32>
        %broadcast_in_dim3A_1373 = vector.broadcast %jit3A_1371 : f32 to vector<16xf32>
        %select_n3A_1374 = arith.select %eq3A_1369, %broadcast_in_dim3A_1372, %broadcast_in_dim3A_1373 : vector<16xi1>, vector<16xf32>
        %swap3A_1375 = arith.constant 1 : i32
        %swap3A_1376 = arith.constant 32 : i32
        %swap3A_1377 = arith.index_cast %swap3A_1375 : i32 to index
        %swap3A_1378 = arith.index_cast %swap3A_1376 : i32 to index
        %swap3A_1379 = arith.index_cast %multiple_of3A_919 : i32 to index
        %swap3A_1380 = tpu.vector_load %arg5[%swap3A_1377, %swap3A_1378, %swap3A_1379] {strides = array<i32>} : memref<2x40x1024xf32, #tpu.memory_space<vmem>>, vector<1x1x16xf32>,
        %swap3A_1381 = vector.shape_cast %swap3A_1380 : vector<1x1x16xf32> to vector<16xf32>
        %swap3A_1382 = vector.shape_cast %select_n3A_1374 : vector<16xf32> to vector<1x1x16xf32>
        tpu.vector_store %arg5[%swap3A_1377, %swap3A_1378, %swap3A_1379], %swap3A_1382 {strides = array<i32>} : memref<2x40x1024xf32, #tpu.memory_space<vmem>>, vector<1x1x16xf32>,
        %eq3A_1383 = arith.cmpi eq, %get3A_922, %broadcast_in_dim3A_875 : vector<16xi32>
        %jit3A_1384 = arith.constant 1.000000e+00 : f32
        %jit3A_1385 = arith.constant 0.000000e+00 : f32
        %broadcast_in_dim3A_1386 = vector.broadcast %jit3A_1384 : f32 to vector<16xf32>
        %broadcast_in_dim3A_1387 = vector.broadcast %jit3A_1385 : f32 to vector<16xf32>
        %select_n3A_1388 = arith.select %eq3A_1383, %broadcast_in_dim3A_1386, %broadcast_in_dim3A_1387 : vector<16xi1>, vector<16xf32>
        %swap3A_1389 = arith.constant 1 : i32
        %swap3A_1390 = arith.constant 33 : i32
        %swap3A_1391 = arith.index_cast %swap3A_1389 : i32 to index
        %swap3A_1392 = arith.index_cast %swap3A_1390 : i32 to index
        %swap3A_1393 = arith.index_cast %multiple_of3A_919 : i32 to index
        %swap3A_1394 = tpu.vector_load %arg5[%swap3A_1391, %swap3A_1392, %swap3A_1393] {strides = array<i32>} : memref<2x40x1024xf32, #tpu.memory_space<vmem>>, vector<1x1x16xf32>,
        %swap3A_1395 = vector.shape_cast %swap3A_1394 : vector<1x1x16xf32> to vector<16xf32>
        %swap3A_1396 = vector.shape_cast %select_n3A_1388 : vector<16xf32> to vector<1x1x16xf32>
        tpu.vector_store %arg5[%swap3A_1391, %swap3A_1392, %swap3A_1393], %swap3A_1396 {strides = array<i32>} : memref<2x40x1024xf32, #tpu.memory_space<vmem>>, vector<1x1x16xf32>,
        %eq3A_1397 = arith.cmpi eq, %get3A_922, %broadcast_in_dim3A_878 : vector<16xi32>
        %jit3A_1398 = arith.constant 1.000000e+00 : f32
        %jit3A_1399 = arith.constant 0.000000e+00 : f32
        %broadcast_in_dim3A_1400 = vector.broadcast %jit3A_1398 : f32 to vector<16xf32>
        %broadcast_in_dim3A_1401 = vector.broadcast %jit3A_1399 : f32 to vector<16xf32>
        %select_n3A_1402 = arith.select %eq3A_1397, %broadcast_in_dim3A_1400, %broadcast_in_dim3A_1401 : vector<16xi1>, vector<16xf32>
        %swap3A_1403 = arith.constant 1 : i32
        %swap3A_1404 = arith.constant 34 : i32
        %swap3A_1405 = arith.index_cast %swap3A_1403 : i32 to index
        %swap3A_1406 = arith.index_cast %swap3A_1404 : i32 to index
        %swap3A_1407 = arith.index_cast %multiple_of3A_919 : i32 to index
        %swap3A_1408 = tpu.vector_load %arg5[%swap3A_1405, %swap3A_1406, %swap3A_1407] {strides = array<i32>} : memref<2x40x1024xf32, #tpu.memory_space<vmem>>, vector<1x1x16xf32>,
        %swap3A_1409 = vector.shape_cast %swap3A_1408 : vector<1x1x16xf32> to vector<16xf32>
        %swap3A_1410 = vector.shape_cast %select_n3A_1402 : vector<16xf32> to vector<1x1x16xf32>
        tpu.vector_store %arg5[%swap3A_1405, %swap3A_1406, %swap3A_1407], %swap3A_1410 {strides = array<i32>} : memref<2x40x1024xf32, #tpu.memory_space<vmem>>, vector<1x1x16xf32>,
        %eq3A_1411 = arith.cmpi eq, %get3A_922, %broadcast_in_dim3A_881 : vector<16xi32>
        %jit3A_1412 = arith.constant 1.000000e+00 : f32
        %jit3A_1413 = arith.constant 0.000000e+00 : f32
        %broadcast_in_dim3A_1414 = vector.broadcast %jit3A_1412 : f32 to vector<16xf32>
        %broadcast_in_dim3A_1415 = vector.broadcast %jit3A_1413 : f32 to vector<16xf32>
        %select_n3A_1416 = arith.select %eq3A_1411, %broadcast_in_dim3A_1414, %broadcast_in_dim3A_1415 : vector<16xi1>, vector<16xf32>
        %swap3A_1417 = arith.constant 1 : i32
        %swap3A_1418 = arith.constant 35 : i32
        %swap3A_1419 = arith.index_cast %swap3A_1417 : i32 to index
        %swap3A_1420 = arith.index_cast %swap3A_1418 : i32 to index
        %swap3A_1421 = arith.index_cast %multiple_of3A_919 : i32 to index
        %swap3A_1422 = tpu.vector_load %arg5[%swap3A_1419, %swap3A_1420, %swap3A_1421] {strides = array<i32>} : memref<2x40x1024xf32, #tpu.memory_space<vmem>>, vector<1x1x16xf32>,
        %swap3A_1423 = vector.shape_cast %swap3A_1422 : vector<1x1x16xf32> to vector<16xf32>
        %swap3A_1424 = vector.shape_cast %select_n3A_1416 : vector<16xf32> to vector<1x1x16xf32>
        tpu.vector_store %arg5[%swap3A_1419, %swap3A_1420, %swap3A_1421], %swap3A_1424 {strides = array<i32>} : memref<2x40x1024xf32, #tpu.memory_space<vmem>>, vector<1x1x16xf32>,
        %eq3A_1425 = arith.cmpi eq, %get3A_922, %broadcast_in_dim3A_884 : vector<16xi32>
        %jit3A_1426 = arith.constant 1.000000e+00 : f32
        %jit3A_1427 = arith.constant 0.000000e+00 : f32
        %broadcast_in_dim3A_1428 = vector.broadcast %jit3A_1426 : f32 to vector<16xf32>
        %broadcast_in_dim3A_1429 = vector.broadcast %jit3A_1427 : f32 to vector<16xf32>
        %select_n3A_1430 = arith.select %eq3A_1425, %broadcast_in_dim3A_1428, %broadcast_in_dim3A_1429 : vector<16xi1>, vector<16xf32>
        %swap3A_1431 = arith.constant 1 : i32
        %swap3A_1432 = arith.constant 36 : i32
        %swap3A_1433 = arith.index_cast %swap3A_1431 : i32 to index
        %swap3A_1434 = arith.index_cast %swap3A_1432 : i32 to index
        %swap3A_1435 = arith.index_cast %multiple_of3A_919 : i32 to index
        %swap3A_1436 = tpu.vector_load %arg5[%swap3A_1433, %swap3A_1434, %swap3A_1435] {strides = array<i32>} : memref<2x40x1024xf32, #tpu.memory_space<vmem>>, vector<1x1x16xf32>,
        %swap3A_1437 = vector.shape_cast %swap3A_1436 : vector<1x1x16xf32> to vector<16xf32>
        %swap3A_1438 = vector.shape_cast %select_n3A_1430 : vector<16xf32> to vector<1x1x16xf32>
        tpu.vector_store %arg5[%swap3A_1433, %swap3A_1434, %swap3A_1435], %swap3A_1438 {strides = array<i32>} : memref<2x40x1024xf32, #tpu.memory_space<vmem>>, vector<1x1x16xf32>,
        %eq3A_1439 = arith.cmpi eq, %get3A_922, %broadcast_in_dim3A_887 : vector<16xi32>
        %jit3A_1440 = arith.constant 1.000000e+00 : f32
        %jit3A_1441 = arith.constant 0.000000e+00 : f32
        %broadcast_in_dim3A_1442 = vector.broadcast %jit3A_1440 : f32 to vector<16xf32>
        %broadcast_in_dim3A_1443 = vector.broadcast %jit3A_1441 : f32 to vector<16xf32>
        %select_n3A_1444 = arith.select %eq3A_1439, %broadcast_in_dim3A_1442, %broadcast_in_dim3A_1443 : vector<16xi1>, vector<16xf32>
        %swap3A_1445 = arith.constant 1 : i32
        %swap3A_1446 = arith.constant 37 : i32
        %swap3A_1447 = arith.index_cast %swap3A_1445 : i32 to index
        %swap3A_1448 = arith.index_cast %swap3A_1446 : i32 to index
        %swap3A_1449 = arith.index_cast %multiple_of3A_919 : i32 to index
        %swap3A_1450 = tpu.vector_load %arg5[%swap3A_1447, %swap3A_1448, %swap3A_1449] {strides = array<i32>} : memref<2x40x1024xf32, #tpu.memory_space<vmem>>, vector<1x1x16xf32>,
        %swap3A_1451 = vector.shape_cast %swap3A_1450 : vector<1x1x16xf32> to vector<16xf32>
        %swap3A_1452 = vector.shape_cast %select_n3A_1444 : vector<16xf32> to vector<1x1x16xf32>
        tpu.vector_store %arg5[%swap3A_1447, %swap3A_1448, %swap3A_1449], %swap3A_1452 {strides = array<i32>} : memref<2x40x1024xf32, #tpu.memory_space<vmem>>, vector<1x1x16xf32>,
        %eq3A_1453 = arith.cmpi eq, %get3A_922, %broadcast_in_dim3A_890 : vector<16xi32>
        %jit3A_1454 = arith.constant 1.000000e+00 : f32
        %jit3A_1455 = arith.constant 0.000000e+00 : f32
        %broadcast_in_dim3A_1456 = vector.broadcast %jit3A_1454 : f32 to vector<16xf32>
        %broadcast_in_dim3A_1457 = vector.broadcast %jit3A_1455 : f32 to vector<16xf32>
        %select_n3A_1458 = arith.select %eq3A_1453, %broadcast_in_dim3A_1456, %broadcast_in_dim3A_1457 : vector<16xi1>, vector<16xf32>
        %swap3A_1459 = arith.constant 1 : i32
        %swap3A_1460 = arith.constant 38 : i32
        %swap3A_1461 = arith.index_cast %swap3A_1459 : i32 to index
        %swap3A_1462 = arith.index_cast %swap3A_1460 : i32 to index
        %swap3A_1463 = arith.index_cast %multiple_of3A_919 : i32 to index
        %swap3A_1464 = tpu.vector_load %arg5[%swap3A_1461, %swap3A_1462, %swap3A_1463] {strides = array<i32>} : memref<2x40x1024xf32, #tpu.memory_space<vmem>>, vector<1x1x16xf32>,
        %swap3A_1465 = vector.shape_cast %swap3A_1464 : vector<1x1x16xf32> to vector<16xf32>
        %swap3A_1466 = vector.shape_cast %select_n3A_1458 : vector<16xf32> to vector<1x1x16xf32>
        tpu.vector_store %arg5[%swap3A_1461, %swap3A_1462, %swap3A_1463], %swap3A_1466 {strides = array<i32>} : memref<2x40x1024xf32, #tpu.memory_space<vmem>>, vector<1x1x16xf32>,
        %eq3A_1467 = arith.cmpi eq, %get3A_922, %broadcast_in_dim3A_893 : vector<16xi32>
        %jit3A_1468 = arith.constant 1.000000e+00 : f32
        %jit3A_1469 = arith.constant 0.000000e+00 : f32
        %broadcast_in_dim3A_1470 = vector.broadcast %jit3A_1468 : f32 to vector<16xf32>
        %broadcast_in_dim3A_1471 = vector.broadcast %jit3A_1469 : f32 to vector<16xf32>
        %select_n3A_1472 = arith.select %eq3A_1467, %broadcast_in_dim3A_1470, %broadcast_in_dim3A_1471 : vector<16xi1>, vector<16xf32>
        %swap3A_1473 = arith.constant 1 : i32
        %swap3A_1474 = arith.constant 39 : i32
        %swap3A_1475 = arith.index_cast %swap3A_1473 : i32 to index
        %swap3A_1476 = arith.index_cast %swap3A_1474 : i32 to index
        %swap3A_1477 = arith.index_cast %multiple_of3A_919 : i32 to index
        %swap3A_1478 = tpu.vector_load %arg5[%swap3A_1475, %swap3A_1476, %swap3A_1477] {strides = array<i32>} : memref<2x40x1024xf32, #tpu.memory_space<vmem>>, vector<1x1x16xf32>,
        %swap3A_1479 = vector.shape_cast %swap3A_1478 : vector<1x1x16xf32> to vector<16xf32>
        %swap3A_1480 = vector.shape_cast %select_n3A_1472 : vector<16xf32> to vector<1x1x16xf32>
        tpu.vector_store %arg5[%swap3A_1475, %swap3A_1476, %swap3A_1477], %swap3A_1480 {strides = array<i32>} : memref<2x40x1024xf32, #tpu.memory_space<vmem>>, vector<1x1x16xf32>,
        %scan3A_1481 = arith.constant 0 : i32
        scf.yield %scan3A_1481 : i32
      }
      %scan3A_900 = arith.constant 64 : i32
      %dma_start3A_901 = arith.constant 1 : i32
      %dma_start3A_902 = arith.constant 0 : i32
      %dma_start3A_903 = arith.constant 0 : i32
      %dma_start3A_904 = tpu.memref_slice %arg5[%dma_start3A_901, %dma_start3A_902, %dma_start3A_903] : memref<2x40x1024xf32, #tpu.memory_space<vmem>> -> memref<1x40x1024xf32, #tpu.memory_space<vmem>>
      %dma_start3A_905 = tpu.memref_squeeze %dma_start3A_904 : memref<1x40x1024xf32, #tpu.memory_space<vmem>> -> memref<40x1024xf32, #tpu.memory_space<vmem>>
      %dma_start3A_906 = arith.constant 0 : i32
      %dma_start3A_907 = tpu.memref_slice %arg3[%multiple_of3A_724, %dma_start3A_906] : memref<50000x1024xf32, #tpu.memory_space<hbm>> -> memref<40x1024xf32, #tpu.memory_space<hbm>>
      %dma_start3A_908 = arith.constant 0 : i32
      %dma_start3A_909 = tpu.memref_slice %arg3[%multiple_of3A_724, %dma_start3A_908] : memref<50000x1024xf32, #tpu.memory_space<hbm>> -> memref<40x1024xf32, #tpu.memory_space<hbm>>
      %dma_start3A_910 = arith.constant 0 : i32
      %dma_start3A_911 = arith.constant 0 : i32
      %dma_start3A_912 = tpu.memref_slice %arg5[%dma_start3A_901, %dma_start3A_910, %dma_start3A_911] : memref<2x40x1024xf32, #tpu.memory_space<vmem>> -> memref<1x40x1024xf32, #tpu.memory_space<vmem>>
      %dma_start3A_913 = tpu.memref_squeeze %dma_start3A_912 : memref<1x40x1024xf32, #tpu.memory_space<vmem>> -> memref<40x1024xf32, #tpu.memory_space<vmem>>
      tpu.enqueue_dma source(%dma_start3A_913 : memref<40x1024xf32, #tpu.memory_space<vmem>>) target(%dma_start3A_909 : memref<40x1024xf32, #tpu.memory_space<hbm>>) target_semaphore(%arg7 : memref<!tpu.dma_semaphore, #tpu.memory_space<semaphore_mem>>)
      %scan3A_914 = arith.constant 0 : i32
      scf.yield %scan3A_914 : i32
    }
    %scan3A_488 = arith.constant 19 : i32
    %dma_wait3A = arith.constant 0 : i32
    %dma_wait3A_489 = arith.constant 0 : i32
    %dma_wait3A_490 = arith.constant 0 : i32
    %dma_wait3A_491 = tpu.memref_slice %arg5[%dma_wait3A, %dma_wait3A_489, %dma_wait3A_490] : memref<2x40x1024xf32, #tpu.memory_space<vmem>> -> memref<1x40x1024xf32, #tpu.memory_space<vmem>>
    %dma_wait3A_492 = tpu.memref_squeeze %dma_wait3A_491 : memref<1x40x1024xf32, #tpu.memory_space<vmem>> -> memref<40x1024xf32, #tpu.memory_space<vmem>>
    %dma_wait3A_493 = arith.constant 0 : i32
    %dma_wait3A_494 = arith.constant 0 : i32
    %dma_wait3A_495 = tpu.memref_slice %arg3[%dma_wait3A_493, %dma_wait3A_494] : memref<50000x1024xf32, #tpu.memory_space<hbm>> -> memref<40x1024xf32, #tpu.memory_space<hbm>>
    %dma_wait3A_496 = arith.constant 0 : i32
    %dma_wait3A_497 = arith.constant 0 : i32
    %dma_wait3A_498 = tpu.memref_slice %arg3[%dma_wait3A_496, %dma_wait3A_497] : memref<50000x1024xf32, #tpu.memory_space<hbm>> -> memref<40x1024xf32, #tpu.memory_space<hbm>>
    %dma_wait3A_499 = arith.constant 0 : i32
    %dma_wait3A_500 = arith.constant 0 : i32
    %dma_wait3A_501 = tpu.memref_slice %arg5[%dma_wait3A, %dma_wait3A_499, %dma_wait3A_500] : memref<2x40x1024xf32, #tpu.memory_space<vmem>> -> memref<1x40x1024xf32, #tpu.memory_space<vmem>>
    %dma_wait3A_502 = tpu.memref_squeeze %dma_wait3A_501 : memref<1x40x1024xf32, #tpu.memory_space<vmem>> -> memref<40x1024xf32, #tpu.memory_space<vmem>>
    tpu.wait_dma2 semaphore(%arg6 : memref<!tpu.dma_semaphore, #tpu.memory_space<semaphore_mem>>) src(%dma_wait3A_502 : memref<40x1024xf32, #tpu.memory_space<vmem>>) dst(%dma_wait3A_498 : memref<40x1024xf32, #tpu.memory_space<hbm>>)
    %dma_wait3A_503 = arith.constant 1 : i32
    %dma_wait3A_504 = arith.constant 0 : i32
    %dma_wait3A_505 = arith.constant 0 : i32
    %dma_wait3A_506 = tpu.memref_slice %arg5[%dma_wait3A_503, %dma_wait3A_504, %dma_wait3A_505] : memref<2x40x1024xf32, #tpu.memory_space<vmem>> -> memref<1x40x1024xf32, #tpu.memory_space<vmem>>
    %dma_wait3A_507 = tpu.memref_squeeze %dma_wait3A_506 : memref<1x40x1024xf32, #tpu.memory_space<vmem>> -> memref<40x1024xf32, #tpu.memory_space<vmem>>
    %dma_wait3A_508 = arith.constant 0 : i32
    %dma_wait3A_509 = arith.constant 0 : i32
    %dma_wait3A_510 = tpu.memref_slice %arg3[%dma_wait3A_508, %dma_wait3A_509] : memref<50000x1024xf32, #tpu.memory_space<hbm>> -> memref<40x1024xf32, #tpu.memory_space<hbm>>
    %dma_wait3A_511 = arith.constant 0 : i32
    %dma_wait3A_512 = arith.constant 0 : i32
    %dma_wait3A_513 = tpu.memref_slice %arg3[%dma_wait3A_511, %dma_wait3A_512] : memref<50000x1024xf32, #tpu.memory_space<hbm>> -> memref<40x1024xf32, #tpu.memory_space<hbm>>
    %dma_wait3A_514 = arith.constant 0 : i32
    %dma_wait3A_515 = arith.constant 0 : i32
    %dma_wait3A_516 = tpu.memref_slice %arg5[%dma_wait3A_503, %dma_wait3A_514, %dma_wait3A_515] : memref<2x40x1024xf32, #tpu.memory_space<vmem>> -> memref<1x40x1024xf32, #tpu.memory_space<vmem>>
    %dma_wait3A_517 = tpu.memref_squeeze %dma_wait3A_516 : memref<1x40x1024xf32, #tpu.memory_space<vmem>> -> memref<40x1024xf32, #tpu.memory_space<vmem>>
    tpu.wait_dma2 semaphore(%arg7 : memref<!tpu.dma_semaphore, #tpu.memory_space<semaphore_mem>>) src(%dma_wait3A_517 : memref<40x1024xf32, #tpu.memory_space<vmem>>) dst(%dma_wait3A_513 : memref<40x1024xf32, #tpu.memory_space<hbm>>)
    return
  }
}

</mosaic_0001>

<sc_bundles>
// kernel: kernel.3.cloned.1.call-start
scs
__scs_entry_jumppad:
0x0: {  	(pc) =	sbr.rel $0x88, $3  }
0x1: {  	(tag) =	ssettag $0x0;
	lr =	simm.s32 $0x1  }
0x2: {  	[smem:$0x3FA0] =	sst lr;
	_ =	strace $0xD0000000  }
0x3: {  	_ = 	snop  }
0x4: {  	_ = 	snop  }
0x5: {  	_ = 	snop  }
0x6: {  	_ = 	snop  }
0x7: {  	_ = 	snop  }
__scs_overlays_trampoline_lowered:
0x8: {  	[smem:$0x3FAF] =	sst s0  }
0x9: {  	[smem:$0x3FB0] =	sst s1  }
0xa: {  	[smem:$0x3FB1] =	sst s2  }
0xb: {  	[smem:$0x3FB2] =	sst s3  }
0xc: {  	[smem:$0x3FB3] =	sst s4  }
0xd: {  	[smem:$0x3FB4] =	sst s5  }
0xe: {  	[smem:$0x3FB5] =	sst s6  }
0xf: {  	[smem:$0x3FB6] =	sst s7  }
0x10: {  	[smem:$0x3FB7] =	sst s8  }
0x11: {  	[smem:$0x3FB8] =	sst s9;
	s0 =	simm.s32 @!p0 $0x0  }
0x12: {  	s1 =	sld [smem:$0x3F9E];
	s0 =	simm.s32 @p0 $0x1  }
0x13: {  	[smem:$0x3FB9] =	sst s0;
	s0 =	simm.s32 @!p1 $0x0  }
0x14: {  	s2 =	sld [smem:$0x3F9D];
	s0 =	simm.s32 @p1 $0x1  }
0x15: {  	[smem:$0x3FBA] =	sst s0;
	s0 =	simm.s32 @!p2 $0x0  }
0x16: {  	s3 =	sld [smem:$0x3FDB];
	s0 =	simm.s32 @p2 $0x1  }
0x17: {  	s4 =	simm.s32 $0x1BF5;
	[smem:$0x3FBC] =	sst s0  }
0x18: {  	s0 =	sld [smem:$0x3F9F];
	_ =	swait.ge [sflag:s4], $0x0  }
0x19: {  	s7 =	sld [smem:$0x3FA0]  }
0x1a: {  	s8 =	sadd.s32 $0xFFFFE003, lr  }
0x1b: {  	s9 =	sadd.s32 $0xFFFFFEF7, lr;
	s5 =	simm.s32 $0xFFFFFFFF;
	p2 =	slt.u32 s8, $0xFFFFF086  }
0x1c: {  	p1 =	slt.u32 s9, $0xF7A;
	s5 =	simm.s32 @!p2 $0x0  }
0x1d: {  	s5 =	simm.s32 @p1 $0x1;
	p0 =	seq.s32 s7, s2  }
0x1e: {  	s7 =	smul.u32 @!p0 $0xF7A, s2;
	p2 =	seq.s32 @!p0 s5, $0x0  }
0x1f: {  	s9 =	smul.u32 $0xF7A, s1;
	s8 =	simm.s32 @!p0 $0x1BF5;
	p2 =	por !p2, p0  }
0x20: {  	[sflag:s8] =	ssyncset.s32 @!p0 $0xFFFFF086;
	s6 =	sadd.s32 @!p0 s3, s7;
	s7 =	simm.s32 @!p0 $0x108  }
0x21: {  	s3 =	sadd.s32 s3, s9;
	s6 =	sadd.s32 @!p0 $0x88, s6;
	s7 =	simm.s32 @p2 $0x1082  }
0x22: {  	[simem:s7], [sflag:s8] =	dma.local @!p0 [hbm:s6], $0xF7A  }
0x23: {  	s9 =	sor.u32 $0xD0000000, s2;
	s6 =	simm.s32 $0x108;
	_ =	swait.ge @!p0 [sflag:s8], $0x0  }
0x24: {  	s3 =	sadd.s32 $0x88, s3;
	s6 =	simm.s32 @!p1 $0x1082;
	[sflag:s4] =	ssyncset.s32 $0xFFFFF086  }
0x25: {  	[simem:s6], [sflag:s4] =	dma.local [hbm:s3], $0xF7A  }
0x26: {  	[smem:$0x3FA0] =	sst s1;
	(tag) =	ssettag s2;
	_ =	strace s9  }
0x27: {  	s1 =	sld [smem:$0x3FB0]  }
0x28: {  	s2 =	sld [smem:$0x3FB1]  }
0x29: {  	s4 =	sld [smem:$0x3FB3]  }
0x2a: {  	p0 =	seq.s32 s5, $0x0;
	s5 =	sld [smem:$0x3FB4]  }
0x2b: {  	s6 =	sld [smem:$0x3FB5]  }
0x2c: {  	s7 =	sld [smem:$0x3FB6]  }
0x2d: {  	s3 =	simm.s32 $0x108;
	s8 =	sld [smem:$0x3FB7]  }
0x2e: {  	s3 =	simm.s32 @!p0 $0x1082;
	s9 =	sld [smem:$0x3FB8]  }
0x2f: {  	lr =	sadd.s32 s0, s3;
	s0 =	sld [smem:$0x3FAF]  }
0x30: {  	s3 =	sld [smem:$0x3FB2]  }
0x31: {  	[smem:$0x3FBB] =	sst s10  }
0x32: {  	s10 =	sld [smem:$0x3FB9];
	_ =	sdelay $0x3  }
0x33: {  	p0 =	seq.s32 s10, $0x1;
	s10 =	sld [smem:$0x3FBB];
	_ =	sdelay $0x3  }
0x34: {  	[smem:$0x3FBB] =	sst s10  }
0x35: {  	s10 =	sld [smem:$0x3FBA];
	_ =	sdelay $0x3  }
0x36: {  	p1 =	seq.s32 s10, $0x1;
	s10 =	sld [smem:$0x3FBB];
	_ =	sdelay $0x3  }
0x37: {  	[smem:$0x3FBB] =	sst s10  }
0x38: {  	s10 =	sld [smem:$0x3FBC]  }
0x39: {  	_ = 	snop;
	(pc) =	sbr.ind lr, $3  }
0x3a: {  	_ = 	snop  }
0x3b: {  	_ = 	snop  }
0x3c: {  	p2 =	seq.s32 s10, $0x1;
	s10 =	sld [smem:$0x3FBB]  }
0x3d: {  	_ =	shalt  }
0x3e: {  	_ =	shalt  }
0x3f: {  	_ =	shalt  }
0x40: {  	_ =	shalt  }
0x41: {  	_ =	shalt  }
0x42: {  	_ =	shalt  }
0x43: {  	_ =	shalt  }
0x44: {  	_ =	shalt  }
0x45: {  	_ =	shalt  }
0x46: {  	_ =	shalt  }
0x47: {  	_ =	shalt  }
0x48: {  	_ =	shalt  }
0x49: {  	_ =	shalt  }
0x4a: {  	_ =	shalt  }
0x4b: {  	_ =	shalt  }
0x4c: {  	_ =	shalt  }
0x4d: {  	_ =	shalt  }
0x4e: {  	_ =	shalt  }
0x4f: {  	_ =	shalt  }
0x50: {  	_ =	shalt  }
0x51: {  	_ =	shalt  }
0x52: {  	_ =	shalt  }
0x53: {  	_ =	shalt  }
0x54: {  	_ =	shalt  }
0x55: {  	_ =	shalt  }
0x56: {  	_ =	shalt  }
0x57: {  	_ =	shalt  }
0x58: {  	_ =	shalt  }
0x59: {  	_ =	shalt  }
0x5a: {  	_ =	shalt  }
0x5b: {  	_ =	shalt  }
0x5c: {  	_ =	shalt  }
0x5d: {  	_ =	shalt  }
0x5e: {  	_ =	shalt  }
0x5f: {  	_ =	shalt  }
0x60: {  	_ =	shalt  }
0x61: {  	_ =	shalt  }
0x62: {  	_ =	shalt  }
0x63: {  	_ =	shalt  }
0x64: {  	_ =	shalt  }
0x65: {  	_ =	shalt  }
0x66: {  	_ =	shalt  }
0x67: {  	_ =	shalt  }
0x68: {  	_ =	shalt  }
0x69: {  	_ =	shalt  }
0x6a: {  	_ =	shalt  }
0x6b: {  	_ =	shalt  }
0x6c: {  	_ =	shalt  }
0x6d: {  	_ =	shalt  }
0x6e: {  	_ =	shalt  }
0x6f: {  	_ =	shalt  }
0x70: {  	_ =	shalt  }
0x71: {  	_ =	shalt  }
0x72: {  	_ =	shalt  }
0x73: {  	_ =	shalt  }
0x74: {  	_ =	shalt  }
0x75: {  	_ =	shalt  }
0x76: {  	_ =	shalt  }
0x77: {  	_ =	shalt  }
0x78: {  	_ =	shalt  }
0x79: {  	_ =	shalt  }
0x7a: {  	_ =	shalt  }
0x7b: {  	_ =	shalt  }
0x7c: {  	_ =	shalt  }
0x7d: {  	_ =	shalt  }
0x7e: {  	_ =	shalt  }
0x7f: {  	_ =	shalt  }
0x80: {  	_ =	shalt  }
0x81: {  	_ =	shalt  }
0x82: {  	_ =	shalt  }
0x83: {  	_ =	shalt  }
0x84: {  	_ =	shalt  }
0x85: {  	_ =	shalt  }
0x86: {  	_ =	shalt  }
0x87: {  	_ =	shalt  }
.Lfunc_end0:
.L_simem_size_0:
called_computation_lowered:
.L_overlay_start_0:
0x88: {  	s2 =	sld [smem:$0x3FD9]  }
0x89: {  	s3 =	sld [smem:$0x3FFE];
	_ =	sdelay $0x1  }
0x8a: {  	s1 =	srdreg.scid  }
0x8b: {  	s0 =	sand.u32 $0x1, s1  }
0x8c: {  	s17 =	sshll.u32 s0, $0xA;
	s2 =	sadd.s32 s3, s2  }
0x8d: {  	s2 =	sadd.s32 s2, s17  }
0x8e: {  	[smem:$0x3FC7] =	sst s2  }
0x8f: {  	_ = 	snop  }
0x90: {  	s2 =	sld [smem:$0x3FD0];
	(tm) =	ssettm $0x1  }
0x91: {  	s18 =	sld [smem:$0x3FFB];
	_ =	sdelay $0x3  }
0x92: {  	_ =	strace s18  }
0x93: {  	s3 =	sld [smem:$0x3FFC];
	_ =	sdelay $0x3  }
0x94: {  	_ =	strace s3  }
0x95: {  	s3 =	sld [smem:$0x3FFD];
	_ =	sdelay $0x3  }
0x96: {  	_ =	strace s3  }
0x97: {  	_ =	strace $0x8FFFFFFF  }
0x98: {  	s19 =	sld [smem:$0x3FDB];
	_ =	sdelay $0x1  }
0x99: {  	s4 =	simm.s32 $_scs_section_size  }
0x9a: {  	s5 =	simm.s32 $_size__tile_overlayer_lowered;
	s6 =	simm.s32 $_tile_overlayer_lowered  }
0x9b: {  	s22 =	simm.s32 $0x1BFF;
	s21 =	sshll.u32 s6, $0x1;
	s3 =	sadd.s32 s4, s19  }
0x9c: {  	s7 =	simm.s32 $0x0;
	s20 =	sshll.u32 s5, $0x1;
	s5 =	sadd.s32 s21, s3  }
0x9d: {  	[timem:s7], [sflag:s22] =	dma.local [hbm:s5], s20  }
0x9e: {  	_ =	swait.ge [sflag:s22], s20  }
0x9f: {  	s4 =	ssub.s32 $0x0, s20;
	[sflag:s22] =	ssyncset.done $0x0  }
0xa0: {  	[sflag:s22] =	ssyncadd.s32 s4;
	_ =	sdelay $0x1  }
0xa1: {  	s23 =	simm.s32 $0x1B8B  }
0xa2: {  	_ =	swait.ge [sflag:s23], $0x1  }
0xa3: {  	[sflag:s23] =	ssyncset.done $0x0  }
0xa4: {  	s25 =	simm.s32 $0x1B8E;
	s24 =	sld [smem:$0x3FFE];
	[sflag:s23] =	ssyncadd.s32 $0xFFFFFFFF  }
0xa5: {  	s26 =	simm.s32 $execute0_lowered;
	[smem:$0x3FD2] =	sst s25  }
0xa6: {  	s5 =	sshll.u32 s26, $0x1;
	_ =	strace $0x80000046;
	[dreg:$0x1] =	wrdreg $0xFFFFFFFF  }
0xa7: {  	s28 =	simm.s32 $_size_execute0_lowered;
	s3 =	sadd.s32 s3, s5;
	[dreg:$0x0] =	wrdreg $0x0  }
0xa8: {  	s5 =	sshll.u32 s28, $0x1;
	[dreg:$0x2] =	wrdreg s3  }
0xa9: {  	[dreg:$0x3] =	wrdreg s5  }
0xaa: {  	[dreg:$0x4] =	wrdreg $0xC0  }
0xab: {  	_ =	task [dreg:s7], $0x5FFFF  }
0xac: {  	[dreg:$0x1] =	wrdreg $0xFFFFFFFF  }
0xad: {  	[dreg:$0x0] =	wrdreg $0x60  }
0xae: {  	[dreg:$0x2] =	wrdreg s24  }
0xaf: {  	[dreg:$0x3] =	wrdreg s2  }
0xb0: {  	[dreg:$0x4] =	wrdreg $0x9  }
0xb1: {  	_ =	task.clear_ibuf [dreg:s7], $0x5FFFF;
	_ =	strace $0x90000046  }
0xb2: {  	s29 =	simm.s32 $0x9;
	_ =	strace $0x80000048  }
0xb3: {  	_ =	swait.ge [sflag:s29], $0x1  }
0xb4: {  	[sflag:s29] =	ssyncadd.s32 $0xFFFFFFFF  }
0xb5: {  	_ =	strace $0x90000048  }
0xb6: {  	_ =	sfence  }
0xb7: {  	s30 =	sld [smem:$0x0];
	_ =	sdelay $0x2  }
0xb8: {  	s31 =	sshll.u32 s1, $0xD;
	s1 =	sshrl.u32 s1, $0x2  }
0xb9: {  	s3 =	sand.u32 $0x4000, s31;
	s1 =	sadd.s32 s1, s30  }
0xba: {  	s0 =	sor.u32 s3, s0;
	s1 =	sshll.u32 s1, $0x11  }
0xbb: {  	s0 =	sor.u32 s1, s0  }
0xbc: {  	s0 =	sadd.s32 $0x8F2B, s0  }
0xbd: {  	[sflag:s0] =	ssyncadd.remote.s32 $0x1  }
0xbe: {  	_ =	sfence.sel $0xFFFF  }
0xbf: {  	[dreg:$0x0] =	wrdreg $0xFFFFFFFF;
	(pc) =	sbr.abs _section_cstart, $3  }
0xc0: {  	[dreg:$0x1] =	wrdreg $0xFFFFFFFF  }
0xc1: {  	_ =	task.clear_ibuf [dreg:s7], $0x2FFFF;
	_ =	strace $0x9FFFFFFF  }
0xc2: {  	(tm) =	ssettm $0x7FFFFFFF  }
0xc3: {  	_ =	shalt  }
tec
execute0_lowered:
.L_overlay_start_1:
0x0: {  	(tag) =	ssettag $0x1  }
0x1: {  	s1 =	srdreg.scid;
	s0 =	stileid.u32  }
0x2: {  	s5 =	sand.u32 $0x1, s1;
	s21 =	sshll.u32 s0, $0x1  }
0x3: {  	s6 =	sor.u32 s5, s21  }
0x4: {  	s7 =	smul.u32 $0x4E2, s6;
	_ =	sdelay $0x1  }
0x5: {  	s3 =	sshrl.u32 s7, $0x5  }
0x6: {  	s9 =	smul.u32 $0xA3E, s3;
	_ =	sdelay $0x1  }
0x7: {  	s9 =	sshrl.u32 s9, $0x10  }
0x8: {  	s10 =	sand.u32 $0x7, s9  }
0x9: {  	p0 =	seq.s32 s6, $0x0;
	s7 =	sshrl.u32 s7, $0x8;
	p1 =	sne.s32 s10, $0x0  }
0xa: {  	s7 =	smul.u32 $0xA3E, s7;
	p0 =	por !p0, !p1  }
0xb: {  	s25 =	smul.u32 $0xFFFFFFE7, s9;
	s10 =	simm.s32 $0x1;
	p0 =	por !p0, !p0  }
0xc: {  	s7 =	sshrl.u32 s7, $0x10;
	s10 =	simm.s32 @!p0 $0x0  }
0xd: {  	s23 =	ssub.s32 s7, s10;
	s10 =	sadd.s32 s3, s25  }
0xe: {  	s10 =	smul.u32 $0x28, s10  }
0xf: {  	s8 =	rddreg [dreg:$0x0];
	s4 =	simm.s32 $0x0  }
0x10: {  	[smem:$0x7FF] =	sst s4;
	s31 =	sor.u32 $0x1, s10;
	v38 =	vmov s10  }
0x11: {  	s2 =	rddreg [dreg:$0x1];
	_ =	strace $0x80000047;
	s17 =	sor.u32 $0x2, s10;
	v0 =	vmov s31;
	[tilespmem:$0x1FE60] =	vst v38  }
0x12: {  	s5 =	ssub.s32 $0x2, s5;
	s18 =	sor.u32 $0x3, s10;
	v1 =	vmov s17;
	[tilespmem:$0x1FCC0] =	vst v0  }
0x13: {  	s22 =	sshrl.u32 s5, $0x1;
	s19 =	sor.u32 $0x4, s10;
	v2 =	vmov s18;
	[tilespmem:$0x1FCD0] =	vst v1  }
0x14: {  	s1 =	ssub.s32 s5, s22;
	s11 =	sadd.s32 $0x27, s3;
	s20 =	sor.u32 $0x5, s10;
	v3 =	vmov s19;
	[tilespmem:$0x1FCE0] =	vst v2  }
0x15: {  	s26 =	sadd.s32 $0x1, s3;
	s11 =	sand.u32 $0xFF8, s11;
	s21 =	sor.u32 $0x6, s10;
	v4 =	vmov s20;
	[tilespmem:$0x1FCF0] =	vst v3  }
0x16: {  	s12 =	smul.u32 $0x47AF, s26;
	s24 =	sshrl.u32 s11, $0x3;
	s22 =	sor.u32 $0x7, s10;
	v5 =	vmov s21;
	[tilespmem:$0x1FD00] =	vst v4  }
0x17: {  	s5 =	sshll.u32 s23, $0x3;
	s6 =	sshll.u32 s23, $0xA;
	s23 =	sadd.s32 $0x8, s10;
	v6 =	vmov s22;
	[tilespmem:$0x1FD10] =	vst v5  }
0x18: {  	s8 =	sadd.s32 $0x400, s8;
	s7 =	smul.u32 $0x147B, s24;
	s24 =	sadd.s32 $0x9, s10;
	v7 =	vmov s23;
	[tilespmem:$0x1FD20] =	vst v6  }
0x19: {  	s12 =	sshrl.u32 s12, $0x10;
	s6 =	sand.u32 $0x1FFFFC00, s6;
	s25 =	sadd.s32 $0xA, s10;
	v8 =	vmov s24;
	[tilespmem:$0x1FD30] =	vst v7  }
0x1a: {  	s16 =	ssub.s32 s26, s12;
	s28 =	sadd.s32 s8, s6;
	s6 =	sadd.s32 $0xC, s10;
	v21 =	vmov s25;
	[tilespmem:$0x1FD40] =	vst v8  }
0x1b: {  	s30 =	sand.u32 $0xFFFE, s16;
	s7 =	sshrl.u32 s7, $0x11;
	s14 =	sadd.s32 $0x12, s10;
	v23 =	vmov s6;
	[tilespmem:$0x1FD50] =	vst v21  }
0x1c: {  	s13 =	sshll.u32 s7, $0xA;
	[dreg:$0x3] =	wrdreg s28;
	s28 =	sadd.s32 $0xD, s10;
	v29 =	vmov s14;
	[tilespmem:$0x1FD70] =	vst v23  }
0x1d: {  	s29 =	sadd.s32 s8, s13;
	s13 =	sshrl.u32 s30, $0x1;
	s30 =	sadd.s32 $0xF, s10;
	v24 =	vmov s28;
	[tilespmem:$0x1FDD0] =	vst v29  }
0x1e: {  	s18 =	sadd.s32 $0x10, s10;
	v26 =	vmov s30;
	[tilespmem:$0x1FD80] =	vst v24  }
0x1f: {  	s8 =	sadd.s32 $0x11, s10;
	v27 =	vmov s18;
	[tilespmem:$0x1FDA0] =	vst v26  }
0x20: {  	s20 =	sadd.s32 $0x13, s10;
	v28 =	vmov s8;
	[tilespmem:$0x1FDB0] =	vst v27  }
0x21: {  	s21 =	sadd.s32 $0x14, s10;
	v30 =	vmov s20;
	[tilespmem:$0x1FDC0] =	vst v28  }
0x22: {  	s31 =	sadd.s32 $0x15, s10;
	v31 =	vmov s21;
	[tilespmem:$0x1FDE0] =	vst v30  }
0x23: {  	s23 =	sadd.s32 $0x16, s10;
	v32 =	vmov s31;
	[tilespmem:$0x1FDF0] =	vst v31  }
0x24: {  	s24 =	sadd.s32 $0x17, s10;
	v33 =	vmov s23;
	[tilespmem:$0x1FE00] =	vst v32  }
0x25: {  	s25 =	sadd.s32 $0x1A, s10;
	v34 =	vmov s24;
	[tilespmem:$0x1FE10] =	vst v33  }
0x26: {  	s6 =	sadd.s32 $0x1D, s10;
	v37 =	vmov s25;
	[tilespmem:$0x1FE20] =	vst v34  }
0x27: {  	s14 =	sadd.s32 $0x20, s10;
	v41 =	vmov s6;
	[tilespmem:$0x1FE50] =	vst v37  }
0x28: {  	s22 =	sadd.s32 $0x25, s10;
	v44 =	vmov s14;
	[tilespmem:$0x1FE90] =	vst v41  }
0x29: {  	[dreg:$0x4] =	wrdreg s29;
	s29 =	sadd.s32 $0xE, s10;
	v49 =	vmov s22;
	[tilespmem:$0x1FEC0] =	vst v44  }
0x2a: {  	s28 =	sadd.s32 $0x1C, s10;
	v25 =	vmov s29;
	[tilespmem:$0x1FF10] =	vst v49  }
0x2b: {  	s7 =	sshll.u32 s7, $0x3;
	s30 =	sadd.s32 $0x1E, s10;
	v40 =	vmov s28;
	[tilespmem:$0x1FD90] =	vst v25  }
0x2c: {  	s7 =	ssub.s32 $0x8, s7;
	s8 =	sadd.s32 $0x1F, s10;
	v42 =	vmov s30;
	[tilespmem:$0x1FE80] =	vst v40  }
0x2d: {  	s15 =	ssub.s32 s9, s5;
	s9 =	sadd.s32 s9, s7;
	s18 =	sadd.s32 $0x21, s10;
	v43 =	vmov s8;
	[tilespmem:$0x1FEA0] =	vst v42  }
0x2e: {  	s12 =	sadd.s32 s12, s13;
	s20 =	sadd.s32 $0x22, s10;
	s31 =	sadd.s32 $0x23, s10;
	v45 =	vmov s18;
	[tilespmem:$0x1FEB0] =	vst v43  }
0x2f: {  	s21 =	sadd.s32 $0x24, s10;
	p0 =	slt.s32 s15, s9;
	s12 =	sand.u32 $0xFFF0, s12;
	v46 =	vmov s20;
	[tilespmem:$0x1FED0] =	vst v45  }
0x30: {  	s23 =	sadd.s32 $0x26, s10;
	v47 =	vmov s31;
	s9 =	smov.u32 @p0 s15;
	s0 =	sshrl.u32 s12, $0x4;
	[tilespmem:$0x1FEE0] =	vst v46  }
0x31: {  	s25 =	sadd.s32 $0x27, s10;
	v48 =	vmov s21;
	[tilespmem:$0x1FEF0] =	vst v47;
	s12 =	smul.u32 $0xFFFFFFE7, s0;
	s15 =	sshll.u32 s9, $0xA  }
0x32: {  	v50 =	vmov s23;
	[tilespmem:$0x1FF00] =	vst v48;
	s9 =	sshll.u32 s9, $0x7;
	s13 =	sadd.s32 s0, s7;
	s15 =	sand.u32 $0xFFFFE000, s15  }
0x33: {  	v51 =	vmov s25;
	[tilespmem:$0x1FF20] =	vst v50;
	s9 =	sand.u32 $0x380, s9;
	s11 =	sadd.s32 s26, s12;
	s26 =	sadd.s32 $0xB, s10  }
0x34: {  	[tilespmem:$0x1FF30] =	vst v51;
	s9 =	sor.u32 s9, s15;
	s15 =	ssub.s32 s0, s5;
	s0 =	sadd.s32 $0x18, s10;
	v22 =	vmov s26  }
0x35: {  	s12 =	smul.u32 $0x28, s11;
	s11 =	sadd.s32 $0x19, s10;
	v35 =	vmov s0;
	[tilespmem:$0x1FD60] =	vst v22  }
0x36: {  	s26 =	sadd.s32 $0x1B, s10;
	v36 =	vmov s11;
	[tilespmem:$0x1FE30] =	vst v35  }
0x37: {  	v39 =	vmov s26;
	s6 =	sor.u32 $0x1, s12;
	[tilespmem:$0x1FE40] =	vst v36  }
0x38: {  	s8 =	sor.u32 $0x2, s12;
	[tilespmem:$0x1FE70] =	vst v39;
	v52 =	vmov s6  }
0x39: {  	s11 =	sor.u32 $0x3, s12;
	v53 =	vmov s8;
	[tilespmem:$0x1FF40] =	vst v52  }
0x3a: {  	s14 =	sor.u32 $0x4, s12;
	v54 =	vmov s11;
	[tilespmem:$0x1FF50] =	vst v53  }
0x3b: {  	s19 =	sor.u32 $0x5, s12;
	v55 =	vmov s14;
	[tilespmem:$0x1FF60] =	vst v54  }
0x3c: {  	s20 =	sor.u32 $0x6, s12;
	v56 =	vmov s19;
	[tilespmem:$0x1FF70] =	vst v55  }
0x3d: {  	s31 =	sor.u32 $0x7, s12;
	v57 =	vmov s20;
	[tilespmem:$0x1FF80] =	vst v56  }
0x3e: {  	s23 =	sadd.s32 $0x8, s12;
	v58 =	vmov s31;
	[tilespmem:$0x1FF90] =	vst v57  }
0x3f: {  	s26 =	sadd.s32 $0x9, s12;
	v59 =	vmov s23;
	[tilespmem:$0x1FFA0] =	vst v58  }
0x40: {  	s28 =	sadd.s32 $0xA, s12;
	v60 =	vmov s26;
	[tilespmem:$0x1FFB0] =	vst v59  }
0x41: {  	s29 =	sadd.s32 $0xB, s12;
	v61 =	vmov s28;
	[tilespmem:$0x1FFC0] =	vst v60  }
0x42: {  	s30 =	sadd.s32 $0xC, s12;
	v62 =	vmov s29;
	[tilespmem:$0x1FFD0] =	vst v61  }
0x43: {  	s6 =	sadd.s32 $0xD, s12;
	v63 =	vmov s30;
	[tilespmem:$0x1FFE0] =	vst v62  }
0x44: {  	s8 =	sadd.s32 $0xE, s12;
	v9 =	vmov s6;
	[tilespmem:$0x1FFF0] =	vst v63  }
0x45: {  	s11 =	sadd.s32 $0xF, s12;
	[tilespmem:$0x1FB70] =	vst v9;
	v9 =	vmov s8  }
0x46: {  	s14 =	sadd.s32 $0x10, s12;
	[tilespmem:$0x1FB80] =	vst v9;
	v9 =	vmov s11  }
0x47: {  	s20 =	sadd.s32 $0x11, s12;
	[tilespmem:$0x1FB90] =	vst v9;
	v9 =	vmov s14  }
0x48: {  	s21 =	sadd.s32 $0x12, s12;
	[tilespmem:$0x1FBA0] =	vst v9;
	v9 =	vmov s20  }
0x49: {  	s31 =	sadd.s32 $0x13, s12;
	[tilespmem:$0x1FBB0] =	vst v9;
	v9 =	vmov s21  }
0x4a: {  	s23 =	sadd.s32 $0x14, s12;
	[tilespmem:$0x1FBC0] =	vst v9;
	v9 =	vmov s31  }
0x4b: {  	s26 =	sadd.s32 $0x15, s12;
	[tilespmem:$0x1FBD0] =	vst v9;
	v9 =	vmov s23  }
0x4c: {  	s28 =	sadd.s32 $0x16, s12;
	[tilespmem:$0x1FBE0] =	vst v9;
	v9 =	vmov s26  }
0x4d: {  	s29 =	sadd.s32 $0x17, s12;
	[tilespmem:$0x1FBF0] =	vst v9;
	v9 =	vmov s28  }
0x4e: {  	s17 =	simm.s32 $0x4000;
	s18 =	simm.s32 $0xE000;
	s30 =	sadd.s32 $0x18, s12;
	[tilespmem:$0x1FC00] =	vst v9;
	v9 =	vmov s29  }
0x4f: {  	s0 =	smul.u32 $0x1400, s3;
	p0 =	slt.s32 s15, s13;
	s6 =	sadd.s32 $0x19, s12;
	[tilespmem:$0x1FC10] =	vst v9;
	v9 =	vmov s30  }
0x50: {  	s10 =	simm.s32 $0x1;
	s13 =	smov.u32 @p0 s15;
	s8 =	sadd.s32 $0x1A, s12;
	[tilespmem:$0x1FC20] =	vst v9;
	v9 =	vmov s6  }
0x51: {  	s15 =	simm.s32 $0x3;
	s0 =	sadd.s32 s2, s0;
	s11 =	sadd.s32 $0x1B, s12;
	[tilespmem:$0x1FC30] =	vst v9;
	v9 =	vmov s8  }
0x52: {  	s24 =	sshll.u32 s13, $0xA;
	s13 =	sshll.u32 s13, $0x7;
	s14 =	sadd.s32 $0x1C, s12;
	[tilespmem:$0x1FC40] =	vst v9;
	v9 =	vmov s11  }
0x53: {  	s16 =	sadd.s32 $0x20, s12;
	s22 =	sadd.s32 $0x21, s12;
	s13 =	sand.u32 $0x380, s13;
	[tilespmem:$0x1FC50] =	vst v9;
	v9 =	vmov s14  }
0x54: {  	s19 =	simm.s32 $0x2;
	s20 =	sadd.s32 $0x1D, s12;
	s21 =	sadd.s32 $0x1E, s12;
	[tilespmem:$0x1FC60] =	vst v9;
	v9 =	vmov s12  }
0x55: {  	s31 =	sadd.s32 $0x1F, s12;
	s23 =	sadd.s32 $0x22, s12;
	s26 =	sadd.s32 $0x23, s12;
	[tilespmem:$0x1FC70] =	vst v9;
	v9 =	vmov s20  }
0x56: {  	v16 =	vimm.f32 $0.0e+00;
	s29 =	sadd.s32 $0x27, s12;
	s30 =	sand.u32 $0xFFFFE000, s24;
	s6 =	sadd.s32 $0x24, s12;
	[tilespmem:$0x1FC80] =	vst v9;
	v9 =	vmov s21  }
0x57: {  	v10 =	vmov s23;
	v11 =	vmov s26;
	s8 =	sadd.s32 $0x25, s12;
	s14 =	smov.u32 s0;
	s0 =	sadd.s32 $0x1400, s0;
	[tilespmem:$0x1FC90] =	vst v9;
	v9 =	vmov s31  }
0x58: {  	v15 =	vmov s29;
	v12 =	vmov s6;
	s11 =	sadd.s32 $0x26, s12;
	[dreg:$0x6] =	wrdreg s0;
	s31 =	smax.u32 s1, $0x1;
	[tilespmem:$0x1FCA0] =	vst v9;
	v9 =	vmov s16  }
0x59: {  	v13 =	vmov s8;
	v14 =	vmov s11;
	s12 =	sor.u32 s13, s30;
	s20 =	simm.s32 $0x0;
	[dreg:$0x5] =	wrdreg s31;
	[tilespmem:$0x1FCB0] =	vst v9;
	v9 =	vmov s22  }
.LBB2_1:
0x5a: {  	s0 =	rddreg [dreg:$0x3]  }
0x5b: {  	[tilespmem:s4], [sflag:$0x3] =	stream.linear.gather [hbm4b:s0+s4], $0x2000, $0x38;
	[tilespmem:$0x18000] =	vst v63  }
0x5c: {  	_ =	swait.ge [sflag:s15], $0x2000  }
0x5d: {  	[sflag:s15] =	ssyncset.done $0x0  }
0x5e: {  	s1 =	simm.s32 $0x2000;
	s31 =	rddreg [dreg:$0x4];
	[sflag:s15] =	ssyncadd.s32 $0xFFFFE000  }
0x5f: {  	[tilespmem:s1], [sflag:$0x3] =	stream.linear.gather [hbm4b:s31+s4], $0x2000, $0x38;
	[tilespmem:$0x18000] =	vst v63  }
0x60: {  	s21 =	sand.u32 $0x1C00, s4;
	_ =	swait.ge [sflag:s15], $0x2000  }
0x61: {  	s22 =	sand.u32 $0x70, s4;
	s23 =	sadd.s32 s21, s9;
	[sflag:s15] =	ssyncset.done $0x0  }
0x62: {  	s23 =	sadd.s32 s22, s23;
	[sflag:s15] =	ssyncadd.s32 $0xFFFFE000  }
0x63: {  	v17 =	vld [tilespmem:s23+$0x0];
	_ =	sdelay $0x4  }
0x64: {  	vm0 =	veq.s32 v17, v38;
	vm1 =	veq.s32 v17, v0;
	vm2 =	veq.s32 v17, v5  }
0x65: {  	s21 =	sor.u32 s22, s21;
	v18 =	vsel vm0, $0x3F800000, v16;
	v19 =	vsel vm1, $0x3F800000, v16;
	vm0 =	veq.s32 v17, v2  }
0x66: {  	vm1 =	veq.s32 v17, v1;
	[tilespmem:s21+$0x4000] =	vst v18;
	v20 =	vsel vm0, $0x3F800000, v16;
	v18 =	vsel vm2, $0x3F800000, v16  }
0x67: {  	s24 =	simm.s32 $0x0;
	s22 =	sor.u32 s4, s4;
	s23 =	simm.s32 $0x10;
	[tilespmem:s21+$0x4080] =	vst v19;
	v19 =	vsel vm1, $0x3F800000, v16;
	vm1 =	veq.s32 v17, v3;
	vm0 =	veq.s32 v17, v4  }
.LBB2_2:
0x68: {  	[tilespmem:s21+$0x4180] =	vst v20  }
0x69: {  	[tilespmem:s21+$0x4100] =	vst v19  }
0x6a: {  	v20 =	vsel vm1, $0x3F800000, v16;
	v19 =	vsel vm0, $0x3F800000, v16;
	[tilespmem:s21+$0x4300] =	vst v18  }
0x6b: {  	vm2 =	veq.s32 v17, v6;
	vm3 =	veq.s32 v17, v7;
	vm10 =	veq.s32 v17, v50;
	[tilespmem:s21+$0x4280] =	vst v19  }
0x6c: {  	vm6 =	veq.s32 v17, v51;
	vm13 =	veq.s32 v17, v8;
	s28 =	sor.u32 $0x380, s22;
	[tilespmem:s21+$0x4200] =	vst v20;
	v18 =	vsel vm2, $0x3F800000, v16  }
0x6d: {  	vm11 =	veq.s32 v17, v21;
	vm9 =	veq.s32 v17, v49;
	[tilespmem:s28+$0x4000] =	vst v18;
	v18 =	vsel vm3, $0x3F800000, v16  }
0x6e: {  	vm5 =	veq.s32 v17, v46;
	vm1 =	veq.s32 v17, v47;
	v19 =	vsel vm10, $0x3F800000, v16;
	[tilespmem:s21+$0x6000] =	vst v18  }
0x6f: {  	vm0 =	veq.s32 v17, v48;
	vm8 =	veq.s32 v17, v44;
	v18 =	vsel vm6, $0x3F800000, v16;
	[tilespmem:s21+$0xC300] =	vst v19  }
0x70: {  	vm7 =	veq.s32 v17, v42;
	vm14 =	veq.s32 v17, v40;
	[tilespmem:s21+$0xC380] =	vst v18;
	v18 =	vsel vm11, $0x3F800000, v16  }
0x71: {  	v19 =	vsel vm13, $0x3F800000, v16;
	vm13 =	veq.s32 v17, v33;
	[tilespmem:s21+$0x6100] =	vst v18;
	v18 =	vimm.s32 $0x0  }
0x72: {  	vm4 =	veq.s32 v17, v41;
	vm12 =	veq.s32 v17, v37;
	v18 =	vsel vm13, $0xFFFFFFFF, v18  }
0x73: {  	vm15 =	veq.s32 v17, v34;
	vm13 =	veq.s32 v17, v31;
	[tilespmem:$0x1FB00] =	vst v18;
	v18 =	vimm.s32 $0x0  }
0x74: {  	vm2 =	veq.s32 v17, v45;
	vm10 =	veq.s32 v17, v36;
	[tilespmem:s21+$0x6080] =	vst v19;
	v18 =	vsel vm13, $0xFFFFFFFF, v18  }
0x75: {  	v19 =	vimm.s32 $0x0;
	[tilespmem:$0x1FB10] =	vst v18;
	v18 =	vsel vm9, $0x3F800000, v16;
	vm9 =	veq.s32 v17, v29  }
0x76: {  	vm3 =	veq.s32 v17, v43;
	vm6 =	veq.s32 v17, v39;
	v19 =	vsel vm9, $0xFFFFFFFF, v19;
	[tilespmem:s21+$0xC280] =	vst v18  }
0x77: {  	v18 =	vimm.s32 $0x0;
	[tilespmem:$0x1FB20] =	vst v19;
	v19 =	vsel vm0, $0x3F800000, v16;
	vm0 =	veq.s32 v17, v27  }
0x78: {  	vm11 =	veq.s32 v17, v35;
	vm13 =	veq.s32 v17, v32;
	v18 =	vsel vm0, $0xFFFFFFFF, v18  }
0x79: {  	vm9 =	veq.s32 v17, v30;
	vm0 =	veq.s32 v17, v28;
	[tilespmem:$0x1FB40] =	vst v18;
	v18 =	vimm.s32 $0x0  }
0x7a: {  	[tilespmem:s21+$0xC200] =	vst v19;
	v19 =	vimm.s32 $0x0;
	v18 =	vsel vm0, $0xFFFFFFFF, v18;
	vm0 =	veq.s32 v17, v26  }
0x7b: {  	[tilespmem:$0x1FB30] =	vst v18;
	v18 =	vsel vm1, $0x3F800000, v16;
	vm1 =	veq.s32 v17, v25;
	v19 =	vsel vm0, $0xFFFFFFFF, v19  }
0x7c: {  	vm0 =	veq.s32 v17, v22;
	[tilespmem:$0x1FB50] =	vst v19;
	v19 =	vsel vm5, $0x3F800000, v16;
	vm5 =	veq.s32 v17, v24  }
0x7d: {  	[tilespmem:s21+$0xC180] =	vst v18;
	v18 =	vsel vm2, $0x3F800000, v16;
	vm2 =	veq.s32 v17, v23;
	v17 =	vimm.s32 $0x0  }
0x7e: {  	v17 =	vsel vm2, $0xFFFFFFFF, v17  }
0x7f: {  	[tilespmem:$0x1FB60] =	vst v17;
	v17 =	vsel vm8, $0x3F800000, v16  }
0x80: {  	[tilespmem:s21+$0xC000] =	vst v17;
	v17 =	vsel vm7, $0x3F800000, v16  }
0x81: {  	[tilespmem:s21+$0xA300] =	vst v17;
	v17 =	vsel vm14, $0x3F800000, v16  }
0x82: {  	[tilespmem:s21+$0xA200] =	vst v17;
	v17 =	vsel vm12, $0x3F800000, v16  }
0x83: {  	[tilespmem:s21+$0xA100] =	vst v17;
	v17 =	vsel vm11, $0x3F800000, v16  }
0x84: {  	[tilespmem:s21+$0xA000] =	vst v17;
	v17 =	vld [tilespmem:$0x1FB00];
	_ =	sdelay $0x4  }
0x85: {  	vm2 =	vnez.u8 v17  }
0x86: {  	[tilespmem:s21+$0xC080] =	vst v18;
	v17 =	vsel vm2, $0x3F800000, v16  }
0x87: {  	v18 =	vsel vm3, $0x3F800000, v16;
	[tilespmem:s21+$0x8300] =	vst v17;
	v17 =	vld [tilespmem:$0x1FB10]  }
0x88: {  	[tilespmem:s21+$0xA380] =	vst v18;
	v18 =	vsel vm4, $0x3F800000, v16  }
0x89: {  	[tilespmem:s21+$0xA280] =	vst v18;
	v18 =	vsel vm6, $0x3F800000, v16  }
0x8a: {  	[tilespmem:s21+$0xA180] =	vst v18;
	v18 =	vsel vm10, $0x3F800000, v16  }
0x8b: {  	[tilespmem:s21+$0xA080] =	vst v18;
	v18 =	vsel vm15, $0x3F800000, v16  }
0x8c: {  	[tilespmem:s21+$0x8380] =	vst v18;
	v18 =	vsel vm13, $0x3F800000, v16;
	vm2 =	vnez.u8 v17  }
0x8d: {  	[tilespmem:s21+$0x8280] =	vst v18;
	v17 =	vsel vm2, $0x3F800000, v16  }
0x8e: {  	v18 =	vsel vm9, $0x3F800000, v16;
	[tilespmem:s21+$0x8200] =	vst v17;
	v17 =	vld [tilespmem:$0x1FB20]  }
0x8f: {  	[tilespmem:s21+$0x8180] =	vst v18;
	v18 =	vld [tilespmem:$0x1FB30];
	_ =	sdelay $0x3  }
0x90: {  	vm2 =	vnez.u8 v17  }
0x91: {  	v17 =	vsel vm2, $0x3F800000, v16;
	vm2 =	vnez.u8 v18  }
0x92: {  	v18 =	vsel vm2, $0x3F800000, v16;
	[tilespmem:s21+$0x8100] =	vst v17;
	v17 =	vld [tilespmem:$0x1FB40]  }
0x93: {  	[tilespmem:s21+$0x8080] =	vst v18;
	v18 =	vld [tilespmem:$0x1FB50];
	_ =	sdelay $0x3  }
0x94: {  	[tilespmem:s21+$0xC100] =	vst v19;
	v19 =	vld [tilespmem:$0x1FB60];
	vm2 =	vnez.u8 v17  }
0x95: {  	v17 =	vsel vm2, $0x3F800000, v16;
	vm2 =	vnez.u8 v18  }
0x96: {  	v18 =	vsel vm2, $0x3F800000, v16;
	[tilespmem:s21+$0x8000] =	vst v17  }
0x97: {  	v17 =	vsel vm1, $0x3F800000, v16;
	[tilespmem:s21+$0x6380] =	vst v18  }
0x98: {  	s24 =	sadd.s32 $0x80, s24;
	v18 =	vsel vm5, $0x3F800000, v16;
	[tilespmem:s21+$0x6300] =	vst v17  }
0x99: {  	s25 =	smov.u32 s23;
	s30 =	sand.u32 $0x1C00, s24;
	v17 =	vsel vm0, $0x3F800000, v16;
	vm0 =	vnez.u8 v19;
	[tilespmem:s21+$0x6280] =	vst v18  }
0x9a: {  	s26 =	sor.u32 s24, s25;
	s25 =	sand.u32 $0x70, s25;
	s31 =	sadd.s32 s30, s9;
	v19 =	vsel vm0, $0x3F800000, v16;
	[tilespmem:s21+$0x6180] =	vst v17  }
0x9b: {  	s28 =	sadd.s32 s25, s31;
	[tilespmem:s21+$0x6200] =	vst v19  }
0x9c: {  	v17 =	vld [tilespmem:s28+$0x0];
	_ =	sdelay $0x2  }
0x9d: {  	p0 =	sne.s32 s23, $0x3F0  }
.Ltmp0:
0x9e: {  	_ = 	snop;
	(pc) =	sbr.rel @p0 .LBB2_2-.Ltmp0, $4  }
0x9f: {  	vm0 =	veq.s32 v17, v38;
	vm1 =	veq.s32 v17, v0;
	vm2 =	veq.s32 v17, v5  }
0xa0: {  	s21 =	sor.u32 s25, s30;
	v18 =	vsel vm0, $0x3F800000, v16;
	v19 =	vsel vm1, $0x3F800000, v16;
	vm0 =	veq.s32 v17, v2  }
0xa1: {  	vm1 =	veq.s32 v17, v1;
	[tilespmem:s21+$0x4000] =	vst v18;
	v20 =	vsel vm0, $0x3F800000, v16;
	v18 =	vsel vm2, $0x3F800000, v16  }
0xa2: {  	s23 =	sadd.s32 $0x10, s23;
	s22 =	smov.u32 s26;
	[tilespmem:s21+$0x4080] =	vst v19;
	v19 =	vsel vm1, $0x3F800000, v16;
	vm1 =	veq.s32 v17, v3;
	vm0 =	veq.s32 v17, v4  }
0xa3: {  	[tilespmem:s21+$0x4180] =	vst v20  }
0xa4: {  	[tilespmem:s21+$0x4100] =	vst v19  }
0xa5: {  	[tilespmem:s21+$0x4300] =	vst v18;
	v18 =	vsel vm0, $0x3F800000, v16  }
0xa6: {  	v19 =	vsel vm1, $0x3F800000, v16;
	vm15 =	veq.s32 v17, v6;
	[tilespmem:s21+$0x4280] =	vst v18  }
0xa7: {  	vm4 =	veq.s32 v17, v7;
	s22 =	sor.u32 $0x380, s22;
	[tilespmem:s21+$0x4200] =	vst v19;
	v18 =	vsel vm15, $0x3F800000, v16  }
0xa8: {  	vm5 =	veq.s32 v17, v51;
	[tilespmem:s22+$0x4000] =	vst v18;
	v18 =	vsel vm4, $0x3F800000, v16  }
0xa9: {  	vm6 =	veq.s32 v17, v50;
	[tilespmem:s21+$0x6000] =	vst v18;
	v18 =	vsel vm5, $0x3F800000, v16  }
0xaa: {  	vm7 =	veq.s32 v17, v21;
	[tilespmem:s21+$0xC380] =	vst v18;
	v18 =	vsel vm6, $0x3F800000, v16  }
0xab: {  	vm8 =	veq.s32 v17, v8;
	[tilespmem:s21+$0xC300] =	vst v18;
	v18 =	vsel vm7, $0x3F800000, v16  }
0xac: {  	vm9 =	veq.s32 v17, v49;
	[tilespmem:s21+$0x6100] =	vst v18;
	v18 =	vsel vm8, $0x3F800000, v16  }
0xad: {  	vm10 =	veq.s32 v17, v48;
	[tilespmem:s21+$0x6080] =	vst v18;
	v18 =	vsel vm9, $0x3F800000, v16  }
0xae: {  	vm11 =	veq.s32 v17, v47;
	[tilespmem:s21+$0xC280] =	vst v18;
	v18 =	vsel vm10, $0x3F800000, v16  }
0xaf: {  	vm12 =	veq.s32 v17, v46;
	[tilespmem:s21+$0xC200] =	vst v18;
	v18 =	vsel vm11, $0x3F800000, v16  }
0xb0: {  	vm13 =	veq.s32 v17, v45;
	[tilespmem:s21+$0xC180] =	vst v18;
	v18 =	vsel vm12, $0x3F800000, v16  }
0xb1: {  	vm14 =	veq.s32 v17, v44;
	[tilespmem:s21+$0xC100] =	vst v18;
	v18 =	vsel vm13, $0x3F800000, v16  }
0xb2: {  	vm15 =	veq.s32 v17, v43;
	[tilespmem:s21+$0xC080] =	vst v18;
	v18 =	vsel vm14, $0x3F800000, v16  }
0xb3: {  	vm4 =	veq.s32 v17, v42;
	vm5 =	veq.s32 v17, v41;
	[tilespmem:s21+$0xC000] =	vst v18;
	v18 =	vsel vm15, $0x3F800000, v16  }
0xb4: {  	vm6 =	veq.s32 v17, v40;
	vm7 =	veq.s32 v17, v39;
	[tilespmem:s21+$0xA380] =	vst v18;
	v18 =	vsel vm4, $0x3F800000, v16  }
0xb5: {  	vm8 =	veq.s32 v17, v37;
	vm9 =	veq.s32 v17, v36;
	[tilespmem:s21+$0xA300] =	vst v18;
	v18 =	vsel vm5, $0x3F800000, v16  }
0xb6: {  	vm10 =	veq.s32 v17, v35;
	vm11 =	veq.s32 v17, v34;
	[tilespmem:s21+$0xA280] =	vst v18;
	v18 =	vsel vm6, $0x3F800000, v16  }
0xb7: {  	vm12 =	veq.s32 v17, v33;
	vm13 =	veq.s32 v17, v32;
	[tilespmem:s21+$0xA200] =	vst v18;
	v18 =	vsel vm7, $0x3F800000, v16  }
0xb8: {  	vm14 =	veq.s32 v17, v31;
	vm15 =	veq.s32 v17, v30;
	[tilespmem:s21+$0xA180] =	vst v18;
	v18 =	vsel vm8, $0x3F800000, v16  }
0xb9: {  	vm4 =	veq.s32 v17, v29;
	vm5 =	veq.s32 v17, v28;
	[tilespmem:s21+$0xA100] =	vst v18;
	v18 =	vsel vm9, $0x3F800000, v16  }
0xba: {  	vm6 =	veq.s32 v17, v27;
	vm7 =	veq.s32 v17, v26;
	[tilespmem:s21+$0xA080] =	vst v18;
	v18 =	vsel vm10, $0x3F800000, v16  }
0xbb: {  	vm8 =	veq.s32 v17, v25;
	vm10 =	veq.s32 v17, v23;
	[tilespmem:s21+$0xA000] =	vst v18;
	v18 =	vsel vm11, $0x3F800000, v16  }
0xbc: {  	vm9 =	veq.s32 v17, v24;
	vm11 =	veq.s32 v17, v22;
	v17 =	vsel vm10, $0x3F800000, v16;
	[tilespmem:s21+$0x8380] =	vst v18  }
0xbd: {  	v18 =	vsel vm12, $0x3F800000, v16;
	[tilespmem:s21+$0x6200] =	vst v17  }
0xbe: {  	[tilespmem:s21+$0x8300] =	vst v18;
	v18 =	vsel vm13, $0x3F800000, v16  }
0xbf: {  	[tilespmem:s21+$0x8280] =	vst v18;
	v18 =	vsel vm14, $0x3F800000, v16  }
0xc0: {  	[tilespmem:s21+$0x8200] =	vst v18;
	v18 =	vsel vm15, $0x3F800000, v16  }
0xc1: {  	[tilespmem:s21+$0x8180] =	vst v18;
	v18 =	vsel vm4, $0x3F800000, v16  }
0xc2: {  	[tilespmem:s21+$0x8100] =	vst v18;
	v18 =	vsel vm5, $0x3F800000, v16  }
0xc3: {  	[tilespmem:s21+$0x8080] =	vst v18;
	v18 =	vsel vm6, $0x3F800000, v16  }
0xc4: {  	[tilespmem:s21+$0x8000] =	vst v18;
	v18 =	vsel vm7, $0x3F800000, v16  }
0xc5: {  	[tilespmem:s21+$0x6380] =	vst v18;
	v18 =	vsel vm8, $0x3F800000, v16  }
0xc6: {  	s30 =	simm.s32 $0x0;
	[tilespmem:s21+$0x6300] =	vst v18;
	v18 =	vsel vm9, $0x3F800000, v16  }
0xc7: {  	s31 =	sand.u32 $0x1C00, s30;
	[tilespmem:s21+$0x6280] =	vst v18;
	v18 =	vsel vm11, $0x3F800000, v16  }
0xc8: {  	s23 =	sadd.s32 s31, s12;
	[tilespmem:s21+$0x6180] =	vst v18;
	s21 =	sand.u32 $0x70, s30  }
0xc9: {  	[hbm4b:s14+s30] =	stream.linear.scatter [tilespmem:s17], [sflag:$0x1], $0xA000, $0x38;
	[tilespmem:$0x18000] =	vst v63  }
0xca: {  	v40 =	vld [tilespmem:$0x1FC70];
	s23 =	sadd.s32 s21, s23  }
0xcb: {  	v17 =	vld [tilespmem:s23+$0x0];
	_ =	sdelay $0x4  }
0xcc: {  	vm12 =	veq.s32 v17, v40  }
0xcd: {  	s21 =	sor.u32 s21, s31;
	vm14 =	veq.s32 v17, v53;
	v18 =	vsel vm12, $0x3F800000, v16  }
0xce: {  	vm13 =	veq.s32 v17, v52;
	v19 =	vsel vm14, $0x3F800000, v16;
	[tilespmem:s21+$0xE000] =	vst v18  }
0xcf: {  	vm5 =	veq.s32 v17, v56;
	v18 =	vsel vm13, $0x3F800000, v16;
	[tilespmem:s21+$0xE100] =	vst v19  }
0xd0: {  	v1 =	vld [tilespmem:$0x1FB80];
	vm15 =	veq.s32 v17, v54;
	v19 =	vsel vm5, $0x3F800000, v16;
	[tilespmem:s21+$0xE080] =	vst v18  }
0xd1: {  	vm8 =	veq.s32 v17, v59;
	v18 =	vsel vm15, $0x3F800000, v16;
	[tilespmem:s21+$0xE280] =	vst v19  }
0xd2: {  	v4 =	vld [tilespmem:$0x1FBB0];
	vm4 =	veq.s32 v17, v55;
	v19 =	vsel vm8, $0x3F800000, v16;
	[tilespmem:s21+$0xE180] =	vst v18  }
0xd3: {  	vm11 =	veq.s32 v17, v62;
	v18 =	vsel vm4, $0x3F800000, v16;
	[tilespmem:s21+$0x10000] =	vst v19  }
0xd4: {  	v7 =	vld [tilespmem:$0x1FBE0];
	vm6 =	veq.s32 v17, v57;
	v19 =	vsel vm11, $0x3F800000, v16;
	[tilespmem:s21+$0xE200] =	vst v18  }
0xd5: {  	vm14 =	veq.s32 v17, v1;
	v18 =	vsel vm6, $0x3F800000, v16;
	[tilespmem:s21+$0x10180] =	vst v19  }
0xd6: {  	v34 =	vld [tilespmem:$0x1FC10];
	vm7 =	veq.s32 v17, v58;
	v19 =	vsel vm14, $0x3F800000, v16;
	[tilespmem:s21+$0xE300] =	vst v18  }
0xd7: {  	vm5 =	veq.s32 v17, v4;
	v18 =	vsel vm7, $0x3F800000, v16;
	[tilespmem:s21+$0x10300] =	vst v19  }
0xd8: {  	v37 =	vld [tilespmem:$0x1FC40];
	vm9 =	veq.s32 v17, v60;
	v19 =	vsel vm5, $0x3F800000, v16;
	[tilespmem:s21+$0xE380] =	vst v18  }
0xd9: {  	v0 =	vld [tilespmem:$0x1FB70];
	vm8 =	veq.s32 v17, v7;
	v18 =	vsel vm9, $0x3F800000, v16;
	[tilespmem:s21+$0x12080] =	vst v19  }
0xda: {  	v41 =	vld [tilespmem:$0x1FC80];
	vm10 =	veq.s32 v17, v61;
	v19 =	vsel vm8, $0x3F800000, v16;
	[tilespmem:s21+$0x10080] =	vst v18  }
0xdb: {  	v2 =	vld [tilespmem:$0x1FB90];
	vm11 =	veq.s32 v17, v34;
	v18 =	vsel vm10, $0x3F800000, v16;
	[tilespmem:s21+$0x12200] =	vst v19  }
0xdc: {  	v44 =	vld [tilespmem:$0x1FCB0];
	vm12 =	veq.s32 v17, v63;
	v19 =	vsel vm11, $0x3F800000, v16;
	[tilespmem:s21+$0x10100] =	vst v18  }
0xdd: {  	v3 =	vld [tilespmem:$0x1FBA0];
	vm14 =	veq.s32 v17, v37;
	v18 =	vsel vm12, $0x3F800000, v16;
	[tilespmem:s21+$0x12380] =	vst v19  }
0xde: {  	vm13 =	veq.s32 v17, v0;
	v19 =	vsel vm14, $0x3F800000, v16;
	[tilespmem:s21+$0x10200] =	vst v18  }
0xdf: {  	v5 =	vld [tilespmem:$0x1FBC0];
	vm5 =	veq.s32 v17, v41;
	v18 =	vsel vm13, $0x3F800000, v16;
	[tilespmem:s21+$0x14100] =	vst v19  }
0xe0: {  	v6 =	vld [tilespmem:$0x1FBD0];
	vm15 =	veq.s32 v17, v2;
	v19 =	vsel vm5, $0x3F800000, v16;
	[tilespmem:s21+$0x10280] =	vst v18  }
0xe1: {  	v8 =	vld [tilespmem:$0x1FBF0];
	vm8 =	veq.s32 v17, v44;
	v18 =	vsel vm15, $0x3F800000, v16;
	[tilespmem:s21+$0x14280] =	vst v19  }
0xe2: {  	v33 =	vld [tilespmem:$0x1FC00];
	vm4 =	veq.s32 v17, v3;
	v19 =	vsel vm8, $0x3F800000, v16;
	[tilespmem:s21+$0x10380] =	vst v18  }
0xe3: {  	v35 =	vld [tilespmem:$0x1FC20];
	vm11 =	veq.s32 v17, v11;
	v18 =	vsel vm4, $0x3F800000, v16;
	[tilespmem:s21+$0x16000] =	vst v19  }
0xe4: {  	v36 =	vld [tilespmem:$0x1FC30];
	vm6 =	veq.s32 v17, v5;
	v19 =	vsel vm11, $0x3F800000, v16;
	[tilespmem:s21+$0x12000] =	vst v18  }
0xe5: {  	v38 =	vld [tilespmem:$0x1FC50];
	vm7 =	veq.s32 v17, v6;
	v18 =	vsel vm6, $0x3F800000, v16;
	[tilespmem:s21+$0x16180] =	vst v19  }
0xe6: {  	vm9 =	veq.s32 v17, v8;
	[tilespmem:s21+$0x12100] =	vst v18;
	v18 =	vsel vm7, $0x3F800000, v16  }
0xe7: {  	v39 =	vld [tilespmem:$0x1FC60];
	vm10 =	veq.s32 v17, v33;
	[tilespmem:s21+$0x12180] =	vst v18;
	v18 =	vsel vm9, $0x3F800000, v16  }
0xe8: {  	v42 =	vld [tilespmem:$0x1FC90];
	vm12 =	veq.s32 v17, v35;
	[tilespmem:s21+$0x12280] =	vst v18;
	v18 =	vsel vm10, $0x3F800000, v16  }
0xe9: {  	v43 =	vld [tilespmem:$0x1FCA0];
	vm13 =	veq.s32 v17, v36;
	[tilespmem:s21+$0x12300] =	vst v18;
	v18 =	vsel vm12, $0x3F800000, v16  }
0xea: {  	vm15 =	veq.s32 v17, v38;
	[tilespmem:s21+$0x14000] =	vst v18;
	v18 =	vsel vm13, $0x3F800000, v16  }
0xeb: {  	vm13 =	veq.s32 v17, v13;
	[tilespmem:s21+$0x14080] =	vst v18;
	v18 =	vsel vm15, $0x3F800000, v16  }
0xec: {  	vm4 =	veq.s32 v17, v39;
	v19 =	vsel vm13, $0x3F800000, v16;
	[tilespmem:s21+$0x14180] =	vst v18  }
0xed: {  	vm6 =	veq.s32 v17, v42;
	v18 =	vsel vm4, $0x3F800000, v16;
	[tilespmem:s21+$0x16280] =	vst v19  }
0xee: {  	vm7 =	veq.s32 v17, v43;
	[tilespmem:s21+$0x14200] =	vst v18;
	v18 =	vsel vm6, $0x3F800000, v16  }
0xef: {  	vm9 =	veq.s32 v17, v9;
	[tilespmem:s21+$0x14300] =	vst v18;
	v18 =	vsel vm7, $0x3F800000, v16  }
0xf0: {  	vm10 =	veq.s32 v17, v10;
	[tilespmem:s21+$0x14380] =	vst v18;
	v18 =	vsel vm9, $0x3F800000, v16  }
0xf1: {  	vm12 =	veq.s32 v17, v12;
	[tilespmem:s21+$0x16080] =	vst v18;
	v18 =	vsel vm10, $0x3F800000, v16  }
0xf2: {  	s22 =	simm.s32 $0x80;
	vm14 =	veq.s32 v17, v14;
	vm15 =	veq.s32 v17, v15;
	[tilespmem:s21+$0x16100] =	vst v18;
	v18 =	vsel vm12, $0x3F800000, v16  }
0xf3: {  	s24 =	simm.s32 $0x10;
	s25 =	sand.u32 $0x1C00, s22;
	s23 =	simm.s32 $0x20;
	v17 =	vsel vm15, $0x3F800000, v16;
	[tilespmem:s21+$0x16200] =	vst v18;
	v18 =	vsel vm14, $0x3F800000, v16  }
.LBB2_4:
0xf4: {  	p0 =	sne.s32 s23, $0x3F0;
	s26 =	sand.u32 $0x70, s24;
	s24 =	sadd.s32 s25, s12;
	[tilespmem:s21+$0x16300] =	vst v18  }
0xf5: {  	s28 =	sadd.s32 s26, s24;
	[tilespmem:s21+$0x16380] =	vst v17;
	s24 =	smov.u32 s23  }
0xf6: {  	v17 =	vld [tilespmem:s28+$0x0];
	_ =	sdelay $0x4  }
0xf7: {  	vm0 =	veq.s32 v17, v40;
	vm1 =	veq.s32 v17, v52;
	vm2 =	veq.s32 v17, v53  }
0xf8: {  	s21 =	sor.u32 s26, s25;
	v18 =	vsel vm0, $0x3F800000, v16;
	v19 =	vsel vm1, $0x3F800000, v16;
	v20 =	vsel vm2, $0x3F800000, v16  }
0xf9: {  	vm0 =	veq.s32 v17, v54;
	vm1 =	veq.s32 v17, v55;
	vm2 =	veq.s32 v17, v56;
	[tilespmem:s21+$0xE000] =	vst v18  }
0xfa: {  	v18 =	vsel vm0, $0x3F800000, v16;
	v21 =	vsel vm2, $0x3F800000, v16;
	[tilespmem:s21+$0xE080] =	vst v19;
	v19 =	vsel vm1, $0x3F800000, v16  }
0xfb: {  	vm0 =	veq.s32 v17, v57;
	vm2 =	veq.s32 v17, v59;
	vm1 =	veq.s32 v17, v58;
	[tilespmem:s21+$0xE100] =	vst v20  }
0xfc: {  	v22 =	vsel vm2, $0x3F800000, v16;
	v20 =	vsel vm1, $0x3F800000, v16;
	[tilespmem:s21+$0xE180] =	vst v18;
	v18 =	vsel vm0, $0x3F800000, v16  }
0xfd: {  	vm2 =	veq.s32 v17, v62;
	vm1 =	veq.s32 v17, v61;
	vm0 =	veq.s32 v17, v60;
	[tilespmem:s21+$0xE200] =	vst v19  }
0xfe: {  	v23 =	vsel vm2, $0x3F800000, v16;
	v19 =	vsel vm0, $0x3F800000, v16;
	[tilespmem:s21+$0xE280] =	vst v21;
	v21 =	vsel vm1, $0x3F800000, v16  }
0xff: {  	vm2 =	veq.s32 v17, v1;
	vm0 =	veq.s32 v17, v63;
	vm1 =	veq.s32 v17, v0;
	[tilespmem:s21+$0xE300] =	vst v18  }
0x100: {  	v24 =	vsel vm2, $0x3F800000, v16;
	v18 =	vsel vm0, $0x3F800000, v16;
	[tilespmem:s21+$0xE380] =	vst v20;
	v20 =	vsel vm1, $0x3F800000, v16  }
0x101: {  	vm2 =	veq.s32 v17, v4;
	vm0 =	veq.s32 v17, v2;
	vm1 =	veq.s32 v17, v3;
	[tilespmem:s21+$0x10000] =	vst v22  }
0x102: {  	v25 =	vsel vm2, $0x3F800000, v16;
	v22 =	vsel vm1, $0x3F800000, v16;
	[tilespmem:s21+$0x10080] =	vst v19;
	v19 =	vsel vm0, $0x3F800000, v16  }
0x103: {  	vm2 =	veq.s32 v17, v7;
	vm1 =	veq.s32 v17, v6;
	vm0 =	veq.s32 v17, v5;
	[tilespmem:s21+$0x10100] =	vst v21  }
0x104: {  	v26 =	vsel vm2, $0x3F800000, v16;
	v21 =	vsel vm0, $0x3F800000, v16;
	[tilespmem:s21+$0x10180] =	vst v23;
	v23 =	vsel vm1, $0x3F800000, v16  }
0x105: {  	vm2 =	veq.s32 v17, v34;
	vm0 =	veq.s32 v17, v8;
	vm1 =	veq.s32 v17, v33;
	[tilespmem:s21+$0x10200] =	vst v18  }
0x106: {  	v27 =	vsel vm2, $0x3F800000, v16;
	v18 =	vsel vm0, $0x3F800000, v16;
	[tilespmem:s21+$0x10280] =	vst v20;
	v20 =	vsel vm1, $0x3F800000, v16  }
0x107: {  	vm2 =	veq.s32 v17, v37;
	vm0 =	veq.s32 v17, v35;
	vm1 =	veq.s32 v17, v36;
	[tilespmem:s21+$0x10300] =	vst v24  }
0x108: {  	v28 =	vsel vm2, $0x3F800000, v16;
	v24 =	vsel vm1, $0x3F800000, v16;
	[tilespmem:s21+$0x10380] =	vst v19;
	v19 =	vsel vm0, $0x3F800000, v16  }
0x109: {  	vm2 =	veq.s32 v17, v41;
	vm1 =	veq.s32 v17, v39;
	vm0 =	veq.s32 v17, v38;
	[tilespmem:s21+$0x12000] =	vst v22  }
0x10a: {  	v29 =	vsel vm2, $0x3F800000, v16;
	v22 =	vsel vm0, $0x3F800000, v16;
	[tilespmem:s21+$0x12080] =	vst v25;
	v25 =	vsel vm1, $0x3F800000, v16  }
0x10b: {  	vm2 =	veq.s32 v17, v44;
	vm0 =	veq.s32 v17, v42;
	vm1 =	veq.s32 v17, v43;
	[tilespmem:s21+$0x12100] =	vst v21  }
0x10c: {  	v30 =	vsel vm2, $0x3F800000, v16;
	v21 =	vsel vm0, $0x3F800000, v16;
	[tilespmem:s21+$0x12180] =	vst v23;
	v23 =	vsel vm1, $0x3F800000, v16  }
0x10d: {  	vm2 =	veq.s32 v17, v11;
	vm0 =	veq.s32 v17, v9;
	vm1 =	veq.s32 v17, v10;
	[tilespmem:s21+$0x12200] =	vst v26  }
0x10e: {  	v32 =	vsel vm2, $0x3F800000, v16;
	v26 =	vsel vm0, $0x3F800000, v16;
	v31 =	vsel vm1, $0x3F800000, v16;
	[tilespmem:s21+$0x12280] =	vst v18  }
0x10f: {  	vm2 =	veq.s32 v17, v14;
	vm0 =	veq.s32 v17, v12;
	vm1 =	veq.s32 v17, v13;
	[tilespmem:s21+$0x12300] =	vst v20  }
0x110: {  	v18 =	vsel vm2, $0x3F800000, v16;
	v20 =	vsel vm0, $0x3F800000, v16;
	[tilespmem:s21+$0x12380] =	vst v27;
	v27 =	vsel vm1, $0x3F800000, v16  }
0x111: {  	vm0 =	veq.s32 v17, v15;
	[tilespmem:s21+$0x14000] =	vst v19  }
0x112: {  	v17 =	vsel vm0, $0x3F800000, v16;
	[tilespmem:s21+$0x14080] =	vst v24  }
0x113: {  	[tilespmem:s21+$0x14100] =	vst v28  }
0x114: {  	[tilespmem:s21+$0x14180] =	vst v22  }
0x115: {  	[tilespmem:s21+$0x14200] =	vst v25  }
0x116: {  	[tilespmem:s21+$0x14280] =	vst v29  }
0x117: {  	[tilespmem:s21+$0x14300] =	vst v21  }
0x118: {  	[tilespmem:s21+$0x14380] =	vst v23  }
0x119: {  	[tilespmem:s21+$0x16000] =	vst v30  }
.Ltmp1:
0x11a: {  	[tilespmem:s21+$0x16080] =	vst v26;
	(pc) =	sbr.rel @p0 .LBB2_4-.Ltmp1, $4  }
0x11b: {  	[tilespmem:s21+$0x16100] =	vst v31  }
0x11c: {  	[tilespmem:s21+$0x16180] =	vst v32  }
0x11d: {  	s22 =	sadd.s32 $0x80, s22;
	[tilespmem:s21+$0x16200] =	vst v20  }
0x11e: {  	s25 =	sand.u32 $0x1C00, s22;
	s23 =	sadd.s32 $0x10, s23;
	[tilespmem:s21+$0x16280] =	vst v27  }
0x11f: {  	s22 =	sand.u32 $0x70, s24;
	s23 =	sadd.s32 s25, s12;
	[tilespmem:s21+$0x16300] =	vst v18  }
0x120: {  	[tilespmem:s21+$0x16380] =	vst v17;
	s23 =	sadd.s32 s22, s23  }
0x121: {  	v17 =	vld [tilespmem:s23+$0x0];
	_ =	sdelay $0x4  }
0x122: {  	vm0 =	veq.s32 v17, v40  }
0x123: {  	s31 =	sor.u32 s22, s25;
	vm1 =	veq.s32 v17, v52;
	v18 =	vsel vm0, $0x3F800000, v16  }
0x124: {  	vm14 =	veq.s32 v17, v53;
	v19 =	vsel vm1, $0x3F800000, v16;
	[tilespmem:s31+$0xE000] =	vst v18  }
0x125: {  	vm15 =	veq.s32 v17, v54;
	v18 =	vsel vm14, $0x3F800000, v16;
	[tilespmem:s31+$0xE080] =	vst v19  }
0x126: {  	vm4 =	veq.s32 v17, v55;
	v19 =	vsel vm15, $0x3F800000, v16;
	[tilespmem:s31+$0xE100] =	vst v18  }
0x127: {  	vm5 =	veq.s32 v17, v56;
	v18 =	vsel vm4, $0x3F800000, v16;
	[tilespmem:s31+$0xE180] =	vst v19  }
0x128: {  	vm6 =	veq.s32 v17, v57;
	v19 =	vsel vm5, $0x3F800000, v16;
	[tilespmem:s31+$0xE200] =	vst v18  }
0x129: {  	vm7 =	veq.s32 v17, v58;
	v18 =	vsel vm6, $0x3F800000, v16;
	[tilespmem:s31+$0xE280] =	vst v19  }
0x12a: {  	vm8 =	veq.s32 v17, v59;
	v19 =	vsel vm7, $0x3F800000, v16;
	[tilespmem:s31+$0xE300] =	vst v18  }
0x12b: {  	vm9 =	veq.s32 v17, v60;
	v18 =	vsel vm8, $0x3F800000, v16;
	[tilespmem:s31+$0xE380] =	vst v19  }
0x12c: {  	vm10 =	veq.s32 v17, v61;
	v19 =	vsel vm9, $0x3F800000, v16;
	[tilespmem:s31+$0x10000] =	vst v18  }
0x12d: {  	vm11 =	veq.s32 v17, v62;
	v18 =	vsel vm10, $0x3F800000, v16;
	[tilespmem:s31+$0x10080] =	vst v19  }
0x12e: {  	vm12 =	veq.s32 v17, v63;
	v19 =	vsel vm11, $0x3F800000, v16;
	[tilespmem:s31+$0x10100] =	vst v18  }
0x12f: {  	vm13 =	veq.s32 v17, v0;
	v18 =	vsel vm12, $0x3F800000, v16;
	[tilespmem:s31+$0x10180] =	vst v19  }
0x130: {  	vm14 =	veq.s32 v17, v1;
	v19 =	vsel vm13, $0x3F800000, v16;
	[tilespmem:s31+$0x10200] =	vst v18  }
0x131: {  	vm15 =	veq.s32 v17, v2;
	v18 =	vsel vm14, $0x3F800000, v16;
	[tilespmem:s31+$0x10280] =	vst v19  }
0x132: {  	vm4 =	veq.s32 v17, v3;
	v19 =	vsel vm15, $0x3F800000, v16;
	[tilespmem:s31+$0x10300] =	vst v18  }
0x133: {  	vm5 =	veq.s32 v17, v4;
	v18 =	vsel vm4, $0x3F800000, v16;
	[tilespmem:s31+$0x10380] =	vst v19  }
0x134: {  	vm6 =	veq.s32 v17, v5;
	v19 =	vsel vm5, $0x3F800000, v16;
	[tilespmem:s31+$0x12000] =	vst v18  }
0x135: {  	vm7 =	veq.s32 v17, v6;
	v18 =	vsel vm6, $0x3F800000, v16;
	[tilespmem:s31+$0x12080] =	vst v19  }
0x136: {  	vm8 =	veq.s32 v17, v7;
	v19 =	vsel vm7, $0x3F800000, v16;
	[tilespmem:s31+$0x12100] =	vst v18  }
0x137: {  	vm9 =	veq.s32 v17, v8;
	v18 =	vsel vm8, $0x3F800000, v16;
	[tilespmem:s31+$0x12180] =	vst v19  }
0x138: {  	vm10 =	veq.s32 v17, v33;
	v19 =	vsel vm9, $0x3F800000, v16;
	[tilespmem:s31+$0x12200] =	vst v18  }
0x139: {  	vm11 =	veq.s32 v17, v34;
	v18 =	vsel vm10, $0x3F800000, v16;
	[tilespmem:s31+$0x12280] =	vst v19  }
0x13a: {  	vm12 =	veq.s32 v17, v35;
	vm13 =	veq.s32 v17, v36;
	v19 =	vsel vm11, $0x3F800000, v16;
	[tilespmem:s31+$0x12300] =	vst v18  }
0x13b: {  	vm14 =	veq.s32 v17, v37;
	vm15 =	veq.s32 v17, v38;
	v18 =	vsel vm12, $0x3F800000, v16;
	[tilespmem:s31+$0x12380] =	vst v19  }
0x13c: {  	vm4 =	veq.s32 v17, v39;
	vm5 =	veq.s32 v17, v41;
	v19 =	vsel vm13, $0x3F800000, v16;
	[tilespmem:s31+$0x14000] =	vst v18  }
0x13d: {  	vm6 =	veq.s32 v17, v42;
	vm7 =	veq.s32 v17, v43;
	v18 =	vsel vm14, $0x3F800000, v16;
	[tilespmem:s31+$0x14080] =	vst v19  }
0x13e: {  	vm8 =	veq.s32 v17, v44;
	vm9 =	veq.s32 v17, v9;
	v19 =	vsel vm15, $0x3F800000, v16;
	[tilespmem:s31+$0x14100] =	vst v18  }
0x13f: {  	vm10 =	veq.s32 v17, v10;
	vm11 =	veq.s32 v17, v11;
	v18 =	vsel vm4, $0x3F800000, v16;
	[tilespmem:s31+$0x14180] =	vst v19  }
0x140: {  	vm12 =	veq.s32 v17, v12;
	vm15 =	veq.s32 v17, v15;
	v19 =	vsel vm5, $0x3F800000, v16;
	[tilespmem:s31+$0x14200] =	vst v18  }
0x141: {  	vm13 =	veq.s32 v17, v13;
	vm14 =	veq.s32 v17, v14;
	v17 =	vsel vm15, $0x3F800000, v16;
	[tilespmem:s31+$0x14280] =	vst v19  }
0x142: {  	v18 =	vsel vm6, $0x3F800000, v16;
	[tilespmem:s31+$0x16380] =	vst v17  }
0x143: {  	v19 =	vsel vm7, $0x3F800000, v16;
	[tilespmem:s31+$0x14300] =	vst v18  }
0x144: {  	v18 =	vsel vm8, $0x3F800000, v16;
	[tilespmem:s31+$0x14380] =	vst v19  }
0x145: {  	v19 =	vsel vm9, $0x3F800000, v16;
	[tilespmem:s31+$0x16000] =	vst v18  }
0x146: {  	v18 =	vsel vm10, $0x3F800000, v16;
	[tilespmem:s31+$0x16080] =	vst v19  }
0x147: {  	v19 =	vsel vm11, $0x3F800000, v16;
	[tilespmem:s31+$0x16100] =	vst v18  }
0x148: {  	v18 =	vsel vm12, $0x3F800000, v16;
	[tilespmem:s31+$0x16180] =	vst v19  }
0x149: {  	v19 =	vsel vm13, $0x3F800000, v16;
	[tilespmem:s31+$0x16200] =	vst v18  }
0x14a: {  	v18 =	vsel vm14, $0x3F800000, v16;
	[tilespmem:s31+$0x16280] =	vst v19  }
0x14b: {  	s0 =	rddreg [dreg:$0x6];
	s21 =	simm.s32 $0x1;
	[tilespmem:s31+$0x16300] =	vst v18  }
0x14c: {  	[hbm4b:s0+s4] =	stream.linear.scatter [tilespmem:s18], [sflag:$0x2], $0xA000, $0x38;
	[tilespmem:$0x18000] =	vst v63  }
.LBB2_6:
0x14d: {  	s22 =	sshll.u32 s21, $0x1  }
0x14e: {  	s22 =	sadd.s32 s3, s22  }
0x14f: {  	s23 =	smulhi.u32 $0x51EB851F, s22;
	_ =	sdelay $0x1  }
0x150: {  	s24 =	sshrl.u32 s23, $0x3  }
0x151: {  	s23 =	smul.u32 $0xFFFFFFE7, s24;
	_ =	sdelay $0x1  }
0x152: {  	_ =	swait.ge [sflag:s10], $0xA000;
	s23 =	sadd.s32 s22, s23  }
0x153: {  	s25 =	ssub.s32 s24, s5;
	s24 =	sadd.s32 s24, s7;
	s23 =	smul.u32 $0x28, s23  }
0x154: {  	[sflag:s10] =	ssyncset.done $0x0;
	p0 =	slt.s32 s25, s24  }
0x155: {  	[sflag:s10] =	ssyncadd.s32 $0xFFFF6000;
	s24 =	smov.u32 @p0 s25;
	s13 =	sor.u32 $0x1, s23  }
0x156: {  	s26 =	sor.u32 $0x2, s23;
	s28 =	sor.u32 $0x3, s23;
	s29 =	sor.u32 $0x4, s23  }
0x157: {  	s30 =	sor.u32 $0x5, s23;
	s31 =	sor.u32 $0x6, s23;
	s1 =	sor.u32 $0x7, s23  }
0x158: {  	s0 =	sadd.s32 $0x8, s23;
	s16 =	sadd.s32 $0x9, s23;
	s6 =	sadd.s32 $0xA, s23  }
0x159: {  	s8 =	sadd.s32 $0xB, s23;
	s25 =	sadd.s32 $0xC, s23;
	s11 =	sadd.s32 $0xD, s23;
	v57 =	vmov s23  }
0x15a: {  	v36 =	vmov s13;
	s13 =	sadd.s32 $0xE, s23;
	v38 =	vmov s26;
	v39 =	vmov s28;
	s26 =	sadd.s32 $0xF, s23;
	s28 =	sadd.s32 $0x10, s23  }
0x15b: {  	v41 =	vmov s29;
	s29 =	sadd.s32 $0x11, s23;
	v43 =	vmov s30;
	v40 =	vmov s1;
	s1 =	sadd.s32 $0x12, s23;
	s30 =	sadd.s32 $0x13, s23  }
0x15c: {  	v45 =	vmov s31;
	s31 =	sadd.s32 $0x14, s23;
	v42 =	vmov s0;
	v35 =	vmov s6;
	s0 =	sadd.s32 $0x15, s23;
	s6 =	sadd.s32 $0x16, s23  }
0x15d: {  	v33 =	vmov s16;
	s16 =	sadd.s32 $0x17, s23;
	v17 =	vmov s8;
	v18 =	vmov s25;
	s25 =	sshll.u32 s24, $0xA;
	s24 =	sshll.u32 s24, $0x7  }
0x15e: {  	v19 =	vmov s11;
	v20 =	vmov s13;
	v21 =	vmov s26;
	s11 =	sand.u32 $0xFFFFE000, s25;
	s26 =	sand.u32 $0x380, s24;
	s24 =	simm.s32 $0x0  }
0x15f: {  	s8 =	sadd.s32 $0x18, s23;
	v22 =	vmov s28;
	v23 =	vmov s29;
	v24 =	vmov s1;
	s25 =	sor.u32 s26, s11;
	s11 =	sand.u32 $0x1C00, s24  }
0x160: {  	v25 =	vmov s30;
	s30 =	sadd.s32 $0x19, s23;
	v26 =	vmov s31;
	v28 =	vmov s6;
	s6 =	sand.u32 $0x70, s24;
	s13 =	sadd.s32 s11, s25  }
0x161: {  	v27 =	vmov s0;
	s31 =	sadd.s32 $0x1A, s23;
	v29 =	vmov s16;
	v30 =	vmov s8;
	s16 =	sadd.s32 $0x1B, s23;
	s13 =	sadd.s32 s6, s13  }
0x162: {  	s29 =	sadd.s32 $0x1D, s23;
	s1 =	sadd.s32 $0x20, s23;
	s8 =	sadd.s32 $0x21, s23;
	v31 =	vmov s30;
	v32 =	vmov s31;
	v34 =	vmov s16;
	v49 =	vld [tilespmem:s13+$0x0]  }
0x163: {  	s26 =	sadd.s32 $0x1C, s23;
	s30 =	sadd.s32 $0x1E, s23;
	s31 =	sadd.s32 $0x1F, s23;
	v44 =	vmov s29;
	v48 =	vmov s1;
	v50 =	vmov s8  }
0x164: {  	s16 =	sadd.s32 $0x23, s23;
	s29 =	sadd.s32 $0x25, s23;
	v37 =	vmov s26;
	v46 =	vmov s30;
	v47 =	vmov s31;
	s26 =	sadd.s32 $0x24, s23  }
0x165: {  	v52 =	vmov s16;
	s30 =	sadd.s32 $0x26, s23;
	s31 =	sadd.s32 $0x27, s23;
	v54 =	vmov s29;
	v53 =	vmov s26;
	s13 =	sadd.s32 $0x22, s23  }
0x166: {  	v55 =	vmov s30;
	v56 =	vmov s31;
	v51 =	vmov s13  }
0x167: {  	vm0 =	veq.s32 v49, v57;
	vm1 =	veq.s32 v49, v36;
	vm2 =	veq.s32 v49, v45  }
0x168: {  	s23 =	sor.u32 s6, s11;
	v58 =	vsel vm0, $0x3F800000, v16;
	v59 =	vsel vm1, $0x3F800000, v16;
	vm0 =	veq.s32 v49, v39  }
0x169: {  	vm1 =	veq.s32 v49, v38;
	[tilespmem:s23+$0x4000] =	vst v58;
	v60 =	vsel vm0, $0x3F800000, v16;
	v58 =	vsel vm2, $0x3F800000, v16  }
0x16a: {  	s28 =	simm.s32 $0x10;
	s26 =	sor.u32 s24, s24;
	[tilespmem:s23+$0x4080] =	vst v59;
	v59 =	vsel vm1, $0x3F800000, v16;
	vm1 =	veq.s32 v49, v41;
	vm0 =	veq.s32 v49, v43  }
.LBB2_7:
0x16b: {  	[tilespmem:s23+$0x4180] =	vst v60  }
0x16c: {  	[tilespmem:s23+$0x4100] =	vst v59  }
0x16d: {  	v5 =	vsel vm0, $0x3F800000, v16;
	[tilespmem:s23+$0x4300] =	vst v58  }
0x16e: {  	v4 =	vsel vm1, $0x3F800000, v16;
	vm2 =	veq.s32 v49, v40;
	[tilespmem:s23+$0x4280] =	vst v5  }
0x16f: {  	vm3 =	veq.s32 v49, v42;
	s1 =	sor.u32 $0x380, s26;
	[tilespmem:s23+$0x4200] =	vst v4;
	v6 =	vsel vm2, $0x3F800000, v16  }
0x170: {  	vm6 =	veq.s32 v49, v56;
	v7 =	vsel vm3, $0x3F800000, v16;
	[tilespmem:s1+$0x4000] =	vst v6  }
0x171: {  	vm10 =	veq.s32 v49, v55;
	vm13 =	veq.s32 v49, v33;
	v60 =	vsel vm6, $0x3F800000, v16;
	[tilespmem:s23+$0x6000] =	vst v7  }
0x172: {  	vm11 =	veq.s32 v49, v35;
	v0 =	vimm.s32 $0x0;
	v61 =	vsel vm10, $0x3F800000, v16;
	[tilespmem:s23+$0xC380] =	vst v60  }
0x173: {  	v62 =	vsel vm11, $0x3F800000, v16;
	v63 =	vsel vm13, $0x3F800000, v16;
	vm13 =	veq.s32 v49, v28;
	[tilespmem:s23+$0xC300] =	vst v61  }
0x174: {  	v0 =	vsel vm13, $0xFFFFFFFF, v0;
	[tilespmem:s23+$0x6100] =	vst v62  }
0x175: {  	vm9 =	veq.s32 v49, v54;
	[tilespmem:$0x1FA90] =	vst v0  }
0x176: {  	vm12 =	veq.s32 v49, v32;
	v5 =	vsel vm9, $0x3F800000, v16;
	[tilespmem:s23+$0x6080] =	vst v63  }
0x177: {  	vm10 =	veq.s32 v49, v31;
	v1 =	vsel vm12, $0x3F800000, v16;
	[tilespmem:s23+$0xC280] =	vst v5  }
0x178: {  	vm11 =	veq.s32 v49, v30;
	v2 =	vsel vm10, $0x3F800000, v16;
	[tilespmem:s23+$0xA100] =	vst v1  }
0x179: {  	v4 =	vimm.s32 $0x0;
	vm13 =	veq.s32 v49, v26;
	v3 =	vsel vm11, $0x3F800000, v16;
	[tilespmem:s23+$0xA080] =	vst v2  }
0x17a: {  	vm0 =	veq.s32 v49, v53;
	v0 =	vsel vm13, $0xFFFFFFFF, v4;
	[tilespmem:s23+$0xA000] =	vst v3  }
0x17b: {  	vm1 =	veq.s32 v49, v52;
	v7 =	vsel vm0, $0x3F800000, v16;
	[tilespmem:$0x1FAA0] =	vst v0  }
0x17c: {  	vm5 =	veq.s32 v49, v51;
	v62 =	vsel vm1, $0x3F800000, v16;
	[tilespmem:s23+$0xC200] =	vst v7  }
0x17d: {  	vm2 =	veq.s32 v49, v50;
	v4 =	vsel vm5, $0x3F800000, v16;
	[tilespmem:s23+$0xC180] =	vst v62  }
0x17e: {  	vm9 =	veq.s32 v49, v24;
	v6 =	vimm.s32 $0x0;
	v5 =	vsel vm2, $0x3F800000, v16;
	[tilespmem:s23+$0xC100] =	vst v4  }
0x17f: {  	vm8 =	veq.s32 v49, v48;
	v0 =	vsel vm9, $0xFFFFFFFF, v6;
	[tilespmem:s23+$0xC080] =	vst v5  }
0x180: {  	vm4 =	veq.s32 v49, v44;
	v7 =	vsel vm8, $0x3F800000, v16;
	[tilespmem:$0x1FAB0] =	vst v0  }
0x181: {  	vm15 =	veq.s32 v49, v29;
	v62 =	vsel vm4, $0x3F800000, v16;
	[tilespmem:s23+$0xC000] =	vst v7  }
0x182: {  	vm0 =	veq.s32 v49, v22;
	v60 =	vimm.s32 $0x0;
	v4 =	vsel vm15, $0x3F800000, v16;
	[tilespmem:s23+$0xA280] =	vst v62  }
0x183: {  	vm3 =	veq.s32 v49, v47;
	v0 =	vsel vm0, $0xFFFFFFFF, v60;
	[tilespmem:s23+$0x8380] =	vst v4  }
0x184: {  	vm13 =	veq.s32 v49, v27;
	v60 =	vsel vm3, $0x3F800000, v16;
	[tilespmem:$0x1FAD0] =	vst v0  }
0x185: {  	v61 =	vimm.s32 $0x0;
	vm0 =	veq.s32 v49, v23;
	v7 =	vsel vm13, $0x3F800000, v16;
	[tilespmem:s23+$0xA380] =	vst v60  }
0x186: {  	vm7 =	veq.s32 v49, v46;
	v0 =	vsel vm0, $0xFFFFFFFF, v61;
	[tilespmem:s23+$0x8280] =	vst v7  }
0x187: {  	v63 =	vimm.s32 $0x0;
	v5 =	vld [tilespmem:$0x1FA90];
	vm0 =	veq.s32 v49, v21;
	v61 =	vsel vm7, $0x3F800000, v16;
	[tilespmem:$0x1FAC0] =	vst v0  }
0x188: {  	vm14 =	veq.s32 v49, v37;
	v0 =	vsel vm0, $0xFFFFFFFF, v63;
	[tilespmem:s23+$0xA300] =	vst v61  }
0x189: {  	vm9 =	veq.s32 v49, v25;
	v59 =	vld [tilespmem:$0x1FAA0];
	v63 =	vsel vm14, $0x3F800000, v16;
	[tilespmem:$0x1FAE0] =	vst v0  }
0x18a: {  	vm2 =	veq.s32 v49, v18;
	v6 =	vimm.s32 $0x0;
	v62 =	vld [tilespmem:$0x1FAB0];
	v61 =	vsel vm9, $0x3F800000, v16;
	[tilespmem:s23+$0xA200] =	vst v63  }
0x18b: {  	vm1 =	veq.s32 v49, v20;
	v0 =	vsel vm2, $0xFFFFFFFF, v6;
	[tilespmem:s23+$0x8180] =	vst v61;
	v4 =	vld [tilespmem:$0x1FAC0]  }
0x18c: {  	v61 =	vsel vm1, $0x3F800000, v16;
	[tilespmem:$0x1FAF0] =	vst v0;
	vm2 =	vnez.u8 v5  }
0x18d: {  	vm6 =	veq.s32 v49, v34;
	[tilespmem:s23+$0x6300] =	vst v61;
	v6 =	vsel vm2, $0x3F800000, v16  }
0x18e: {  	v0 =	vsel vm6, $0x3F800000, v16;
	vm2 =	vnez.u8 v59;
	[tilespmem:s23+$0x8300] =	vst v6;
	v6 =	vld [tilespmem:$0x1FAD0]  }
0x18f: {  	vm5 =	veq.s32 v49, v19;
	[tilespmem:s23+$0xA180] =	vst v0;
	v59 =	vld [tilespmem:$0x1FAE0];
	v60 =	vsel vm2, $0x3F800000, v16;
	vm2 =	vnez.u8 v62  }
0x190: {  	v62 =	vsel vm5, $0x3F800000, v16;
	[tilespmem:s23+$0x8200] =	vst v60;
	v63 =	vsel vm2, $0x3F800000, v16;
	vm2 =	vnez.u8 v4;
	v4 =	vld [tilespmem:$0x1FAF0]  }
0x191: {  	vm0 =	veq.s32 v49, v17;
	[tilespmem:s23+$0x6280] =	vst v62  }
0x192: {  	[tilespmem:s23+$0x8100] =	vst v63;
	v63 =	vsel vm0, $0x3F800000, v16  }
0x193: {  	v5 =	vsel vm2, $0x3F800000, v16;
	[tilespmem:s23+$0x6180] =	vst v63;
	vm2 =	vnez.u8 v6  }
0x194: {  	s24 =	sadd.s32 $0x80, s24;
	[tilespmem:s23+$0x8080] =	vst v5;
	v7 =	vsel vm2, $0x3F800000, v16;
	vm2 =	vnez.u8 v59  }
0x195: {  	s29 =	smov.u32 s28;
	s30 =	sand.u32 $0x1C00, s24;
	v60 =	vsel vm2, $0x3F800000, v16;
	[tilespmem:s23+$0x8000] =	vst v7;
	vm0 =	vnez.u8 v4  }
0x196: {  	s31 =	sand.u32 $0x70, s29;
	s6 =	sadd.s32 s30, s25;
	[tilespmem:s23+$0x6380] =	vst v60;
	v5 =	vsel vm0, $0x3F800000, v16  }
0x197: {  	s6 =	sadd.s32 s31, s6;
	[tilespmem:s23+$0x6200] =	vst v5  }
0x198: {  	v49 =	vld [tilespmem:s6+$0x0];
	_ =	sdelay $0x2  }
0x199: {  	p0 =	sne.s32 s28, $0x3F0  }
.Ltmp2:
0x19a: {  	_ = 	snop;
	(pc) =	sbr.rel @p0 .LBB2_7-.Ltmp2, $4  }
0x19b: {  	vm0 =	veq.s32 v49, v57;
	vm1 =	veq.s32 v49, v36;
	vm2 =	veq.s32 v49, v45  }
0x19c: {  	s23 =	sor.u32 s31, s30;
	v6 =	vsel vm0, $0x3F800000, v16;
	v7 =	vsel vm1, $0x3F800000, v16;
	vm0 =	veq.s32 v49, v39  }
0x19d: {  	s0 =	sor.u32 s24, s29;
	vm1 =	veq.s32 v49, v38;
	v58 =	vsel vm2, $0x3F800000, v16;
	[tilespmem:s23+$0x4000] =	vst v6;
	v60 =	vsel vm0, $0x3F800000, v16  }
0x19e: {  	s28 =	sadd.s32 $0x10, s28;
	s26 =	smov.u32 s0;
	[tilespmem:s23+$0x4080] =	vst v7;
	v59 =	vsel vm1, $0x3F800000, v16;
	vm1 =	veq.s32 v49, v41;
	vm0 =	veq.s32 v49, v43  }
0x19f: {  	[tilespmem:s23+$0x4180] =	vst v60  }
0x1a0: {  	[tilespmem:s23+$0x4100] =	vst v59  }
0x1a1: {  	v36 =	vsel vm0, $0x3F800000, v16;
	[tilespmem:s23+$0x4300] =	vst v58  }
0x1a2: {  	v38 =	vsel vm1, $0x3F800000, v16;
	vm15 =	veq.s32 v49, v40;
	[tilespmem:s23+$0x4280] =	vst v36  }
0x1a3: {  	vm4 =	veq.s32 v49, v42;
	s0 =	sor.u32 $0x380, s26;
	[tilespmem:s23+$0x4200] =	vst v38;
	v1 =	vsel vm15, $0x3F800000, v16  }
0x1a4: {  	vm5 =	veq.s32 v49, v56;
	v2 =	vsel vm4, $0x3F800000, v16;
	[tilespmem:s0+$0x4000] =	vst v1  }
0x1a5: {  	vm6 =	veq.s32 v49, v55;
	v3 =	vsel vm5, $0x3F800000, v16;
	[tilespmem:s23+$0x6000] =	vst v2  }
0x1a6: {  	vm7 =	veq.s32 v49, v35;
	v4 =	vsel vm6, $0x3F800000, v16;
	[tilespmem:s23+$0xC380] =	vst v3  }
0x1a7: {  	vm8 =	veq.s32 v49, v33;
	v5 =	vsel vm7, $0x3F800000, v16;
	[tilespmem:s23+$0xC300] =	vst v4  }
0x1a8: {  	vm9 =	veq.s32 v49, v54;
	v6 =	vsel vm8, $0x3F800000, v16;
	[tilespmem:s23+$0x6100] =	vst v5  }
0x1a9: {  	vm10 =	veq.s32 v49, v53;
	v7 =	vsel vm9, $0x3F800000, v16;
	[tilespmem:s23+$0x6080] =	vst v6  }
0x1aa: {  	vm11 =	veq.s32 v49, v52;
	v36 =	vsel vm10, $0x3F800000, v16;
	[tilespmem:s23+$0xC280] =	vst v7  }
0x1ab: {  	vm12 =	veq.s32 v49, v51;
	v38 =	vsel vm11, $0x3F800000, v16;
	[tilespmem:s23+$0xC200] =	vst v36  }
0x1ac: {  	vm13 =	veq.s32 v49, v50;
	v39 =	vsel vm12, $0x3F800000, v16;
	[tilespmem:s23+$0xC180] =	vst v38  }
0x1ad: {  	vm14 =	veq.s32 v49, v48;
	v40 =	vsel vm13, $0x3F800000, v16;
	[tilespmem:s23+$0xC100] =	vst v39  }
0x1ae: {  	vm15 =	veq.s32 v49, v47;
	v41 =	vsel vm14, $0x3F800000, v16;
	[tilespmem:s23+$0xC080] =	vst v40  }
0x1af: {  	vm4 =	veq.s32 v49, v46;
	v42 =	vsel vm15, $0x3F800000, v16;
	[tilespmem:s23+$0xC000] =	vst v41  }
0x1b0: {  	vm5 =	veq.s32 v49, v44;
	v43 =	vsel vm4, $0x3F800000, v16;
	[tilespmem:s23+$0xA380] =	vst v42  }
0x1b1: {  	vm6 =	veq.s32 v49, v37;
	v44 =	vsel vm5, $0x3F800000, v16;
	[tilespmem:s23+$0xA300] =	vst v43  }
0x1b2: {  	vm7 =	veq.s32 v49, v34;
	v45 =	vsel vm6, $0x3F800000, v16;
	[tilespmem:s23+$0xA280] =	vst v44  }
0x1b3: {  	vm8 =	veq.s32 v49, v32;
	v46 =	vsel vm7, $0x3F800000, v16;
	[tilespmem:s23+$0xA200] =	vst v45  }
0x1b4: {  	vm9 =	veq.s32 v49, v31;
	v31 =	vsel vm8, $0x3F800000, v16;
	[tilespmem:s23+$0xA180] =	vst v46  }
0x1b5: {  	vm10 =	veq.s32 v49, v30;
	v30 =	vsel vm9, $0x3F800000, v16;
	[tilespmem:s23+$0xA100] =	vst v31  }
0x1b6: {  	vm11 =	veq.s32 v49, v29;
	v29 =	vsel vm10, $0x3F800000, v16;
	[tilespmem:s23+$0xA080] =	vst v30  }
0x1b7: {  	vm12 =	veq.s32 v49, v28;
	v28 =	vsel vm11, $0x3F800000, v16;
	[tilespmem:s23+$0xA000] =	vst v29  }
0x1b8: {  	vm13 =	veq.s32 v49, v27;
	v27 =	vsel vm12, $0x3F800000, v16;
	[tilespmem:s23+$0x8380] =	vst v28  }
0x1b9: {  	vm14 =	veq.s32 v49, v26;
	v26 =	vsel vm13, $0x3F800000, v16;
	[tilespmem:s23+$0x8300] =	vst v27  }
0x1ba: {  	vm15 =	veq.s32 v49, v25;
	v25 =	vsel vm14, $0x3F800000, v16;
	[tilespmem:s23+$0x8280] =	vst v26  }
0x1bb: {  	vm4 =	veq.s32 v49, v24;
	v24 =	vsel vm15, $0x3F800000, v16;
	[tilespmem:s23+$0x8200] =	vst v25  }
0x1bc: {  	vm5 =	veq.s32 v49, v23;
	v23 =	vsel vm4, $0x3F800000, v16;
	[tilespmem:s23+$0x8180] =	vst v24  }
0x1bd: {  	vm6 =	veq.s32 v49, v22;
	v22 =	vsel vm5, $0x3F800000, v16;
	[tilespmem:s23+$0x8100] =	vst v23  }
0x1be: {  	vm7 =	veq.s32 v49, v21;
	v21 =	vsel vm6, $0x3F800000, v16;
	[tilespmem:s23+$0x8080] =	vst v22  }
0x1bf: {  	s13 =	smul.u32 $0x1400, s22;
	s22 =	sadd.s32 $0x1, s22;
	vm8 =	veq.s32 v49, v20;
	v20 =	vsel vm7, $0x3F800000, v16;
	[tilespmem:s23+$0x8000] =	vst v21  }
0x1c0: {  	s6 =	smulhi.u32 $0x51EB851F, s22;
	vm9 =	veq.s32 v49, v19;
	v19 =	vsel vm8, $0x3F800000, v16;
	[tilespmem:s23+$0x6380] =	vst v20  }
0x1c1: {  	vm10 =	veq.s32 v49, v18;
	v18 =	vsel vm9, $0x3F800000, v16;
	[tilespmem:s23+$0x6300] =	vst v19  }
0x1c2: {  	vm11 =	veq.s32 v49, v17;
	v17 =	vsel vm10, $0x3F800000, v16;
	s16 =	sshrl.u32 s6, $0x3;
	[tilespmem:s23+$0x6280] =	vst v18  }
0x1c3: {  	v18 =	vsel vm11, $0x3F800000, v16;
	[tilespmem:s23+$0x6200] =	vst v17;
	s6 =	ssub.s32 s16, s5;
	s8 =	sadd.s32 s16, s7  }
0x1c4: {  	s1 =	simm.s32 $0x0;
	s0 =	sadd.s32 s2, s13;
	[tilespmem:s23+$0x6180] =	vst v18;
	p0 =	slt.s32 s6, s8  }
0x1c5: {  	[hbm4b:s0+s1] =	stream.linear.scatter [tilespmem:s17], [sflag:$0x1], $0xA000, $0x38;
	[tilespmem:$0x18000] =	vst v63  }
0x1c6: {  	s8 =	smov.u32 @p0 s6  }
0x1c7: {  	s6 =	sshll.u32 s8, $0xA;
	s8 =	sshll.u32 s8, $0x7  }
0x1c8: {  	s6 =	sand.u32 $0xFFFFE000, s6;
	s8 =	sand.u32 $0x380, s8  }
0x1c9: {  	s24 =	sand.u32 $0x1C00, s1;
	_ =	swait.ge [sflag:s19], $0xA000;
	s23 =	sor.u32 s8, s6  }
0x1ca: {  	s1 =	sand.u32 $0x70, s1;
	[sflag:s19] =	ssyncset.done $0x0;
	s8 =	sadd.s32 s24, s23  }
0x1cb: {  	s0 =	smul.u32 $0xFFFFFFE7, s16;
	[sflag:s19] =	ssyncadd.s32 $0xFFFF6000;
	s8 =	sadd.s32 s1, s8  }
0x1cc: {  	v57 =	vld [tilespmem:s8+$0x0]  }
0x1cd: {  	s0 =	sadd.s32 s22, s0  }
0x1ce: {  	s25 =	smul.u32 $0x28, s0;
	_ =	sdelay $0x1  }
0x1cf: {  	v18 =	vmov s25;
	s0 =	sor.u32 $0x1, s25;
	s26 =	sor.u32 $0x2, s25  }
0x1d0: {  	s30 =	sor.u32 $0x3, s25;
	v20 =	vmov s0;
	v19 =	vmov s26;
	vm12 =	veq.s32 v57, v18  }
0x1d1: {  	s24 =	sor.u32 s1, s24;
	s31 =	sor.u32 $0x4, s25;
	v17 =	vmov s30;
	vm13 =	veq.s32 v57, v20;
	v22 =	vsel vm12, $0x3F800000, v16  }
0x1d2: {  	v21 =	vmov s31;
	vm14 =	veq.s32 v57, v19;
	v23 =	vsel vm13, $0x3F800000, v16;
	[tilespmem:s24+$0xE000] =	vst v22  }
0x1d3: {  	s6 =	sor.u32 $0x5, s25;
	vm15 =	veq.s32 v57, v17;
	vm4 =	veq.s32 v57, v21;
	v24 =	vsel vm14, $0x3F800000, v16;
	[tilespmem:s24+$0xE080] =	vst v23  }
0x1d4: {  	s11 =	sor.u32 $0x7, s25;
	s8 =	sor.u32 $0x6, s25;
	v25 =	vsel vm15, $0x3F800000, v16;
	v26 =	vsel vm4, $0x3F800000, v16;
	v22 =	vmov s6;
	[tilespmem:s24+$0xE100] =	vst v24  }
0x1d5: {  	s13 =	sadd.s32 $0x8, s25;
	v23 =	vmov s8;
	v24 =	vmov s11;
	[tilespmem:s24+$0xE180] =	vst v25;
	vm5 =	veq.s32 v57, v22  }
0x1d6: {  	s16 =	sadd.s32 $0x9, s25;
	v25 =	vmov s13;
	[tilespmem:s24+$0xE200] =	vst v26;
	vm6 =	veq.s32 v57, v23;
	v27 =	vsel vm5, $0x3F800000, v16  }
0x1d7: {  	v26 =	vmov s16;
	vm7 =	veq.s32 v57, v24;
	v28 =	vsel vm6, $0x3F800000, v16;
	[tilespmem:s24+$0xE280] =	vst v27  }
0x1d8: {  	s8 =	sadd.s32 $0xF, s25;
	s11 =	sadd.s32 $0x10, s25;
	vm8 =	veq.s32 v57, v25;
	vm9 =	veq.s32 v57, v26;
	v29 =	vsel vm7, $0x3F800000, v16;
	[tilespmem:s24+$0xE300] =	vst v28  }
0x1d9: {  	s13 =	sadd.s32 $0x11, s25;
	v32 =	vmov s8;
	v33 =	vmov s11;
	v30 =	vsel vm8, $0x3F800000, v16;
	[tilespmem:s24+$0xE380] =	vst v29  }
0x1da: {  	s16 =	sadd.s32 $0x12, s25;
	v34 =	vmov s13;
	v31 =	vsel vm9, $0x3F800000, v16;
	vm15 =	veq.s32 v57, v32;
	[tilespmem:s24+$0x10000] =	vst v30  }
0x1db: {  	v35 =	vmov s16;
	vm4 =	veq.s32 v57, v33;
	[tilespmem:s24+$0x10080] =	vst v31;
	v52 =	vsel vm15, $0x3F800000, v16  }
0x1dc: {  	s11 =	sadd.s32 $0x19, s25;
	s16 =	sadd.s32 $0x1B, s25;
	vm5 =	veq.s32 v57, v34;
	vm6 =	veq.s32 v57, v35;
	v53 =	vsel vm4, $0x3F800000, v16;
	[tilespmem:s24+$0x10380] =	vst v52  }
0x1dd: {  	s26 =	sadd.s32 $0xA, s25;
	v42 =	vmov s11;
	v44 =	vmov s16;
	v39 =	vsel vm5, $0x3F800000, v16;
	[tilespmem:s24+$0x12000] =	vst v53  }
0x1de: {  	s30 =	sadd.s32 $0xB, s25;
	v27 =	vmov s26;
	v54 =	vsel vm6, $0x3F800000, v16;
	vm15 =	veq.s32 v57, v44;
	[tilespmem:s24+$0x12080] =	vst v39  }
0x1df: {  	s31 =	sadd.s32 $0xC, s25;
	v28 =	vmov s30;
	vm10 =	veq.s32 v57, v27;
	[tilespmem:s24+$0x12100] =	vst v54;
	v61 =	vsel vm15, $0x3F800000, v16  }
0x1e0: {  	s1 =	sadd.s32 $0xD, s25;
	v29 =	vmov s31;
	vm11 =	veq.s32 v57, v28;
	v47 =	vsel vm10, $0x3F800000, v16;
	[tilespmem:s24+$0x14180] =	vst v61  }
0x1e1: {  	s6 =	sadd.s32 $0xE, s25;
	v30 =	vmov s1;
	vm12 =	veq.s32 v57, v29;
	v48 =	vsel vm11, $0x3F800000, v16;
	[tilespmem:s24+$0x10100] =	vst v47  }
0x1e2: {  	v31 =	vmov s6;
	s26 =	sadd.s32 $0x13, s25;
	vm13 =	veq.s32 v57, v30;
	v49 =	vsel vm12, $0x3F800000, v16;
	[tilespmem:s24+$0x10180] =	vst v48  }
0x1e3: {  	s30 =	sadd.s32 $0x14, s25;
	vm14 =	veq.s32 v57, v31;
	v36 =	vmov s26;
	v50 =	vsel vm13, $0x3F800000, v16;
	[tilespmem:s24+$0x10200] =	vst v49  }
0x1e4: {  	s31 =	sadd.s32 $0x15, s25;
	v37 =	vmov s30;
	v51 =	vsel vm14, $0x3F800000, v16;
	vm7 =	veq.s32 v57, v36;
	[tilespmem:s24+$0x10280] =	vst v50  }
0x1e5: {  	s1 =	sadd.s32 $0x16, s25;
	v38 =	vmov s31;
	vm8 =	veq.s32 v57, v37;
	[tilespmem:s24+$0x10300] =	vst v51;
	v41 =	vsel vm7, $0x3F800000, v16  }
0x1e6: {  	s6 =	sadd.s32 $0x17, s25;
	v39 =	vmov s1;
	vm9 =	veq.s32 v57, v38;
	v55 =	vsel vm8, $0x3F800000, v16;
	[tilespmem:s24+$0x12180] =	vst v41  }
0x1e7: {  	s16 =	sadd.s32 $0x24, s25;
	v40 =	vmov s6;
	vm10 =	veq.s32 v57, v39;
	v43 =	vsel vm9, $0x3F800000, v16;
	[tilespmem:s24+$0x12200] =	vst v55  }
0x1e8: {  	s30 =	sadd.s32 $0x1D, s25;
	v53 =	vmov s16;
	vm11 =	veq.s32 v57, v40;
	v56 =	vsel vm10, $0x3F800000, v16;
	[tilespmem:s24+$0x12280] =	vst v43  }
0x1e9: {  	s31 =	sadd.s32 $0x1E, s25;
	vm13 =	veq.s32 v57, v42;
	v46 =	vmov s30;
	v45 =	vsel vm11, $0x3F800000, v16;
	[tilespmem:s24+$0x12300] =	vst v56  }
0x1ea: {  	s1 =	sadd.s32 $0x1F, s25;
	v59 =	vsel vm13, $0x3F800000, v16;
	v47 =	vmov s31;
	vm5 =	veq.s32 v57, v46;
	[tilespmem:s24+$0x12380] =	vst v45  }
0x1eb: {  	s6 =	sadd.s32 $0x20, s25;
	v48 =	vmov s1;
	[tilespmem:s24+$0x14080] =	vst v59;
	v63 =	vsel vm5, $0x3F800000, v16;
	vm6 =	veq.s32 v57, v47  }
0x1ec: {  	s11 =	sadd.s32 $0x22, s25;
	v49 =	vmov s6;
	vm7 =	veq.s32 v57, v48;
	v0 =	vsel vm6, $0x3F800000, v16;
	[tilespmem:s24+$0x14280] =	vst v63  }
0x1ed: {  	s8 =	sadd.s32 $0x18, s25;
	v51 =	vmov s11;
	vm8 =	veq.s32 v57, v49;
	v1 =	vsel vm7, $0x3F800000, v16;
	[tilespmem:s24+$0x14300] =	vst v0  }
0x1ee: {  	s13 =	sadd.s32 $0x1A, s25;
	v41 =	vmov s8;
	vm10 =	veq.s32 v57, v51;
	v2 =	vsel vm8, $0x3F800000, v16;
	[tilespmem:s24+$0x14380] =	vst v1  }
0x1ef: {  	s26 =	sadd.s32 $0x1C, s25;
	v43 =	vmov s13;
	vm12 =	veq.s32 v57, v41;
	v4 =	vsel vm10, $0x3F800000, v16;
	[tilespmem:s24+$0x16000] =	vst v2  }
0x1f0: {  	v45 =	vmov s26;
	s8 =	sadd.s32 $0x21, s25;
	vm14 =	veq.s32 v57, v43;
	v58 =	vsel vm12, $0x3F800000, v16;
	[tilespmem:s24+$0x16100] =	vst v4  }
0x1f1: {  	s13 =	sadd.s32 $0x23, s25;
	vm4 =	veq.s32 v57, v45;
	v50 =	vmov s8;
	v60 =	vsel vm14, $0x3F800000, v16;
	[tilespmem:s24+$0x14000] =	vst v58  }
0x1f2: {  	s30 =	sadd.s32 $0x26, s25;
	v52 =	vmov s13;
	v62 =	vsel vm4, $0x3F800000, v16;
	vm9 =	veq.s32 v57, v50;
	[tilespmem:s24+$0x14100] =	vst v60  }
0x1f3: {  	s26 =	sadd.s32 $0x25, s25;
	v55 =	vmov s30;
	vm11 =	veq.s32 v57, v52;
	[tilespmem:s24+$0x14200] =	vst v62;
	v3 =	vsel vm9, $0x3F800000, v16  }
0x1f4: {  	s31 =	sadd.s32 $0x27, s25;
	v54 =	vmov s26;
	vm12 =	veq.s32 v57, v53;
	v5 =	vsel vm11, $0x3F800000, v16;
	[tilespmem:s24+$0x16080] =	vst v3  }
0x1f5: {  	v56 =	vmov s31;
	vm13 =	veq.s32 v57, v54;
	v6 =	vsel vm12, $0x3F800000, v16;
	[tilespmem:s24+$0x16180] =	vst v5  }
0x1f6: {  	s25 =	simm.s32 $0x80;
	vm15 =	veq.s32 v57, v56;
	vm14 =	veq.s32 v57, v55;
	v7 =	vsel vm13, $0x3F800000, v16;
	[tilespmem:s24+$0x16200] =	vst v6  }
0x1f7: {  	s28 =	simm.s32 $0x10;
	s29 =	sand.u32 $0x1C00, s25;
	s26 =	simm.s32 $0x20;
	v57 =	vsel vm15, $0x3F800000, v16;
	v58 =	vsel vm14, $0x3F800000, v16;
	[tilespmem:s24+$0x16280] =	vst v7  }
.LBB2_9:
0x1f8: {  	p0 =	sne.s32 s26, $0x3F0;
	s0 =	sand.u32 $0x70, s28;
	s1 =	sadd.s32 s29, s23;
	[tilespmem:s24+$0x16300] =	vst v58  }
0x1f9: {  	s28 =	smov.u32 s26;
	s1 =	sadd.s32 s0, s1;
	[tilespmem:s24+$0x16380] =	vst v57  }
0x1fa: {  	v57 =	vld [tilespmem:s1+$0x0];
	_ =	sdelay $0x4  }
0x1fb: {  	vm0 =	veq.s32 v57, v18;
	vm1 =	veq.s32 v57, v20;
	vm2 =	veq.s32 v57, v19  }
0x1fc: {  	s24 =	sor.u32 s0, s29;
	v58 =	vsel vm0, $0x3F800000, v16;
	v59 =	vsel vm1, $0x3F800000, v16;
	v60 =	vsel vm2, $0x3F800000, v16  }
0x1fd: {  	vm0 =	veq.s32 v57, v17;
	vm1 =	veq.s32 v57, v21;
	vm2 =	veq.s32 v57, v22;
	[tilespmem:s24+$0xE000] =	vst v58  }
0x1fe: {  	v58 =	vsel vm0, $0x3F800000, v16;
	v61 =	vsel vm2, $0x3F800000, v16;
	[tilespmem:s24+$0xE080] =	vst v59;
	v59 =	vsel vm1, $0x3F800000, v16  }
0x1ff: {  	vm0 =	veq.s32 v57, v23;
	vm2 =	veq.s32 v57, v25;
	vm1 =	veq.s32 v57, v24;
	[tilespmem:s24+$0xE100] =	vst v60  }
0x200: {  	v62 =	vsel vm2, $0x3F800000, v16;
	v60 =	vsel vm1, $0x3F800000, v16;
	[tilespmem:s24+$0xE180] =	vst v58;
	v58 =	vsel vm0, $0x3F800000, v16  }
0x201: {  	vm2 =	veq.s32 v57, v28;
	vm1 =	veq.s32 v57, v27;
	vm0 =	veq.s32 v57, v26;
	[tilespmem:s24+$0xE200] =	vst v59  }
0x202: {  	v63 =	vsel vm2, $0x3F800000, v16;
	v59 =	vsel vm0, $0x3F800000, v16;
	[tilespmem:s24+$0xE280] =	vst v61;
	v61 =	vsel vm1, $0x3F800000, v16  }
0x203: {  	vm2 =	veq.s32 v57, v31;
	vm0 =	veq.s32 v57, v29;
	vm1 =	veq.s32 v57, v30;
	[tilespmem:s24+$0xE300] =	vst v58  }
0x204: {  	v0 =	vsel vm2, $0x3F800000, v16;
	v58 =	vsel vm0, $0x3F800000, v16;
	[tilespmem:s24+$0xE380] =	vst v60;
	v60 =	vsel vm1, $0x3F800000, v16  }
0x205: {  	vm2 =	veq.s32 v57, v34;
	vm0 =	veq.s32 v57, v32;
	vm1 =	veq.s32 v57, v33;
	[tilespmem:s24+$0x10000] =	vst v62  }
0x206: {  	v1 =	vsel vm2, $0x3F800000, v16;
	v62 =	vsel vm1, $0x3F800000, v16;
	[tilespmem:s24+$0x10080] =	vst v59;
	v59 =	vsel vm0, $0x3F800000, v16  }
0x207: {  	vm2 =	veq.s32 v57, v37;
	vm1 =	veq.s32 v57, v36;
	vm0 =	veq.s32 v57, v35;
	[tilespmem:s24+$0x10100] =	vst v61  }
0x208: {  	v2 =	vsel vm2, $0x3F800000, v16;
	v61 =	vsel vm0, $0x3F800000, v16;
	[tilespmem:s24+$0x10180] =	vst v63;
	v63 =	vsel vm1, $0x3F800000, v16  }
0x209: {  	vm2 =	veq.s32 v57, v40;
	vm0 =	veq.s32 v57, v38;
	vm1 =	veq.s32 v57, v39;
	[tilespmem:s24+$0x10200] =	vst v58  }
0x20a: {  	v3 =	vsel vm2, $0x3F800000, v16;
	v58 =	vsel vm0, $0x3F800000, v16;
	[tilespmem:s24+$0x10280] =	vst v60;
	v60 =	vsel vm1, $0x3F800000, v16  }
0x20b: {  	vm2 =	veq.s32 v57, v43;
	vm0 =	veq.s32 v57, v41;
	vm1 =	veq.s32 v57, v42;
	[tilespmem:s24+$0x10300] =	vst v0  }
0x20c: {  	v4 =	vsel vm2, $0x3F800000, v16;
	v0 =	vsel vm0, $0x3F800000, v16;
	[tilespmem:s24+$0x10380] =	vst v59;
	v59 =	vsel vm1, $0x3F800000, v16  }
0x20d: {  	vm2 =	veq.s32 v57, v46;
	vm0 =	veq.s32 v57, v44;
	vm1 =	veq.s32 v57, v45;
	[tilespmem:s24+$0x12000] =	vst v62  }
0x20e: {  	v5 =	vsel vm2, $0x3F800000, v16;
	v62 =	vsel vm1, $0x3F800000, v16;
	[tilespmem:s24+$0x12080] =	vst v1;
	v1 =	vsel vm0, $0x3F800000, v16  }
0x20f: {  	vm2 =	veq.s32 v57, v49;
	vm1 =	veq.s32 v57, v48;
	vm0 =	veq.s32 v57, v47;
	[tilespmem:s24+$0x12100] =	vst v61  }
0x210: {  	v6 =	vsel vm2, $0x3F800000, v16;
	v61 =	vsel vm0, $0x3F800000, v16;
	[tilespmem:s24+$0x12180] =	vst v63;
	v63 =	vsel vm1, $0x3F800000, v16  }
0x211: {  	vm2 =	veq.s32 v57, v52;
	vm0 =	veq.s32 v57, v50;
	vm1 =	veq.s32 v57, v51;
	[tilespmem:s24+$0x12200] =	vst v2  }
0x212: {  	v8 =	vsel vm2, $0x3F800000, v16;
	v2 =	vsel vm0, $0x3F800000, v16;
	v7 =	vsel vm1, $0x3F800000, v16;
	[tilespmem:s24+$0x12280] =	vst v58  }
0x213: {  	vm2 =	veq.s32 v57, v55;
	vm0 =	veq.s32 v57, v53;
	vm1 =	veq.s32 v57, v54;
	[tilespmem:s24+$0x12300] =	vst v60  }
0x214: {  	v58 =	vsel vm2, $0x3F800000, v16;
	v60 =	vsel vm1, $0x3F800000, v16;
	[tilespmem:s24+$0x12380] =	vst v3;
	v3 =	vsel vm0, $0x3F800000, v16  }
0x215: {  	vm0 =	veq.s32 v57, v56;
	[tilespmem:s24+$0x14000] =	vst v0  }
0x216: {  	v57 =	vsel vm0, $0x3F800000, v16;
	[tilespmem:s24+$0x14080] =	vst v59  }
0x217: {  	[tilespmem:s24+$0x14100] =	vst v4  }
0x218: {  	[tilespmem:s24+$0x14180] =	vst v1  }
0x219: {  	[tilespmem:s24+$0x14200] =	vst v62  }
0x21a: {  	[tilespmem:s24+$0x14280] =	vst v5  }
0x21b: {  	[tilespmem:s24+$0x14300] =	vst v61  }
0x21c: {  	[tilespmem:s24+$0x14380] =	vst v63  }
0x21d: {  	[tilespmem:s24+$0x16000] =	vst v6  }
.Ltmp3:
0x21e: {  	[tilespmem:s24+$0x16080] =	vst v2;
	(pc) =	sbr.rel @p0 .LBB2_9-.Ltmp3, $4  }
0x21f: {  	[tilespmem:s24+$0x16100] =	vst v7  }
0x220: {  	[tilespmem:s24+$0x16180] =	vst v8  }
0x221: {  	s25 =	sadd.s32 $0x80, s25;
	[tilespmem:s24+$0x16200] =	vst v3  }
0x222: {  	s26 =	sadd.s32 $0x10, s26;
	s29 =	sand.u32 $0x1C00, s25;
	[tilespmem:s24+$0x16280] =	vst v60  }
0x223: {  	s0 =	sand.u32 $0x70, s28;
	s1 =	sadd.s32 s29, s23;
	[tilespmem:s24+$0x16300] =	vst v58  }
0x224: {  	[tilespmem:s24+$0x16380] =	vst v57;
	s1 =	sadd.s32 s0, s1  }
0x225: {  	v0 =	vld [tilespmem:s1+$0x0];
	_ =	sdelay $0x4  }
0x226: {  	vm0 =	veq.s32 v0, v18  }
0x227: {  	s30 =	sor.u32 s0, s29;
	vm1 =	veq.s32 v0, v20;
	v1 =	vsel vm0, $0x3F800000, v16  }
0x228: {  	vm14 =	veq.s32 v0, v19;
	v2 =	vsel vm1, $0x3F800000, v16;
	[tilespmem:s30+$0xE000] =	vst v1  }
0x229: {  	vm15 =	veq.s32 v0, v17;
	v7 =	vsel vm14, $0x3F800000, v16;
	[tilespmem:s30+$0xE080] =	vst v2  }
0x22a: {  	vm4 =	veq.s32 v0, v21;
	v20 =	vsel vm15, $0x3F800000, v16;
	[tilespmem:s30+$0xE100] =	vst v7  }
0x22b: {  	vm5 =	veq.s32 v0, v22;
	v21 =	vsel vm4, $0x3F800000, v16;
	[tilespmem:s30+$0xE180] =	vst v20  }
0x22c: {  	vm6 =	veq.s32 v0, v23;
	v22 =	vsel vm5, $0x3F800000, v16;
	[tilespmem:s30+$0xE200] =	vst v21  }
0x22d: {  	vm7 =	veq.s32 v0, v24;
	v23 =	vsel vm6, $0x3F800000, v16;
	[tilespmem:s30+$0xE280] =	vst v22  }
0x22e: {  	vm8 =	veq.s32 v0, v25;
	v24 =	vsel vm7, $0x3F800000, v16;
	[tilespmem:s30+$0xE300] =	vst v23  }
0x22f: {  	vm9 =	veq.s32 v0, v26;
	v25 =	vsel vm8, $0x3F800000, v16;
	[tilespmem:s30+$0xE380] =	vst v24  }
0x230: {  	vm10 =	veq.s32 v0, v27;
	v26 =	vsel vm9, $0x3F800000, v16;
	[tilespmem:s30+$0x10000] =	vst v25  }
0x231: {  	vm11 =	veq.s32 v0, v28;
	v27 =	vsel vm10, $0x3F800000, v16;
	[tilespmem:s30+$0x10080] =	vst v26  }
0x232: {  	vm12 =	veq.s32 v0, v29;
	v28 =	vsel vm11, $0x3F800000, v16;
	[tilespmem:s30+$0x10100] =	vst v27  }
0x233: {  	vm13 =	veq.s32 v0, v30;
	v29 =	vsel vm12, $0x3F800000, v16;
	[tilespmem:s30+$0x10180] =	vst v28  }
0x234: {  	vm14 =	veq.s32 v0, v31;
	v30 =	vsel vm13, $0x3F800000, v16;
	[tilespmem:s30+$0x10200] =	vst v29  }
0x235: {  	vm15 =	veq.s32 v0, v32;
	v31 =	vsel vm14, $0x3F800000, v16;
	[tilespmem:s30+$0x10280] =	vst v30  }
0x236: {  	vm4 =	veq.s32 v0, v33;
	v32 =	vsel vm15, $0x3F800000, v16;
	[tilespmem:s30+$0x10300] =	vst v31  }
0x237: {  	vm5 =	veq.s32 v0, v34;
	v33 =	vsel vm4, $0x3F800000, v16;
	[tilespmem:s30+$0x10380] =	vst v32  }
0x238: {  	vm6 =	veq.s32 v0, v35;
	v34 =	vsel vm5, $0x3F800000, v16;
	[tilespmem:s30+$0x12000] =	vst v33  }
0x239: {  	vm7 =	veq.s32 v0, v36;
	v35 =	vsel vm6, $0x3F800000, v16;
	[tilespmem:s30+$0x12080] =	vst v34  }
0x23a: {  	vm8 =	veq.s32 v0, v37;
	v36 =	vsel vm7, $0x3F800000, v16;
	[tilespmem:s30+$0x12100] =	vst v35  }
0x23b: {  	vm9 =	veq.s32 v0, v38;
	v37 =	vsel vm8, $0x3F800000, v16;
	[tilespmem:s30+$0x12180] =	vst v36  }
0x23c: {  	vm10 =	veq.s32 v0, v39;
	v38 =	vsel vm9, $0x3F800000, v16;
	[tilespmem:s30+$0x12200] =	vst v37  }
0x23d: {  	vm11 =	veq.s32 v0, v40;
	v39 =	vsel vm10, $0x3F800000, v16;
	[tilespmem:s30+$0x12280] =	vst v38  }
0x23e: {  	vm12 =	veq.s32 v0, v41;
	v40 =	vsel vm11, $0x3F800000, v16;
	[tilespmem:s30+$0x12300] =	vst v39  }
0x23f: {  	vm13 =	veq.s32 v0, v42;
	v41 =	vsel vm12, $0x3F800000, v16;
	[tilespmem:s30+$0x12380] =	vst v40  }
0x240: {  	vm14 =	veq.s32 v0, v43;
	v42 =	vsel vm13, $0x3F800000, v16;
	[tilespmem:s30+$0x14000] =	vst v41  }
0x241: {  	vm15 =	veq.s32 v0, v44;
	v43 =	vsel vm14, $0x3F800000, v16;
	[tilespmem:s30+$0x14080] =	vst v42  }
0x242: {  	vm4 =	veq.s32 v0, v45;
	v44 =	vsel vm15, $0x3F800000, v16;
	[tilespmem:s30+$0x14100] =	vst v43  }
0x243: {  	vm5 =	veq.s32 v0, v46;
	v45 =	vsel vm4, $0x3F800000, v16;
	[tilespmem:s30+$0x14180] =	vst v44  }
0x244: {  	vm6 =	veq.s32 v0, v47;
	v46 =	vsel vm5, $0x3F800000, v16;
	[tilespmem:s30+$0x14200] =	vst v45  }
0x245: {  	vm7 =	veq.s32 v0, v48;
	v48 =	vsel vm6, $0x3F800000, v16;
	[tilespmem:s30+$0x14280] =	vst v46  }
0x246: {  	vm8 =	veq.s32 v0, v49;
	v49 =	vsel vm7, $0x3F800000, v16;
	[tilespmem:s30+$0x14300] =	vst v48  }
0x247: {  	vm9 =	veq.s32 v0, v50;
	v57 =	vsel vm8, $0x3F800000, v16;
	[tilespmem:s30+$0x14380] =	vst v49  }
0x248: {  	vm10 =	veq.s32 v0, v51;
	v58 =	vsel vm9, $0x3F800000, v16;
	[tilespmem:s30+$0x16000] =	vst v57  }
0x249: {  	vm11 =	veq.s32 v0, v52;
	v59 =	vsel vm10, $0x3F800000, v16;
	[tilespmem:s30+$0x16080] =	vst v58  }
0x24a: {  	s21 =	sadd.s32 $0x1, s21;
	vm12 =	veq.s32 v0, v53;
	v60 =	vsel vm11, $0x3F800000, v16;
	[tilespmem:s30+$0x16100] =	vst v59  }
0x24b: {  	p0 =	sne.s32 s21, $0x14;
	vm13 =	veq.s32 v0, v54;
	v61 =	vsel vm12, $0x3F800000, v16;
	[tilespmem:s30+$0x16180] =	vst v60  }
.Ltmp4:
0x24c: {  	vm14 =	veq.s32 v0, v55;
	v62 =	vsel vm13, $0x3F800000, v16;
	[tilespmem:s30+$0x16200] =	vst v61;
	(pc) =	sbr.rel @p0 .LBB2_6-.Ltmp4, $4  }
0x24d: {  	s31 =	smul.u32 $0x1400, s22;
	vm15 =	veq.s32 v0, v56;
	v63 =	vsel vm14, $0x3F800000, v16;
	[tilespmem:s30+$0x16280] =	vst v62  }
0x24e: {  	v0 =	vsel vm15, $0x3F800000, v16;
	[tilespmem:s30+$0x16300] =	vst v63  }
0x24f: {  	s0 =	sadd.s32 s2, s31;
	[tilespmem:s30+$0x16380] =	vst v0  }
0x250: {  	[hbm4b:s0+s4] =	stream.linear.scatter [tilespmem:s18], [sflag:$0x2], $0xA000, $0x38;
	[tilespmem:$0x18000] =	vst v63  }
0x251: {  	_ =	swait.ge [sflag:s10], $0xA000  }
0x252: {  	[sflag:s10] =	ssyncset.done $0x0  }
0x253: {  	[sflag:s10] =	ssyncadd.s32 $0xFFFF6000  }
0x254: {  	_ =	swait.ge [sflag:s19], $0xA000  }
0x255: {  	v0 =	vld [tilespmem:$0x1FCC0]  }
0x256: {  	v1 =	vld [tilespmem:$0x1FCD0]  }
0x257: {  	v2 =	vld [tilespmem:$0x1FCE0]  }
0x258: {  	v3 =	vld [tilespmem:$0x1FCF0]  }
0x259: {  	v4 =	vld [tilespmem:$0x1FD00]  }
0x25a: {  	v5 =	vld [tilespmem:$0x1FD10]  }
0x25b: {  	v6 =	vld [tilespmem:$0x1FD20]  }
0x25c: {  	v7 =	vld [tilespmem:$0x1FD30]  }
0x25d: {  	v8 =	vld [tilespmem:$0x1FD40]  }
0x25e: {  	v21 =	vld [tilespmem:$0x1FD50]  }
0x25f: {  	v22 =	vld [tilespmem:$0x1FD60]  }
0x260: {  	v23 =	vld [tilespmem:$0x1FD70]  }
0x261: {  	v24 =	vld [tilespmem:$0x1FD80]  }
0x262: {  	v25 =	vld [tilespmem:$0x1FD90]  }
0x263: {  	v26 =	vld [tilespmem:$0x1FDA0]  }
0x264: {  	v27 =	vld [tilespmem:$0x1FDB0]  }
0x265: {  	v28 =	vld [tilespmem:$0x1FDC0]  }
0x266: {  	v29 =	vld [tilespmem:$0x1FDD0]  }
0x267: {  	v30 =	vld [tilespmem:$0x1FDE0]  }
0x268: {  	v31 =	vld [tilespmem:$0x1FDF0]  }
0x269: {  	v32 =	vld [tilespmem:$0x1FE00]  }
0x26a: {  	v33 =	vld [tilespmem:$0x1FE10]  }
0x26b: {  	v34 =	vld [tilespmem:$0x1FE20]  }
0x26c: {  	v35 =	vld [tilespmem:$0x1FE30]  }
0x26d: {  	v36 =	vld [tilespmem:$0x1FE40]  }
0x26e: {  	v37 =	vld [tilespmem:$0x1FE50]  }
0x26f: {  	v38 =	vld [tilespmem:$0x1FE60]  }
0x270: {  	v39 =	vld [tilespmem:$0x1FE70]  }
0x271: {  	v40 =	vld [tilespmem:$0x1FE80]  }
0x272: {  	v41 =	vld [tilespmem:$0x1FE90]  }
0x273: {  	v42 =	vld [tilespmem:$0x1FEA0]  }
0x274: {  	v43 =	vld [tilespmem:$0x1FEB0]  }
0x275: {  	v44 =	vld [tilespmem:$0x1FEC0]  }
0x276: {  	v45 =	vld [tilespmem:$0x1FED0]  }
0x277: {  	v46 =	vld [tilespmem:$0x1FEE0]  }
0x278: {  	v47 =	vld [tilespmem:$0x1FEF0]  }
0x279: {  	v48 =	vld [tilespmem:$0x1FF00]  }
0x27a: {  	v49 =	vld [tilespmem:$0x1FF10]  }
0x27b: {  	v50 =	vld [tilespmem:$0x1FF20]  }
0x27c: {  	v51 =	vld [tilespmem:$0x1FF30]  }
0x27d: {  	v52 =	vld [tilespmem:$0x1FF40]  }
0x27e: {  	v53 =	vld [tilespmem:$0x1FF50]  }
0x27f: {  	v54 =	vld [tilespmem:$0x1FF60]  }
0x280: {  	v55 =	vld [tilespmem:$0x1FF70]  }
0x281: {  	v56 =	vld [tilespmem:$0x1FF80]  }
0x282: {  	s20 =	sadd.s32 $0x1, s20;
	s0 =	rddreg [dreg:$0x5];
	v57 =	vld [tilespmem:$0x1FF90]  }
0x283: {  	v58 =	vld [tilespmem:$0x1FFA0];
	p0 =	sne.s32 s20, s0  }
.Ltmp5:
0x284: {  	v59 =	vld [tilespmem:$0x1FFB0];
	(pc) =	sbr.rel @p0 .LBB2_1-.Ltmp5, $4  }
0x285: {  	v60 =	vld [tilespmem:$0x1FFC0]  }
0x286: {  	v61 =	vld [tilespmem:$0x1FFD0]  }
0x287: {  	[sflag:s19] =	ssyncset.done $0x0;
	v62 =	vld [tilespmem:$0x1FFE0]  }
0x288: {  	v63 =	vld [tilespmem:$0x1FFF0];
	[sflag:s19] =	ssyncadd.s32 $0xFFFF6000  }
0x289: {  	_ =	sfence.sel $0x180000  }
0x28a: {  	[bflag:$0x0] =	sbarrier.arrive $0xFFFF  }
0x28b: {  	_ =	strace $0x90000047  }
0x28c: {  	s0 =	stileid.u32;
	[bflag:$0x2] =	sbarrier.arrive $0xFFFF  }
0x28d: {  	p0 =	sne.s32 s0, $0x0;
	s0 =	rddreg [dreg:$0x2]  }
0x28e: {  	s0 =	sadd.s32 @!p0 $0x100000, s0  }
0x28f: {  	[sflag:s0] =	ssyncadd.tile.s32 @!p0 $0x1;
	_ =	shalt  }
.Lfunc_end2:
_tile_overlayer_lowered:
.L_overlay_start_2:
0x290: {  	(tag) =	ssettag $0x2  }
0x291: {  	s0 =	rddreg [dreg:$0x0];
	s2 =	stileid.u32  }
0x292: {  	s1 =	rddreg [dreg:$0x1];
	p0 =	sne.s32 s2, $0x0  }
0x293: {  	s3 =	rddreg [dreg:$0x2];
	[bflag:$0x3] =	sbarrier.arrive $0xFFFF;
	s2 =	simm.s32 @!p0 $0x1C03  }
0x294: {  	[timem:s3], [sflag:s2] =	dma.local @!p0 [hbm:s0], s1  }
0x295: {  	s0 =	simm.s32 @!p0 $0x3  }
0x296: {  	_ =	swait.ge @!p0 [sflag:s0], s1  }
0x297: {  	s1 =	ssub.s32 @!p0 $0x0, s1;
	[sflag:s0] =	ssyncset.done @!p0 $0x0  }
0x298: {  	[sflag:s0] =	ssyncadd.s32 @!p0 s1  }
0x299: {  	[bflag:$0x3] =	sbarrier.arrive $0xFFFF  }
0x29a: {  	_ =	shalt  }

</sc_bundles>
